<compile_context>
chip_gen: v7x
topology: tpu7x:2x2x1
jax: 0.10.2.dev20260603
libtpu: 0.0.44.dev20260713+nightly
codegen_flags: <defaults>
</compile_context>

<pallas_src>
import jax
import jax.numpy as jnp
from jax import lax
from jax.experimental import pallas as pl
from jax.experimental.pallas import tpu as pltpu
from jax.experimental.pallas import tpu_sc as plsc

N_NODES_K = 50000
N_EDGES_K = 800000
DH = 32
NC = 2
NS = 16
L = 16
CH = 128

N_PAD = 50048
DUMMY = N_PAD - 1
N_CHUNKS = N_PAD // CH
K = 3
EPT = N_EDGES_K // NS
NCH_E = 390
NSUP = NCH_E // K
TAIL = EPT - NCH_E * CH



def _rsqrt16(v):
    nz = v > 0.0
    x = jnp.maximum(v, 1.0)
    s = 0.5 * (x + 1.0)
    for _ in range(15):
        s = 0.5 * (s + x / s)
    return jnp.where(nz, 1.0 / s, 0.0)


def _fill(ref, val):
    v = jnp.full((L,), val, dtype=ref.dtype)
    for g in range(CH // L):
        ref[pl.ds(g * L, L)] = v


def _body(table_r, src_p, dst_p, node_p, out_h,
          x0_h, x1_h, y_h, dis_h,
          idx2, idx4, msg4, dbuf, onesv, zvec,
          semi, semg, sems, acc_s):
    c = lax.axis_index("c")
    s = lax.axis_index("s")
    coff = c * N_PAD
    ebase = s * EPT

    _fill(onesv, 1.0)
    _fill(zvec, 0.0)

    zslab = msg4.at[0, 0]
    aslab = msg4.at[1, 0]
    yslab = msg4.at[1, 1]
    x0slab = msg4.at[0, 1]
    xbuf = msg4.at[0, 2]

    def fill_zslab():
        def zrow(r, _):
            zslab[r, pl.ds(0, L)] = jnp.zeros((L,), jnp.float32)
            zslab[r, pl.ds(L, L)] = jnp.zeros((L,), jnp.float32)
            return ()
        lax.fori_loop(0, CH, zrow, ())
    fill_zslab()

    def roundrobin(nch, fn, base=0):
        nk = (nch + NS - 1) // NS
        def body(k, _):
            ch = base + s + NS * k
            @pl.when(ch < base + nch)
            def _():
                fn(ch)
            return ()
        lax.fori_loop(0, nk, body, ())

    def load_dis(ch):
        pltpu.sync_copy(dis_h.at[pl.ds(coff + ch * CH, CH)], dbuf)

    def _bcast(ref, r):
        return plsc.load_gather(ref, [jnp.full((L,), r, jnp.int32)])

    def load_tail_idx(ref_hbm, row, padval):
        pltpu.sync_copy(ref_hbm.at[pl.ds(ebase + NCH_E * CH, TAIL)],
                        idx2.at[row, pl.ds(0, TAIL)])
        pv = jnp.full((L,), padval, jnp.int32)
        for o in range(TAIL, CH, L):
            idx2[row, pl.ds(o, L)] = pv

    def zero_acc(ch):
        pltpu.sync_copy(zslab, acc_s.at[pl.ds(ch * CH, CH)])
    roundrobin(N_CHUNKS, zero_acc)

    def scale_rows(src_ref, dst_ref, extra=None):
        def row(r, _):
            d = _bcast(dbuf, r)
            for g in range(DH // L):
                sl = pl.ds(g * L, L)
                v = src_ref[r, sl] * d
                dst_ref[r, sl] = v
                if extra is not None:
                    extra[r, sl] = v * d
            return ()
        lax.fori_loop(0, CH, row, ())

    def lookup_chunk(ch):
        @pl.when(ch < N_CHUNKS - 1)
        def _():
            pltpu.sync_copy(node_p.at[pl.ds(ch * CH, CH)], idx2.at[0])
        @pl.when(ch == N_CHUNKS - 1)
        def _():
            pltpu.sync_copy(node_p.at[pl.ds(ch * CH, TAIL)],
                            idx2.at[0, pl.ds(0, TAIL)])
            zv = jnp.zeros((L,), jnp.int32)
            for o in range(TAIL, CH, L):
                idx2[0, pl.ds(o, L)] = zv
        for g in range(CH // L):
            sl = pl.ds(g * L, L)
            idx2[0, sl] = idx2[0, sl] * 2 + c
        pltpu.sync_copy(table_r.at[idx2.at[0]], xbuf)
        scale_rows(xbuf, yslab)
        pltpu.sync_copy(xbuf, x0_h.at[pl.ds(coff + ch * CH, CH)])
        pltpu.sync_copy(yslab, y_h.at[pl.ds(coff + ch * CH, CH)])

    oneslab = x0slab
    def orow(r, _):
        oneslab[r, pl.ds(0, L)] = jnp.zeros((L,), jnp.float32)
        oneslab[r, pl.ds(L, L)] = jnp.zeros((L,), jnp.float32)
        return ()
    lax.fori_loop(0, CH, orow, ())
    iota16 = lax.iota(jnp.int32, L)
    zeros16 = jnp.zeros((L,), jnp.int32)
    def ocol(g):
        plsc.store_scatter(oneslab, [g * L + iota16, zeros16],
                           jnp.full((L,), 1.0, jnp.float32))
    for g in range(CH // L):
        ocol(g)
    plsc.subcore_barrier()

    pltpu.async_copy(dst_p.at[pl.ds(ebase, CH)], idx4.at[0, 0, 1],
                     semi.at[0])

    def deg_step(j, _):
        p = lax.rem(j, 2)
        q = 1 - p
        pltpu.make_async_copy(dst_p.at[pl.ds(0, CH)], idx4.at[p, 0, 1],
                              semi.at[p]).wait()
        @pl.when(j > 0)
        def _():
            pltpu.make_async_copy(oneslab, acc_s.at[idx4.at[q, 0, 1]],
                                  sems.at[q]).wait()
        @pl.when(j < NCH_E - 1)
        def _():
            pltpu.async_copy(dst_p.at[pl.ds(ebase + (j + 1) * CH, CH)],
                             idx4.at[q, 0, 1], semi.at[q])
        pltpu.async_copy(oneslab, acc_s.at[idx4.at[p, 0, 1]],
                         sems.at[p], add=True)
        return ()
    lax.fori_loop(0, NCH_E, deg_step, ())
    pltpu.make_async_copy(oneslab, acc_s.at[idx4.at[(NCH_E - 1) % 2, 0, 1]],
                          sems.at[(NCH_E - 1) % 2]).wait()
    load_tail_idx(dst_p, 1, DUMMY)
    pltpu.sync_copy(oneslab, acc_s.at[idx2.at[1]], add=True)
    plsc.subcore_barrier()

    def dis_chunk(ch):
        pltpu.sync_copy(acc_s.at[pl.ds(ch * CH, CH)], aslab)
        for g in range(CH // L):
            col = plsc.load_gather(aslab, [g * L + iota16, zeros16])
            dbuf[pl.ds(g * L, L)] = _rsqrt16(col)
        pltpu.sync_copy(dbuf, dis_h.at[pl.ds(coff + ch * CH, CH)])
        pltpu.sync_copy(zslab, acc_s.at[pl.ds(ch * CH, CH)])
        lookup_chunk(ch)
    roundrobin(N_CHUNKS, dis_chunk)
    plsc.subcore_barrier()

    def edge_phase():
        def forb(fn):
            def body(b, _):
                fn(b)
                return ()
            lax.fori_loop(0, K, body, ())

        def fire_idx(S, p):
            def f(b):
                base = ebase + (S * K + b) * CH
                pltpu.async_copy(src_p.at[pl.ds(base, CH)],
                                 idx4.at[p, b, 0], semi.at[p])
                pltpu.async_copy(dst_p.at[pl.ds(base, CH)],
                                 idx4.at[p, b, 1], semi.at[p])
            forb(f)

        def drain_idx(p):
            def f(b):
                pltpu.make_async_copy(src_p.at[pl.ds(0, CH)],
                                      idx4.at[p, b, 0], semi.at[p]).wait()
                pltpu.make_async_copy(dst_p.at[pl.ds(0, CH)],
                                      idx4.at[p, b, 1], semi.at[p]).wait()
            forb(f)

        def drain_scat(q):
            def f(b):
                pltpu.make_async_copy(msg4.at[q, b],
                                      acc_s.at[idx4.at[q, b, 1]],
                                      sems.at[q]).wait()
            forb(f)

        fire_idx(0, 0)

        def body(S, _):
            p = lax.rem(S, 2)
            q = 1 - p
            drain_idx(p)
            def off(b):
                for g in range(CH // L):
                    sl = pl.ds(g * L, L)
                    idx4[p, b, 0, sl] = idx4[p, b, 0, sl] + coff
            forb(off)
            forb(lambda b: pltpu.async_copy(y_h.at[idx4.at[p, b, 0]],
                                            msg4.at[p, b], semg.at[p]))
            @pl.when(S > 0)
            def _():
                drain_scat(q)
            @pl.when(S < NSUP - 1)
            def _():
                fire_idx(S + 1, q)
            forb(lambda b: pltpu.make_async_copy(
                y_h.at[idx4.at[p, b, 0]], msg4.at[p, b], semg.at[p]).wait())
            forb(lambda b: pltpu.async_copy(msg4.at[p, b],
                                            acc_s.at[idx4.at[p, b, 1]],
                                            sems.at[p], add=True))
            return ()
        lax.fori_loop(0, NSUP, body, ())
        drain_scat((NSUP - 1) % 2)
        load_tail_idx(src_p, 0, 0)
        load_tail_idx(dst_p, 1, DUMMY)
        for g in range(CH // L):
            sl = pl.ds(g * L, L)
            idx2[0, sl] = idx2[0, sl] + coff
        pltpu.sync_copy(y_h.at[idx2.at[0]], aslab)
        pltpu.sync_copy(aslab, acc_s.at[idx2.at[1]], add=True)

    edge_phase()
    plsc.subcore_barrier()

    fill_zslab()
    def mid_chunk(ch):
        pltpu.sync_copy(acc_s.at[pl.ds(ch * CH, CH)], aslab)
        pltpu.sync_copy(zslab, acc_s.at[pl.ds(ch * CH, CH)])
        load_dis(ch)
        scale_rows(aslab, x0slab, extra=yslab)
        pltpu.sync_copy(x0slab, x1_h.at[pl.ds(coff + ch * CH, CH)])
        pltpu.sync_copy(yslab, y_h.at[pl.ds(coff + ch * CH, CH)])
    roundrobin(N_CHUNKS, mid_chunk)
    plsc.subcore_barrier()

    edge_phase()
    plsc.subcore_barrier()

    def final_chunk(ch):
        pltpu.sync_copy(acc_s.at[pl.ds(ch * CH, CH)], aslab)
        pltpu.sync_copy(x0_h.at[pl.ds(coff + ch * CH, CH)], x0slab)
        pltpu.sync_copy(x1_h.at[pl.ds(coff + ch * CH, CH)], yslab)
        load_dis(ch)
        third = jnp.float32(1.0 / 3.0)
        def row(r, _):
            d = _bcast(dbuf, r)
            for g in range(DH // L):
                sl = pl.ds(g * L, L)
                v = (x0slab[r, sl] + yslab[r, sl] + aslab[r, sl] * d) * third
                zslab[r, sl] = v
            return ()
        lax.fori_loop(0, CH, row, ())
        pltpu.sync_copy(zslab,
                        out_h.at[pl.ds(ch * CH, CH), pl.ds(c * DH, DH)])
    roundrobin(N_CHUNKS, final_chunk)


@jax.jit
def kernel(table, edge_index, node):
    table_r = table.reshape(2 * 1000000, DH)
    src_p = edge_index[0]
    dst_p = edge_index[1]

    mesh = plsc.VectorSubcoreMesh(core_axis_name="c", subcore_axis_name="s")
    run = pl.kernel(
        _body,
        out_type=jax.ShapeDtypeStruct((N_PAD, NC * DH), jnp.float32),
        mesh=mesh,
        compiler_params=pltpu.CompilerParams(needs_layout_passes=False,
                                             use_tc_tiling_on_sc=False),
        scratch_types=[
            pltpu.HBM((NC * N_PAD, DH), jnp.float32),
            pltpu.HBM((NC * N_PAD, DH), jnp.float32),
            pltpu.HBM((NC * N_PAD, DH), jnp.float32),
            pltpu.HBM((NC * N_PAD,), jnp.float32),
            pltpu.VMEM((2, CH), jnp.int32),
            pltpu.VMEM((2, K, 2, CH), jnp.int32),
            pltpu.VMEM((2, K, CH, DH), jnp.float32),
            pltpu.VMEM((CH,), jnp.float32),
            pltpu.VMEM((CH,), jnp.float32),
            pltpu.VMEM((CH,), jnp.float32),
            pltpu.SemaphoreType.DMA((2,)),
            pltpu.SemaphoreType.DMA((2,)),
            pltpu.SemaphoreType.DMA((2,)),
            pltpu.VMEM_SHARED((N_PAD, DH), jnp.float32),
        ],
    )
    o = run(table_r, src_p, dst_p, node)
    return o[:N_NODES_K]

# --- scband reference (transcript-rebuilt; emitter-appended) ---
"""Pipeline reference for scband-light-gcn-74921409511567 (READ-ONLY COPY).

The authoritative reference and input builder live on the scoring server;
editing this copy changes nothing except your own understanding.
"""

import jax, jax.numpy as jnp
import numpy as np

NUM_EMBEDDINGS = 1000000
EMBED_DIM = 64
NUM_LAYERS = 2
N_NODES = 50000
N_EDGES = 800000


def setup_inputs(seed: int = 0) -> dict:
    key = jax.random.key(seed)
    k1, k2, k3 = jax.random.split(key, 3)
    table = jax.random.normal(k1, (NUM_EMBEDDINGS, EMBED_DIM), dtype=jnp.float32) * 0.1
    edge_index = jax.random.randint(k2, (2, N_EDGES), 0, N_NODES, dtype=jnp.int64 if jax.config.read('jax_enable_x64') else jnp.int32)
    node = jax.random.randint(k3, (N_NODES,), 0, NUM_EMBEDDINGS, dtype=jnp.int64 if jax.config.read('jax_enable_x64') else jnp.int32)
    return {"table": table, "edge_index": edge_index, "node": node}


def _lgconv(x, edge_index, n_nodes):
    # PyG LGConv: gcn_norm without self-loops, sum aggregation at dst.
    src = edge_index[0]
    dst = edge_index[1]
    ones = jnp.ones((edge_index.shape[1],), dtype=x.dtype)
    deg = jax.ops.segment_sum(ones, dst, num_segments=n_nodes)
    deg_inv_sqrt = jnp.where(deg > 0, jax.lax.rsqrt(jnp.maximum(deg, 1e-12)), 0.0)
    norm = deg_inv_sqrt[src] * deg_inv_sqrt[dst]
    msgs = x[src] * norm[:, None]
    out = jax.ops.segment_sum(msgs, dst, num_segments=n_nodes)
    return out


def reference(table, edge_index, node):
    # e^(0): embedding lookup for subgraph global ids
    emb0 = jnp.take(table, node, axis=0)
    n_nodes = emb0.shape[0]
    layer_weights = jnp.full((NUM_LAYERS + 1,), 1.0 / (NUM_LAYERS + 1), dtype=jnp.float32)
    all_layers = [emb0]
    emb_k = emb0
    for _ in range(NUM_LAYERS):
        emb_k = _lgconv(emb_k, edge_index, n_nodes)
        all_layers.append(emb_k)
    final = jnp.zeros_like(emb0)
    for k in range(NUM_LAYERS + 1):
        final = final + layer_weights[k] * all_layers[k]
    return final

if __name__ == "__main__":
    import jax
    _d = setup_inputs()
    print(jax.jit(kernel)(*tuple(_d.values())))

</pallas_src>

<mosaic_0001>
#map = affine_map<(d0, d1) -> (0, 0)>
#map1 = affine_map<(d0, d1) -> (0)>
module attributes {stable_mosaic.version = 14 : i64} {
  func.func @_body(%arg0: i32, %arg1: i32, %arg2: memref<2000000x32xf32, #tpu.memory_space<hbm>>, %arg3: memref<800000xi32, #tpu.memory_space<hbm>>, %arg4: memref<800000xi32, #tpu.memory_space<hbm>>, %arg5: memref<50000xi32, #tpu.memory_space<hbm>>, %arg6: memref<50048x64xf32, #tpu.memory_space<hbm>>, %arg7: memref<100096x32xf32, #tpu.memory_space<hbm>>, %arg8: memref<100096x32xf32, #tpu.memory_space<hbm>>, %arg9: memref<100096x32xf32, #tpu.memory_space<hbm>>, %arg10: memref<100096xf32, #tpu.memory_space<hbm>>, %arg11: memref<2x128xi32, #tpu.memory_space<vmem>>, %arg12: memref<2x3x2x128xi32, #tpu.memory_space<vmem>>, %arg13: memref<2x3x128x32xf32, #tpu.memory_space<vmem>>, %arg14: memref<128xf32, #tpu.memory_space<vmem>>, %arg15: memref<128xf32, #tpu.memory_space<vmem>>, %arg16: memref<128xf32, #tpu.memory_space<vmem>>, %arg17: memref<2x!tpu.dma_semaphore, #tpu.memory_space<semaphore_mem>>, %arg18: memref<2x!tpu.dma_semaphore, #tpu.memory_space<semaphore_mem>>, %arg19: memref<2x!tpu.dma_semaphore, #tpu.memory_space<semaphore_mem>>, %arg20: memref<50048x32xf32, #tpu.memory_space<vmem_shared>>) attributes {dimension_semantics = [#tpu.dimension_semantics<core_parallel>, #tpu.dimension_semantics<subcore_parallel>], iteration_bounds = array<i64: 2, 16>, scalar_prefetch = 0 : i64, scratch_operands = 14 : i64, tpu.core_type = #tpu.core_type<sc_vector_subcore>, window_params = [{transform_indices = #map}, {transform_indices = #map1}, {transform_indices = #map1}, {transform_indices = #map1}, {transform_indices = #map}]} {
    %mul3A = arith.constant 50048 : i32
    %mul3A_0 = arith.muli %arg0, %mul3A : i32
    %mul3A_1 = arith.constant 50000 : i32
    %mul3A_2 = arith.muli %arg1, %mul3A_1 : i32
    %broadcast_in_dim3A = arith.constant 1.000000e+00 : f32
    %broadcast_in_dim3A_3 = vector.broadcast %broadcast_in_dim3A : f32 to vector<16xf32>
    %swap3A = arith.constant 0 : index
    %swap3A_4 = tpu.vector_load %arg15[%swap3A] {strides = array<i32>} : memref<128xf32, #tpu.memory_space<vmem>>, vector<16xf32>,
    tpu.vector_store %arg15[%swap3A], %broadcast_in_dim3A_3 {strides = array<i32>} : memref<128xf32, #tpu.memory_space<vmem>>, vector<16xf32>,
    %swap3A_5 = arith.constant 16 : index
    %swap3A_6 = tpu.vector_load %arg15[%swap3A_5] {strides = array<i32>} : memref<128xf32, #tpu.memory_space<vmem>>, vector<16xf32>,
    tpu.vector_store %arg15[%swap3A_5], %broadcast_in_dim3A_3 {strides = array<i32>} : memref<128xf32, #tpu.memory_space<vmem>>, vector<16xf32>,
    %swap3A_7 = arith.constant 32 : index
    %swap3A_8 = tpu.vector_load %arg15[%swap3A_7] {strides = array<i32>} : memref<128xf32, #tpu.memory_space<vmem>>, vector<16xf32>,
    tpu.vector_store %arg15[%swap3A_7], %broadcast_in_dim3A_3 {strides = array<i32>} : memref<128xf32, #tpu.memory_space<vmem>>, vector<16xf32>,
    %swap3A_9 = arith.constant 48 : index
    %swap3A_10 = tpu.vector_load %arg15[%swap3A_9] {strides = array<i32>} : memref<128xf32, #tpu.memory_space<vmem>>, vector<16xf32>,
    tpu.vector_store %arg15[%swap3A_9], %broadcast_in_dim3A_3 {strides = array<i32>} : memref<128xf32, #tpu.memory_space<vmem>>, vector<16xf32>,
    %swap3A_11 = arith.constant 64 : index
    %swap3A_12 = tpu.vector_load %arg15[%swap3A_11] {strides = array<i32>} : memref<128xf32, #tpu.memory_space<vmem>>, vector<16xf32>,
    tpu.vector_store %arg15[%swap3A_11], %broadcast_in_dim3A_3 {strides = array<i32>} : memref<128xf32, #tpu.memory_space<vmem>>, vector<16xf32>,
    %swap3A_13 = arith.constant 80 : index
    %swap3A_14 = tpu.vector_load %arg15[%swap3A_13] {strides = array<i32>} : memref<128xf32, #tpu.memory_space<vmem>>, vector<16xf32>,
    tpu.vector_store %arg15[%swap3A_13], %broadcast_in_dim3A_3 {strides = array<i32>} : memref<128xf32, #tpu.memory_space<vmem>>, vector<16xf32>,
    %swap3A_15 = arith.constant 96 : index
    %swap3A_16 = tpu.vector_load %arg15[%swap3A_15] {strides = array<i32>} : memref<128xf32, #tpu.memory_space<vmem>>, vector<16xf32>,
    tpu.vector_store %arg15[%swap3A_15], %broadcast_in_dim3A_3 {strides = array<i32>} : memref<128xf32, #tpu.memory_space<vmem>>, vector<16xf32>,
    %swap3A_17 = arith.constant 112 : index
    %swap3A_18 = tpu.vector_load %arg15[%swap3A_17] {strides = array<i32>} : memref<128xf32, #tpu.memory_space<vmem>>, vector<16xf32>,
    tpu.vector_store %arg15[%swap3A_17], %broadcast_in_dim3A_3 {strides = array<i32>} : memref<128xf32, #tpu.memory_space<vmem>>, vector<16xf32>,
    %broadcast_in_dim3A_19 = arith.constant 0.000000e+00 : f32
    %broadcast_in_dim3A_20 = vector.broadcast %broadcast_in_dim3A_19 : f32 to vector<16xf32>
    %swap3A_21 = arith.constant 0 : index
    %swap3A_22 = tpu.vector_load %arg16[%swap3A_21] {strides = array<i32>} : memref<128xf32, #tpu.memory_space<vmem>>, vector<16xf32>,
    tpu.vector_store %arg16[%swap3A_21], %broadcast_in_dim3A_20 {strides = array<i32>} : memref<128xf32, #tpu.memory_space<vmem>>, vector<16xf32>,
    %swap3A_23 = arith.constant 16 : index
    %swap3A_24 = tpu.vector_load %arg16[%swap3A_23] {strides = array<i32>} : memref<128xf32, #tpu.memory_space<vmem>>, vector<16xf32>,
    tpu.vector_store %arg16[%swap3A_23], %broadcast_in_dim3A_20 {strides = array<i32>} : memref<128xf32, #tpu.memory_space<vmem>>, vector<16xf32>,
    %swap3A_25 = arith.constant 32 : index
    %swap3A_26 = tpu.vector_load %arg16[%swap3A_25] {strides = array<i32>} : memref<128xf32, #tpu.memory_space<vmem>>, vector<16xf32>,
    tpu.vector_store %arg16[%swap3A_25], %broadcast_in_dim3A_20 {strides = array<i32>} : memref<128xf32, #tpu.memory_space<vmem>>, vector<16xf32>,
    %swap3A_27 = arith.constant 48 : index
    %swap3A_28 = tpu.vector_load %arg16[%swap3A_27] {strides = array<i32>} : memref<128xf32, #tpu.memory_space<vmem>>, vector<16xf32>,
    tpu.vector_store %arg16[%swap3A_27], %broadcast_in_dim3A_20 {strides = array<i32>} : memref<128xf32, #tpu.memory_space<vmem>>, vector<16xf32>,
    %swap3A_29 = arith.constant 64 : index
    %swap3A_30 = tpu.vector_load %arg16[%swap3A_29] {strides = array<i32>} : memref<128xf32, #tpu.memory_space<vmem>>, vector<16xf32>,
    tpu.vector_store %arg16[%swap3A_29], %broadcast_in_dim3A_20 {strides = array<i32>} : memref<128xf32, #tpu.memory_space<vmem>>, vector<16xf32>,
    %swap3A_31 = arith.constant 80 : index
    %swap3A_32 = tpu.vector_load %arg16[%swap3A_31] {strides = array<i32>} : memref<128xf32, #tpu.memory_space<vmem>>, vector<16xf32>,
    tpu.vector_store %arg16[%swap3A_31], %broadcast_in_dim3A_20 {strides = array<i32>} : memref<128xf32, #tpu.memory_space<vmem>>, vector<16xf32>,
    %swap3A_33 = arith.constant 96 : index
    %swap3A_34 = tpu.vector_load %arg16[%swap3A_33] {strides = array<i32>} : memref<128xf32, #tpu.memory_space<vmem>>, vector<16xf32>,
    tpu.vector_store %arg16[%swap3A_33], %broadcast_in_dim3A_20 {strides = array<i32>} : memref<128xf32, #tpu.memory_space<vmem>>, vector<16xf32>,
    %swap3A_35 = arith.constant 112 : index
    %swap3A_36 = tpu.vector_load %arg16[%swap3A_35] {strides = array<i32>} : memref<128xf32, #tpu.memory_space<vmem>>, vector<16xf32>,
    tpu.vector_store %arg16[%swap3A_35], %broadcast_in_dim3A_20 {strides = array<i32>} : memref<128xf32, #tpu.memory_space<vmem>>, vector<16xf32>,
    %scan3A = arith.constant 0 : i32
    %scan3A_37 = arith.constant 0 : i32
    %scan3A_38 = arith.constant 0 : i32
    %scan3A_39 = arith.constant 128 : i32
    %scan3A_40 = arith.addi %scan3A_38, %scan3A_39 : i32
    %scan3A_41 = arith.constant 1 : i32
    scf.for %scan3A_521 = %scan3A_38 to %scan3A_40 step %scan3A_41  : i32 {
      %broadcast_in_dim3A_522 = arith.constant 0.000000e+00 : f32
      %broadcast_in_dim3A_523 = vector.broadcast %broadcast_in_dim3A_522 : f32 to vector<16xf32>
      %swap3A_524 = arith.constant 0 : i32
      %swap3A_525 = arith.constant 0 : i32
      %swap3A_526 = tpu.memref_slice %arg13[%scan3A, %scan3A_37, %swap3A_524, %swap3A_525] : memref<2x3x128x32xf32, #tpu.memory_space<vmem>> -> memref<1x1x128x32xf32, #tpu.memory_space<vmem>>
      %swap3A_527 = tpu.memref_squeeze %swap3A_526 : memref<1x1x128x32xf32, #tpu.memory_space<vmem>> -> memref<128x32xf32, #tpu.memory_space<vmem>>
      %swap3A_528 = arith.index_cast %scan3A_521 : i32 to index
      %swap3A_529 = arith.constant 0 : index
      %swap3A_530 = tpu.vector_load %swap3A_527[%swap3A_528, %swap3A_529] {strides = array<i32>} : memref<128x32xf32, #tpu.memory_space<vmem>>, vector<16xf32>,
      tpu.vector_store %swap3A_527[%swap3A_528, %swap3A_529], %broadcast_in_dim3A_523 {strides = array<i32>} : memref<128x32xf32, #tpu.memory_space<vmem>>, vector<16xf32>,
      %broadcast_in_dim3A_531 = arith.constant 0.000000e+00 : f32
      %broadcast_in_dim3A_532 = vector.broadcast %broadcast_in_dim3A_531 : f32 to vector<16xf32>
      %swap3A_533 = arith.constant 0 : i32
      %swap3A_534 = arith.constant 0 : i32
      %swap3A_535 = tpu.memref_slice %arg13[%scan3A, %scan3A_37, %swap3A_533, %swap3A_534] : memref<2x3x128x32xf32, #tpu.memory_space<vmem>> -> memref<1x1x128x32xf32, #tpu.memory_space<vmem>>
      %swap3A_536 = tpu.memref_squeeze %swap3A_535 : memref<1x1x128x32xf32, #tpu.memory_space<vmem>> -> memref<128x32xf32, #tpu.memory_space<vmem>>
      %swap3A_537 = arith.index_cast %scan3A_521 : i32 to index
      %swap3A_538 = arith.constant 16 : index
      %swap3A_539 = tpu.vector_load %swap3A_536[%swap3A_537, %swap3A_538] {strides = array<i32>} : memref<128x32xf32, #tpu.memory_space<vmem>>, vector<16xf32>,
      tpu.vector_store %swap3A_536[%swap3A_537, %swap3A_538], %broadcast_in_dim3A_532 {strides = array<i32>} : memref<128x32xf32, #tpu.memory_space<vmem>>, vector<16xf32>,
    }
    %scan3A_42 = arith.constant 128 : i32
    %scan3A_43 = arith.constant 0 : i32
    %scan3A_44 = arith.constant 0 : i32
    %scan3A_45 = arith.constant 0 : i32
    %scan3A_46 = arith.constant 25 : i32
    %scan3A_47 = arith.addi %scan3A_45, %scan3A_46 : i32
    %scan3A_48 = arith.constant 1 : i32
    scf.for %scan3A_521 = %scan3A_45 to %scan3A_47 step %scan3A_48  : i32 {
      %add3A_522 = arith.constant 0 : i32
      %add3A_523 = arith.addi %add3A_522, %arg1 : i32
      %mul3A_524 = arith.constant 16 : i32
      %mul3A_525 = arith.muli %mul3A_524, %scan3A_521 : i32
      %add3A_526 = arith.addi %add3A_523, %mul3A_525 : i32
      %lt3A = arith.constant 391 : i32
      %lt3A_527 = arith.cmpi slt, %add3A_526, %lt3A : i32
      %convert_element_type3A = arith.extui %lt3A_527 : i1 to i32
      %cond3A = arith.constant 0 : i32
      %cond3A_528 = arith.cmpi ne, %convert_element_type3A, %cond3A : i32
      scf.if %cond3A_528 {
        %mul3A_529 = arith.constant 128 : i32
        %mul3A_530 = arith.muli %add3A_526, %mul3A_529 : i32
        "tpu.region"() ({
          %run_scoped3A_531 = tpu.sem_alloc : memref<!tpu.dma_semaphore, #tpu.memory_space<semaphore_mem>>
          %dma_start3A_532 = arith.constant 0 : i32
          %dma_start3A_533 = arith.constant 0 : i32
          %dma_start3A_534 = tpu.memref_slice %arg13[%scan3A_43, %scan3A_44, %dma_start3A_532, %dma_start3A_533] : memref<2x3x128x32xf32, #tpu.memory_space<vmem>> -> memref<1x1x128x32xf32, #tpu.memory_space<vmem>>
          %dma_start3A_535 = tpu.memref_squeeze %dma_start3A_534 : memref<1x1x128x32xf32, #tpu.memory_space<vmem>> -> memref<128x32xf32, #tpu.memory_space<vmem>>
          %dma_start3A_536 = arith.constant 0 : i32
          %dma_start3A_537 = tpu.memref_slice %arg20[%mul3A_530, %dma_start3A_536] : memref<50048x32xf32, #tpu.memory_space<vmem_shared>> -> memref<128x32xf32, #tpu.memory_space<vmem_shared>>
          %dma_start3A_538 = arith.constant 0 : i32
          %dma_start3A_539 = tpu.memref_slice %arg20[%mul3A_530, %dma_start3A_538] : memref<50048x32xf32, #tpu.memory_space<vmem_shared>> -> memref<128x32xf32, #tpu.memory_space<vmem_shared>>
          %dma_start3A_540 = arith.constant 0 : i32
          %dma_start3A_541 = arith.constant 0 : i32
          %dma_start3A_542 = tpu.memref_slice %arg13[%scan3A_43, %scan3A_44, %dma_start3A_540, %dma_start3A_541] : memref<2x3x128x32xf32, #tpu.memory_space<vmem>> -> memref<1x1x128x32xf32, #tpu.memory_space<vmem>>
          %dma_start3A_543 = tpu.memref_squeeze %dma_start3A_542 : memref<1x1x128x32xf32, #tpu.memory_space<vmem>> -> memref<128x32xf32, #tpu.memory_space<vmem>>
          tpu.enqueue_dma source(%dma_start3A_543 : memref<128x32xf32, #tpu.memory_space<vmem>>) target(%dma_start3A_539 : memref<128x32xf32, #tpu.memory_space<vmem_shared>>) target_semaphore(%run_scoped3A_531 : memref<!tpu.dma_semaphore, #tpu.memory_space<semaphore_mem>>)
          %dma_wait3A_544 = arith.constant 0 : i32
          %dma_wait3A_545 = arith.constant 0 : i32
          %dma_wait3A_546 = tpu.memref_slice %arg13[%scan3A_43, %scan3A_44, %dma_wait3A_544, %dma_wait3A_545] : memref<2x3x128x32xf32, #tpu.memory_space<vmem>> -> memref<1x1x128x32xf32, #tpu.memory_space<vmem>>
          %dma_wait3A_547 = tpu.memref_squeeze %dma_wait3A_546 : memref<1x1x128x32xf32, #tpu.memory_space<vmem>> -> memref<128x32xf32, #tpu.memory_space<vmem>>
          %dma_wait3A_548 = arith.constant 0 : i32
          %dma_wait3A_549 = tpu.memref_slice %arg20[%mul3A_530, %dma_wait3A_548] : memref<50048x32xf32, #tpu.memory_space<vmem_shared>> -> memref<128x32xf32, #tpu.memory_space<vmem_shared>>
          %dma_wait3A_550 = arith.constant 0 : i32
          %dma_wait3A_551 = tpu.memref_slice %arg20[%mul3A_530, %dma_wait3A_550] : memref<50048x32xf32, #tpu.memory_space<vmem_shared>> -> memref<128x32xf32, #tpu.memory_space<vmem_shared>>
          %dma_wait3A_552 = arith.constant 0 : i32
          %dma_wait3A_553 = arith.constant 0 : i32
          %dma_wait3A_554 = tpu.memref_slice %arg13[%scan3A_43, %scan3A_44, %dma_wait3A_552, %dma_wait3A_553] : memref<2x3x128x32xf32, #tpu.memory_space<vmem>> -> memref<1x1x128x32xf32, #tpu.memory_space<vmem>>
          %dma_wait3A_555 = tpu.memref_squeeze %dma_wait3A_554 : memref<1x1x128x32xf32, #tpu.memory_space<vmem>> -> memref<128x32xf32, #tpu.memory_space<vmem>>
          tpu.wait_dma2 semaphore(%run_scoped3A_531 : memref<!tpu.dma_semaphore, #tpu.memory_space<semaphore_mem>>) src(%dma_wait3A_555 : memref<128x32xf32, #tpu.memory_space<vmem>>) dst(%dma_wait3A_551 : memref<128x32xf32, #tpu.memory_space<vmem_shared>>)
          tpu.yield
        }) : () -> ()
      } else {
      }
    }
    %scan3A_49 = arith.constant 25 : i32
    %scan3A_50 = arith.constant 0 : i32
    %scan3A_51 = arith.constant 1 : i32
    %scan3A_52 = arith.constant 0 : i32
    %scan3A_53 = arith.constant 128 : i32
    %scan3A_54 = arith.addi %scan3A_52, %scan3A_53 : i32
    %scan3A_55 = arith.constant 1 : i32
    scf.for %scan3A_521 = %scan3A_52 to %scan3A_54 step %scan3A_55  : i32 {
      %broadcast_in_dim3A_522 = arith.constant 0.000000e+00 : f32
      %broadcast_in_dim3A_523 = vector.broadcast %broadcast_in_dim3A_522 : f32 to vector<16xf32>
      %swap3A_524 = arith.constant 0 : i32
      %swap3A_525 = arith.constant 0 : i32
      %swap3A_526 = tpu.memref_slice %arg13[%scan3A_50, %scan3A_51, %swap3A_524, %swap3A_525] : memref<2x3x128x32xf32, #tpu.memory_space<vmem>> -> memref<1x1x128x32xf32, #tpu.memory_space<vmem>>
      %swap3A_527 = tpu.memref_squeeze %swap3A_526 : memref<1x1x128x32xf32, #tpu.memory_space<vmem>> -> memref<128x32xf32, #tpu.memory_space<vmem>>
      %swap3A_528 = arith.index_cast %scan3A_521 : i32 to index
      %swap3A_529 = arith.constant 0 : index
      %swap3A_530 = tpu.vector_load %swap3A_527[%swap3A_528, %swap3A_529] {strides = array<i32>} : memref<128x32xf32, #tpu.memory_space<vmem>>, vector<16xf32>,
      tpu.vector_store %swap3A_527[%swap3A_528, %swap3A_529], %broadcast_in_dim3A_523 {strides = array<i32>} : memref<128x32xf32, #tpu.memory_space<vmem>>, vector<16xf32>,
      %broadcast_in_dim3A_531 = arith.constant 0.000000e+00 : f32
      %broadcast_in_dim3A_532 = vector.broadcast %broadcast_in_dim3A_531 : f32 to vector<16xf32>
      %swap3A_533 = arith.constant 0 : i32
      %swap3A_534 = arith.constant 0 : i32
      %swap3A_535 = tpu.memref_slice %arg13[%scan3A_50, %scan3A_51, %swap3A_533, %swap3A_534] : memref<2x3x128x32xf32, #tpu.memory_space<vmem>> -> memref<1x1x128x32xf32, #tpu.memory_space<vmem>>
      %swap3A_536 = tpu.memref_squeeze %swap3A_535 : memref<1x1x128x32xf32, #tpu.memory_space<vmem>> -> memref<128x32xf32, #tpu.memory_space<vmem>>
      %swap3A_537 = arith.index_cast %scan3A_521 : i32 to index
      %swap3A_538 = arith.constant 16 : index
      %swap3A_539 = tpu.vector_load %swap3A_536[%swap3A_537, %swap3A_538] {strides = array<i32>} : memref<128x32xf32, #tpu.memory_space<vmem>>, vector<16xf32>,
      tpu.vector_store %swap3A_536[%swap3A_537, %swap3A_538], %broadcast_in_dim3A_532 {strides = array<i32>} : memref<128x32xf32, #tpu.memory_space<vmem>>, vector<16xf32>,
    }
    %scan3A_56 = arith.constant 128 : i32
    %iota3A = tpu.iota {dimensions = array<i32: 0>} : vector<16xi32>
    %broadcast_in_dim3A_57 = arith.constant 0 : i32
    %broadcast_in_dim3A_58 = vector.broadcast %broadcast_in_dim3A_57 : i32 to vector<16xi32>
    %add3A = arith.constant 0 : i32
    %add3A_59 = vector.broadcast %add3A : i32 to vector<16xi32>
    %add3A_60 = arith.addi %add3A_59, %iota3A : vector<16xi32>
    %broadcast_in_dim3A_61 = arith.constant 1.000000e+00 : f32
    %broadcast_in_dim3A_62 = vector.broadcast %broadcast_in_dim3A_61 : f32 to vector<16xf32>
    %scatter3A = arith.constant 0 : i32
    %scatter3A_63 = arith.constant 1 : i32
    %scatter3A_64 = arith.constant 0 : i32
    %scatter3A_65 = arith.constant 0 : i32
    %scatter3A_66 = tpu.memref_slice %arg13[%scatter3A, %scatter3A_63, %scatter3A_64, %scatter3A_65] : memref<2x3x128x32xf32, #tpu.memory_space<vmem>> -> memref<1x1x128x32xf32, #tpu.memory_space<vmem>>
    %scatter3A_67 = tpu.memref_squeeze %scatter3A_66 : memref<1x1x128x32xf32, #tpu.memory_space<vmem>> -> memref<128x32xf32, #tpu.memory_space<vmem>>
    tpu.vector_store_idx %scatter3A_67[%add3A_60, %broadcast_in_dim3A_58], %broadcast_in_dim3A_62 : memref<128x32xf32, #tpu.memory_space<vmem>>[vector<16xi32>, vector<16xi32>], vector<16xf32>,
    %add3A_68 = arith.constant 16 : i32
    %add3A_69 = vector.broadcast %add3A_68 : i32 to vector<16xi32>
    %add3A_70 = arith.addi %add3A_69, %iota3A : vector<16xi32>
    %broadcast_in_dim3A_71 = arith.constant 1.000000e+00 : f32
    %broadcast_in_dim3A_72 = vector.broadcast %broadcast_in_dim3A_71 : f32 to vector<16xf32>
    %scatter3A_73 = arith.constant 0 : i32
    %scatter3A_74 = arith.constant 1 : i32
    %scatter3A_75 = arith.constant 0 : i32
    %scatter3A_76 = arith.constant 0 : i32
    %scatter3A_77 = tpu.memref_slice %arg13[%scatter3A_73, %scatter3A_74, %scatter3A_75, %scatter3A_76] : memref<2x3x128x32xf32, #tpu.memory_space<vmem>> -> memref<1x1x128x32xf32, #tpu.memory_space<vmem>>
    %scatter3A_78 = tpu.memref_squeeze %scatter3A_77 : memref<1x1x128x32xf32, #tpu.memory_space<vmem>> -> memref<128x32xf32, #tpu.memory_space<vmem>>
    tpu.vector_store_idx %scatter3A_78[%add3A_70, %broadcast_in_dim3A_58], %broadcast_in_dim3A_72 : memref<128x32xf32, #tpu.memory_space<vmem>>[vector<16xi32>, vector<16xi32>], vector<16xf32>,
    %add3A_79 = arith.constant 32 : i32
    %add3A_80 = vector.broadcast %add3A_79 : i32 to vector<16xi32>
    %add3A_81 = arith.addi %add3A_80, %iota3A : vector<16xi32>
    %broadcast_in_dim3A_82 = arith.constant 1.000000e+00 : f32
    %broadcast_in_dim3A_83 = vector.broadcast %broadcast_in_dim3A_82 : f32 to vector<16xf32>
    %scatter3A_84 = arith.constant 0 : i32
    %scatter3A_85 = arith.constant 1 : i32
    %scatter3A_86 = arith.constant 0 : i32
    %scatter3A_87 = arith.constant 0 : i32
    %scatter3A_88 = tpu.memref_slice %arg13[%scatter3A_84, %scatter3A_85, %scatter3A_86, %scatter3A_87] : memref<2x3x128x32xf32, #tpu.memory_space<vmem>> -> memref<1x1x128x32xf32, #tpu.memory_space<vmem>>
    %scatter3A_89 = tpu.memref_squeeze %scatter3A_88 : memref<1x1x128x32xf32, #tpu.memory_space<vmem>> -> memref<128x32xf32, #tpu.memory_space<vmem>>
    tpu.vector_store_idx %scatter3A_89[%add3A_81, %broadcast_in_dim3A_58], %broadcast_in_dim3A_83 : memref<128x32xf32, #tpu.memory_space<vmem>>[vector<16xi32>, vector<16xi32>], vector<16xf32>,
    %add3A_90 = arith.constant 48 : i32
    %add3A_91 = vector.broadcast %add3A_90 : i32 to vector<16xi32>
    %add3A_92 = arith.addi %add3A_91, %iota3A : vector<16xi32>
    %broadcast_in_dim3A_93 = arith.constant 1.000000e+00 : f32
    %broadcast_in_dim3A_94 = vector.broadcast %broadcast_in_dim3A_93 : f32 to vector<16xf32>
    %scatter3A_95 = arith.constant 0 : i32
    %scatter3A_96 = arith.constant 1 : i32
    %scatter3A_97 = arith.constant 0 : i32
    %scatter3A_98 = arith.constant 0 : i32
    %scatter3A_99 = tpu.memref_slice %arg13[%scatter3A_95, %scatter3A_96, %scatter3A_97, %scatter3A_98] : memref<2x3x128x32xf32, #tpu.memory_space<vmem>> -> memref<1x1x128x32xf32, #tpu.memory_space<vmem>>
    %scatter3A_100 = tpu.memref_squeeze %scatter3A_99 : memref<1x1x128x32xf32, #tpu.memory_space<vmem>> -> memref<128x32xf32, #tpu.memory_space<vmem>>
    tpu.vector_store_idx %scatter3A_100[%add3A_92, %broadcast_in_dim3A_58], %broadcast_in_dim3A_94 : memref<128x32xf32, #tpu.memory_space<vmem>>[vector<16xi32>, vector<16xi32>], vector<16xf32>,
    %add3A_101 = arith.constant 64 : i32
    %add3A_102 = vector.broadcast %add3A_101 : i32 to vector<16xi32>
    %add3A_103 = arith.addi %add3A_102, %iota3A : vector<16xi32>
    %broadcast_in_dim3A_104 = arith.constant 1.000000e+00 : f32
    %broadcast_in_dim3A_105 = vector.broadcast %broadcast_in_dim3A_104 : f32 to vector<16xf32>
    %scatter3A_106 = arith.constant 0 : i32
    %scatter3A_107 = arith.constant 1 : i32
    %scatter3A_108 = arith.constant 0 : i32
    %scatter3A_109 = arith.constant 0 : i32
    %scatter3A_110 = tpu.memref_slice %arg13[%scatter3A_106, %scatter3A_107, %scatter3A_108, %scatter3A_109] : memref<2x3x128x32xf32, #tpu.memory_space<vmem>> -> memref<1x1x128x32xf32, #tpu.memory_space<vmem>>
    %scatter3A_111 = tpu.memref_squeeze %scatter3A_110 : memref<1x1x128x32xf32, #tpu.memory_space<vmem>> -> memref<128x32xf32, #tpu.memory_space<vmem>>
    tpu.vector_store_idx %scatter3A_111[%add3A_103, %broadcast_in_dim3A_58], %broadcast_in_dim3A_105 : memref<128x32xf32, #tpu.memory_space<vmem>>[vector<16xi32>, vector<16xi32>], vector<16xf32>,
    %add3A_112 = arith.constant 80 : i32
    %add3A_113 = vector.broadcast %add3A_112 : i32 to vector<16xi32>
    %add3A_114 = arith.addi %add3A_113, %iota3A : vector<16xi32>
    %broadcast_in_dim3A_115 = arith.constant 1.000000e+00 : f32
    %broadcast_in_dim3A_116 = vector.broadcast %broadcast_in_dim3A_115 : f32 to vector<16xf32>
    %scatter3A_117 = arith.constant 0 : i32
    %scatter3A_118 = arith.constant 1 : i32
    %scatter3A_119 = arith.constant 0 : i32
    %scatter3A_120 = arith.constant 0 : i32
    %scatter3A_121 = tpu.memref_slice %arg13[%scatter3A_117, %scatter3A_118, %scatter3A_119, %scatter3A_120] : memref<2x3x128x32xf32, #tpu.memory_space<vmem>> -> memref<1x1x128x32xf32, #tpu.memory_space<vmem>>
    %scatter3A_122 = tpu.memref_squeeze %scatter3A_121 : memref<1x1x128x32xf32, #tpu.memory_space<vmem>> -> memref<128x32xf32, #tpu.memory_space<vmem>>
    tpu.vector_store_idx %scatter3A_122[%add3A_114, %broadcast_in_dim3A_58], %broadcast_in_dim3A_116 : memref<128x32xf32, #tpu.memory_space<vmem>>[vector<16xi32>, vector<16xi32>], vector<16xf32>,
    %add3A_123 = arith.constant 96 : i32
    %add3A_124 = vector.broadcast %add3A_123 : i32 to vector<16xi32>
    %add3A_125 = arith.addi %add3A_124, %iota3A : vector<16xi32>
    %broadcast_in_dim3A_126 = arith.constant 1.000000e+00 : f32
    %broadcast_in_dim3A_127 = vector.broadcast %broadcast_in_dim3A_126 : f32 to vector<16xf32>
    %scatter3A_128 = arith.constant 0 : i32
    %scatter3A_129 = arith.constant 1 : i32
    %scatter3A_130 = arith.constant 0 : i32
    %scatter3A_131 = arith.constant 0 : i32
    %scatter3A_132 = tpu.memref_slice %arg13[%scatter3A_128, %scatter3A_129, %scatter3A_130, %scatter3A_131] : memref<2x3x128x32xf32, #tpu.memory_space<vmem>> -> memref<1x1x128x32xf32, #tpu.memory_space<vmem>>
    %scatter3A_133 = tpu.memref_squeeze %scatter3A_132 : memref<1x1x128x32xf32, #tpu.memory_space<vmem>> -> memref<128x32xf32, #tpu.memory_space<vmem>>
    tpu.vector_store_idx %scatter3A_133[%add3A_125, %broadcast_in_dim3A_58], %broadcast_in_dim3A_127 : memref<128x32xf32, #tpu.memory_space<vmem>>[vector<16xi32>, vector<16xi32>], vector<16xf32>,
    %add3A_134 = arith.constant 112 : i32
    %add3A_135 = vector.broadcast %add3A_134 : i32 to vector<16xi32>
    %add3A_136 = arith.addi %add3A_135, %iota3A : vector<16xi32>
    %broadcast_in_dim3A_137 = arith.constant 1.000000e+00 : f32
    %broadcast_in_dim3A_138 = vector.broadcast %broadcast_in_dim3A_137 : f32 to vector<16xf32>
    %scatter3A_139 = arith.constant 0 : i32
    %scatter3A_140 = arith.constant 1 : i32
    %scatter3A_141 = arith.constant 0 : i32
    %scatter3A_142 = arith.constant 0 : i32
    %scatter3A_143 = tpu.memref_slice %arg13[%scatter3A_139, %scatter3A_140, %scatter3A_141, %scatter3A_142] : memref<2x3x128x32xf32, #tpu.memory_space<vmem>> -> memref<1x1x128x32xf32, #tpu.memory_space<vmem>>
    %scatter3A_144 = tpu.memref_squeeze %scatter3A_143 : memref<1x1x128x32xf32, #tpu.memory_space<vmem>> -> memref<128x32xf32, #tpu.memory_space<vmem>>
    tpu.vector_store_idx %scatter3A_144[%add3A_136, %broadcast_in_dim3A_58], %broadcast_in_dim3A_138 : memref<128x32xf32, #tpu.memory_space<vmem>>[vector<16xi32>, vector<16xi32>], vector<16xf32>,
    %barrier3A = arith.constant 0 : index
    tpu.barrier barrier_id(%barrier3A)
    %dma_start3A = arith.constant 0 : i32
    %dma_start3A_145 = arith.constant 0 : i32
    %dma_start3A_146 = arith.constant 1 : i32
    %dma_start3A_147 = arith.constant 0 : i32
    %dma_start3A_148 = arith.constant 0 : i32
    %dma_start3A_149 = tpu.memref_slice %arg12[%dma_start3A, %dma_start3A_145, %dma_start3A_146, %dma_start3A_148] : memref<2x3x2x128xi32, #tpu.memory_space<vmem>> -> memref<1x1x1x128xi32, #tpu.memory_space<vmem>>
    %dma_start3A_150 = tpu.memref_squeeze %dma_start3A_149 : memref<1x1x1x128xi32, #tpu.memory_space<vmem>> -> memref<128xi32, #tpu.memory_space<vmem>>
    %dma_start3A_151 = tpu.memref_slice %arg4[%mul3A_2] : memref<800000xi32, #tpu.memory_space<hbm>> -> memref<128xi32, #tpu.memory_space<hbm>>
    %dma_start3A_152 = tpu.memref_slice %arg17[%dma_start3A_147] : memref<2x!tpu.dma_semaphore, #tpu.memory_space<semaphore_mem>> -> memref<1x!tpu.dma_semaphore, #tpu.memory_space<semaphore_mem>>
    %dma_start3A_153 = tpu.memref_squeeze %dma_start3A_152 : memref<1x!tpu.dma_semaphore, #tpu.memory_space<semaphore_mem>> -> memref<!tpu.dma_semaphore, #tpu.memory_space<semaphore_mem>>
    %dma_start3A_154 = arith.constant 0 : i32
    %dma_start3A_155 = tpu.memref_slice %arg12[%dma_start3A, %dma_start3A_145, %dma_start3A_146, %dma_start3A_154] : memref<2x3x2x128xi32, #tpu.memory_space<vmem>> -> memref<1x1x1x128xi32, #tpu.memory_space<vmem>>
    %dma_start3A_156 = tpu.memref_squeeze %dma_start3A_155 : memref<1x1x1x128xi32, #tpu.memory_space<vmem>> -> memref<128xi32, #tpu.memory_space<vmem>>
    %dma_start3A_157 = tpu.memref_slice %arg4[%mul3A_2] : memref<800000xi32, #tpu.memory_space<hbm>> -> memref<128xi32, #tpu.memory_space<hbm>>
    tpu.enqueue_dma source(%dma_start3A_157 : memref<128xi32, #tpu.memory_space<hbm>>) target(%dma_start3A_156 : memref<128xi32, #tpu.memory_space<vmem>>) target_semaphore(%dma_start3A_153 : memref<!tpu.dma_semaphore, #tpu.memory_space<semaphore_mem>>)
    %scan3A_158 = arith.constant 0 : i32
    %scan3A_159 = arith.constant 1 : i32
    %scan3A_160 = arith.constant 0 : i32
    %scan3A_161 = arith.constant 390 : i32
    %scan3A_162 = arith.addi %scan3A_160, %scan3A_161 : i32
    %scan3A_163 = arith.constant 1 : i32
    scf.for %scan3A_521 = %scan3A_160 to %scan3A_162 step %scan3A_163  : i32 {
      %rem3A = arith.constant 2 : i32
      %rem3A_522 = arith.remsi %scan3A_521, %rem3A : i32
      %sub3A = arith.constant 1 : i32
      %sub3A_523 = arith.subi %sub3A, %rem3A_522 : i32
      %dma_wait3A_524 = arith.constant 0 : i32
      %dma_wait3A_525 = arith.constant 1 : i32
      %dma_wait3A_526 = arith.constant 0 : i32
      %dma_wait3A_527 = tpu.memref_slice %arg12[%rem3A_522, %dma_wait3A_524, %dma_wait3A_525, %dma_wait3A_526] : memref<2x3x2x128xi32, #tpu.memory_space<vmem>> -> memref<1x1x1x128xi32, #tpu.memory_space<vmem>>
      %dma_wait3A_528 = tpu.memref_squeeze %dma_wait3A_527 : memref<1x1x1x128xi32, #tpu.memory_space<vmem>> -> memref<128xi32, #tpu.memory_space<vmem>>
      %dma_wait3A_529 = arith.constant 0 : i32
      %dma_wait3A_530 = tpu.memref_slice %arg4[%dma_wait3A_529] : memref<800000xi32, #tpu.memory_space<hbm>> -> memref<128xi32, #tpu.memory_space<hbm>>
      %dma_wait3A_531 = tpu.memref_slice %arg17[%rem3A_522] : memref<2x!tpu.dma_semaphore, #tpu.memory_space<semaphore_mem>> -> memref<1x!tpu.dma_semaphore, #tpu.memory_space<semaphore_mem>>
      %dma_wait3A_532 = tpu.memref_squeeze %dma_wait3A_531 : memref<1x!tpu.dma_semaphore, #tpu.memory_space<semaphore_mem>> -> memref<!tpu.dma_semaphore, #tpu.memory_space<semaphore_mem>>
      %dma_wait3A_533 = arith.constant 0 : i32
      %dma_wait3A_534 = tpu.memref_slice %arg12[%rem3A_522, %dma_wait3A_524, %dma_wait3A_525, %dma_wait3A_533] : memref<2x3x2x128xi32, #tpu.memory_space<vmem>> -> memref<1x1x1x128xi32, #tpu.memory_space<vmem>>
      %dma_wait3A_535 = tpu.memref_squeeze %dma_wait3A_534 : memref<1x1x1x128xi32, #tpu.memory_space<vmem>> -> memref<128xi32, #tpu.memory_space<vmem>>
      %dma_wait3A_536 = arith.constant 0 : i32
      %dma_wait3A_537 = tpu.memref_slice %arg4[%dma_wait3A_536] : memref<800000xi32, #tpu.memory_space<hbm>> -> memref<128xi32, #tpu.memory_space<hbm>>
      tpu.wait_dma2 semaphore(%dma_wait3A_532 : memref<!tpu.dma_semaphore, #tpu.memory_space<semaphore_mem>>) src(%dma_wait3A_537 : memref<128xi32, #tpu.memory_space<hbm>>) dst(%dma_wait3A_535 : memref<128xi32, #tpu.memory_space<vmem>>)
      %gt3A = arith.constant 0 : i32
      %gt3A_538 = arith.cmpi sgt, %scan3A_521, %gt3A : i32
      %convert_element_type3A = arith.extui %gt3A_538 : i1 to i32
      %cond3A = arith.constant 0 : i32
      %cond3A_539 = arith.cmpi ne, %convert_element_type3A, %cond3A : i32
      scf.if %cond3A_539 {
        %dma_wait3A_558 = arith.constant 0 : i32
        %dma_wait3A_559 = arith.constant 1 : i32
        %dma_wait3A_560 = arith.constant 0 : i32
        %dma_wait3A_561 = arith.constant 0 : i32
        %dma_wait3A_562 = tpu.memref_slice %arg13[%scan3A_158, %scan3A_159, %dma_wait3A_560, %dma_wait3A_561] : memref<2x3x128x32xf32, #tpu.memory_space<vmem>> -> memref<1x1x128x32xf32, #tpu.memory_space<vmem>>
        %dma_wait3A_563 = tpu.memref_squeeze %dma_wait3A_562 : memref<1x1x128x32xf32, #tpu.memory_space<vmem>> -> memref<128x32xf32, #tpu.memory_space<vmem>>
        %dma_wait3A_564 = arith.constant 0 : i32
        %dma_wait3A_565 = tpu.memref_slice %arg12[%sub3A_523, %dma_wait3A_558, %dma_wait3A_559, %dma_wait3A_564] : memref<2x3x2x128xi32, #tpu.memory_space<vmem>> -> memref<1x1x1x128xi32, #tpu.memory_space<vmem>>
        %dma_wait3A_566 = tpu.memref_squeeze %dma_wait3A_565 : memref<1x1x1x128xi32, #tpu.memory_space<vmem>> -> memref<128xi32, #tpu.memory_space<vmem>>
        %dma_wait3A_567 = arith.constant 0 : i32
        %dma_wait3A_568 = arith.constant 0 : i32
        %dma_wait3A_569 = tpu.memref_slice %arg20[%dma_wait3A_567, %dma_wait3A_568] : memref<50048x32xf32, #tpu.memory_space<vmem_shared>> -> memref<50048x32xf32, #tpu.memory_space<vmem_shared>>
        %dma_wait3A_570 = tpu.memref_slice %arg19[%sub3A_523] : memref<2x!tpu.dma_semaphore, #tpu.memory_space<semaphore_mem>> -> memref<1x!tpu.dma_semaphore, #tpu.memory_space<semaphore_mem>>
        %dma_wait3A_571 = tpu.memref_squeeze %dma_wait3A_570 : memref<1x!tpu.dma_semaphore, #tpu.memory_space<semaphore_mem>> -> memref<!tpu.dma_semaphore, #tpu.memory_space<semaphore_mem>>
        tpu.wait_indirect_dma semaphore(%dma_wait3A_571 : memref<!tpu.dma_semaphore, #tpu.memory_space<semaphore_mem>>) src(%dma_wait3A_563 : memref<128x32xf32, #tpu.memory_space<vmem>>) dst(%dma_wait3A_569 : memref<50048x32xf32, #tpu.memory_space<vmem_shared>>)
      } else {
      }
      %lt3A = arith.constant 389 : i32
      %lt3A_540 = arith.cmpi slt, %scan3A_521, %lt3A : i32
      %convert_element_type3A_541 = arith.extui %lt3A_540 : i1 to i32
      %cond3A_542 = arith.constant 0 : i32
      %cond3A_543 = arith.cmpi ne, %convert_element_type3A_541, %cond3A_542 : i32
      scf.if %cond3A_543 {
        %add3A_558 = arith.constant 1 : i32
        %add3A_559 = arith.addi %scan3A_521, %add3A_558 : i32
        %mul3A_560 = arith.constant 128 : i32
        %mul3A_561 = arith.muli %add3A_559, %mul3A_560 : i32
        %add3A_562 = arith.addi %mul3A_2, %mul3A_561 : i32
        %dma_start3A_563 = arith.constant 0 : i32
        %dma_start3A_564 = arith.constant 1 : i32
        %dma_start3A_565 = arith.constant 0 : i32
        %dma_start3A_566 = tpu.memref_slice %arg12[%sub3A_523, %dma_start3A_563, %dma_start3A_564, %dma_start3A_565] : memref<2x3x2x128xi32, #tpu.memory_space<vmem>> -> memref<1x1x1x128xi32, #tpu.memory_space<vmem>>
        %dma_start3A_567 = tpu.memref_squeeze %dma_start3A_566 : memref<1x1x1x128xi32, #tpu.memory_space<vmem>> -> memref<128xi32, #tpu.memory_space<vmem>>
        %dma_start3A_568 = tpu.memref_slice %arg4[%add3A_562] : memref<800000xi32, #tpu.memory_space<hbm>> -> memref<128xi32, #tpu.memory_space<hbm>>
        %dma_start3A_569 = tpu.memref_slice %arg17[%sub3A_523] : memref<2x!tpu.dma_semaphore, #tpu.memory_space<semaphore_mem>> -> memref<1x!tpu.dma_semaphore, #tpu.memory_space<semaphore_mem>>
        %dma_start3A_570 = tpu.memref_squeeze %dma_start3A_569 : memref<1x!tpu.dma_semaphore, #tpu.memory_space<semaphore_mem>> -> memref<!tpu.dma_semaphore, #tpu.memory_space<semaphore_mem>>
        %dma_start3A_571 = arith.constant 0 : i32
        %dma_start3A_572 = tpu.memref_slice %arg12[%sub3A_523, %dma_start3A_563, %dma_start3A_564, %dma_start3A_571] : memref<2x3x2x128xi32, #tpu.memory_space<vmem>> -> memref<1x1x1x128xi32, #tpu.memory_space<vmem>>
        %dma_start3A_573 = tpu.memref_squeeze %dma_start3A_572 : memref<1x1x1x128xi32, #tpu.memory_space<vmem>> -> memref<128xi32, #tpu.memory_space<vmem>>
        %dma_start3A_574 = tpu.memref_slice %arg4[%add3A_562] : memref<800000xi32, #tpu.memory_space<hbm>> -> memref<128xi32, #tpu.memory_space<hbm>>
        tpu.enqueue_dma source(%dma_start3A_574 : memref<128xi32, #tpu.memory_space<hbm>>) target(%dma_start3A_573 : memref<128xi32, #tpu.memory_space<vmem>>) target_semaphore(%dma_start3A_570 : memref<!tpu.dma_semaphore, #tpu.memory_space<semaphore_mem>>)
      } else {
      }
      %dma_start3A_544 = arith.constant 0 : i32
      %dma_start3A_545 = arith.constant 1 : i32
      %dma_start3A_546 = arith.constant 0 : i32
      %dma_start3A_547 = arith.constant 0 : i32
      %dma_start3A_548 = tpu.memref_slice %arg13[%scan3A_158, %scan3A_159, %dma_start3A_546, %dma_start3A_547] : memref<2x3x128x32xf32, #tpu.memory_space<vmem>> -> memref<1x1x128x32xf32, #tpu.memory_space<vmem>>
      %dma_start3A_549 = tpu.memref_squeeze %dma_start3A_548 : memref<1x1x128x32xf32, #tpu.memory_space<vmem>> -> memref<128x32xf32, #tpu.memory_space<vmem>>
      %dma_start3A_550 = arith.constant 0 : i32
      %dma_start3A_551 = tpu.memref_slice %arg12[%rem3A_522, %dma_start3A_544, %dma_start3A_545, %dma_start3A_550] : memref<2x3x2x128xi32, #tpu.memory_space<vmem>> -> memref<1x1x1x128xi32, #tpu.memory_space<vmem>>
      %dma_start3A_552 = tpu.memref_squeeze %dma_start3A_551 : memref<1x1x1x128xi32, #tpu.memory_space<vmem>> -> memref<128xi32, #tpu.memory_space<vmem>>
      %dma_start3A_553 = arith.constant 0 : i32
      %dma_start3A_554 = arith.constant 0 : i32
      %dma_start3A_555 = tpu.memref_slice %arg20[%dma_start3A_553, %dma_start3A_554] : memref<50048x32xf32, #tpu.memory_space<vmem_shared>> -> memref<50048x32xf32, #tpu.memory_space<vmem_shared>>
      %dma_start3A_556 = tpu.memref_slice %arg19[%rem3A_522] : memref<2x!tpu.dma_semaphore, #tpu.memory_space<semaphore_mem>> -> memref<1x!tpu.dma_semaphore, #tpu.memory_space<semaphore_mem>>
      %dma_start3A_557 = tpu.memref_squeeze %dma_start3A_556 : memref<1x!tpu.dma_semaphore, #tpu.memory_space<semaphore_mem>> -> memref<!tpu.dma_semaphore, #tpu.memory_space<semaphore_mem>>
      tpu.enqueue_indirect_dma source(%dma_start3A_549 : memref<128x32xf32, #tpu.memory_space<vmem>>) target(%dma_start3A_555 : memref<50048x32xf32, #tpu.memory_space<vmem_shared>>) offsets(%dma_start3A_552 : memref<128xi32, #tpu.memory_space<vmem>>) semaphore(%dma_start3A_557 : memref<!tpu.dma_semaphore, #tpu.memory_space<semaphore_mem>>) {add = true}
    }
    %scan3A_164 = arith.constant 390 : i32
    %dma_wait3A = arith.constant 0 : i32
    %dma_wait3A_165 = arith.constant 1 : i32
    %dma_wait3A_166 = arith.constant 1 : i32
    %dma_wait3A_167 = arith.constant 0 : i32
    %dma_wait3A_168 = arith.constant 1 : i32
    %dma_wait3A_169 = arith.constant 1 : i32
    %dma_wait3A_170 = arith.constant 0 : i32
    %dma_wait3A_171 = arith.constant 0 : i32
    %dma_wait3A_172 = tpu.memref_slice %arg13[%dma_wait3A, %dma_wait3A_165, %dma_wait3A_170, %dma_wait3A_171] : memref<2x3x128x32xf32, #tpu.memory_space<vmem>> -> memref<1x1x128x32xf32, #tpu.memory_space<vmem>>
    %dma_wait3A_173 = tpu.memref_squeeze %dma_wait3A_172 : memref<1x1x128x32xf32, #tpu.memory_space<vmem>> -> memref<128x32xf32, #tpu.memory_space<vmem>>
    %dma_wait3A_174 = arith.constant 0 : i32
    %dma_wait3A_175 = tpu.memref_slice %arg12[%dma_wait3A_166, %dma_wait3A_167, %dma_wait3A_168, %dma_wait3A_174] : memref<2x3x2x128xi32, #tpu.memory_space<vmem>> -> memref<1x1x1x128xi32, #tpu.memory_space<vmem>>
    %dma_wait3A_176 = tpu.memref_squeeze %dma_wait3A_175 : memref<1x1x1x128xi32, #tpu.memory_space<vmem>> -> memref<128xi32, #tpu.memory_space<vmem>>
    %dma_wait3A_177 = arith.constant 0 : i32
    %dma_wait3A_178 = arith.constant 0 : i32
    %dma_wait3A_179 = tpu.memref_slice %arg20[%dma_wait3A_177, %dma_wait3A_178] : memref<50048x32xf32, #tpu.memory_space<vmem_shared>> -> memref<50048x32xf32, #tpu.memory_space<vmem_shared>>
    %dma_wait3A_180 = tpu.memref_slice %arg19[%dma_wait3A_169] : memref<2x!tpu.dma_semaphore, #tpu.memory_space<semaphore_mem>> -> memref<1x!tpu.dma_semaphore, #tpu.memory_space<semaphore_mem>>
    %dma_wait3A_181 = tpu.memref_squeeze %dma_wait3A_180 : memref<1x!tpu.dma_semaphore, #tpu.memory_space<semaphore_mem>> -> memref<!tpu.dma_semaphore, #tpu.memory_space<semaphore_mem>>
    tpu.wait_indirect_dma semaphore(%dma_wait3A_181 : memref<!tpu.dma_semaphore, #tpu.memory_space<semaphore_mem>>) src(%dma_wait3A_173 : memref<128x32xf32, #tpu.memory_space<vmem>>) dst(%dma_wait3A_179 : memref<50048x32xf32, #tpu.memory_space<vmem_shared>>)
    %add3A_182 = arith.constant 49920 : i32
    %add3A_183 = arith.addi %mul3A_2, %add3A_182 : i32
    %run_scoped3A = arith.constant 1 : i32
    "tpu.region"() ({
      %run_scoped3A_521 = tpu.sem_alloc : memref<!tpu.dma_semaphore, #tpu.memory_space<semaphore_mem>>
      %dma_start3A_522 = arith.constant 0 : i32
      %dma_start3A_523 = tpu.memref_slice %arg11[%run_scoped3A, %dma_start3A_522] : memref<2x128xi32, #tpu.memory_space<vmem>> -> memref<1x80xi32, #tpu.memory_space<vmem>>
      %dma_start3A_524 = tpu.memref_squeeze %dma_start3A_523 : memref<1x80xi32, #tpu.memory_space<vmem>> -> memref<80xi32, #tpu.memory_space<vmem>>
      %dma_start3A_525 = tpu.memref_slice %arg4[%add3A_183] : memref<800000xi32, #tpu.memory_space<hbm>> -> memref<80xi32, #tpu.memory_space<hbm>>
      %dma_start3A_526 = arith.constant 0 : i32
      %dma_start3A_527 = tpu.memref_slice %arg11[%run_scoped3A, %dma_start3A_526] : memref<2x128xi32, #tpu.memory_space<vmem>> -> memref<1x80xi32, #tpu.memory_space<vmem>>
      %dma_start3A_528 = tpu.memref_squeeze %dma_start3A_527 : memref<1x80xi32, #tpu.memory_space<vmem>> -> memref<80xi32, #tpu.memory_space<vmem>>
      %dma_start3A_529 = tpu.memref_slice %arg4[%add3A_183] : memref<800000xi32, #tpu.memory_space<hbm>> -> memref<80xi32, #tpu.memory_space<hbm>>
      tpu.enqueue_dma source(%dma_start3A_529 : memref<80xi32, #tpu.memory_space<hbm>>) target(%dma_start3A_528 : memref<80xi32, #tpu.memory_space<vmem>>) target_semaphore(%run_scoped3A_521 : memref<!tpu.dma_semaphore, #tpu.memory_space<semaphore_mem>>)
      %dma_wait3A_530 = arith.constant 0 : i32
      %dma_wait3A_531 = tpu.memref_slice %arg11[%run_scoped3A, %dma_wait3A_530] : memref<2x128xi32, #tpu.memory_space<vmem>> -> memref<1x80xi32, #tpu.memory_space<vmem>>
      %dma_wait3A_532 = tpu.memref_squeeze %dma_wait3A_531 : memref<1x80xi32, #tpu.memory_space<vmem>> -> memref<80xi32, #tpu.memory_space<vmem>>
      %dma_wait3A_533 = tpu.memref_slice %arg4[%add3A_183] : memref<800000xi32, #tpu.memory_space<hbm>> -> memref<80xi32, #tpu.memory_space<hbm>>
      %dma_wait3A_534 = arith.constant 0 : i32
      %dma_wait3A_535 = tpu.memref_slice %arg11[%run_scoped3A, %dma_wait3A_534] : memref<2x128xi32, #tpu.memory_space<vmem>> -> memref<1x80xi32, #tpu.memory_space<vmem>>
      %dma_wait3A_536 = tpu.memref_squeeze %dma_wait3A_535 : memref<1x80xi32, #tpu.memory_space<vmem>> -> memref<80xi32, #tpu.memory_space<vmem>>
      %dma_wait3A_537 = tpu.memref_slice %arg4[%add3A_183] : memref<800000xi32, #tpu.memory_space<hbm>> -> memref<80xi32, #tpu.memory_space<hbm>>
      tpu.wait_dma2 semaphore(%run_scoped3A_521 : memref<!tpu.dma_semaphore, #tpu.memory_space<semaphore_mem>>) src(%dma_wait3A_537 : memref<80xi32, #tpu.memory_space<hbm>>) dst(%dma_wait3A_536 : memref<80xi32, #tpu.memory_space<vmem>>)
      tpu.yield
    }) : () -> ()
    %broadcast_in_dim3A_184 = arith.constant 50047 : i32
    %broadcast_in_dim3A_185 = vector.broadcast %broadcast_in_dim3A_184 : i32 to vector<16xi32>
    %swap3A_186 = arith.constant 1 : i32
    %swap3A_187 = arith.index_cast %swap3A_186 : i32 to index
    %swap3A_188 = arith.constant 80 : index
    %swap3A_189 = tpu.vector_load %arg11[%swap3A_187, %swap3A_188] {strides = array<i32>} : memref<2x128xi32, #tpu.memory_space<vmem>>, vector<16xi32>,
    tpu.vector_store %arg11[%swap3A_187, %swap3A_188], %broadcast_in_dim3A_185 {strides = array<i32>} : memref<2x128xi32, #tpu.memory_space<vmem>>, vector<16xi32>,
    %swap3A_190 = arith.constant 1 : i32
    %swap3A_191 = arith.index_cast %swap3A_190 : i32 to index
    %swap3A_192 = arith.constant 96 : index
    %swap3A_193 = tpu.vector_load %arg11[%swap3A_191, %swap3A_192] {strides = array<i32>} : memref<2x128xi32, #tpu.memory_space<vmem>>, vector<16xi32>,
    tpu.vector_store %arg11[%swap3A_191, %swap3A_192], %broadcast_in_dim3A_185 {strides = array<i32>} : memref<2x128xi32, #tpu.memory_space<vmem>>, vector<16xi32>,
    %swap3A_194 = arith.constant 1 : i32
    %swap3A_195 = arith.index_cast %swap3A_194 : i32 to index
    %swap3A_196 = arith.constant 112 : index
    %swap3A_197 = tpu.vector_load %arg11[%swap3A_195, %swap3A_196] {strides = array<i32>} : memref<2x128xi32, #tpu.memory_space<vmem>>, vector<16xi32>,
    tpu.vector_store %arg11[%swap3A_195, %swap3A_196], %broadcast_in_dim3A_185 {strides = array<i32>} : memref<2x128xi32, #tpu.memory_space<vmem>>, vector<16xi32>,
    %run_scoped3A_198 = arith.constant 0 : i32
    %run_scoped3A_199 = arith.constant 1 : i32
    %run_scoped3A_200 = arith.constant 1 : i32
    "tpu.region"() ({
      %run_scoped3A_521 = tpu.sem_alloc : memref<!tpu.dma_semaphore, #tpu.memory_space<semaphore_mem>>
      %dma_start3A_522 = arith.constant 0 : i32
      %dma_start3A_523 = arith.constant 0 : i32
      %dma_start3A_524 = tpu.memref_slice %arg13[%run_scoped3A_198, %run_scoped3A_199, %dma_start3A_522, %dma_start3A_523] : memref<2x3x128x32xf32, #tpu.memory_space<vmem>> -> memref<1x1x128x32xf32, #tpu.memory_space<vmem>>
      %dma_start3A_525 = tpu.memref_squeeze %dma_start3A_524 : memref<1x1x128x32xf32, #tpu.memory_space<vmem>> -> memref<128x32xf32, #tpu.memory_space<vmem>>
      %dma_start3A_526 = arith.constant 0 : i32
      %dma_start3A_527 = tpu.memref_slice %arg11[%run_scoped3A_200, %dma_start3A_526] : memref<2x128xi32, #tpu.memory_space<vmem>> -> memref<1x128xi32, #tpu.memory_space<vmem>>
      %dma_start3A_528 = tpu.memref_squeeze %dma_start3A_527 : memref<1x128xi32, #tpu.memory_space<vmem>> -> memref<128xi32, #tpu.memory_space<vmem>>
      %dma_start3A_529 = arith.constant 0 : i32
      %dma_start3A_530 = arith.constant 0 : i32
      %dma_start3A_531 = tpu.memref_slice %arg20[%dma_start3A_529, %dma_start3A_530] : memref<50048x32xf32, #tpu.memory_space<vmem_shared>> -> memref<50048x32xf32, #tpu.memory_space<vmem_shared>>
      tpu.enqueue_indirect_dma source(%dma_start3A_525 : memref<128x32xf32, #tpu.memory_space<vmem>>) target(%dma_start3A_531 : memref<50048x32xf32, #tpu.memory_space<vmem_shared>>) offsets(%dma_start3A_528 : memref<128xi32, #tpu.memory_space<vmem>>) semaphore(%run_scoped3A_521 : memref<!tpu.dma_semaphore, #tpu.memory_space<semaphore_mem>>) {add = true}
      %dma_wait3A_532 = arith.constant 0 : i32
      %dma_wait3A_533 = arith.constant 0 : i32
      %dma_wait3A_534 = tpu.memref_slice %arg13[%run_scoped3A_198, %run_scoped3A_199, %dma_wait3A_532, %dma_wait3A_533] : memref<2x3x128x32xf32, #tpu.memory_space<vmem>> -> memref<1x1x128x32xf32, #tpu.memory_space<vmem>>
      %dma_wait3A_535 = tpu.memref_squeeze %dma_wait3A_534 : memref<1x1x128x32xf32, #tpu.memory_space<vmem>> -> memref<128x32xf32, #tpu.memory_space<vmem>>
      %dma_wait3A_536 = arith.constant 0 : i32
      %dma_wait3A_537 = tpu.memref_slice %arg11[%run_scoped3A_200, %dma_wait3A_536] : memref<2x128xi32, #tpu.memory_space<vmem>> -> memref<1x128xi32, #tpu.memory_space<vmem>>
      %dma_wait3A_538 = tpu.memref_squeeze %dma_wait3A_537 : memref<1x128xi32, #tpu.memory_space<vmem>> -> memref<128xi32, #tpu.memory_space<vmem>>
      %dma_wait3A_539 = arith.constant 0 : i32
      %dma_wait3A_540 = arith.constant 0 : i32
      %dma_wait3A_541 = tpu.memref_slice %arg20[%dma_wait3A_539, %dma_wait3A_540] : memref<50048x32xf32, #tpu.memory_space<vmem_shared>> -> memref<50048x32xf32, #tpu.memory_space<vmem_shared>>
      tpu.wait_indirect_dma semaphore(%run_scoped3A_521 : memref<!tpu.dma_semaphore, #tpu.memory_space<semaphore_mem>>) src(%dma_wait3A_535 : memref<128x32xf32, #tpu.memory_space<vmem>>) dst(%dma_wait3A_541 : memref<50048x32xf32, #tpu.memory_space<vmem_shared>>)
      tpu.yield
    }) : () -> ()
    %barrier3A_201 = arith.constant 0 : index
    tpu.barrier barrier_id(%barrier3A_201)
    %scan3A_202 = arith.constant 1 : i32
    %scan3A_203 = arith.constant 0 : i32
    %scan3A_204 = arith.constant 0 : i32
    %scan3A_205 = arith.constant 0 : i32
    %scan3A_206 = arith.constant 0 : i32
    %scan3A_207 = arith.constant 2 : i32
    %scan3A_208 = arith.constant 1 : i32
    %scan3A_209 = arith.constant 1 : i32
    %scan3A_210 = arith.constant 0 : i32
    %scan3A_211 = arith.constant 25 : i32
    %scan3A_212 = arith.addi %scan3A_210, %scan3A_211 : i32
    %scan3A_213 = arith.constant 1 : i32
    scf.for %scan3A_521 = %scan3A_210 to %scan3A_212 step %scan3A_213  : i32 {
      %add3A_522 = arith.constant 0 : i32
      %add3A_523 = arith.addi %add3A_522, %arg1 : i32
      %mul3A_524 = arith.constant 16 : i32
      %mul3A_525 = arith.muli %mul3A_524, %scan3A_521 : i32
      %add3A_526 = arith.addi %add3A_523, %mul3A_525 : i32
      %lt3A = arith.constant 391 : i32
      %lt3A_527 = arith.cmpi slt, %add3A_526, %lt3A : i32
      %convert_element_type3A = arith.extui %lt3A_527 : i1 to i32
      %cond3A = arith.constant 0 : i32
      %cond3A_528 = arith.cmpi ne, %convert_element_type3A, %cond3A : i32
      scf.if %cond3A_528 {
        %mul3A_529 = arith.constant 128 : i32
        %mul3A_530 = arith.muli %add3A_526, %mul3A_529 : i32
        "tpu.region"() ({
          %run_scoped3A_1479 = tpu.sem_alloc : memref<!tpu.dma_semaphore, #tpu.memory_space<semaphore_mem>>
          %dma_start3A_1480 = arith.constant 0 : i32
          %dma_start3A_1481 = arith.constant 0 : i32
          %dma_start3A_1482 = tpu.memref_slice %arg13[%scan3A_202, %scan3A_203, %dma_start3A_1480, %dma_start3A_1481] : memref<2x3x128x32xf32, #tpu.memory_space<vmem>> -> memref<1x1x128x32xf32, #tpu.memory_space<vmem>>
          %dma_start3A_1483 = tpu.memref_squeeze %dma_start3A_1482 : memref<1x1x128x32xf32, #tpu.memory_space<vmem>> -> memref<128x32xf32, #tpu.memory_space<vmem>>
          %dma_start3A_1484 = arith.constant 0 : i32
          %dma_start3A_1485 = tpu.memref_slice %arg20[%mul3A_530, %dma_start3A_1484] : memref<50048x32xf32, #tpu.memory_space<vmem_shared>> -> memref<128x32xf32, #tpu.memory_space<vmem_shared>>
          %dma_start3A_1486 = arith.constant 0 : i32
          %dma_start3A_1487 = arith.constant 0 : i32
          %dma_start3A_1488 = tpu.memref_slice %arg13[%scan3A_202, %scan3A_203, %dma_start3A_1486, %dma_start3A_1487] : memref<2x3x128x32xf32, #tpu.memory_space<vmem>> -> memref<1x1x128x32xf32, #tpu.memory_space<vmem>>
          %dma_start3A_1489 = tpu.memref_squeeze %dma_start3A_1488 : memref<1x1x128x32xf32, #tpu.memory_space<vmem>> -> memref<128x32xf32, #tpu.memory_space<vmem>>
          %dma_start3A_1490 = arith.constant 0 : i32
          %dma_start3A_1491 = tpu.memref_slice %arg20[%mul3A_530, %dma_start3A_1490] : memref<50048x32xf32, #tpu.memory_space<vmem_shared>> -> memref<128x32xf32, #tpu.memory_space<vmem_shared>>
          tpu.enqueue_dma source(%dma_start3A_1491 : memref<128x32xf32, #tpu.memory_space<vmem_shared>>) target(%dma_start3A_1489 : memref<128x32xf32, #tpu.memory_space<vmem>>) target_semaphore(%run_scoped3A_1479 : memref<!tpu.dma_semaphore, #tpu.memory_space<semaphore_mem>>)
          %dma_wait3A_1492 = arith.constant 0 : i32
          %dma_wait3A_1493 = arith.constant 0 : i32
          %dma_wait3A_1494 = tpu.memref_slice %arg13[%scan3A_202, %scan3A_203, %dma_wait3A_1492, %dma_wait3A_1493] : memref<2x3x128x32xf32, #tpu.memory_space<vmem>> -> memref<1x1x128x32xf32, #tpu.memory_space<vmem>>
          %dma_wait3A_1495 = tpu.memref_squeeze %dma_wait3A_1494 : memref<1x1x128x32xf32, #tpu.memory_space<vmem>> -> memref<128x32xf32, #tpu.memory_space<vmem>>
          %dma_wait3A_1496 = arith.constant 0 : i32
          %dma_wait3A_1497 = tpu.memref_slice %arg20[%mul3A_530, %dma_wait3A_1496] : memref<50048x32xf32, #tpu.memory_space<vmem_shared>> -> memref<128x32xf32, #tpu.memory_space<vmem_shared>>
          %dma_wait3A_1498 = arith.constant 0 : i32
          %dma_wait3A_1499 = arith.constant 0 : i32
          %dma_wait3A_1500 = tpu.memref_slice %arg13[%scan3A_202, %scan3A_203, %dma_wait3A_1498, %dma_wait3A_1499] : memref<2x3x128x32xf32, #tpu.memory_space<vmem>> -> memref<1x1x128x32xf32, #tpu.memory_space<vmem>>
          %dma_wait3A_1501 = tpu.memref_squeeze %dma_wait3A_1500 : memref<1x1x128x32xf32, #tpu.memory_space<vmem>> -> memref<128x32xf32, #tpu.memory_space<vmem>>
          %dma_wait3A_1502 = arith.constant 0 : i32
          %dma_wait3A_1503 = tpu.memref_slice %arg20[%mul3A_530, %dma_wait3A_1502] : memref<50048x32xf32, #tpu.memory_space<vmem_shared>> -> memref<128x32xf32, #tpu.memory_space<vmem_shared>>
          tpu.wait_dma2 semaphore(%run_scoped3A_1479 : memref<!tpu.dma_semaphore, #tpu.memory_space<semaphore_mem>>) src(%dma_wait3A_1503 : memref<128x32xf32, #tpu.memory_space<vmem_shared>>) dst(%dma_wait3A_1501 : memref<128x32xf32, #tpu.memory_space<vmem>>)
          tpu.yield
        }) : () -> ()
        %add3A_531 = arith.constant 0 : i32
        %add3A_532 = vector.broadcast %add3A_531 : i32 to vector<16xi32>
        %add3A_533 = arith.addi %add3A_532, %iota3A : vector<16xi32>
        %gather3A = arith.constant 0 : i32
        %gather3A_534 = arith.constant 0 : i32
        %gather3A_535 = tpu.memref_slice %arg13[%scan3A_202, %scan3A_203, %gather3A, %gather3A_534] : memref<2x3x128x32xf32, #tpu.memory_space<vmem>> -> memref<1x1x128x32xf32, #tpu.memory_space<vmem>>
        %gather3A_536 = tpu.memref_squeeze %gather3A_535 : memref<1x1x128x32xf32, #tpu.memory_space<vmem>> -> memref<128x32xf32, #tpu.memory_space<vmem>>
        %gather3A_537 = tpu.vector_load_idx %gather3A_536[%add3A_533, %broadcast_in_dim3A_58] : memref<128x32xf32, #tpu.memory_space<vmem>>[vector<16xi32>, vector<16xi32>], vector<16xf32>,
        %gt3A = arith.constant 0.000000e+00 : f32
        %gt3A_538 = vector.broadcast %gt3A : f32 to vector<16xf32>
        %gt3A_539 = arith.cmpf ogt, %gather3A_537, %gt3A_538 : vector<16xf32>
        %max3A = arith.constant 1.000000e+00 : f32
        %max3A_540 = vector.broadcast %max3A : f32 to vector<16xf32>
        %max3A_541 = arith.maximumf %gather3A_537, %max3A_540 : vector<16xf32>
        %add3A_542 = arith.constant 1.000000e+00 : f32
        %add3A_543 = vector.broadcast %add3A_542 : f32 to vector<16xf32>
        %add3A_544 = arith.addf %max3A_541, %add3A_543 : vector<16xf32>
        %mul3A_545 = arith.constant 5.000000e-01 : f32
        %mul3A_546 = vector.broadcast %mul3A_545 : f32 to vector<16xf32>
        %mul3A_547 = arith.mulf %mul3A_546, %add3A_544 : vector<16xf32>
        %div3A = arith.divf %max3A_541, %mul3A_547 : vector<16xf32>
        %add3A_548 = arith.addf %mul3A_547, %div3A : vector<16xf32>
        %mul3A_549 = arith.constant 5.000000e-01 : f32
        %mul3A_550 = vector.broadcast %mul3A_549 : f32 to vector<16xf32>
        %mul3A_551 = arith.mulf %mul3A_550, %add3A_548 : vector<16xf32>
        %div3A_552 = arith.divf %max3A_541, %mul3A_551 : vector<16xf32>
        %add3A_553 = arith.addf %mul3A_551, %div3A_552 : vector<16xf32>
        %mul3A_554 = arith.constant 5.000000e-01 : f32
        %mul3A_555 = vector.broadcast %mul3A_554 : f32 to vector<16xf32>
        %mul3A_556 = arith.mulf %mul3A_555, %add3A_553 : vector<16xf32>
        %div3A_557 = arith.divf %max3A_541, %mul3A_556 : vector<16xf32>
        %add3A_558 = arith.addf %mul3A_556, %div3A_557 : vector<16xf32>
        %mul3A_559 = arith.constant 5.000000e-01 : f32
        %mul3A_560 = vector.broadcast %mul3A_559 : f32 to vector<16xf32>
        %mul3A_561 = arith.mulf %mul3A_560, %add3A_558 : vector<16xf32>
        %div3A_562 = arith.divf %max3A_541, %mul3A_561 : vector<16xf32>
        %add3A_563 = arith.addf %mul3A_561, %div3A_562 : vector<16xf32>
        %mul3A_564 = arith.constant 5.000000e-01 : f32
        %mul3A_565 = vector.broadcast %mul3A_564 : f32 to vector<16xf32>
        %mul3A_566 = arith.mulf %mul3A_565, %add3A_563 : vector<16xf32>
        %div3A_567 = arith.divf %max3A_541, %mul3A_566 : vector<16xf32>
        %add3A_568 = arith.addf %mul3A_566, %div3A_567 : vector<16xf32>
        %mul3A_569 = arith.constant 5.000000e-01 : f32
        %mul3A_570 = vector.broadcast %mul3A_569 : f32 to vector<16xf32>
        %mul3A_571 = arith.mulf %mul3A_570, %add3A_568 : vector<16xf32>
        %div3A_572 = arith.divf %max3A_541, %mul3A_571 : vector<16xf32>
        %add3A_573 = arith.addf %mul3A_571, %div3A_572 : vector<16xf32>
        %mul3A_574 = arith.constant 5.000000e-01 : f32
        %mul3A_575 = vector.broadcast %mul3A_574 : f32 to vector<16xf32>
        %mul3A_576 = arith.mulf %mul3A_575, %add3A_573 : vector<16xf32>
        %div3A_577 = arith.divf %max3A_541, %mul3A_576 : vector<16xf32>
        %add3A_578 = arith.addf %mul3A_576, %div3A_577 : vector<16xf32>
        %mul3A_579 = arith.constant 5.000000e-01 : f32
        %mul3A_580 = vector.broadcast %mul3A_579 : f32 to vector<16xf32>
        %mul3A_581 = arith.mulf %mul3A_580, %add3A_578 : vector<16xf32>
        %div3A_582 = arith.divf %max3A_541, %mul3A_581 : vector<16xf32>
        %add3A_583 = arith.addf %mul3A_581, %div3A_582 : vector<16xf32>
        %mul3A_584 = arith.constant 5.000000e-01 : f32
        %mul3A_585 = vector.broadcast %mul3A_584 : f32 to vector<16xf32>
        %mul3A_586 = arith.mulf %mul3A_585, %add3A_583 : vector<16xf32>
        %div3A_587 = arith.divf %max3A_541, %mul3A_586 : vector<16xf32>
        %add3A_588 = arith.addf %mul3A_586, %div3A_587 : vector<16xf32>
        %mul3A_589 = arith.constant 5.000000e-01 : f32
        %mul3A_590 = vector.broadcast %mul3A_589 : f32 to vector<16xf32>
        %mul3A_591 = arith.mulf %mul3A_590, %add3A_588 : vector<16xf32>
        %div3A_592 = arith.divf %max3A_541, %mul3A_591 : vector<16xf32>
        %add3A_593 = arith.addf %mul3A_591, %div3A_592 : vector<16xf32>
        %mul3A_594 = arith.constant 5.000000e-01 : f32
        %mul3A_595 = vector.broadcast %mul3A_594 : f32 to vector<16xf32>
        %mul3A_596 = arith.mulf %mul3A_595, %add3A_593 : vector<16xf32>
        %div3A_597 = arith.divf %max3A_541, %mul3A_596 : vector<16xf32>
        %add3A_598 = arith.addf %mul3A_596, %div3A_597 : vector<16xf32>
        %mul3A_599 = arith.constant 5.000000e-01 : f32
        %mul3A_600 = vector.broadcast %mul3A_599 : f32 to vector<16xf32>
        %mul3A_601 = arith.mulf %mul3A_600, %add3A_598 : vector<16xf32>
        %div3A_602 = arith.divf %max3A_541, %mul3A_601 : vector<16xf32>
        %add3A_603 = arith.addf %mul3A_601, %div3A_602 : vector<16xf32>
        %mul3A_604 = arith.constant 5.000000e-01 : f32
        %mul3A_605 = vector.broadcast %mul3A_604 : f32 to vector<16xf32>
        %mul3A_606 = arith.mulf %mul3A_605, %add3A_603 : vector<16xf32>
        %div3A_607 = arith.divf %max3A_541, %mul3A_606 : vector<16xf32>
        %add3A_608 = arith.addf %mul3A_606, %div3A_607 : vector<16xf32>
        %mul3A_609 = arith.constant 5.000000e-01 : f32
        %mul3A_610 = vector.broadcast %mul3A_609 : f32 to vector<16xf32>
        %mul3A_611 = arith.mulf %mul3A_610, %add3A_608 : vector<16xf32>
        %div3A_612 = arith.divf %max3A_541, %mul3A_611 : vector<16xf32>
        %add3A_613 = arith.addf %mul3A_611, %div3A_612 : vector<16xf32>
        %mul3A_614 = arith.constant 5.000000e-01 : f32
        %mul3A_615 = vector.broadcast %mul3A_614 : f32 to vector<16xf32>
        %mul3A_616 = arith.mulf %mul3A_615, %add3A_613 : vector<16xf32>
        %div3A_617 = arith.divf %max3A_541, %mul3A_616 : vector<16xf32>
        %add3A_618 = arith.addf %mul3A_616, %div3A_617 : vector<16xf32>
        %mul3A_619 = arith.constant 5.000000e-01 : f32
        %mul3A_620 = vector.broadcast %mul3A_619 : f32 to vector<16xf32>
        %mul3A_621 = arith.mulf %mul3A_620, %add3A_618 : vector<16xf32>
        %div3A_622 = arith.constant 1.000000e+00 : f32
        %div3A_623 = vector.broadcast %div3A_622 : f32 to vector<16xf32>
        %div3A_624 = arith.divf %div3A_623, %mul3A_621 : vector<16xf32>
        %jit3A = arith.constant 0.000000e+00 : f32
        %broadcast_in_dim3A_625 = vector.broadcast %jit3A : f32 to vector<16xf32>
        %select_n3A = arith.select %gt3A_539, %div3A_624, %broadcast_in_dim3A_625 : vector<16xi1>, vector<16xf32>
        %swap3A_626 = arith.constant 0 : index
        %swap3A_627 = tpu.vector_load %arg14[%swap3A_626] {strides = array<i32>} : memref<128xf32, #tpu.memory_space<vmem>>, vector<16xf32>,
        tpu.vector_store %arg14[%swap3A_626], %select_n3A {strides = array<i32>} : memref<128xf32, #tpu.memory_space<vmem>>, vector<16xf32>,
        %add3A_628 = arith.constant 16 : i32
        %add3A_629 = vector.broadcast %add3A_628 : i32 to vector<16xi32>
        %add3A_630 = arith.addi %add3A_629, %iota3A : vector<16xi32>
        %gather3A_631 = arith.constant 0 : i32
        %gather3A_632 = arith.constant 0 : i32
        %gather3A_633 = tpu.memref_slice %arg13[%scan3A_202, %scan3A_203, %gather3A_631, %gather3A_632] : memref<2x3x128x32xf32, #tpu.memory_space<vmem>> -> memref<1x1x128x32xf32, #tpu.memory_space<vmem>>
        %gather3A_634 = tpu.memref_squeeze %gather3A_633 : memref<1x1x128x32xf32, #tpu.memory_space<vmem>> -> memref<128x32xf32, #tpu.memory_space<vmem>>
        %gather3A_635 = tpu.vector_load_idx %gather3A_634[%add3A_630, %broadcast_in_dim3A_58] : memref<128x32xf32, #tpu.memory_space<vmem>>[vector<16xi32>, vector<16xi32>], vector<16xf32>,
        %gt3A_636 = arith.constant 0.000000e+00 : f32
        %gt3A_637 = vector.broadcast %gt3A_636 : f32 to vector<16xf32>
        %gt3A_638 = arith.cmpf ogt, %gather3A_635, %gt3A_637 : vector<16xf32>
        %max3A_639 = arith.constant 1.000000e+00 : f32
        %max3A_640 = vector.broadcast %max3A_639 : f32 to vector<16xf32>
        %max3A_641 = arith.maximumf %gather3A_635, %max3A_640 : vector<16xf32>
        %add3A_642 = arith.constant 1.000000e+00 : f32
        %add3A_643 = vector.broadcast %add3A_642 : f32 to vector<16xf32>
        %add3A_644 = arith.addf %max3A_641, %add3A_643 : vector<16xf32>
        %mul3A_645 = arith.constant 5.000000e-01 : f32
        %mul3A_646 = vector.broadcast %mul3A_645 : f32 to vector<16xf32>
        %mul3A_647 = arith.mulf %mul3A_646, %add3A_644 : vector<16xf32>
        %div3A_648 = arith.divf %max3A_641, %mul3A_647 : vector<16xf32>
        %add3A_649 = arith.addf %mul3A_647, %div3A_648 : vector<16xf32>
        %mul3A_650 = arith.constant 5.000000e-01 : f32
        %mul3A_651 = vector.broadcast %mul3A_650 : f32 to vector<16xf32>
        %mul3A_652 = arith.mulf %mul3A_651, %add3A_649 : vector<16xf32>
        %div3A_653 = arith.divf %max3A_641, %mul3A_652 : vector<16xf32>
        %add3A_654 = arith.addf %mul3A_652, %div3A_653 : vector<16xf32>
        %mul3A_655 = arith.constant 5.000000e-01 : f32
        %mul3A_656 = vector.broadcast %mul3A_655 : f32 to vector<16xf32>
        %mul3A_657 = arith.mulf %mul3A_656, %add3A_654 : vector<16xf32>
        %div3A_658 = arith.divf %max3A_641, %mul3A_657 : vector<16xf32>
        %add3A_659 = arith.addf %mul3A_657, %div3A_658 : vector<16xf32>
        %mul3A_660 = arith.constant 5.000000e-01 : f32
        %mul3A_661 = vector.broadcast %mul3A_660 : f32 to vector<16xf32>
        %mul3A_662 = arith.mulf %mul3A_661, %add3A_659 : vector<16xf32>
        %div3A_663 = arith.divf %max3A_641, %mul3A_662 : vector<16xf32>
        %add3A_664 = arith.addf %mul3A_662, %div3A_663 : vector<16xf32>
        %mul3A_665 = arith.constant 5.000000e-01 : f32
        %mul3A_666 = vector.broadcast %mul3A_665 : f32 to vector<16xf32>
        %mul3A_667 = arith.mulf %mul3A_666, %add3A_664 : vector<16xf32>
        %div3A_668 = arith.divf %max3A_641, %mul3A_667 : vector<16xf32>
        %add3A_669 = arith.addf %mul3A_667, %div3A_668 : vector<16xf32>
        %mul3A_670 = arith.constant 5.000000e-01 : f32
        %mul3A_671 = vector.broadcast %mul3A_670 : f32 to vector<16xf32>
        %mul3A_672 = arith.mulf %mul3A_671, %add3A_669 : vector<16xf32>
        %div3A_673 = arith.divf %max3A_641, %mul3A_672 : vector<16xf32>
        %add3A_674 = arith.addf %mul3A_672, %div3A_673 : vector<16xf32>
        %mul3A_675 = arith.constant 5.000000e-01 : f32
        %mul3A_676 = vector.broadcast %mul3A_675 : f32 to vector<16xf32>
        %mul3A_677 = arith.mulf %mul3A_676, %add3A_674 : vector<16xf32>
        %div3A_678 = arith.divf %max3A_641, %mul3A_677 : vector<16xf32>
        %add3A_679 = arith.addf %mul3A_677, %div3A_678 : vector<16xf32>
        %mul3A_680 = arith.constant 5.000000e-01 : f32
        %mul3A_681 = vector.broadcast %mul3A_680 : f32 to vector<16xf32>
        %mul3A_682 = arith.mulf %mul3A_681, %add3A_679 : vector<16xf32>
        %div3A_683 = arith.divf %max3A_641, %mul3A_682 : vector<16xf32>
        %add3A_684 = arith.addf %mul3A_682, %div3A_683 : vector<16xf32>
        %mul3A_685 = arith.constant 5.000000e-01 : f32
        %mul3A_686 = vector.broadcast %mul3A_685 : f32 to vector<16xf32>
        %mul3A_687 = arith.mulf %mul3A_686, %add3A_684 : vector<16xf32>
        %div3A_688 = arith.divf %max3A_641, %mul3A_687 : vector<16xf32>
        %add3A_689 = arith.addf %mul3A_687, %div3A_688 : vector<16xf32>
        %mul3A_690 = arith.constant 5.000000e-01 : f32
        %mul3A_691 = vector.broadcast %mul3A_690 : f32 to vector<16xf32>
        %mul3A_692 = arith.mulf %mul3A_691, %add3A_689 : vector<16xf32>
        %div3A_693 = arith.divf %max3A_641, %mul3A_692 : vector<16xf32>
        %add3A_694 = arith.addf %mul3A_692, %div3A_693 : vector<16xf32>
        %mul3A_695 = arith.constant 5.000000e-01 : f32
        %mul3A_696 = vector.broadcast %mul3A_695 : f32 to vector<16xf32>
        %mul3A_697 = arith.mulf %mul3A_696, %add3A_694 : vector<16xf32>
        %div3A_698 = arith.divf %max3A_641, %mul3A_697 : vector<16xf32>
        %add3A_699 = arith.addf %mul3A_697, %div3A_698 : vector<16xf32>
        %mul3A_700 = arith.constant 5.000000e-01 : f32
        %mul3A_701 = vector.broadcast %mul3A_700 : f32 to vector<16xf32>
        %mul3A_702 = arith.mulf %mul3A_701, %add3A_699 : vector<16xf32>
        %div3A_703 = arith.divf %max3A_641, %mul3A_702 : vector<16xf32>
        %add3A_704 = arith.addf %mul3A_702, %div3A_703 : vector<16xf32>
        %mul3A_705 = arith.constant 5.000000e-01 : f32
        %mul3A_706 = vector.broadcast %mul3A_705 : f32 to vector<16xf32>
        %mul3A_707 = arith.mulf %mul3A_706, %add3A_704 : vector<16xf32>
        %div3A_708 = arith.divf %max3A_641, %mul3A_707 : vector<16xf32>
        %add3A_709 = arith.addf %mul3A_707, %div3A_708 : vector<16xf32>
        %mul3A_710 = arith.constant 5.000000e-01 : f32
        %mul3A_711 = vector.broadcast %mul3A_710 : f32 to vector<16xf32>
        %mul3A_712 = arith.mulf %mul3A_711, %add3A_709 : vector<16xf32>
        %div3A_713 = arith.divf %max3A_641, %mul3A_712 : vector<16xf32>
        %add3A_714 = arith.addf %mul3A_712, %div3A_713 : vector<16xf32>
        %mul3A_715 = arith.constant 5.000000e-01 : f32
        %mul3A_716 = vector.broadcast %mul3A_715 : f32 to vector<16xf32>
        %mul3A_717 = arith.mulf %mul3A_716, %add3A_714 : vector<16xf32>
        %div3A_718 = arith.divf %max3A_641, %mul3A_717 : vector<16xf32>
        %add3A_719 = arith.addf %mul3A_717, %div3A_718 : vector<16xf32>
        %mul3A_720 = arith.constant 5.000000e-01 : f32
        %mul3A_721 = vector.broadcast %mul3A_720 : f32 to vector<16xf32>
        %mul3A_722 = arith.mulf %mul3A_721, %add3A_719 : vector<16xf32>
        %div3A_723 = arith.constant 1.000000e+00 : f32
        %div3A_724 = vector.broadcast %div3A_723 : f32 to vector<16xf32>
        %div3A_725 = arith.divf %div3A_724, %mul3A_722 : vector<16xf32>
        %jit3A_726 = arith.constant 0.000000e+00 : f32
        %broadcast_in_dim3A_727 = vector.broadcast %jit3A_726 : f32 to vector<16xf32>
        %select_n3A_728 = arith.select %gt3A_638, %div3A_725, %broadcast_in_dim3A_727 : vector<16xi1>, vector<16xf32>
        %swap3A_729 = arith.constant 16 : index
        %swap3A_730 = tpu.vector_load %arg14[%swap3A_729] {strides = array<i32>} : memref<128xf32, #tpu.memory_space<vmem>>, vector<16xf32>,
        tpu.vector_store %arg14[%swap3A_729], %select_n3A_728 {strides = array<i32>} : memref<128xf32, #tpu.memory_space<vmem>>, vector<16xf32>,
        %add3A_731 = arith.constant 32 : i32
        %add3A_732 = vector.broadcast %add3A_731 : i32 to vector<16xi32>
        %add3A_733 = arith.addi %add3A_732, %iota3A : vector<16xi32>
        %gather3A_734 = arith.constant 0 : i32
        %gather3A_735 = arith.constant 0 : i32
        %gather3A_736 = tpu.memref_slice %arg13[%scan3A_202, %scan3A_203, %gather3A_734, %gather3A_735] : memref<2x3x128x32xf32, #tpu.memory_space<vmem>> -> memref<1x1x128x32xf32, #tpu.memory_space<vmem>>
        %gather3A_737 = tpu.memref_squeeze %gather3A_736 : memref<1x1x128x32xf32, #tpu.memory_space<vmem>> -> memref<128x32xf32, #tpu.memory_space<vmem>>
        %gather3A_738 = tpu.vector_load_idx %gather3A_737[%add3A_733, %broadcast_in_dim3A_58] : memref<128x32xf32, #tpu.memory_space<vmem>>[vector<16xi32>, vector<16xi32>], vector<16xf32>,
        %gt3A_739 = arith.constant 0.000000e+00 : f32
        %gt3A_740 = vector.broadcast %gt3A_739 : f32 to vector<16xf32>
        %gt3A_741 = arith.cmpf ogt, %gather3A_738, %gt3A_740 : vector<16xf32>
        %max3A_742 = arith.constant 1.000000e+00 : f32
        %max3A_743 = vector.broadcast %max3A_742 : f32 to vector<16xf32>
        %max3A_744 = arith.maximumf %gather3A_738, %max3A_743 : vector<16xf32>
        %add3A_745 = arith.constant 1.000000e+00 : f32
        %add3A_746 = vector.broadcast %add3A_745 : f32 to vector<16xf32>
        %add3A_747 = arith.addf %max3A_744, %add3A_746 : vector<16xf32>
        %mul3A_748 = arith.constant 5.000000e-01 : f32
        %mul3A_749 = vector.broadcast %mul3A_748 : f32 to vector<16xf32>
        %mul3A_750 = arith.mulf %mul3A_749, %add3A_747 : vector<16xf32>
        %div3A_751 = arith.divf %max3A_744, %mul3A_750 : vector<16xf32>
        %add3A_752 = arith.addf %mul3A_750, %div3A_751 : vector<16xf32>
        %mul3A_753 = arith.constant 5.000000e-01 : f32
        %mul3A_754 = vector.broadcast %mul3A_753 : f32 to vector<16xf32>
        %mul3A_755 = arith.mulf %mul3A_754, %add3A_752 : vector<16xf32>
        %div3A_756 = arith.divf %max3A_744, %mul3A_755 : vector<16xf32>
        %add3A_757 = arith.addf %mul3A_755, %div3A_756 : vector<16xf32>
        %mul3A_758 = arith.constant 5.000000e-01 : f32
        %mul3A_759 = vector.broadcast %mul3A_758 : f32 to vector<16xf32>
        %mul3A_760 = arith.mulf %mul3A_759, %add3A_757 : vector<16xf32>
        %div3A_761 = arith.divf %max3A_744, %mul3A_760 : vector<16xf32>
        %add3A_762 = arith.addf %mul3A_760, %div3A_761 : vector<16xf32>
        %mul3A_763 = arith.constant 5.000000e-01 : f32
        %mul3A_764 = vector.broadcast %mul3A_763 : f32 to vector<16xf32>
        %mul3A_765 = arith.mulf %mul3A_764, %add3A_762 : vector<16xf32>
        %div3A_766 = arith.divf %max3A_744, %mul3A_765 : vector<16xf32>
        %add3A_767 = arith.addf %mul3A_765, %div3A_766 : vector<16xf32>
        %mul3A_768 = arith.constant 5.000000e-01 : f32
        %mul3A_769 = vector.broadcast %mul3A_768 : f32 to vector<16xf32>
        %mul3A_770 = arith.mulf %mul3A_769, %add3A_767 : vector<16xf32>
        %div3A_771 = arith.divf %max3A_744, %mul3A_770 : vector<16xf32>
        %add3A_772 = arith.addf %mul3A_770, %div3A_771 : vector<16xf32>
        %mul3A_773 = arith.constant 5.000000e-01 : f32
        %mul3A_774 = vector.broadcast %mul3A_773 : f32 to vector<16xf32>
        %mul3A_775 = arith.mulf %mul3A_774, %add3A_772 : vector<16xf32>
        %div3A_776 = arith.divf %max3A_744, %mul3A_775 : vector<16xf32>
        %add3A_777 = arith.addf %mul3A_775, %div3A_776 : vector<16xf32>
        %mul3A_778 = arith.constant 5.000000e-01 : f32
        %mul3A_779 = vector.broadcast %mul3A_778 : f32 to vector<16xf32>
        %mul3A_780 = arith.mulf %mul3A_779, %add3A_777 : vector<16xf32>
        %div3A_781 = arith.divf %max3A_744, %mul3A_780 : vector<16xf32>
        %add3A_782 = arith.addf %mul3A_780, %div3A_781 : vector<16xf32>
        %mul3A_783 = arith.constant 5.000000e-01 : f32
        %mul3A_784 = vector.broadcast %mul3A_783 : f32 to vector<16xf32>
        %mul3A_785 = arith.mulf %mul3A_784, %add3A_782 : vector<16xf32>
        %div3A_786 = arith.divf %max3A_744, %mul3A_785 : vector<16xf32>
        %add3A_787 = arith.addf %mul3A_785, %div3A_786 : vector<16xf32>
        %mul3A_788 = arith.constant 5.000000e-01 : f32
        %mul3A_789 = vector.broadcast %mul3A_788 : f32 to vector<16xf32>
        %mul3A_790 = arith.mulf %mul3A_789, %add3A_787 : vector<16xf32>
        %div3A_791 = arith.divf %max3A_744, %mul3A_790 : vector<16xf32>
        %add3A_792 = arith.addf %mul3A_790, %div3A_791 : vector<16xf32>
        %mul3A_793 = arith.constant 5.000000e-01 : f32
        %mul3A_794 = vector.broadcast %mul3A_793 : f32 to vector<16xf32>
        %mul3A_795 = arith.mulf %mul3A_794, %add3A_792 : vector<16xf32>
        %div3A_796 = arith.divf %max3A_744, %mul3A_795 : vector<16xf32>
        %add3A_797 = arith.addf %mul3A_795, %div3A_796 : vector<16xf32>
        %mul3A_798 = arith.constant 5.000000e-01 : f32
        %mul3A_799 = vector.broadcast %mul3A_798 : f32 to vector<16xf32>
        %mul3A_800 = arith.mulf %mul3A_799, %add3A_797 : vector<16xf32>
        %div3A_801 = arith.divf %max3A_744, %mul3A_800 : vector<16xf32>
        %add3A_802 = arith.addf %mul3A_800, %div3A_801 : vector<16xf32>
        %mul3A_803 = arith.constant 5.000000e-01 : f32
        %mul3A_804 = vector.broadcast %mul3A_803 : f32 to vector<16xf32>
        %mul3A_805 = arith.mulf %mul3A_804, %add3A_802 : vector<16xf32>
        %div3A_806 = arith.divf %max3A_744, %mul3A_805 : vector<16xf32>
        %add3A_807 = arith.addf %mul3A_805, %div3A_806 : vector<16xf32>
        %mul3A_808 = arith.constant 5.000000e-01 : f32
        %mul3A_809 = vector.broadcast %mul3A_808 : f32 to vector<16xf32>
        %mul3A_810 = arith.mulf %mul3A_809, %add3A_807 : vector<16xf32>
        %div3A_811 = arith.divf %max3A_744, %mul3A_810 : vector<16xf32>
        %add3A_812 = arith.addf %mul3A_810, %div3A_811 : vector<16xf32>
        %mul3A_813 = arith.constant 5.000000e-01 : f32
        %mul3A_814 = vector.broadcast %mul3A_813 : f32 to vector<16xf32>
        %mul3A_815 = arith.mulf %mul3A_814, %add3A_812 : vector<16xf32>
        %div3A_816 = arith.divf %max3A_744, %mul3A_815 : vector<16xf32>
        %add3A_817 = arith.addf %mul3A_815, %div3A_816 : vector<16xf32>
        %mul3A_818 = arith.constant 5.000000e-01 : f32
        %mul3A_819 = vector.broadcast %mul3A_818 : f32 to vector<16xf32>
        %mul3A_820 = arith.mulf %mul3A_819, %add3A_817 : vector<16xf32>
        %div3A_821 = arith.divf %max3A_744, %mul3A_820 : vector<16xf32>
        %add3A_822 = arith.addf %mul3A_820, %div3A_821 : vector<16xf32>
        %mul3A_823 = arith.constant 5.000000e-01 : f32
        %mul3A_824 = vector.broadcast %mul3A_823 : f32 to vector<16xf32>
        %mul3A_825 = arith.mulf %mul3A_824, %add3A_822 : vector<16xf32>
        %div3A_826 = arith.constant 1.000000e+00 : f32
        %div3A_827 = vector.broadcast %div3A_826 : f32 to vector<16xf32>
        %div3A_828 = arith.divf %div3A_827, %mul3A_825 : vector<16xf32>
        %jit3A_829 = arith.constant 0.000000e+00 : f32
        %broadcast_in_dim3A_830 = vector.broadcast %jit3A_829 : f32 to vector<16xf32>
        %select_n3A_831 = arith.select %gt3A_741, %div3A_828, %broadcast_in_dim3A_830 : vector<16xi1>, vector<16xf32>
        %swap3A_832 = arith.constant 32 : index
        %swap3A_833 = tpu.vector_load %arg14[%swap3A_832] {strides = array<i32>} : memref<128xf32, #tpu.memory_space<vmem>>, vector<16xf32>,
        tpu.vector_store %arg14[%swap3A_832], %select_n3A_831 {strides = array<i32>} : memref<128xf32, #tpu.memory_space<vmem>>, vector<16xf32>,
        %add3A_834 = arith.constant 48 : i32
        %add3A_835 = vector.broadcast %add3A_834 : i32 to vector<16xi32>
        %add3A_836 = arith.addi %add3A_835, %iota3A : vector<16xi32>
        %gather3A_837 = arith.constant 0 : i32
        %gather3A_838 = arith.constant 0 : i32
        %gather3A_839 = tpu.memref_slice %arg13[%scan3A_202, %scan3A_203, %gather3A_837, %gather3A_838] : memref<2x3x128x32xf32, #tpu.memory_space<vmem>> -> memref<1x1x128x32xf32, #tpu.memory_space<vmem>>
        %gather3A_840 = tpu.memref_squeeze %gather3A_839 : memref<1x1x128x32xf32, #tpu.memory_space<vmem>> -> memref<128x32xf32, #tpu.memory_space<vmem>>
        %gather3A_841 = tpu.vector_load_idx %gather3A_840[%add3A_836, %broadcast_in_dim3A_58] : memref<128x32xf32, #tpu.memory_space<vmem>>[vector<16xi32>, vector<16xi32>], vector<16xf32>,
        %gt3A_842 = arith.constant 0.000000e+00 : f32
        %gt3A_843 = vector.broadcast %gt3A_842 : f32 to vector<16xf32>
        %gt3A_844 = arith.cmpf ogt, %gather3A_841, %gt3A_843 : vector<16xf32>
        %max3A_845 = arith.constant 1.000000e+00 : f32
        %max3A_846 = vector.broadcast %max3A_845 : f32 to vector<16xf32>
        %max3A_847 = arith.maximumf %gather3A_841, %max3A_846 : vector<16xf32>
        %add3A_848 = arith.constant 1.000000e+00 : f32
        %add3A_849 = vector.broadcast %add3A_848 : f32 to vector<16xf32>
        %add3A_850 = arith.addf %max3A_847, %add3A_849 : vector<16xf32>
        %mul3A_851 = arith.constant 5.000000e-01 : f32
        %mul3A_852 = vector.broadcast %mul3A_851 : f32 to vector<16xf32>
        %mul3A_853 = arith.mulf %mul3A_852, %add3A_850 : vector<16xf32>
        %div3A_854 = arith.divf %max3A_847, %mul3A_853 : vector<16xf32>
        %add3A_855 = arith.addf %mul3A_853, %div3A_854 : vector<16xf32>
        %mul3A_856 = arith.constant 5.000000e-01 : f32
        %mul3A_857 = vector.broadcast %mul3A_856 : f32 to vector<16xf32>
        %mul3A_858 = arith.mulf %mul3A_857, %add3A_855 : vector<16xf32>
        %div3A_859 = arith.divf %max3A_847, %mul3A_858 : vector<16xf32>
        %add3A_860 = arith.addf %mul3A_858, %div3A_859 : vector<16xf32>
        %mul3A_861 = arith.constant 5.000000e-01 : f32
        %mul3A_862 = vector.broadcast %mul3A_861 : f32 to vector<16xf32>
        %mul3A_863 = arith.mulf %mul3A_862, %add3A_860 : vector<16xf32>
        %div3A_864 = arith.divf %max3A_847, %mul3A_863 : vector<16xf32>
        %add3A_865 = arith.addf %mul3A_863, %div3A_864 : vector<16xf32>
        %mul3A_866 = arith.constant 5.000000e-01 : f32
        %mul3A_867 = vector.broadcast %mul3A_866 : f32 to vector<16xf32>
        %mul3A_868 = arith.mulf %mul3A_867, %add3A_865 : vector<16xf32>
        %div3A_869 = arith.divf %max3A_847, %mul3A_868 : vector<16xf32>
        %add3A_870 = arith.addf %mul3A_868, %div3A_869 : vector<16xf32>
        %mul3A_871 = arith.constant 5.000000e-01 : f32
        %mul3A_872 = vector.broadcast %mul3A_871 : f32 to vector<16xf32>
        %mul3A_873 = arith.mulf %mul3A_872, %add3A_870 : vector<16xf32>
        %div3A_874 = arith.divf %max3A_847, %mul3A_873 : vector<16xf32>
        %add3A_875 = arith.addf %mul3A_873, %div3A_874 : vector<16xf32>
        %mul3A_876 = arith.constant 5.000000e-01 : f32
        %mul3A_877 = vector.broadcast %mul3A_876 : f32 to vector<16xf32>
        %mul3A_878 = arith.mulf %mul3A_877, %add3A_875 : vector<16xf32>
        %div3A_879 = arith.divf %max3A_847, %mul3A_878 : vector<16xf32>
        %add3A_880 = arith.addf %mul3A_878, %div3A_879 : vector<16xf32>
        %mul3A_881 = arith.constant 5.000000e-01 : f32
        %mul3A_882 = vector.broadcast %mul3A_881 : f32 to vector<16xf32>
        %mul3A_883 = arith.mulf %mul3A_882, %add3A_880 : vector<16xf32>
        %div3A_884 = arith.divf %max3A_847, %mul3A_883 : vector<16xf32>
        %add3A_885 = arith.addf %mul3A_883, %div3A_884 : vector<16xf32>
        %mul3A_886 = arith.constant 5.000000e-01 : f32
        %mul3A_887 = vector.broadcast %mul3A_886 : f32 to vector<16xf32>
        %mul3A_888 = arith.mulf %mul3A_887, %add3A_885 : vector<16xf32>
        %div3A_889 = arith.divf %max3A_847, %mul3A_888 : vector<16xf32>
        %add3A_890 = arith.addf %mul3A_888, %div3A_889 : vector<16xf32>
        %mul3A_891 = arith.constant 5.000000e-01 : f32
        %mul3A_892 = vector.broadcast %mul3A_891 : f32 to vector<16xf32>
        %mul3A_893 = arith.mulf %mul3A_892, %add3A_890 : vector<16xf32>
        %div3A_894 = arith.divf %max3A_847, %mul3A_893 : vector<16xf32>
        %add3A_895 = arith.addf %mul3A_893, %div3A_894 : vector<16xf32>
        %mul3A_896 = arith.constant 5.000000e-01 : f32
        %mul3A_897 = vector.broadcast %mul3A_896 : f32 to vector<16xf32>
        %mul3A_898 = arith.mulf %mul3A_897, %add3A_895 : vector<16xf32>
        %div3A_899 = arith.divf %max3A_847, %mul3A_898 : vector<16xf32>
        %add3A_900 = arith.addf %mul3A_898, %div3A_899 : vector<16xf32>
        %mul3A_901 = arith.constant 5.000000e-01 : f32
        %mul3A_902 = vector.broadcast %mul3A_901 : f32 to vector<16xf32>
        %mul3A_903 = arith.mulf %mul3A_902, %add3A_900 : vector<16xf32>
        %div3A_904 = arith.divf %max3A_847, %mul3A_903 : vector<16xf32>
        %add3A_905 = arith.addf %mul3A_903, %div3A_904 : vector<16xf32>
        %mul3A_906 = arith.constant 5.000000e-01 : f32
        %mul3A_907 = vector.broadcast %mul3A_906 : f32 to vector<16xf32>
        %mul3A_908 = arith.mulf %mul3A_907, %add3A_905 : vector<16xf32>
        %div3A_909 = arith.divf %max3A_847, %mul3A_908 : vector<16xf32>
        %add3A_910 = arith.addf %mul3A_908, %div3A_909 : vector<16xf32>
        %mul3A_911 = arith.constant 5.000000e-01 : f32
        %mul3A_912 = vector.broadcast %mul3A_911 : f32 to vector<16xf32>
        %mul3A_913 = arith.mulf %mul3A_912, %add3A_910 : vector<16xf32>
        %div3A_914 = arith.divf %max3A_847, %mul3A_913 : vector<16xf32>
        %add3A_915 = arith.addf %mul3A_913, %div3A_914 : vector<16xf32>
        %mul3A_916 = arith.constant 5.000000e-01 : f32
        %mul3A_917 = vector.broadcast %mul3A_916 : f32 to vector<16xf32>
        %mul3A_918 = arith.mulf %mul3A_917, %add3A_915 : vector<16xf32>
        %div3A_919 = arith.divf %max3A_847, %mul3A_918 : vector<16xf32>
        %add3A_920 = arith.addf %mul3A_918, %div3A_919 : vector<16xf32>
        %mul3A_921 = arith.constant 5.000000e-01 : f32
        %mul3A_922 = vector.broadcast %mul3A_921 : f32 to vector<16xf32>
        %mul3A_923 = arith.mulf %mul3A_922, %add3A_920 : vector<16xf32>
        %div3A_924 = arith.divf %max3A_847, %mul3A_923 : vector<16xf32>
        %add3A_925 = arith.addf %mul3A_923, %div3A_924 : vector<16xf32>
        %mul3A_926 = arith.constant 5.000000e-01 : f32
        %mul3A_927 = vector.broadcast %mul3A_926 : f32 to vector<16xf32>
        %mul3A_928 = arith.mulf %mul3A_927, %add3A_925 : vector<16xf32>
        %div3A_929 = arith.constant 1.000000e+00 : f32
        %div3A_930 = vector.broadcast %div3A_929 : f32 to vector<16xf32>
        %div3A_931 = arith.divf %div3A_930, %mul3A_928 : vector<16xf32>
        %jit3A_932 = arith.constant 0.000000e+00 : f32
        %broadcast_in_dim3A_933 = vector.broadcast %jit3A_932 : f32 to vector<16xf32>
        %select_n3A_934 = arith.select %gt3A_844, %div3A_931, %broadcast_in_dim3A_933 : vector<16xi1>, vector<16xf32>
        %swap3A_935 = arith.constant 48 : index
        %swap3A_936 = tpu.vector_load %arg14[%swap3A_935] {strides = array<i32>} : memref<128xf32, #tpu.memory_space<vmem>>, vector<16xf32>,
        tpu.vector_store %arg14[%swap3A_935], %select_n3A_934 {strides = array<i32>} : memref<128xf32, #tpu.memory_space<vmem>>, vector<16xf32>,
        %add3A_937 = arith.constant 64 : i32
        %add3A_938 = vector.broadcast %add3A_937 : i32 to vector<16xi32>
        %add3A_939 = arith.addi %add3A_938, %iota3A : vector<16xi32>
        %gather3A_940 = arith.constant 0 : i32
        %gather3A_941 = arith.constant 0 : i32
        %gather3A_942 = tpu.memref_slice %arg13[%scan3A_202, %scan3A_203, %gather3A_940, %gather3A_941] : memref<2x3x128x32xf32, #tpu.memory_space<vmem>> -> memref<1x1x128x32xf32, #tpu.memory_space<vmem>>
        %gather3A_943 = tpu.memref_squeeze %gather3A_942 : memref<1x1x128x32xf32, #tpu.memory_space<vmem>> -> memref<128x32xf32, #tpu.memory_space<vmem>>
        %gather3A_944 = tpu.vector_load_idx %gather3A_943[%add3A_939, %broadcast_in_dim3A_58] : memref<128x32xf32, #tpu.memory_space<vmem>>[vector<16xi32>, vector<16xi32>], vector<16xf32>,
        %gt3A_945 = arith.constant 0.000000e+00 : f32
        %gt3A_946 = vector.broadcast %gt3A_945 : f32 to vector<16xf32>
        %gt3A_947 = arith.cmpf ogt, %gather3A_944, %gt3A_946 : vector<16xf32>
        %max3A_948 = arith.constant 1.000000e+00 : f32
        %max3A_949 = vector.broadcast %max3A_948 : f32 to vector<16xf32>
        %max3A_950 = arith.maximumf %gather3A_944, %max3A_949 : vector<16xf32>
        %add3A_951 = arith.constant 1.000000e+00 : f32
        %add3A_952 = vector.broadcast %add3A_951 : f32 to vector<16xf32>
        %add3A_953 = arith.addf %max3A_950, %add3A_952 : vector<16xf32>
        %mul3A_954 = arith.constant 5.000000e-01 : f32
        %mul3A_955 = vector.broadcast %mul3A_954 : f32 to vector<16xf32>
        %mul3A_956 = arith.mulf %mul3A_955, %add3A_953 : vector<16xf32>
        %div3A_957 = arith.divf %max3A_950, %mul3A_956 : vector<16xf32>
        %add3A_958 = arith.addf %mul3A_956, %div3A_957 : vector<16xf32>
        %mul3A_959 = arith.constant 5.000000e-01 : f32
        %mul3A_960 = vector.broadcast %mul3A_959 : f32 to vector<16xf32>
        %mul3A_961 = arith.mulf %mul3A_960, %add3A_958 : vector<16xf32>
        %div3A_962 = arith.divf %max3A_950, %mul3A_961 : vector<16xf32>
        %add3A_963 = arith.addf %mul3A_961, %div3A_962 : vector<16xf32>
        %mul3A_964 = arith.constant 5.000000e-01 : f32
        %mul3A_965 = vector.broadcast %mul3A_964 : f32 to vector<16xf32>
        %mul3A_966 = arith.mulf %mul3A_965, %add3A_963 : vector<16xf32>
        %div3A_967 = arith.divf %max3A_950, %mul3A_966 : vector<16xf32>
        %add3A_968 = arith.addf %mul3A_966, %div3A_967 : vector<16xf32>
        %mul3A_969 = arith.constant 5.000000e-01 : f32
        %mul3A_970 = vector.broadcast %mul3A_969 : f32 to vector<16xf32>
        %mul3A_971 = arith.mulf %mul3A_970, %add3A_968 : vector<16xf32>
        %div3A_972 = arith.divf %max3A_950, %mul3A_971 : vector<16xf32>
        %add3A_973 = arith.addf %mul3A_971, %div3A_972 : vector<16xf32>
        %mul3A_974 = arith.constant 5.000000e-01 : f32
        %mul3A_975 = vector.broadcast %mul3A_974 : f32 to vector<16xf32>
        %mul3A_976 = arith.mulf %mul3A_975, %add3A_973 : vector<16xf32>
        %div3A_977 = arith.divf %max3A_950, %mul3A_976 : vector<16xf32>
        %add3A_978 = arith.addf %mul3A_976, %div3A_977 : vector<16xf32>
        %mul3A_979 = arith.constant 5.000000e-01 : f32
        %mul3A_980 = vector.broadcast %mul3A_979 : f32 to vector<16xf32>
        %mul3A_981 = arith.mulf %mul3A_980, %add3A_978 : vector<16xf32>
        %div3A_982 = arith.divf %max3A_950, %mul3A_981 : vector<16xf32>
        %add3A_983 = arith.addf %mul3A_981, %div3A_982 : vector<16xf32>
        %mul3A_984 = arith.constant 5.000000e-01 : f32
        %mul3A_985 = vector.broadcast %mul3A_984 : f32 to vector<16xf32>
        %mul3A_986 = arith.mulf %mul3A_985, %add3A_983 : vector<16xf32>
        %div3A_987 = arith.divf %max3A_950, %mul3A_986 : vector<16xf32>
        %add3A_988 = arith.addf %mul3A_986, %div3A_987 : vector<16xf32>
        %mul3A_989 = arith.constant 5.000000e-01 : f32
        %mul3A_990 = vector.broadcast %mul3A_989 : f32 to vector<16xf32>
        %mul3A_991 = arith.mulf %mul3A_990, %add3A_988 : vector<16xf32>
        %div3A_992 = arith.divf %max3A_950, %mul3A_991 : vector<16xf32>
        %add3A_993 = arith.addf %mul3A_991, %div3A_992 : vector<16xf32>
        %mul3A_994 = arith.constant 5.000000e-01 : f32
        %mul3A_995 = vector.broadcast %mul3A_994 : f32 to vector<16xf32>
        %mul3A_996 = arith.mulf %mul3A_995, %add3A_993 : vector<16xf32>
        %div3A_997 = arith.divf %max3A_950, %mul3A_996 : vector<16xf32>
        %add3A_998 = arith.addf %mul3A_996, %div3A_997 : vector<16xf32>
        %mul3A_999 = arith.constant 5.000000e-01 : f32
        %mul3A_1000 = vector.broadcast %mul3A_999 : f32 to vector<16xf32>
        %mul3A_1001 = arith.mulf %mul3A_1000, %add3A_998 : vector<16xf32>
        %div3A_1002 = arith.divf %max3A_950, %mul3A_1001 : vector<16xf32>
        %add3A_1003 = arith.addf %mul3A_1001, %div3A_1002 : vector<16xf32>
        %mul3A_1004 = arith.constant 5.000000e-01 : f32
        %mul3A_1005 = vector.broadcast %mul3A_1004 : f32 to vector<16xf32>
        %mul3A_1006 = arith.mulf %mul3A_1005, %add3A_1003 : vector<16xf32>
        %div3A_1007 = arith.divf %max3A_950, %mul3A_1006 : vector<16xf32>
        %add3A_1008 = arith.addf %mul3A_1006, %div3A_1007 : vector<16xf32>
        %mul3A_1009 = arith.constant 5.000000e-01 : f32
        %mul3A_1010 = vector.broadcast %mul3A_1009 : f32 to vector<16xf32>
        %mul3A_1011 = arith.mulf %mul3A_1010, %add3A_1008 : vector<16xf32>
        %div3A_1012 = arith.divf %max3A_950, %mul3A_1011 : vector<16xf32>
        %add3A_1013 = arith.addf %mul3A_1011, %div3A_1012 : vector<16xf32>
        %mul3A_1014 = arith.constant 5.000000e-01 : f32
        %mul3A_1015 = vector.broadcast %mul3A_1014 : f32 to vector<16xf32>
        %mul3A_1016 = arith.mulf %mul3A_1015, %add3A_1013 : vector<16xf32>
        %div3A_1017 = arith.divf %max3A_950, %mul3A_1016 : vector<16xf32>
        %add3A_1018 = arith.addf %mul3A_1016, %div3A_1017 : vector<16xf32>
        %mul3A_1019 = arith.constant 5.000000e-01 : f32
        %mul3A_1020 = vector.broadcast %mul3A_1019 : f32 to vector<16xf32>
        %mul3A_1021 = arith.mulf %mul3A_1020, %add3A_1018 : vector<16xf32>
        %div3A_1022 = arith.divf %max3A_950, %mul3A_1021 : vector<16xf32>
        %add3A_1023 = arith.addf %mul3A_1021, %div3A_1022 : vector<16xf32>
        %mul3A_1024 = arith.constant 5.000000e-01 : f32
        %mul3A_1025 = vector.broadcast %mul3A_1024 : f32 to vector<16xf32>
        %mul3A_1026 = arith.mulf %mul3A_1025, %add3A_1023 : vector<16xf32>
        %div3A_1027 = arith.divf %max3A_950, %mul3A_1026 : vector<16xf32>
        %add3A_1028 = arith.addf %mul3A_1026, %div3A_1027 : vector<16xf32>
        %mul3A_1029 = arith.constant 5.000000e-01 : f32
        %mul3A_1030 = vector.broadcast %mul3A_1029 : f32 to vector<16xf32>
        %mul3A_1031 = arith.mulf %mul3A_1030, %add3A_1028 : vector<16xf32>
        %div3A_1032 = arith.constant 1.000000e+00 : f32
        %div3A_1033 = vector.broadcast %div3A_1032 : f32 to vector<16xf32>
        %div3A_1034 = arith.divf %div3A_1033, %mul3A_1031 : vector<16xf32>
        %jit3A_1035 = arith.constant 0.000000e+00 : f32
        %broadcast_in_dim3A_1036 = vector.broadcast %jit3A_1035 : f32 to vector<16xf32>
        %select_n3A_1037 = arith.select %gt3A_947, %div3A_1034, %broadcast_in_dim3A_1036 : vector<16xi1>, vector<16xf32>
        %swap3A_1038 = arith.constant 64 : index
        %swap3A_1039 = tpu.vector_load %arg14[%swap3A_1038] {strides = array<i32>} : memref<128xf32, #tpu.memory_space<vmem>>, vector<16xf32>,
        tpu.vector_store %arg14[%swap3A_1038], %select_n3A_1037 {strides = array<i32>} : memref<128xf32, #tpu.memory_space<vmem>>, vector<16xf32>,
        %add3A_1040 = arith.constant 80 : i32
        %add3A_1041 = vector.broadcast %add3A_1040 : i32 to vector<16xi32>
        %add3A_1042 = arith.addi %add3A_1041, %iota3A : vector<16xi32>
        %gather3A_1043 = arith.constant 0 : i32
        %gather3A_1044 = arith.constant 0 : i32
        %gather3A_1045 = tpu.memref_slice %arg13[%scan3A_202, %scan3A_203, %gather3A_1043, %gather3A_1044] : memref<2x3x128x32xf32, #tpu.memory_space<vmem>> -> memref<1x1x128x32xf32, #tpu.memory_space<vmem>>
        %gather3A_1046 = tpu.memref_squeeze %gather3A_1045 : memref<1x1x128x32xf32, #tpu.memory_space<vmem>> -> memref<128x32xf32, #tpu.memory_space<vmem>>
        %gather3A_1047 = tpu.vector_load_idx %gather3A_1046[%add3A_1042, %broadcast_in_dim3A_58] : memref<128x32xf32, #tpu.memory_space<vmem>>[vector<16xi32>, vector<16xi32>], vector<16xf32>,
        %gt3A_1048 = arith.constant 0.000000e+00 : f32
        %gt3A_1049 = vector.broadcast %gt3A_1048 : f32 to vector<16xf32>
        %gt3A_1050 = arith.cmpf ogt, %gather3A_1047, %gt3A_1049 : vector<16xf32>
        %max3A_1051 = arith.constant 1.000000e+00 : f32
        %max3A_1052 = vector.broadcast %max3A_1051 : f32 to vector<16xf32>
        %max3A_1053 = arith.maximumf %gather3A_1047, %max3A_1052 : vector<16xf32>
        %add3A_1054 = arith.constant 1.000000e+00 : f32
        %add3A_1055 = vector.broadcast %add3A_1054 : f32 to vector<16xf32>
        %add3A_1056 = arith.addf %max3A_1053, %add3A_1055 : vector<16xf32>
        %mul3A_1057 = arith.constant 5.000000e-01 : f32
        %mul3A_1058 = vector.broadcast %mul3A_1057 : f32 to vector<16xf32>
        %mul3A_1059 = arith.mulf %mul3A_1058, %add3A_1056 : vector<16xf32>
        %div3A_1060 = arith.divf %max3A_1053, %mul3A_1059 : vector<16xf32>
        %add3A_1061 = arith.addf %mul3A_1059, %div3A_1060 : vector<16xf32>
        %mul3A_1062 = arith.constant 5.000000e-01 : f32
        %mul3A_1063 = vector.broadcast %mul3A_1062 : f32 to vector<16xf32>
        %mul3A_1064 = arith.mulf %mul3A_1063, %add3A_1061 : vector<16xf32>
        %div3A_1065 = arith.divf %max3A_1053, %mul3A_1064 : vector<16xf32>
        %add3A_1066 = arith.addf %mul3A_1064, %div3A_1065 : vector<16xf32>
        %mul3A_1067 = arith.constant 5.000000e-01 : f32
        %mul3A_1068 = vector.broadcast %mul3A_1067 : f32 to vector<16xf32>
        %mul3A_1069 = arith.mulf %mul3A_1068, %add3A_1066 : vector<16xf32>
        %div3A_1070 = arith.divf %max3A_1053, %mul3A_1069 : vector<16xf32>
        %add3A_1071 = arith.addf %mul3A_1069, %div3A_1070 : vector<16xf32>
        %mul3A_1072 = arith.constant 5.000000e-01 : f32
        %mul3A_1073 = vector.broadcast %mul3A_1072 : f32 to vector<16xf32>
        %mul3A_1074 = arith.mulf %mul3A_1073, %add3A_1071 : vector<16xf32>
        %div3A_1075 = arith.divf %max3A_1053, %mul3A_1074 : vector<16xf32>
        %add3A_1076 = arith.addf %mul3A_1074, %div3A_1075 : vector<16xf32>
        %mul3A_1077 = arith.constant 5.000000e-01 : f32
        %mul3A_1078 = vector.broadcast %mul3A_1077 : f32 to vector<16xf32>
        %mul3A_1079 = arith.mulf %mul3A_1078, %add3A_1076 : vector<16xf32>
        %div3A_1080 = arith.divf %max3A_1053, %mul3A_1079 : vector<16xf32>
        %add3A_1081 = arith.addf %mul3A_1079, %div3A_1080 : vector<16xf32>
        %mul3A_1082 = arith.constant 5.000000e-01 : f32
        %mul3A_1083 = vector.broadcast %mul3A_1082 : f32 to vector<16xf32>
        %mul3A_1084 = arith.mulf %mul3A_1083, %add3A_1081 : vector<16xf32>
        %div3A_1085 = arith.divf %max3A_1053, %mul3A_1084 : vector<16xf32>
        %add3A_1086 = arith.addf %mul3A_1084, %div3A_1085 : vector<16xf32>
        %mul3A_1087 = arith.constant 5.000000e-01 : f32
        %mul3A_1088 = vector.broadcast %mul3A_1087 : f32 to vector<16xf32>
        %mul3A_1089 = arith.mulf %mul3A_1088, %add3A_1086 : vector<16xf32>
        %div3A_1090 = arith.divf %max3A_1053, %mul3A_1089 : vector<16xf32>
        %add3A_1091 = arith.addf %mul3A_1089, %div3A_1090 : vector<16xf32>
        %mul3A_1092 = arith.constant 5.000000e-01 : f32
        %mul3A_1093 = vector.broadcast %mul3A_1092 : f32 to vector<16xf32>
        %mul3A_1094 = arith.mulf %mul3A_1093, %add3A_1091 : vector<16xf32>
        %div3A_1095 = arith.divf %max3A_1053, %mul3A_1094 : vector<16xf32>
        %add3A_1096 = arith.addf %mul3A_1094, %div3A_1095 : vector<16xf32>
        %mul3A_1097 = arith.constant 5.000000e-01 : f32
        %mul3A_1098 = vector.broadcast %mul3A_1097 : f32 to vector<16xf32>
        %mul3A_1099 = arith.mulf %mul3A_1098, %add3A_1096 : vector<16xf32>
        %div3A_1100 = arith.divf %max3A_1053, %mul3A_1099 : vector<16xf32>
        %add3A_1101 = arith.addf %mul3A_1099, %div3A_1100 : vector<16xf32>
        %mul3A_1102 = arith.constant 5.000000e-01 : f32
        %mul3A_1103 = vector.broadcast %mul3A_1102 : f32 to vector<16xf32>
        %mul3A_1104 = arith.mulf %mul3A_1103, %add3A_1101 : vector<16xf32>
        %div3A_1105 = arith.divf %max3A_1053, %mul3A_1104 : vector<16xf32>
        %add3A_1106 = arith.addf %mul3A_1104, %div3A_1105 : vector<16xf32>
        %mul3A_1107 = arith.constant 5.000000e-01 : f32
        %mul3A_1108 = vector.broadcast %mul3A_1107 : f32 to vector<16xf32>
        %mul3A_1109 = arith.mulf %mul3A_1108, %add3A_1106 : vector<16xf32>
        %div3A_1110 = arith.divf %max3A_1053, %mul3A_1109 : vector<16xf32>
        %add3A_1111 = arith.addf %mul3A_1109, %div3A_1110 : vector<16xf32>
        %mul3A_1112 = arith.constant 5.000000e-01 : f32
        %mul3A_1113 = vector.broadcast %mul3A_1112 : f32 to vector<16xf32>
        %mul3A_1114 = arith.mulf %mul3A_1113, %add3A_1111 : vector<16xf32>
        %div3A_1115 = arith.divf %max3A_1053, %mul3A_1114 : vector<16xf32>
        %add3A_1116 = arith.addf %mul3A_1114, %div3A_1115 : vector<16xf32>
        %mul3A_1117 = arith.constant 5.000000e-01 : f32
        %mul3A_1118 = vector.broadcast %mul3A_1117 : f32 to vector<16xf32>
        %mul3A_1119 = arith.mulf %mul3A_1118, %add3A_1116 : vector<16xf32>
        %div3A_1120 = arith.divf %max3A_1053, %mul3A_1119 : vector<16xf32>
        %add3A_1121 = arith.addf %mul3A_1119, %div3A_1120 : vector<16xf32>
        %mul3A_1122 = arith.constant 5.000000e-01 : f32
        %mul3A_1123 = vector.broadcast %mul3A_1122 : f32 to vector<16xf32>
        %mul3A_1124 = arith.mulf %mul3A_1123, %add3A_1121 : vector<16xf32>
        %div3A_1125 = arith.divf %max3A_1053, %mul3A_1124 : vector<16xf32>
        %add3A_1126 = arith.addf %mul3A_1124, %div3A_1125 : vector<16xf32>
        %mul3A_1127 = arith.constant 5.000000e-01 : f32
        %mul3A_1128 = vector.broadcast %mul3A_1127 : f32 to vector<16xf32>
        %mul3A_1129 = arith.mulf %mul3A_1128, %add3A_1126 : vector<16xf32>
        %div3A_1130 = arith.divf %max3A_1053, %mul3A_1129 : vector<16xf32>
        %add3A_1131 = arith.addf %mul3A_1129, %div3A_1130 : vector<16xf32>
        %mul3A_1132 = arith.constant 5.000000e-01 : f32
        %mul3A_1133 = vector.broadcast %mul3A_1132 : f32 to vector<16xf32>
        %mul3A_1134 = arith.mulf %mul3A_1133, %add3A_1131 : vector<16xf32>
        %div3A_1135 = arith.constant 1.000000e+00 : f32
        %div3A_1136 = vector.broadcast %div3A_1135 : f32 to vector<16xf32>
        %div3A_1137 = arith.divf %div3A_1136, %mul3A_1134 : vector<16xf32>
        %jit3A_1138 = arith.constant 0.000000e+00 : f32
        %broadcast_in_dim3A_1139 = vector.broadcast %jit3A_1138 : f32 to vector<16xf32>
        %select_n3A_1140 = arith.select %gt3A_1050, %div3A_1137, %broadcast_in_dim3A_1139 : vector<16xi1>, vector<16xf32>
        %swap3A_1141 = arith.constant 80 : index
        %swap3A_1142 = tpu.vector_load %arg14[%swap3A_1141] {strides = array<i32>} : memref<128xf32, #tpu.memory_space<vmem>>, vector<16xf32>,
        tpu.vector_store %arg14[%swap3A_1141], %select_n3A_1140 {strides = array<i32>} : memref<128xf32, #tpu.memory_space<vmem>>, vector<16xf32>,
        %add3A_1143 = arith.constant 96 : i32
        %add3A_1144 = vector.broadcast %add3A_1143 : i32 to vector<16xi32>
        %add3A_1145 = arith.addi %add3A_1144, %iota3A : vector<16xi32>
        %gather3A_1146 = arith.constant 0 : i32
        %gather3A_1147 = arith.constant 0 : i32
        %gather3A_1148 = tpu.memref_slice %arg13[%scan3A_202, %scan3A_203, %gather3A_1146, %gather3A_1147] : memref<2x3x128x32xf32, #tpu.memory_space<vmem>> -> memref<1x1x128x32xf32, #tpu.memory_space<vmem>>
        %gather3A_1149 = tpu.memref_squeeze %gather3A_1148 : memref<1x1x128x32xf32, #tpu.memory_space<vmem>> -> memref<128x32xf32, #tpu.memory_space<vmem>>
        %gather3A_1150 = tpu.vector_load_idx %gather3A_1149[%add3A_1145, %broadcast_in_dim3A_58] : memref<128x32xf32, #tpu.memory_space<vmem>>[vector<16xi32>, vector<16xi32>], vector<16xf32>,
        %gt3A_1151 = arith.constant 0.000000e+00 : f32
        %gt3A_1152 = vector.broadcast %gt3A_1151 : f32 to vector<16xf32>
        %gt3A_1153 = arith.cmpf ogt, %gather3A_1150, %gt3A_1152 : vector<16xf32>
        %max3A_1154 = arith.constant 1.000000e+00 : f32
        %max3A_1155 = vector.broadcast %max3A_1154 : f32 to vector<16xf32>
        %max3A_1156 = arith.maximumf %gather3A_1150, %max3A_1155 : vector<16xf32>
        %add3A_1157 = arith.constant 1.000000e+00 : f32
        %add3A_1158 = vector.broadcast %add3A_1157 : f32 to vector<16xf32>
        %add3A_1159 = arith.addf %max3A_1156, %add3A_1158 : vector<16xf32>
        %mul3A_1160 = arith.constant 5.000000e-01 : f32
        %mul3A_1161 = vector.broadcast %mul3A_1160 : f32 to vector<16xf32>
        %mul3A_1162 = arith.mulf %mul3A_1161, %add3A_1159 : vector<16xf32>
        %div3A_1163 = arith.divf %max3A_1156, %mul3A_1162 : vector<16xf32>
        %add3A_1164 = arith.addf %mul3A_1162, %div3A_1163 : vector<16xf32>
        %mul3A_1165 = arith.constant 5.000000e-01 : f32
        %mul3A_1166 = vector.broadcast %mul3A_1165 : f32 to vector<16xf32>
        %mul3A_1167 = arith.mulf %mul3A_1166, %add3A_1164 : vector<16xf32>
        %div3A_1168 = arith.divf %max3A_1156, %mul3A_1167 : vector<16xf32>
        %add3A_1169 = arith.addf %mul3A_1167, %div3A_1168 : vector<16xf32>
        %mul3A_1170 = arith.constant 5.000000e-01 : f32
        %mul3A_1171 = vector.broadcast %mul3A_1170 : f32 to vector<16xf32>
        %mul3A_1172 = arith.mulf %mul3A_1171, %add3A_1169 : vector<16xf32>
        %div3A_1173 = arith.divf %max3A_1156, %mul3A_1172 : vector<16xf32>
        %add3A_1174 = arith.addf %mul3A_1172, %div3A_1173 : vector<16xf32>
        %mul3A_1175 = arith.constant 5.000000e-01 : f32
        %mul3A_1176 = vector.broadcast %mul3A_1175 : f32 to vector<16xf32>
        %mul3A_1177 = arith.mulf %mul3A_1176, %add3A_1174 : vector<16xf32>
        %div3A_1178 = arith.divf %max3A_1156, %mul3A_1177 : vector<16xf32>
        %add3A_1179 = arith.addf %mul3A_1177, %div3A_1178 : vector<16xf32>
        %mul3A_1180 = arith.constant 5.000000e-01 : f32
        %mul3A_1181 = vector.broadcast %mul3A_1180 : f32 to vector<16xf32>
        %mul3A_1182 = arith.mulf %mul3A_1181, %add3A_1179 : vector<16xf32>
        %div3A_1183 = arith.divf %max3A_1156, %mul3A_1182 : vector<16xf32>
        %add3A_1184 = arith.addf %mul3A_1182, %div3A_1183 : vector<16xf32>
        %mul3A_1185 = arith.constant 5.000000e-01 : f32
        %mul3A_1186 = vector.broadcast %mul3A_1185 : f32 to vector<16xf32>
        %mul3A_1187 = arith.mulf %mul3A_1186, %add3A_1184 : vector<16xf32>
        %div3A_1188 = arith.divf %max3A_1156, %mul3A_1187 : vector<16xf32>
        %add3A_1189 = arith.addf %mul3A_1187, %div3A_1188 : vector<16xf32>
        %mul3A_1190 = arith.constant 5.000000e-01 : f32
        %mul3A_1191 = vector.broadcast %mul3A_1190 : f32 to vector<16xf32>
        %mul3A_1192 = arith.mulf %mul3A_1191, %add3A_1189 : vector<16xf32>
        %div3A_1193 = arith.divf %max3A_1156, %mul3A_1192 : vector<16xf32>
        %add3A_1194 = arith.addf %mul3A_1192, %div3A_1193 : vector<16xf32>
        %mul3A_1195 = arith.constant 5.000000e-01 : f32
        %mul3A_1196 = vector.broadcast %mul3A_1195 : f32 to vector<16xf32>
        %mul3A_1197 = arith.mulf %mul3A_1196, %add3A_1194 : vector<16xf32>
        %div3A_1198 = arith.divf %max3A_1156, %mul3A_1197 : vector<16xf32>
        %add3A_1199 = arith.addf %mul3A_1197, %div3A_1198 : vector<16xf32>
        %mul3A_1200 = arith.constant 5.000000e-01 : f32
        %mul3A_1201 = vector.broadcast %mul3A_1200 : f32 to vector<16xf32>
        %mul3A_1202 = arith.mulf %mul3A_1201, %add3A_1199 : vector<16xf32>
        %div3A_1203 = arith.divf %max3A_1156, %mul3A_1202 : vector<16xf32>
        %add3A_1204 = arith.addf %mul3A_1202, %div3A_1203 : vector<16xf32>
        %mul3A_1205 = arith.constant 5.000000e-01 : f32
        %mul3A_1206 = vector.broadcast %mul3A_1205 : f32 to vector<16xf32>
        %mul3A_1207 = arith.mulf %mul3A_1206, %add3A_1204 : vector<16xf32>
        %div3A_1208 = arith.divf %max3A_1156, %mul3A_1207 : vector<16xf32>
        %add3A_1209 = arith.addf %mul3A_1207, %div3A_1208 : vector<16xf32>
        %mul3A_1210 = arith.constant 5.000000e-01 : f32
        %mul3A_1211 = vector.broadcast %mul3A_1210 : f32 to vector<16xf32>
        %mul3A_1212 = arith.mulf %mul3A_1211, %add3A_1209 : vector<16xf32>
        %div3A_1213 = arith.divf %max3A_1156, %mul3A_1212 : vector<16xf32>
        %add3A_1214 = arith.addf %mul3A_1212, %div3A_1213 : vector<16xf32>
        %mul3A_1215 = arith.constant 5.000000e-01 : f32
        %mul3A_1216 = vector.broadcast %mul3A_1215 : f32 to vector<16xf32>
        %mul3A_1217 = arith.mulf %mul3A_1216, %add3A_1214 : vector<16xf32>
        %div3A_1218 = arith.divf %max3A_1156, %mul3A_1217 : vector<16xf32>
        %add3A_1219 = arith.addf %mul3A_1217, %div3A_1218 : vector<16xf32>
        %mul3A_1220 = arith.constant 5.000000e-01 : f32
        %mul3A_1221 = vector.broadcast %mul3A_1220 : f32 to vector<16xf32>
        %mul3A_1222 = arith.mulf %mul3A_1221, %add3A_1219 : vector<16xf32>
        %div3A_1223 = arith.divf %max3A_1156, %mul3A_1222 : vector<16xf32>
        %add3A_1224 = arith.addf %mul3A_1222, %div3A_1223 : vector<16xf32>
        %mul3A_1225 = arith.constant 5.000000e-01 : f32
        %mul3A_1226 = vector.broadcast %mul3A_1225 : f32 to vector<16xf32>
        %mul3A_1227 = arith.mulf %mul3A_1226, %add3A_1224 : vector<16xf32>
        %div3A_1228 = arith.divf %max3A_1156, %mul3A_1227 : vector<16xf32>
        %add3A_1229 = arith.addf %mul3A_1227, %div3A_1228 : vector<16xf32>
        %mul3A_1230 = arith.constant 5.000000e-01 : f32
        %mul3A_1231 = vector.broadcast %mul3A_1230 : f32 to vector<16xf32>
        %mul3A_1232 = arith.mulf %mul3A_1231, %add3A_1229 : vector<16xf32>
        %div3A_1233 = arith.divf %max3A_1156, %mul3A_1232 : vector<16xf32>
        %add3A_1234 = arith.addf %mul3A_1232, %div3A_1233 : vector<16xf32>
        %mul3A_1235 = arith.constant 5.000000e-01 : f32
        %mul3A_1236 = vector.broadcast %mul3A_1235 : f32 to vector<16xf32>
        %mul3A_1237 = arith.mulf %mul3A_1236, %add3A_1234 : vector<16xf32>
        %div3A_1238 = arith.constant 1.000000e+00 : f32
        %div3A_1239 = vector.broadcast %div3A_1238 : f32 to vector<16xf32>
        %div3A_1240 = arith.divf %div3A_1239, %mul3A_1237 : vector<16xf32>
        %jit3A_1241 = arith.constant 0.000000e+00 : f32
        %broadcast_in_dim3A_1242 = vector.broadcast %jit3A_1241 : f32 to vector<16xf32>
        %select_n3A_1243 = arith.select %gt3A_1153, %div3A_1240, %broadcast_in_dim3A_1242 : vector<16xi1>, vector<16xf32>
        %swap3A_1244 = arith.constant 96 : index
        %swap3A_1245 = tpu.vector_load %arg14[%swap3A_1244] {strides = array<i32>} : memref<128xf32, #tpu.memory_space<vmem>>, vector<16xf32>,
        tpu.vector_store %arg14[%swap3A_1244], %select_n3A_1243 {strides = array<i32>} : memref<128xf32, #tpu.memory_space<vmem>>, vector<16xf32>,
        %add3A_1246 = arith.constant 112 : i32
        %add3A_1247 = vector.broadcast %add3A_1246 : i32 to vector<16xi32>
        %add3A_1248 = arith.addi %add3A_1247, %iota3A : vector<16xi32>
        %gather3A_1249 = arith.constant 0 : i32
        %gather3A_1250 = arith.constant 0 : i32
        %gather3A_1251 = tpu.memref_slice %arg13[%scan3A_202, %scan3A_203, %gather3A_1249, %gather3A_1250] : memref<2x3x128x32xf32, #tpu.memory_space<vmem>> -> memref<1x1x128x32xf32, #tpu.memory_space<vmem>>
        %gather3A_1252 = tpu.memref_squeeze %gather3A_1251 : memref<1x1x128x32xf32, #tpu.memory_space<vmem>> -> memref<128x32xf32, #tpu.memory_space<vmem>>
        %gather3A_1253 = tpu.vector_load_idx %gather3A_1252[%add3A_1248, %broadcast_in_dim3A_58] : memref<128x32xf32, #tpu.memory_space<vmem>>[vector<16xi32>, vector<16xi32>], vector<16xf32>,
        %gt3A_1254 = arith.constant 0.000000e+00 : f32
        %gt3A_1255 = vector.broadcast %gt3A_1254 : f32 to vector<16xf32>
        %gt3A_1256 = arith.cmpf ogt, %gather3A_1253, %gt3A_1255 : vector<16xf32>
        %max3A_1257 = arith.constant 1.000000e+00 : f32
        %max3A_1258 = vector.broadcast %max3A_1257 : f32 to vector<16xf32>
        %max3A_1259 = arith.maximumf %gather3A_1253, %max3A_1258 : vector<16xf32>
        %add3A_1260 = arith.constant 1.000000e+00 : f32
        %add3A_1261 = vector.broadcast %add3A_1260 : f32 to vector<16xf32>
        %add3A_1262 = arith.addf %max3A_1259, %add3A_1261 : vector<16xf32>
        %mul3A_1263 = arith.constant 5.000000e-01 : f32
        %mul3A_1264 = vector.broadcast %mul3A_1263 : f32 to vector<16xf32>
        %mul3A_1265 = arith.mulf %mul3A_1264, %add3A_1262 : vector<16xf32>
        %div3A_1266 = arith.divf %max3A_1259, %mul3A_1265 : vector<16xf32>
        %add3A_1267 = arith.addf %mul3A_1265, %div3A_1266 : vector<16xf32>
        %mul3A_1268 = arith.constant 5.000000e-01 : f32
        %mul3A_1269 = vector.broadcast %mul3A_1268 : f32 to vector<16xf32>
        %mul3A_1270 = arith.mulf %mul3A_1269, %add3A_1267 : vector<16xf32>
        %div3A_1271 = arith.divf %max3A_1259, %mul3A_1270 : vector<16xf32>
        %add3A_1272 = arith.addf %mul3A_1270, %div3A_1271 : vector<16xf32>
        %mul3A_1273 = arith.constant 5.000000e-01 : f32
        %mul3A_1274 = vector.broadcast %mul3A_1273 : f32 to vector<16xf32>
        %mul3A_1275 = arith.mulf %mul3A_1274, %add3A_1272 : vector<16xf32>
        %div3A_1276 = arith.divf %max3A_1259, %mul3A_1275 : vector<16xf32>
        %add3A_1277 = arith.addf %mul3A_1275, %div3A_1276 : vector<16xf32>
        %mul3A_1278 = arith.constant 5.000000e-01 : f32
        %mul3A_1279 = vector.broadcast %mul3A_1278 : f32 to vector<16xf32>
        %mul3A_1280 = arith.mulf %mul3A_1279, %add3A_1277 : vector<16xf32>
        %div3A_1281 = arith.divf %max3A_1259, %mul3A_1280 : vector<16xf32>
        %add3A_1282 = arith.addf %mul3A_1280, %div3A_1281 : vector<16xf32>
        %mul3A_1283 = arith.constant 5.000000e-01 : f32
        %mul3A_1284 = vector.broadcast %mul3A_1283 : f32 to vector<16xf32>
        %mul3A_1285 = arith.mulf %mul3A_1284, %add3A_1282 : vector<16xf32>
        %div3A_1286 = arith.divf %max3A_1259, %mul3A_1285 : vector<16xf32>
        %add3A_1287 = arith.addf %mul3A_1285, %div3A_1286 : vector<16xf32>
        %mul3A_1288 = arith.constant 5.000000e-01 : f32
        %mul3A_1289 = vector.broadcast %mul3A_1288 : f32 to vector<16xf32>
        %mul3A_1290 = arith.mulf %mul3A_1289, %add3A_1287 : vector<16xf32>
        %div3A_1291 = arith.divf %max3A_1259, %mul3A_1290 : vector<16xf32>
        %add3A_1292 = arith.addf %mul3A_1290, %div3A_1291 : vector<16xf32>
        %mul3A_1293 = arith.constant 5.000000e-01 : f32
        %mul3A_1294 = vector.broadcast %mul3A_1293 : f32 to vector<16xf32>
        %mul3A_1295 = arith.mulf %mul3A_1294, %add3A_1292 : vector<16xf32>
        %div3A_1296 = arith.divf %max3A_1259, %mul3A_1295 : vector<16xf32>
        %add3A_1297 = arith.addf %mul3A_1295, %div3A_1296 : vector<16xf32>
        %mul3A_1298 = arith.constant 5.000000e-01 : f32
        %mul3A_1299 = vector.broadcast %mul3A_1298 : f32 to vector<16xf32>
        %mul3A_1300 = arith.mulf %mul3A_1299, %add3A_1297 : vector<16xf32>
        %div3A_1301 = arith.divf %max3A_1259, %mul3A_1300 : vector<16xf32>
        %add3A_1302 = arith.addf %mul3A_1300, %div3A_1301 : vector<16xf32>
        %mul3A_1303 = arith.constant 5.000000e-01 : f32
        %mul3A_1304 = vector.broadcast %mul3A_1303 : f32 to vector<16xf32>
        %mul3A_1305 = arith.mulf %mul3A_1304, %add3A_1302 : vector<16xf32>
        %div3A_1306 = arith.divf %max3A_1259, %mul3A_1305 : vector<16xf32>
        %add3A_1307 = arith.addf %mul3A_1305, %div3A_1306 : vector<16xf32>
        %mul3A_1308 = arith.constant 5.000000e-01 : f32
        %mul3A_1309 = vector.broadcast %mul3A_1308 : f32 to vector<16xf32>
        %mul3A_1310 = arith.mulf %mul3A_1309, %add3A_1307 : vector<16xf32>
        %div3A_1311 = arith.divf %max3A_1259, %mul3A_1310 : vector<16xf32>
        %add3A_1312 = arith.addf %mul3A_1310, %div3A_1311 : vector<16xf32>
        %mul3A_1313 = arith.constant 5.000000e-01 : f32
        %mul3A_1314 = vector.broadcast %mul3A_1313 : f32 to vector<16xf32>
        %mul3A_1315 = arith.mulf %mul3A_1314, %add3A_1312 : vector<16xf32>
        %div3A_1316 = arith.divf %max3A_1259, %mul3A_1315 : vector<16xf32>
        %add3A_1317 = arith.addf %mul3A_1315, %div3A_1316 : vector<16xf32>
        %mul3A_1318 = arith.constant 5.000000e-01 : f32
        %mul3A_1319 = vector.broadcast %mul3A_1318 : f32 to vector<16xf32>
        %mul3A_1320 = arith.mulf %mul3A_1319, %add3A_1317 : vector<16xf32>
        %div3A_1321 = arith.divf %max3A_1259, %mul3A_1320 : vector<16xf32>
        %add3A_1322 = arith.addf %mul3A_1320, %div3A_1321 : vector<16xf32>
        %mul3A_1323 = arith.constant 5.000000e-01 : f32
        %mul3A_1324 = vector.broadcast %mul3A_1323 : f32 to vector<16xf32>
        %mul3A_1325 = arith.mulf %mul3A_1324, %add3A_1322 : vector<16xf32>
        %div3A_1326 = arith.divf %max3A_1259, %mul3A_1325 : vector<16xf32>
        %add3A_1327 = arith.addf %mul3A_1325, %div3A_1326 : vector<16xf32>
        %mul3A_1328 = arith.constant 5.000000e-01 : f32
        %mul3A_1329 = vector.broadcast %mul3A_1328 : f32 to vector<16xf32>
        %mul3A_1330 = arith.mulf %mul3A_1329, %add3A_1327 : vector<16xf32>
        %div3A_1331 = arith.divf %max3A_1259, %mul3A_1330 : vector<16xf32>
        %add3A_1332 = arith.addf %mul3A_1330, %div3A_1331 : vector<16xf32>
        %mul3A_1333 = arith.constant 5.000000e-01 : f32
        %mul3A_1334 = vector.broadcast %mul3A_1333 : f32 to vector<16xf32>
        %mul3A_1335 = arith.mulf %mul3A_1334, %add3A_1332 : vector<16xf32>
        %div3A_1336 = arith.divf %max3A_1259, %mul3A_1335 : vector<16xf32>
        %add3A_1337 = arith.addf %mul3A_1335, %div3A_1336 : vector<16xf32>
        %mul3A_1338 = arith.constant 5.000000e-01 : f32
        %mul3A_1339 = vector.broadcast %mul3A_1338 : f32 to vector<16xf32>
        %mul3A_1340 = arith.mulf %mul3A_1339, %add3A_1337 : vector<16xf32>
        %div3A_1341 = arith.constant 1.000000e+00 : f32
        %div3A_1342 = vector.broadcast %div3A_1341 : f32 to vector<16xf32>
        %div3A_1343 = arith.divf %div3A_1342, %mul3A_1340 : vector<16xf32>
        %jit3A_1344 = arith.constant 0.000000e+00 : f32
        %broadcast_in_dim3A_1345 = vector.broadcast %jit3A_1344 : f32 to vector<16xf32>
        %select_n3A_1346 = arith.select %gt3A_1256, %div3A_1343, %broadcast_in_dim3A_1345 : vector<16xi1>, vector<16xf32>
        %swap3A_1347 = arith.constant 112 : index
        %swap3A_1348 = tpu.vector_load %arg14[%swap3A_1347] {strides = array<i32>} : memref<128xf32, #tpu.memory_space<vmem>>, vector<16xf32>,
        tpu.vector_store %arg14[%swap3A_1347], %select_n3A_1346 {strides = array<i32>} : memref<128xf32, #tpu.memory_space<vmem>>, vector<16xf32>,
        %mul3A_1349 = arith.constant 128 : i32
        %mul3A_1350 = arith.muli %add3A_526, %mul3A_1349 : i32
        %add3A_1351 = arith.addi %mul3A_0, %mul3A_1350 : i32
        "tpu.region"() ({
          %run_scoped3A_1479 = tpu.sem_alloc : memref<!tpu.dma_semaphore, #tpu.memory_space<semaphore_mem>>
          %dma_start3A_1480 = tpu.memref_slice %arg10[%add3A_1351] : memref<100096xf32, #tpu.memory_space<hbm>> -> memref<128xf32, #tpu.memory_space<hbm>>
          %dma_start3A_1481 = tpu.memref_slice %arg10[%add3A_1351] : memref<100096xf32, #tpu.memory_space<hbm>> -> memref<128xf32, #tpu.memory_space<hbm>>
          tpu.enqueue_dma source(%arg14 : memref<128xf32, #tpu.memory_space<vmem>>) target(%dma_start3A_1481 : memref<128xf32, #tpu.memory_space<hbm>>) target_semaphore(%run_scoped3A_1479 : memref<!tpu.dma_semaphore, #tpu.memory_space<semaphore_mem>>)
          %dma_wait3A_1482 = tpu.memref_slice %arg10[%add3A_1351] : memref<100096xf32, #tpu.memory_space<hbm>> -> memref<128xf32, #tpu.memory_space<hbm>>
          %dma_wait3A_1483 = tpu.memref_slice %arg10[%add3A_1351] : memref<100096xf32, #tpu.memory_space<hbm>> -> memref<128xf32, #tpu.memory_space<hbm>>
          tpu.wait_dma2 semaphore(%run_scoped3A_1479 : memref<!tpu.dma_semaphore, #tpu.memory_space<semaphore_mem>>) src(%arg14 : memref<128xf32, #tpu.memory_space<vmem>>) dst(%dma_wait3A_1483 : memref<128xf32, #tpu.memory_space<hbm>>)
          tpu.yield
        }) : () -> ()
        %mul3A_1352 = arith.constant 128 : i32
        %mul3A_1353 = arith.muli %add3A_526, %mul3A_1352 : i32
        "tpu.region"() ({
          %run_scoped3A_1479 = tpu.sem_alloc : memref<!tpu.dma_semaphore, #tpu.memory_space<semaphore_mem>>
          %dma_start3A_1480 = arith.constant 0 : i32
          %dma_start3A_1481 = arith.constant 0 : i32
          %dma_start3A_1482 = tpu.memref_slice %arg13[%scan3A_204, %scan3A_205, %dma_start3A_1480, %dma_start3A_1481] : memref<2x3x128x32xf32, #tpu.memory_space<vmem>> -> memref<1x1x128x32xf32, #tpu.memory_space<vmem>>
          %dma_start3A_1483 = tpu.memref_squeeze %dma_start3A_1482 : memref<1x1x128x32xf32, #tpu.memory_space<vmem>> -> memref<128x32xf32, #tpu.memory_space<vmem>>
          %dma_start3A_1484 = arith.constant 0 : i32
          %dma_start3A_1485 = tpu.memref_slice %arg20[%mul3A_1353, %dma_start3A_1484] : memref<50048x32xf32, #tpu.memory_space<vmem_shared>> -> memref<128x32xf32, #tpu.memory_space<vmem_shared>>
          %dma_start3A_1486 = arith.constant 0 : i32
          %dma_start3A_1487 = tpu.memref_slice %arg20[%mul3A_1353, %dma_start3A_1486] : memref<50048x32xf32, #tpu.memory_space<vmem_shared>> -> memref<128x32xf32, #tpu.memory_space<vmem_shared>>
          %dma_start3A_1488 = arith.constant 0 : i32
          %dma_start3A_1489 = arith.constant 0 : i32
          %dma_start3A_1490 = tpu.memref_slice %arg13[%scan3A_204, %scan3A_205, %dma_start3A_1488, %dma_start3A_1489] : memref<2x3x128x32xf32, #tpu.memory_space<vmem>> -> memref<1x1x128x32xf32, #tpu.memory_space<vmem>>
          %dma_start3A_1491 = tpu.memref_squeeze %dma_start3A_1490 : memref<1x1x128x32xf32, #tpu.memory_space<vmem>> -> memref<128x32xf32, #tpu.memory_space<vmem>>
          tpu.enqueue_dma source(%dma_start3A_1491 : memref<128x32xf32, #tpu.memory_space<vmem>>) target(%dma_start3A_1487 : memref<128x32xf32, #tpu.memory_space<vmem_shared>>) target_semaphore(%run_scoped3A_1479 : memref<!tpu.dma_semaphore, #tpu.memory_space<semaphore_mem>>)
          %dma_wait3A_1492 = arith.constant 0 : i32
          %dma_wait3A_1493 = arith.constant 0 : i32
          %dma_wait3A_1494 = tpu.memref_slice %arg13[%scan3A_204, %scan3A_205, %dma_wait3A_1492, %dma_wait3A_1493] : memref<2x3x128x32xf32, #tpu.memory_space<vmem>> -> memref<1x1x128x32xf32, #tpu.memory_space<vmem>>
          %dma_wait3A_1495 = tpu.memref_squeeze %dma_wait3A_1494 : memref<1x1x128x32xf32, #tpu.memory_space<vmem>> -> memref<128x32xf32, #tpu.memory_space<vmem>>
          %dma_wait3A_1496 = arith.constant 0 : i32
          %dma_wait3A_1497 = tpu.memref_slice %arg20[%mul3A_1353, %dma_wait3A_1496] : memref<50048x32xf32, #tpu.memory_space<vmem_shared>> -> memref<128x32xf32, #tpu.memory_space<vmem_shared>>
          %dma_wait3A_1498 = arith.constant 0 : i32
          %dma_wait3A_1499 = tpu.memref_slice %arg20[%mul3A_1353, %dma_wait3A_1498] : memref<50048x32xf32, #tpu.memory_space<vmem_shared>> -> memref<128x32xf32, #tpu.memory_space<vmem_shared>>
          %dma_wait3A_1500 = arith.constant 0 : i32
          %dma_wait3A_1501 = arith.constant 0 : i32
          %dma_wait3A_1502 = tpu.memref_slice %arg13[%scan3A_204, %scan3A_205, %dma_wait3A_1500, %dma_wait3A_1501] : memref<2x3x128x32xf32, #tpu.memory_space<vmem>> -> memref<1x1x128x32xf32, #tpu.memory_space<vmem>>
          %dma_wait3A_1503 = tpu.memref_squeeze %dma_wait3A_1502 : memref<1x1x128x32xf32, #tpu.memory_space<vmem>> -> memref<128x32xf32, #tpu.memory_space<vmem>>
          tpu.wait_dma2 semaphore(%run_scoped3A_1479 : memref<!tpu.dma_semaphore, #tpu.memory_space<semaphore_mem>>) src(%dma_wait3A_1503 : memref<128x32xf32, #tpu.memory_space<vmem>>) dst(%dma_wait3A_1499 : memref<128x32xf32, #tpu.memory_space<vmem_shared>>)
          tpu.yield
        }) : () -> ()
        %lt3A_1354 = arith.constant 390 : i32
        %lt3A_1355 = arith.cmpi slt, %add3A_526, %lt3A_1354 : i32
        %convert_element_type3A_1356 = arith.extui %lt3A_1355 : i1 to i32
        %cond3A_1357 = arith.constant 0 : i32
        %cond3A_1358 = arith.cmpi ne, %convert_element_type3A_1356, %cond3A_1357 : i32
        scf.if %cond3A_1358 {
          %mul3A_1479 = arith.constant 128 : i32
          %mul3A_1480 = arith.muli %add3A_526, %mul3A_1479 : i32
          %run_scoped3A_1481 = arith.constant 0 : i32
          "tpu.region"() ({
            %run_scoped3A_1482 = tpu.sem_alloc : memref<!tpu.dma_semaphore, #tpu.memory_space<semaphore_mem>>
            %dma_start3A_1483 = arith.constant 0 : i32
            %dma_start3A_1484 = tpu.memref_slice %arg11[%run_scoped3A_1481, %dma_start3A_1483] : memref<2x128xi32, #tpu.memory_space<vmem>> -> memref<1x128xi32, #tpu.memory_space<vmem>>
            %dma_start3A_1485 = tpu.memref_squeeze %dma_start3A_1484 : memref<1x128xi32, #tpu.memory_space<vmem>> -> memref<128xi32, #tpu.memory_space<vmem>>
            %dma_start3A_1486 = tpu.memref_slice %arg5[%mul3A_1480] : memref<50000xi32, #tpu.memory_space<hbm>> -> memref<128xi32, #tpu.memory_space<hbm>>
            %dma_start3A_1487 = arith.constant 0 : i32
            %dma_start3A_1488 = tpu.memref_slice %arg11[%run_scoped3A_1481, %dma_start3A_1487] : memref<2x128xi32, #tpu.memory_space<vmem>> -> memref<1x128xi32, #tpu.memory_space<vmem>>
            %dma_start3A_1489 = tpu.memref_squeeze %dma_start3A_1488 : memref<1x128xi32, #tpu.memory_space<vmem>> -> memref<128xi32, #tpu.memory_space<vmem>>
            %dma_start3A_1490 = tpu.memref_slice %arg5[%mul3A_1480] : memref<50000xi32, #tpu.memory_space<hbm>> -> memref<128xi32, #tpu.memory_space<hbm>>
            tpu.enqueue_dma source(%dma_start3A_1490 : memref<128xi32, #tpu.memory_space<hbm>>) target(%dma_start3A_1489 : memref<128xi32, #tpu.memory_space<vmem>>) target_semaphore(%run_scoped3A_1482 : memref<!tpu.dma_semaphore, #tpu.memory_space<semaphore_mem>>)
            %dma_wait3A_1491 = arith.constant 0 : i32
            %dma_wait3A_1492 = tpu.memref_slice %arg11[%run_scoped3A_1481, %dma_wait3A_1491] : memref<2x128xi32, #tpu.memory_space<vmem>> -> memref<1x128xi32, #tpu.memory_space<vmem>>
            %dma_wait3A_1493 = tpu.memref_squeeze %dma_wait3A_1492 : memref<1x128xi32, #tpu.memory_space<vmem>> -> memref<128xi32, #tpu.memory_space<vmem>>
            %dma_wait3A_1494 = tpu.memref_slice %arg5[%mul3A_1480] : memref<50000xi32, #tpu.memory_space<hbm>> -> memref<128xi32, #tpu.memory_space<hbm>>
            %dma_wait3A_1495 = arith.constant 0 : i32
            %dma_wait3A_1496 = tpu.memref_slice %arg11[%run_scoped3A_1481, %dma_wait3A_1495] : memref<2x128xi32, #tpu.memory_space<vmem>> -> memref<1x128xi32, #tpu.memory_space<vmem>>
            %dma_wait3A_1497 = tpu.memref_squeeze %dma_wait3A_1496 : memref<1x128xi32, #tpu.memory_space<vmem>> -> memref<128xi32, #tpu.memory_space<vmem>>
            %dma_wait3A_1498 = tpu.memref_slice %arg5[%mul3A_1480] : memref<50000xi32, #tpu.memory_space<hbm>> -> memref<128xi32, #tpu.memory_space<hbm>>
            tpu.wait_dma2 semaphore(%run_scoped3A_1482 : memref<!tpu.dma_semaphore, #tpu.memory_space<semaphore_mem>>) src(%dma_wait3A_1498 : memref<128xi32, #tpu.memory_space<hbm>>) dst(%dma_wait3A_1497 : memref<128xi32, #tpu.memory_space<vmem>>)
            tpu.yield
          }) : () -> ()
        } else {
        }
        %eq3A = arith.constant 390 : i32
        %eq3A_1359 = arith.cmpi eq, %add3A_526, %eq3A : i32
        %convert_element_type3A_1360 = arith.extui %eq3A_1359 : i1 to i32
        %cond3A_1361 = arith.constant 0 : i32
        %cond3A_1362 = arith.cmpi ne, %convert_element_type3A_1360, %cond3A_1361 : i32
        scf.if %cond3A_1362 {
          %mul3A_1479 = arith.constant 128 : i32
          %mul3A_1480 = arith.muli %add3A_526, %mul3A_1479 : i32
          %run_scoped3A_1481 = arith.constant 0 : i32
          "tpu.region"() ({
            %run_scoped3A_1496 = tpu.sem_alloc : memref<!tpu.dma_semaphore, #tpu.memory_space<semaphore_mem>>
            %dma_start3A_1497 = arith.constant 0 : i32
            %dma_start3A_1498 = tpu.memref_slice %arg11[%run_scoped3A_1481, %dma_start3A_1497] : memref<2x128xi32, #tpu.memory_space<vmem>> -> memref<1x80xi32, #tpu.memory_space<vmem>>
            %dma_start3A_1499 = tpu.memref_squeeze %dma_start3A_1498 : memref<1x80xi32, #tpu.memory_space<vmem>> -> memref<80xi32, #tpu.memory_space<vmem>>
            %dma_start3A_1500 = tpu.memref_slice %arg5[%mul3A_1480] : memref<50000xi32, #tpu.memory_space<hbm>> -> memref<80xi32, #tpu.memory_space<hbm>>
            %dma_start3A_1501 = arith.constant 0 : i32
            %dma_start3A_1502 = tpu.memref_slice %arg11[%run_scoped3A_1481, %dma_start3A_1501] : memref<2x128xi32, #tpu.memory_space<vmem>> -> memref<1x80xi32, #tpu.memory_space<vmem>>
            %dma_start3A_1503 = tpu.memref_squeeze %dma_start3A_1502 : memref<1x80xi32, #tpu.memory_space<vmem>> -> memref<80xi32, #tpu.memory_space<vmem>>
            %dma_start3A_1504 = tpu.memref_slice %arg5[%mul3A_1480] : memref<50000xi32, #tpu.memory_space<hbm>> -> memref<80xi32, #tpu.memory_space<hbm>>
            tpu.enqueue_dma source(%dma_start3A_1504 : memref<80xi32, #tpu.memory_space<hbm>>) target(%dma_start3A_1503 : memref<80xi32, #tpu.memory_space<vmem>>) target_semaphore(%run_scoped3A_1496 : memref<!tpu.dma_semaphore, #tpu.memory_space<semaphore_mem>>)
            %dma_wait3A_1505 = arith.constant 0 : i32
            %dma_wait3A_1506 = tpu.memref_slice %arg11[%run_scoped3A_1481, %dma_wait3A_1505] : memref<2x128xi32, #tpu.memory_space<vmem>> -> memref<1x80xi32, #tpu.memory_space<vmem>>
            %dma_wait3A_1507 = tpu.memref_squeeze %dma_wait3A_1506 : memref<1x80xi32, #tpu.memory_space<vmem>> -> memref<80xi32, #tpu.memory_space<vmem>>
            %dma_wait3A_1508 = tpu.memref_slice %arg5[%mul3A_1480] : memref<50000xi32, #tpu.memory_space<hbm>> -> memref<80xi32, #tpu.memory_space<hbm>>
            %dma_wait3A_1509 = arith.constant 0 : i32
            %dma_wait3A_1510 = tpu.memref_slice %arg11[%run_scoped3A_1481, %dma_wait3A_1509] : memref<2x128xi32, #tpu.memory_space<vmem>> -> memref<1x80xi32, #tpu.memory_space<vmem>>
            %dma_wait3A_1511 = tpu.memref_squeeze %dma_wait3A_1510 : memref<1x80xi32, #tpu.memory_space<vmem>> -> memref<80xi32, #tpu.memory_space<vmem>>
            %dma_wait3A_1512 = tpu.memref_slice %arg5[%mul3A_1480] : memref<50000xi32, #tpu.memory_space<hbm>> -> memref<80xi32, #tpu.memory_space<hbm>>
            tpu.wait_dma2 semaphore(%run_scoped3A_1496 : memref<!tpu.dma_semaphore, #tpu.memory_space<semaphore_mem>>) src(%dma_wait3A_1512 : memref<80xi32, #tpu.memory_space<hbm>>) dst(%dma_wait3A_1511 : memref<80xi32, #tpu.memory_space<vmem>>)
            tpu.yield
          }) : () -> ()
          %broadcast_in_dim3A_1482 = arith.constant 0 : i32
          %broadcast_in_dim3A_1483 = vector.broadcast %broadcast_in_dim3A_1482 : i32 to vector<16xi32>
          %swap3A_1484 = arith.constant 0 : i32
          %swap3A_1485 = arith.index_cast %swap3A_1484 : i32 to index
          %swap3A_1486 = arith.constant 80 : index
          %swap3A_1487 = tpu.vector_load %arg11[%swap3A_1485, %swap3A_1486] {strides = array<i32>} : memref<2x128xi32, #tpu.memory_space<vmem>>, vector<16xi32>,
          tpu.vector_store %arg11[%swap3A_1485, %swap3A_1486], %broadcast_in_dim3A_1483 {strides = array<i32>} : memref<2x128xi32, #tpu.memory_space<vmem>>, vector<16xi32>,
          %swap3A_1488 = arith.constant 0 : i32
          %swap3A_1489 = arith.index_cast %swap3A_1488 : i32 to index
          %swap3A_1490 = arith.constant 96 : index
          %swap3A_1491 = tpu.vector_load %arg11[%swap3A_1489, %swap3A_1490] {strides = array<i32>} : memref<2x128xi32, #tpu.memory_space<vmem>>, vector<16xi32>,
          tpu.vector_store %arg11[%swap3A_1489, %swap3A_1490], %broadcast_in_dim3A_1483 {strides = array<i32>} : memref<2x128xi32, #tpu.memory_space<vmem>>, vector<16xi32>,
          %swap3A_1492 = arith.constant 0 : i32
          %swap3A_1493 = arith.index_cast %swap3A_1492 : i32 to index
          %swap3A_1494 = arith.constant 112 : index
          %swap3A_1495 = tpu.vector_load %arg11[%swap3A_1493, %swap3A_1494] {strides = array<i32>} : memref<2x128xi32, #tpu.memory_space<vmem>>, vector<16xi32>,
          tpu.vector_store %arg11[%swap3A_1493, %swap3A_1494], %broadcast_in_dim3A_1483 {strides = array<i32>} : memref<2x128xi32, #tpu.memory_space<vmem>>, vector<16xi32>,
        } else {
        }
        %get3A_1363 = arith.constant 0 : i32
        %get3A_1364 = arith.index_cast %get3A_1363 : i32 to index
        %get3A_1365 = arith.constant 0 : index
        %get3A_1366 = tpu.vector_load %arg11[%get3A_1364, %get3A_1365] {strides = array<i32>} : memref<2x128xi32, #tpu.memory_space<vmem>>, vector<16xi32>,
        %mul3A_1367 = arith.constant 2 : i32
        %mul3A_1368 = vector.broadcast %mul3A_1367 : i32 to vector<16xi32>
        %mul3A_1369 = arith.muli %get3A_1366, %mul3A_1368 : vector<16xi32>
        %add3A_1370 = vector.broadcast %arg0 : i32 to vector<16xi32>
        %add3A_1371 = arith.addi %mul3A_1369, %add3A_1370 : vector<16xi32>
        %swap3A_1372 = arith.constant 0 : i32
        %swap3A_1373 = arith.index_cast %swap3A_1372 : i32 to index
        %swap3A_1374 = arith.constant 0 : index
        %swap3A_1375 = tpu.vector_load %arg11[%swap3A_1373, %swap3A_1374] {strides = array<i32>} : memref<2x128xi32, #tpu.memory_space<vmem>>, vector<16xi32>,
        tpu.vector_store %arg11[%swap3A_1373, %swap3A_1374], %add3A_1371 {strides = array<i32>} : memref<2x128xi32, #tpu.memory_space<vmem>>, vector<16xi32>,
        %get3A_1376 = arith.constant 0 : i32
        %get3A_1377 = arith.index_cast %get3A_1376 : i32 to index
        %get3A_1378 = arith.constant 16 : index
        %get3A_1379 = tpu.vector_load %arg11[%get3A_1377, %get3A_1378] {strides = array<i32>} : memref<2x128xi32, #tpu.memory_space<vmem>>, vector<16xi32>,
        %mul3A_1380 = arith.constant 2 : i32
        %mul3A_1381 = vector.broadcast %mul3A_1380 : i32 to vector<16xi32>
        %mul3A_1382 = arith.muli %get3A_1379, %mul3A_1381 : vector<16xi32>
        %add3A_1383 = vector.broadcast %arg0 : i32 to vector<16xi32>
        %add3A_1384 = arith.addi %mul3A_1382, %add3A_1383 : vector<16xi32>
        %swap3A_1385 = arith.constant 0 : i32
        %swap3A_1386 = arith.index_cast %swap3A_1385 : i32 to index
        %swap3A_1387 = arith.constant 16 : index
        %swap3A_1388 = tpu.vector_load %arg11[%swap3A_1386, %swap3A_1387] {strides = array<i32>} : memref<2x128xi32, #tpu.memory_space<vmem>>, vector<16xi32>,
        tpu.vector_store %arg11[%swap3A_1386, %swap3A_1387], %add3A_1384 {strides = array<i32>} : memref<2x128xi32, #tpu.memory_space<vmem>>, vector<16xi32>,
        %get3A_1389 = arith.constant 0 : i32
        %get3A_1390 = arith.index_cast %get3A_1389 : i32 to index
        %get3A_1391 = arith.constant 32 : index
        %get3A_1392 = tpu.vector_load %arg11[%get3A_1390, %get3A_1391] {strides = array<i32>} : memref<2x128xi32, #tpu.memory_space<vmem>>, vector<16xi32>,
        %mul3A_1393 = arith.constant 2 : i32
        %mul3A_1394 = vector.broadcast %mul3A_1393 : i32 to vector<16xi32>
        %mul3A_1395 = arith.muli %get3A_1392, %mul3A_1394 : vector<16xi32>
        %add3A_1396 = vector.broadcast %arg0 : i32 to vector<16xi32>
        %add3A_1397 = arith.addi %mul3A_1395, %add3A_1396 : vector<16xi32>
        %swap3A_1398 = arith.constant 0 : i32
        %swap3A_1399 = arith.index_cast %swap3A_1398 : i32 to index
        %swap3A_1400 = arith.constant 32 : index
        %swap3A_1401 = tpu.vector_load %arg11[%swap3A_1399, %swap3A_1400] {strides = array<i32>} : memref<2x128xi32, #tpu.memory_space<vmem>>, vector<16xi32>,
        tpu.vector_store %arg11[%swap3A_1399, %swap3A_1400], %add3A_1397 {strides = array<i32>} : memref<2x128xi32, #tpu.memory_space<vmem>>, vector<16xi32>,
        %get3A_1402 = arith.constant 0 : i32
        %get3A_1403 = arith.index_cast %get3A_1402 : i32 to index
        %get3A_1404 = arith.constant 48 : index
        %get3A_1405 = tpu.vector_load %arg11[%get3A_1403, %get3A_1404] {strides = array<i32>} : memref<2x128xi32, #tpu.memory_space<vmem>>, vector<16xi32>,
        %mul3A_1406 = arith.constant 2 : i32
        %mul3A_1407 = vector.broadcast %mul3A_1406 : i32 to vector<16xi32>
        %mul3A_1408 = arith.muli %get3A_1405, %mul3A_1407 : vector<16xi32>
        %add3A_1409 = vector.broadcast %arg0 : i32 to vector<16xi32>
        %add3A_1410 = arith.addi %mul3A_1408, %add3A_1409 : vector<16xi32>
        %swap3A_1411 = arith.constant 0 : i32
        %swap3A_1412 = arith.index_cast %swap3A_1411 : i32 to index
        %swap3A_1413 = arith.constant 48 : index
        %swap3A_1414 = tpu.vector_load %arg11[%swap3A_1412, %swap3A_1413] {strides = array<i32>} : memref<2x128xi32, #tpu.memory_space<vmem>>, vector<16xi32>,
        tpu.vector_store %arg11[%swap3A_1412, %swap3A_1413], %add3A_1410 {strides = array<i32>} : memref<2x128xi32, #tpu.memory_space<vmem>>, vector<16xi32>,
        %get3A_1415 = arith.constant 0 : i32
        %get3A_1416 = arith.index_cast %get3A_1415 : i32 to index
        %get3A_1417 = arith.constant 64 : index
        %get3A_1418 = tpu.vector_load %arg11[%get3A_1416, %get3A_1417] {strides = array<i32>} : memref<2x128xi32, #tpu.memory_space<vmem>>, vector<16xi32>,
        %mul3A_1419 = arith.constant 2 : i32
        %mul3A_1420 = vector.broadcast %mul3A_1419 : i32 to vector<16xi32>
        %mul3A_1421 = arith.muli %get3A_1418, %mul3A_1420 : vector<16xi32>
        %add3A_1422 = vector.broadcast %arg0 : i32 to vector<16xi32>
        %add3A_1423 = arith.addi %mul3A_1421, %add3A_1422 : vector<16xi32>
        %swap3A_1424 = arith.constant 0 : i32
        %swap3A_1425 = arith.index_cast %swap3A_1424 : i32 to index
        %swap3A_1426 = arith.constant 64 : index
        %swap3A_1427 = tpu.vector_load %arg11[%swap3A_1425, %swap3A_1426] {strides = array<i32>} : memref<2x128xi32, #tpu.memory_space<vmem>>, vector<16xi32>,
        tpu.vector_store %arg11[%swap3A_1425, %swap3A_1426], %add3A_1423 {strides = array<i32>} : memref<2x128xi32, #tpu.memory_space<vmem>>, vector<16xi32>,
        %get3A_1428 = arith.constant 0 : i32
        %get3A_1429 = arith.index_cast %get3A_1428 : i32 to index
        %get3A_1430 = arith.constant 80 : index
        %get3A_1431 = tpu.vector_load %arg11[%get3A_1429, %get3A_1430] {strides = array<i32>} : memref<2x128xi32, #tpu.memory_space<vmem>>, vector<16xi32>,
        %mul3A_1432 = arith.constant 2 : i32
        %mul3A_1433 = vector.broadcast %mul3A_1432 : i32 to vector<16xi32>
        %mul3A_1434 = arith.muli %get3A_1431, %mul3A_1433 : vector<16xi32>
        %add3A_1435 = vector.broadcast %arg0 : i32 to vector<16xi32>
        %add3A_1436 = arith.addi %mul3A_1434, %add3A_1435 : vector<16xi32>
        %swap3A_1437 = arith.constant 0 : i32
        %swap3A_1438 = arith.index_cast %swap3A_1437 : i32 to index
        %swap3A_1439 = arith.constant 80 : index
        %swap3A_1440 = tpu.vector_load %arg11[%swap3A_1438, %swap3A_1439] {strides = array<i32>} : memref<2x128xi32, #tpu.memory_space<vmem>>, vector<16xi32>,
        tpu.vector_store %arg11[%swap3A_1438, %swap3A_1439], %add3A_1436 {strides = array<i32>} : memref<2x128xi32, #tpu.memory_space<vmem>>, vector<16xi32>,
        %get3A_1441 = arith.constant 0 : i32
        %get3A_1442 = arith.index_cast %get3A_1441 : i32 to index
        %get3A_1443 = arith.constant 96 : index
        %get3A_1444 = tpu.vector_load %arg11[%get3A_1442, %get3A_1443] {strides = array<i32>} : memref<2x128xi32, #tpu.memory_space<vmem>>, vector<16xi32>,
        %mul3A_1445 = arith.constant 2 : i32
        %mul3A_1446 = vector.broadcast %mul3A_1445 : i32 to vector<16xi32>
        %mul3A_1447 = arith.muli %get3A_1444, %mul3A_1446 : vector<16xi32>
        %add3A_1448 = vector.broadcast %arg0 : i32 to vector<16xi32>
        %add3A_1449 = arith.addi %mul3A_1447, %add3A_1448 : vector<16xi32>
        %swap3A_1450 = arith.constant 0 : i32
        %swap3A_1451 = arith.index_cast %swap3A_1450 : i32 to index
        %swap3A_1452 = arith.constant 96 : index
        %swap3A_1453 = tpu.vector_load %arg11[%swap3A_1451, %swap3A_1452] {strides = array<i32>} : memref<2x128xi32, #tpu.memory_space<vmem>>, vector<16xi32>,
        tpu.vector_store %arg11[%swap3A_1451, %swap3A_1452], %add3A_1449 {strides = array<i32>} : memref<2x128xi32, #tpu.memory_space<vmem>>, vector<16xi32>,
        %get3A_1454 = arith.constant 0 : i32
        %get3A_1455 = arith.index_cast %get3A_1454 : i32 to index
        %get3A_1456 = arith.constant 112 : index
        %get3A_1457 = tpu.vector_load %arg11[%get3A_1455, %get3A_1456] {strides = array<i32>} : memref<2x128xi32, #tpu.memory_space<vmem>>, vector<16xi32>,
        %mul3A_1458 = arith.constant 2 : i32
        %mul3A_1459 = vector.broadcast %mul3A_1458 : i32 to vector<16xi32>
        %mul3A_1460 = arith.muli %get3A_1457, %mul3A_1459 : vector<16xi32>
        %add3A_1461 = vector.broadcast %arg0 : i32 to vector<16xi32>
        %add3A_1462 = arith.addi %mul3A_1460, %add3A_1461 : vector<16xi32>
        %swap3A_1463 = arith.constant 0 : i32
        %swap3A_1464 = arith.index_cast %swap3A_1463 : i32 to index
        %swap3A_1465 = arith.constant 112 : index
        %swap3A_1466 = tpu.vector_load %arg11[%swap3A_1464, %swap3A_1465] {strides = array<i32>} : memref<2x128xi32, #tpu.memory_space<vmem>>, vector<16xi32>,
        tpu.vector_store %arg11[%swap3A_1464, %swap3A_1465], %add3A_1462 {strides = array<i32>} : memref<2x128xi32, #tpu.memory_space<vmem>>, vector<16xi32>,
        %run_scoped3A_1467 = arith.constant 0 : i32
        "tpu.region"() ({
          %run_scoped3A_1479 = tpu.sem_alloc : memref<!tpu.dma_semaphore, #tpu.memory_space<semaphore_mem>>
          %dma_start3A_1480 = arith.constant 0 : i32
          %dma_start3A_1481 = arith.constant 0 : i32
          %dma_start3A_1482 = tpu.memref_slice %arg13[%scan3A_206, %scan3A_207, %dma_start3A_1480, %dma_start3A_1481] : memref<2x3x128x32xf32, #tpu.memory_space<vmem>> -> memref<1x1x128x32xf32, #tpu.memory_space<vmem>>
          %dma_start3A_1483 = tpu.memref_squeeze %dma_start3A_1482 : memref<1x1x128x32xf32, #tpu.memory_space<vmem>> -> memref<128x32xf32, #tpu.memory_space<vmem>>
          %dma_start3A_1484 = arith.constant 0 : i32
          %dma_start3A_1485 = tpu.memref_slice %arg11[%run_scoped3A_1467, %dma_start3A_1484] : memref<2x128xi32, #tpu.memory_space<vmem>> -> memref<1x128xi32, #tpu.memory_space<vmem>>
          %dma_start3A_1486 = tpu.memref_squeeze %dma_start3A_1485 : memref<1x128xi32, #tpu.memory_space<vmem>> -> memref<128xi32, #tpu.memory_space<vmem>>
          %dma_start3A_1487 = arith.constant 0 : i32
          %dma_start3A_1488 = arith.constant 0 : i32
          %dma_start3A_1489 = tpu.memref_slice %arg2[%dma_start3A_1487, %dma_start3A_1488] : memref<2000000x32xf32, #tpu.memory_space<hbm>> -> memref<2000000x32xf32, #tpu.memory_space<hbm>>
          tpu.enqueue_indirect_dma source(%dma_start3A_1489 : memref<2000000x32xf32, #tpu.memory_space<hbm>>) target(%dma_start3A_1483 : memref<128x32xf32, #tpu.memory_space<vmem>>) offsets(%dma_start3A_1486 : memref<128xi32, #tpu.memory_space<vmem>>) semaphore(%run_scoped3A_1479 : memref<!tpu.dma_semaphore, #tpu.memory_space<semaphore_mem>>)
          %dma_wait3A_1490 = arith.constant 0 : i32
          %dma_wait3A_1491 = arith.constant 0 : i32
          %dma_wait3A_1492 = tpu.memref_slice %arg13[%scan3A_206, %scan3A_207, %dma_wait3A_1490, %dma_wait3A_1491] : memref<2x3x128x32xf32, #tpu.memory_space<vmem>> -> memref<1x1x128x32xf32, #tpu.memory_space<vmem>>
          %dma_wait3A_1493 = tpu.memref_squeeze %dma_wait3A_1492 : memref<1x1x128x32xf32, #tpu.memory_space<vmem>> -> memref<128x32xf32, #tpu.memory_space<vmem>>
          %dma_wait3A_1494 = arith.constant 0 : i32
          %dma_wait3A_1495 = tpu.memref_slice %arg11[%run_scoped3A_1467, %dma_wait3A_1494] : memref<2x128xi32, #tpu.memory_space<vmem>> -> memref<1x128xi32, #tpu.memory_space<vmem>>
          %dma_wait3A_1496 = tpu.memref_squeeze %dma_wait3A_1495 : memref<1x128xi32, #tpu.memory_space<vmem>> -> memref<128xi32, #tpu.memory_space<vmem>>
          %dma_wait3A_1497 = arith.constant 0 : i32
          %dma_wait3A_1498 = arith.constant 0 : i32
          %dma_wait3A_1499 = tpu.memref_slice %arg2[%dma_wait3A_1497, %dma_wait3A_1498] : memref<2000000x32xf32, #tpu.memory_space<hbm>> -> memref<2000000x32xf32, #tpu.memory_space<hbm>>
          tpu.wait_indirect_dma semaphore(%run_scoped3A_1479 : memref<!tpu.dma_semaphore, #tpu.memory_space<semaphore_mem>>) src(%dma_wait3A_1499 : memref<2000000x32xf32, #tpu.memory_space<hbm>>) dst(%dma_wait3A_1493 : memref<128x32xf32, #tpu.memory_space<vmem>>)
          tpu.yield
        }) : () -> ()
        %scan3A_1468 = arith.constant 0 : i32
        %scan3A_1469 = arith.constant 128 : i32
        %scan3A_1470 = arith.addi %scan3A_1468, %scan3A_1469 : i32
        %scan3A_1471 = arith.constant 1 : i32
        scf.for %scan3A_1479 = %scan3A_1468 to %scan3A_1470 step %scan3A_1471  : i32 {
          %broadcast_in_dim3A_1480 = vector.broadcast %scan3A_1479 : i32 to vector<16xi32>
          %gather3A_1481 = tpu.vector_load_idx %arg14[%broadcast_in_dim3A_1480] : memref<128xf32, #tpu.memory_space<vmem>>[vector<16xi32>], vector<16xf32>,
          %get3A_1482 = arith.constant 0 : i32
          %get3A_1483 = arith.constant 0 : i32
          %get3A_1484 = tpu.memref_slice %arg13[%scan3A_206, %scan3A_207, %get3A_1482, %get3A_1483] : memref<2x3x128x32xf32, #tpu.memory_space<vmem>> -> memref<1x1x128x32xf32, #tpu.memory_space<vmem>>
          %get3A_1485 = tpu.memref_squeeze %get3A_1484 : memref<1x1x128x32xf32, #tpu.memory_space<vmem>> -> memref<128x32xf32, #tpu.memory_space<vmem>>
          %get3A_1486 = arith.index_cast %scan3A_1479 : i32 to index
          %get3A_1487 = arith.constant 0 : index
          %get3A_1488 = tpu.vector_load %get3A_1485[%get3A_1486, %get3A_1487] {strides = array<i32>} : memref<128x32xf32, #tpu.memory_space<vmem>>, vector<16xf32>,
          %mul3A_1489 = arith.mulf %get3A_1488, %gather3A_1481 : vector<16xf32>
          %swap3A_1490 = arith.constant 0 : i32
          %swap3A_1491 = arith.constant 0 : i32
          %swap3A_1492 = tpu.memref_slice %arg13[%scan3A_208, %scan3A_209, %swap3A_1490, %swap3A_1491] : memref<2x3x128x32xf32, #tpu.memory_space<vmem>> -> memref<1x1x128x32xf32, #tpu.memory_space<vmem>>
          %swap3A_1493 = tpu.memref_squeeze %swap3A_1492 : memref<1x1x128x32xf32, #tpu.memory_space<vmem>> -> memref<128x32xf32, #tpu.memory_space<vmem>>
          %swap3A_1494 = arith.index_cast %scan3A_1479 : i32 to index
          %swap3A_1495 = arith.constant 0 : index
          %swap3A_1496 = tpu.vector_load %swap3A_1493[%swap3A_1494, %swap3A_1495] {strides = array<i32>} : memref<128x32xf32, #tpu.memory_space<vmem>>, vector<16xf32>,
          tpu.vector_store %swap3A_1493[%swap3A_1494, %swap3A_1495], %mul3A_1489 {strides = array<i32>} : memref<128x32xf32, #tpu.memory_space<vmem>>, vector<16xf32>,
          %get3A_1497 = arith.constant 0 : i32
          %get3A_1498 = arith.constant 0 : i32
          %get3A_1499 = tpu.memref_slice %arg13[%scan3A_206, %scan3A_207, %get3A_1497, %get3A_1498] : memref<2x3x128x32xf32, #tpu.memory_space<vmem>> -> memref<1x1x128x32xf32, #tpu.memory_space<vmem>>
          %get3A_1500 = tpu.memref_squeeze %get3A_1499 : memref<1x1x128x32xf32, #tpu.memory_space<vmem>> -> memref<128x32xf32, #tpu.memory_space<vmem>>
          %get3A_1501 = arith.index_cast %scan3A_1479 : i32 to index
          %get3A_1502 = arith.constant 16 : index
          %get3A_1503 = tpu.vector_load %get3A_1500[%get3A_1501, %get3A_1502] {strides = array<i32>} : memref<128x32xf32, #tpu.memory_space<vmem>>, vector<16xf32>,
          %mul3A_1504 = arith.mulf %get3A_1503, %gather3A_1481 : vector<16xf32>
          %swap3A_1505 = arith.constant 0 : i32
          %swap3A_1506 = arith.constant 0 : i32
          %swap3A_1507 = tpu.memref_slice %arg13[%scan3A_208, %scan3A_209, %swap3A_1505, %swap3A_1506] : memref<2x3x128x32xf32, #tpu.memory_space<vmem>> -> memref<1x1x128x32xf32, #tpu.memory_space<vmem>>
          %swap3A_1508 = tpu.memref_squeeze %swap3A_1507 : memref<1x1x128x32xf32, #tpu.memory_space<vmem>> -> memref<128x32xf32, #tpu.memory_space<vmem>>
          %swap3A_1509 = arith.index_cast %scan3A_1479 : i32 to index
          %swap3A_1510 = arith.constant 16 : index
          %swap3A_1511 = tpu.vector_load %swap3A_1508[%swap3A_1509, %swap3A_1510] {strides = array<i32>} : memref<128x32xf32, #tpu.memory_space<vmem>>, vector<16xf32>,
          tpu.vector_store %swap3A_1508[%swap3A_1509, %swap3A_1510], %mul3A_1504 {strides = array<i32>} : memref<128x32xf32, #tpu.memory_space<vmem>>, vector<16xf32>,
        }
        %scan3A_1472 = arith.constant 128 : i32
        %mul3A_1473 = arith.constant 128 : i32
        %mul3A_1474 = arith.muli %add3A_526, %mul3A_1473 : i32
        %add3A_1475 = arith.addi %mul3A_0, %mul3A_1474 : i32
        "tpu.region"() ({
          %run_scoped3A_1479 = tpu.sem_alloc : memref<!tpu.dma_semaphore, #tpu.memory_space<semaphore_mem>>
          %dma_start3A_1480 = arith.constant 0 : i32
          %dma_start3A_1481 = arith.constant 0 : i32
          %dma_start3A_1482 = tpu.memref_slice %arg13[%scan3A_206, %scan3A_207, %dma_start3A_1480, %dma_start3A_1481] : memref<2x3x128x32xf32, #tpu.memory_space<vmem>> -> memref<1x1x128x32xf32, #tpu.memory_space<vmem>>
          %dma_start3A_1483 = tpu.memref_squeeze %dma_start3A_1482 : memref<1x1x128x32xf32, #tpu.memory_space<vmem>> -> memref<128x32xf32, #tpu.memory_space<vmem>>
          %dma_start3A_1484 = arith.constant 0 : i32
          %dma_start3A_1485 = tpu.memref_slice %arg7[%add3A_1475, %dma_start3A_1484] : memref<100096x32xf32, #tpu.memory_space<hbm>> -> memref<128x32xf32, #tpu.memory_space<hbm>>
          %dma_start3A_1486 = arith.constant 0 : i32
          %dma_start3A_1487 = tpu.memref_slice %arg7[%add3A_1475, %dma_start3A_1486] : memref<100096x32xf32, #tpu.memory_space<hbm>> -> memref<128x32xf32, #tpu.memory_space<hbm>>
          %dma_start3A_1488 = arith.constant 0 : i32
          %dma_start3A_1489 = arith.constant 0 : i32
          %dma_start3A_1490 = tpu.memref_slice %arg13[%scan3A_206, %scan3A_207, %dma_start3A_1488, %dma_start3A_1489] : memref<2x3x128x32xf32, #tpu.memory_space<vmem>> -> memref<1x1x128x32xf32, #tpu.memory_space<vmem>>
          %dma_start3A_1491 = tpu.memref_squeeze %dma_start3A_1490 : memref<1x1x128x32xf32, #tpu.memory_space<vmem>> -> memref<128x32xf32, #tpu.memory_space<vmem>>
          tpu.enqueue_dma source(%dma_start3A_1491 : memref<128x32xf32, #tpu.memory_space<vmem>>) target(%dma_start3A_1487 : memref<128x32xf32, #tpu.memory_space<hbm>>) target_semaphore(%run_scoped3A_1479 : memref<!tpu.dma_semaphore, #tpu.memory_space<semaphore_mem>>)
          %dma_wait3A_1492 = arith.constant 0 : i32
          %dma_wait3A_1493 = arith.constant 0 : i32
          %dma_wait3A_1494 = tpu.memref_slice %arg13[%scan3A_206, %scan3A_207, %dma_wait3A_1492, %dma_wait3A_1493] : memref<2x3x128x32xf32, #tpu.memory_space<vmem>> -> memref<1x1x128x32xf32, #tpu.memory_space<vmem>>
          %dma_wait3A_1495 = tpu.memref_squeeze %dma_wait3A_1494 : memref<1x1x128x32xf32, #tpu.memory_space<vmem>> -> memref<128x32xf32, #tpu.memory_space<vmem>>
          %dma_wait3A_1496 = arith.constant 0 : i32
          %dma_wait3A_1497 = tpu.memref_slice %arg7[%add3A_1475, %dma_wait3A_1496] : memref<100096x32xf32, #tpu.memory_space<hbm>> -> memref<128x32xf32, #tpu.memory_space<hbm>>
          %dma_wait3A_1498 = arith.constant 0 : i32
          %dma_wait3A_1499 = tpu.memref_slice %arg7[%add3A_1475, %dma_wait3A_1498] : memref<100096x32xf32, #tpu.memory_space<hbm>> -> memref<128x32xf32, #tpu.memory_space<hbm>>
          %dma_wait3A_1500 = arith.constant 0 : i32
          %dma_wait3A_1501 = arith.constant 0 : i32
          %dma_wait3A_1502 = tpu.memref_slice %arg13[%scan3A_206, %scan3A_207, %dma_wait3A_1500, %dma_wait3A_1501] : memref<2x3x128x32xf32, #tpu.memory_space<vmem>> -> memref<1x1x128x32xf32, #tpu.memory_space<vmem>>
          %dma_wait3A_1503 = tpu.memref_squeeze %dma_wait3A_1502 : memref<1x1x128x32xf32, #tpu.memory_space<vmem>> -> memref<128x32xf32, #tpu.memory_space<vmem>>
          tpu.wait_dma2 semaphore(%run_scoped3A_1479 : memref<!tpu.dma_semaphore, #tpu.memory_space<semaphore_mem>>) src(%dma_wait3A_1503 : memref<128x32xf32, #tpu.memory_space<vmem>>) dst(%dma_wait3A_1499 : memref<128x32xf32, #tpu.memory_space<hbm>>)
          tpu.yield
        }) : () -> ()
        %mul3A_1476 = arith.constant 128 : i32
        %mul3A_1477 = arith.muli %add3A_526, %mul3A_1476 : i32
        %add3A_1478 = arith.addi %mul3A_0, %mul3A_1477 : i32
        "tpu.region"() ({
          %run_scoped3A_1479 = tpu.sem_alloc : memref<!tpu.dma_semaphore, #tpu.memory_space<semaphore_mem>>
          %dma_start3A_1480 = arith.constant 0 : i32
          %dma_start3A_1481 = arith.constant 0 : i32
          %dma_start3A_1482 = tpu.memref_slice %arg13[%scan3A_208, %scan3A_209, %dma_start3A_1480, %dma_start3A_1481] : memref<2x3x128x32xf32, #tpu.memory_space<vmem>> -> memref<1x1x128x32xf32, #tpu.memory_space<vmem>>
          %dma_start3A_1483 = tpu.memref_squeeze %dma_start3A_1482 : memref<1x1x128x32xf32, #tpu.memory_space<vmem>> -> memref<128x32xf32, #tpu.memory_space<vmem>>
          %dma_start3A_1484 = arith.constant 0 : i32
          %dma_start3A_1485 = tpu.memref_slice %arg9[%add3A_1478, %dma_start3A_1484] : memref<100096x32xf32, #tpu.memory_space<hbm>> -> memref<128x32xf32, #tpu.memory_space<hbm>>
          %dma_start3A_1486 = arith.constant 0 : i32
          %dma_start3A_1487 = tpu.memref_slice %arg9[%add3A_1478, %dma_start3A_1486] : memref<100096x32xf32, #tpu.memory_space<hbm>> -> memref<128x32xf32, #tpu.memory_space<hbm>>
          %dma_start3A_1488 = arith.constant 0 : i32
          %dma_start3A_1489 = arith.constant 0 : i32
          %dma_start3A_1490 = tpu.memref_slice %arg13[%scan3A_208, %scan3A_209, %dma_start3A_1488, %dma_start3A_1489] : memref<2x3x128x32xf32, #tpu.memory_space<vmem>> -> memref<1x1x128x32xf32, #tpu.memory_space<vmem>>
          %dma_start3A_1491 = tpu.memref_squeeze %dma_start3A_1490 : memref<1x1x128x32xf32, #tpu.memory_space<vmem>> -> memref<128x32xf32, #tpu.memory_space<vmem>>
          tpu.enqueue_dma source(%dma_start3A_1491 : memref<128x32xf32, #tpu.memory_space<vmem>>) target(%dma_start3A_1487 : memref<128x32xf32, #tpu.memory_space<hbm>>) target_semaphore(%run_scoped3A_1479 : memref<!tpu.dma_semaphore, #tpu.memory_space<semaphore_mem>>)
          %dma_wait3A_1492 = arith.constant 0 : i32
          %dma_wait3A_1493 = arith.constant 0 : i32
          %dma_wait3A_1494 = tpu.memref_slice %arg13[%scan3A_208, %scan3A_209, %dma_wait3A_1492, %dma_wait3A_1493] : memref<2x3x128x32xf32, #tpu.memory_space<vmem>> -> memref<1x1x128x32xf32, #tpu.memory_space<vmem>>
          %dma_wait3A_1495 = tpu.memref_squeeze %dma_wait3A_1494 : memref<1x1x128x32xf32, #tpu.memory_space<vmem>> -> memref<128x32xf32, #tpu.memory_space<vmem>>
          %dma_wait3A_1496 = arith.constant 0 : i32
          %dma_wait3A_1497 = tpu.memref_slice %arg9[%add3A_1478, %dma_wait3A_1496] : memref<100096x32xf32, #tpu.memory_space<hbm>> -> memref<128x32xf32, #tpu.memory_space<hbm>>
          %dma_wait3A_1498 = arith.constant 0 : i32
          %dma_wait3A_1499 = tpu.memref_slice %arg9[%add3A_1478, %dma_wait3A_1498] : memref<100096x32xf32, #tpu.memory_space<hbm>> -> memref<128x32xf32, #tpu.memory_space<hbm>>
          %dma_wait3A_1500 = arith.constant 0 : i32
          %dma_wait3A_1501 = arith.constant 0 : i32
          %dma_wait3A_1502 = tpu.memref_slice %arg13[%scan3A_208, %scan3A_209, %dma_wait3A_1500, %dma_wait3A_1501] : memref<2x3x128x32xf32, #tpu.memory_space<vmem>> -> memref<1x1x128x32xf32, #tpu.memory_space<vmem>>
          %dma_wait3A_1503 = tpu.memref_squeeze %dma_wait3A_1502 : memref<1x1x128x32xf32, #tpu.memory_space<vmem>> -> memref<128x32xf32, #tpu.memory_space<vmem>>
          tpu.wait_dma2 semaphore(%run_scoped3A_1479 : memref<!tpu.dma_semaphore, #tpu.memory_space<semaphore_mem>>) src(%dma_wait3A_1503 : memref<128x32xf32, #tpu.memory_space<vmem>>) dst(%dma_wait3A_1499 : memref<128x32xf32, #tpu.memory_space<hbm>>)
          tpu.yield
        }) : () -> ()
      } else {
      }
    }
    %scan3A_214 = arith.constant 25 : i32
    %barrier3A_215 = arith.constant 0 : index
    tpu.barrier barrier_id(%barrier3A_215)
    %scan3A_216 = arith.constant 0 : i32
    %scan3A_217 = arith.constant 3 : i32
    %scan3A_218 = arith.addi %scan3A_216, %scan3A_217 : i32
    %scan3A_219 = arith.constant 1 : i32
    scf.for %scan3A_521 = %scan3A_216 to %scan3A_218 step %scan3A_219  : i32 {
      %add3A_522 = arith.constant 0 : i32
      %add3A_523 = arith.addi %add3A_522, %scan3A_521 : i32
      %mul3A_524 = arith.constant 128 : i32
      %mul3A_525 = arith.muli %add3A_523, %mul3A_524 : i32
      %add3A_526 = arith.addi %mul3A_2, %mul3A_525 : i32
      %dma_start3A_527 = arith.constant 0 : i32
      %dma_start3A_528 = arith.constant 0 : i32
      %dma_start3A_529 = arith.constant 0 : i32
      %dma_start3A_530 = arith.constant 0 : i32
      %dma_start3A_531 = tpu.memref_slice %arg12[%dma_start3A_527, %scan3A_521, %dma_start3A_528, %dma_start3A_530] : memref<2x3x2x128xi32, #tpu.memory_space<vmem>> -> memref<1x1x1x128xi32, #tpu.memory_space<vmem>>
      %dma_start3A_532 = tpu.memref_squeeze %dma_start3A_531 : memref<1x1x1x128xi32, #tpu.memory_space<vmem>> -> memref<128xi32, #tpu.memory_space<vmem>>
      %dma_start3A_533 = tpu.memref_slice %arg3[%add3A_526] : memref<800000xi32, #tpu.memory_space<hbm>> -> memref<128xi32, #tpu.memory_space<hbm>>
      %dma_start3A_534 = tpu.memref_slice %arg17[%dma_start3A_529] : memref<2x!tpu.dma_semaphore, #tpu.memory_space<semaphore_mem>> -> memref<1x!tpu.dma_semaphore, #tpu.memory_space<semaphore_mem>>
      %dma_start3A_535 = tpu.memref_squeeze %dma_start3A_534 : memref<1x!tpu.dma_semaphore, #tpu.memory_space<semaphore_mem>> -> memref<!tpu.dma_semaphore, #tpu.memory_space<semaphore_mem>>
      %dma_start3A_536 = arith.constant 0 : i32
      %dma_start3A_537 = tpu.memref_slice %arg12[%dma_start3A_527, %scan3A_521, %dma_start3A_528, %dma_start3A_536] : memref<2x3x2x128xi32, #tpu.memory_space<vmem>> -> memref<1x1x1x128xi32, #tpu.memory_space<vmem>>
      %dma_start3A_538 = tpu.memref_squeeze %dma_start3A_537 : memref<1x1x1x128xi32, #tpu.memory_space<vmem>> -> memref<128xi32, #tpu.memory_space<vmem>>
      %dma_start3A_539 = tpu.memref_slice %arg3[%add3A_526] : memref<800000xi32, #tpu.memory_space<hbm>> -> memref<128xi32, #tpu.memory_space<hbm>>
      tpu.enqueue_dma source(%dma_start3A_539 : memref<128xi32, #tpu.memory_space<hbm>>) target(%dma_start3A_538 : memref<128xi32, #tpu.memory_space<vmem>>) target_semaphore(%dma_start3A_535 : memref<!tpu.dma_semaphore, #tpu.memory_space<semaphore_mem>>)
      %dma_start3A_540 = arith.constant 0 : i32
      %dma_start3A_541 = arith.constant 1 : i32
      %dma_start3A_542 = arith.constant 0 : i32
      %dma_start3A_543 = arith.constant 0 : i32
      %dma_start3A_544 = tpu.memref_slice %arg12[%dma_start3A_540, %scan3A_521, %dma_start3A_541, %dma_start3A_543] : memref<2x3x2x128xi32, #tpu.memory_space<vmem>> -> memref<1x1x1x128xi32, #tpu.memory_space<vmem>>
      %dma_start3A_545 = tpu.memref_squeeze %dma_start3A_544 : memref<1x1x1x128xi32, #tpu.memory_space<vmem>> -> memref<128xi32, #tpu.memory_space<vmem>>
      %dma_start3A_546 = tpu.memref_slice %arg4[%add3A_526] : memref<800000xi32, #tpu.memory_space<hbm>> -> memref<128xi32, #tpu.memory_space<hbm>>
      %dma_start3A_547 = tpu.memref_slice %arg17[%dma_start3A_542] : memref<2x!tpu.dma_semaphore, #tpu.memory_space<semaphore_mem>> -> memref<1x!tpu.dma_semaphore, #tpu.memory_space<semaphore_mem>>
      %dma_start3A_548 = tpu.memref_squeeze %dma_start3A_547 : memref<1x!tpu.dma_semaphore, #tpu.memory_space<semaphore_mem>> -> memref<!tpu.dma_semaphore, #tpu.memory_space<semaphore_mem>>
      %dma_start3A_549 = arith.constant 0 : i32
      %dma_start3A_550 = tpu.memref_slice %arg12[%dma_start3A_540, %scan3A_521, %dma_start3A_541, %dma_start3A_549] : memref<2x3x2x128xi32, #tpu.memory_space<vmem>> -> memref<1x1x1x128xi32, #tpu.memory_space<vmem>>
      %dma_start3A_551 = tpu.memref_squeeze %dma_start3A_550 : memref<1x1x1x128xi32, #tpu.memory_space<vmem>> -> memref<128xi32, #tpu.memory_space<vmem>>
      %dma_start3A_552 = tpu.memref_slice %arg4[%add3A_526] : memref<800000xi32, #tpu.memory_space<hbm>> -> memref<128xi32, #tpu.memory_space<hbm>>
      tpu.enqueue_dma source(%dma_start3A_552 : memref<128xi32, #tpu.memory_space<hbm>>) target(%dma_start3A_551 : memref<128xi32, #tpu.memory_space<vmem>>) target_semaphore(%dma_start3A_548 : memref<!tpu.dma_semaphore, #tpu.memory_space<semaphore_mem>>)
    }
    %scan3A_220 = arith.constant 3 : i32
    %scan3A_221 = arith.constant 0 : i32
    %scan3A_222 = arith.constant 130 : i32
    %scan3A_223 = arith.addi %scan3A_221, %scan3A_222 : i32
    %scan3A_224 = arith.constant 1 : i32
    scf.for %scan3A_521 = %scan3A_221 to %scan3A_223 step %scan3A_224  : i32 {
      %rem3A = arith.constant 2 : i32
      %rem3A_522 = arith.remsi %scan3A_521, %rem3A : i32
      %sub3A = arith.constant 1 : i32
      %sub3A_523 = arith.subi %sub3A, %rem3A_522 : i32
      %scan3A_524 = arith.constant 0 : i32
      %scan3A_525 = arith.constant 3 : i32
      %scan3A_526 = arith.addi %scan3A_524, %scan3A_525 : i32
      %scan3A_527 = arith.constant 1 : i32
      scf.for %scan3A_555 = %scan3A_524 to %scan3A_526 step %scan3A_527  : i32 {
        %dma_wait3A_556 = arith.constant 0 : i32
        %dma_wait3A_557 = arith.constant 0 : i32
        %dma_wait3A_558 = tpu.memref_slice %arg12[%rem3A_522, %scan3A_555, %dma_wait3A_556, %dma_wait3A_557] : memref<2x3x2x128xi32, #tpu.memory_space<vmem>> -> memref<1x1x1x128xi32, #tpu.memory_space<vmem>>
        %dma_wait3A_559 = tpu.memref_squeeze %dma_wait3A_558 : memref<1x1x1x128xi32, #tpu.memory_space<vmem>> -> memref<128xi32, #tpu.memory_space<vmem>>
        %dma_wait3A_560 = arith.constant 0 : i32
        %dma_wait3A_561 = tpu.memref_slice %arg3[%dma_wait3A_560] : memref<800000xi32, #tpu.memory_space<hbm>> -> memref<128xi32, #tpu.memory_space<hbm>>
        %dma_wait3A_562 = tpu.memref_slice %arg17[%rem3A_522] : memref<2x!tpu.dma_semaphore, #tpu.memory_space<semaphore_mem>> -> memref<1x!tpu.dma_semaphore, #tpu.memory_space<semaphore_mem>>
        %dma_wait3A_563 = tpu.memref_squeeze %dma_wait3A_562 : memref<1x!tpu.dma_semaphore, #tpu.memory_space<semaphore_mem>> -> memref<!tpu.dma_semaphore, #tpu.memory_space<semaphore_mem>>
        %dma_wait3A_564 = arith.constant 0 : i32
        %dma_wait3A_565 = tpu.memref_slice %arg12[%rem3A_522, %scan3A_555, %dma_wait3A_556, %dma_wait3A_564] : memref<2x3x2x128xi32, #tpu.memory_space<vmem>> -> memref<1x1x1x128xi32, #tpu.memory_space<vmem>>
        %dma_wait3A_566 = tpu.memref_squeeze %dma_wait3A_565 : memref<1x1x1x128xi32, #tpu.memory_space<vmem>> -> memref<128xi32, #tpu.memory_space<vmem>>
        %dma_wait3A_567 = arith.constant 0 : i32
        %dma_wait3A_568 = tpu.memref_slice %arg3[%dma_wait3A_567] : memref<800000xi32, #tpu.memory_space<hbm>> -> memref<128xi32, #tpu.memory_space<hbm>>
        tpu.wait_dma2 semaphore(%dma_wait3A_563 : memref<!tpu.dma_semaphore, #tpu.memory_space<semaphore_mem>>) src(%dma_wait3A_568 : memref<128xi32, #tpu.memory_space<hbm>>) dst(%dma_wait3A_566 : memref<128xi32, #tpu.memory_space<vmem>>)
        %dma_wait3A_569 = arith.constant 1 : i32
        %dma_wait3A_570 = arith.constant 0 : i32
        %dma_wait3A_571 = tpu.memref_slice %arg12[%rem3A_522, %scan3A_555, %dma_wait3A_569, %dma_wait3A_570] : memref<2x3x2x128xi32, #tpu.memory_space<vmem>> -> memref<1x1x1x128xi32, #tpu.memory_space<vmem>>
        %dma_wait3A_572 = tpu.memref_squeeze %dma_wait3A_571 : memref<1x1x1x128xi32, #tpu.memory_space<vmem>> -> memref<128xi32, #tpu.memory_space<vmem>>
        %dma_wait3A_573 = arith.constant 0 : i32
        %dma_wait3A_574 = tpu.memref_slice %arg4[%dma_wait3A_573] : memref<800000xi32, #tpu.memory_space<hbm>> -> memref<128xi32, #tpu.memory_space<hbm>>
        %dma_wait3A_575 = tpu.memref_slice %arg17[%rem3A_522] : memref<2x!tpu.dma_semaphore, #tpu.memory_space<semaphore_mem>> -> memref<1x!tpu.dma_semaphore, #tpu.memory_space<semaphore_mem>>
        %dma_wait3A_576 = tpu.memref_squeeze %dma_wait3A_575 : memref<1x!tpu.dma_semaphore, #tpu.memory_space<semaphore_mem>> -> memref<!tpu.dma_semaphore, #tpu.memory_space<semaphore_mem>>
        %dma_wait3A_577 = arith.constant 0 : i32
        %dma_wait3A_578 = tpu.memref_slice %arg12[%rem3A_522, %scan3A_555, %dma_wait3A_569, %dma_wait3A_577] : memref<2x3x2x128xi32, #tpu.memory_space<vmem>> -> memref<1x1x1x128xi32, #tpu.memory_space<vmem>>
        %dma_wait3A_579 = tpu.memref_squeeze %dma_wait3A_578 : memref<1x1x1x128xi32, #tpu.memory_space<vmem>> -> memref<128xi32, #tpu.memory_space<vmem>>
        %dma_wait3A_580 = arith.constant 0 : i32
        %dma_wait3A_581 = tpu.memref_slice %arg4[%dma_wait3A_580] : memref<800000xi32, #tpu.memory_space<hbm>> -> memref<128xi32, #tpu.memory_space<hbm>>
        tpu.wait_dma2 semaphore(%dma_wait3A_576 : memref<!tpu.dma_semaphore, #tpu.memory_space<semaphore_mem>>) src(%dma_wait3A_581 : memref<128xi32, #tpu.memory_space<hbm>>) dst(%dma_wait3A_579 : memref<128xi32, #tpu.memory_space<vmem>>)
      }
      %scan3A_528 = arith.constant 3 : i32
      %scan3A_529 = arith.constant 0 : i32
      %scan3A_530 = arith.constant 3 : i32
      %scan3A_531 = arith.addi %scan3A_529, %scan3A_530 : i32
      %scan3A_532 = arith.constant 1 : i32
      scf.for %scan3A_555 = %scan3A_529 to %scan3A_531 step %scan3A_532  : i32 {
        %get3A_556 = arith.constant 0 : i32
        %get3A_557 = arith.index_cast %rem3A_522 : i32 to index
        %get3A_558 = arith.index_cast %scan3A_555 : i32 to index
        %get3A_559 = arith.index_cast %get3A_556 : i32 to index
        %get3A_560 = arith.constant 0 : index
        %get3A_561 = tpu.vector_load %arg12[%get3A_557, %get3A_558, %get3A_559, %get3A_560] {strides = array<i32>} : memref<2x3x2x128xi32, #tpu.memory_space<vmem>>, vector<16xi32>,
        %add3A_562 = vector.broadcast %mul3A_0 : i32 to vector<16xi32>
        %add3A_563 = arith.addi %get3A_561, %add3A_562 : vector<16xi32>
        %swap3A_564 = arith.constant 0 : i32
        %swap3A_565 = arith.index_cast %rem3A_522 : i32 to index
        %swap3A_566 = arith.index_cast %scan3A_555 : i32 to index
        %swap3A_567 = arith.index_cast %swap3A_564 : i32 to index
        %swap3A_568 = arith.constant 0 : index
        %swap3A_569 = tpu.vector_load %arg12[%swap3A_565, %swap3A_566, %swap3A_567, %swap3A_568] {strides = array<i32>} : memref<2x3x2x128xi32, #tpu.memory_space<vmem>>, vector<16xi32>,
        tpu.vector_store %arg12[%swap3A_565, %swap3A_566, %swap3A_567, %swap3A_568], %add3A_563 {strides = array<i32>} : memref<2x3x2x128xi32, #tpu.memory_space<vmem>>, vector<16xi32>,
        %get3A_570 = arith.constant 0 : i32
        %get3A_571 = arith.index_cast %rem3A_522 : i32 to index
        %get3A_572 = arith.index_cast %scan3A_555 : i32 to index
        %get3A_573 = arith.index_cast %get3A_570 : i32 to index
        %get3A_574 = arith.constant 16 : index
        %get3A_575 = tpu.vector_load %arg12[%get3A_571, %get3A_572, %get3A_573, %get3A_574] {strides = array<i32>} : memref<2x3x2x128xi32, #tpu.memory_space<vmem>>, vector<16xi32>,
        %add3A_576 = vector.broadcast %mul3A_0 : i32 to vector<16xi32>
        %add3A_577 = arith.addi %get3A_575, %add3A_576 : vector<16xi32>
        %swap3A_578 = arith.constant 0 : i32
        %swap3A_579 = arith.index_cast %rem3A_522 : i32 to index
        %swap3A_580 = arith.index_cast %scan3A_555 : i32 to index
        %swap3A_581 = arith.index_cast %swap3A_578 : i32 to index
        %swap3A_582 = arith.constant 16 : index
        %swap3A_583 = tpu.vector_load %arg12[%swap3A_579, %swap3A_580, %swap3A_581, %swap3A_582] {strides = array<i32>} : memref<2x3x2x128xi32, #tpu.memory_space<vmem>>, vector<16xi32>,
        tpu.vector_store %arg12[%swap3A_579, %swap3A_580, %swap3A_581, %swap3A_582], %add3A_577 {strides = array<i32>} : memref<2x3x2x128xi32, #tpu.memory_space<vmem>>, vector<16xi32>,
        %get3A_584 = arith.constant 0 : i32
        %get3A_585 = arith.index_cast %rem3A_522 : i32 to index
        %get3A_586 = arith.index_cast %scan3A_555 : i32 to index
        %get3A_587 = arith.index_cast %get3A_584 : i32 to index
        %get3A_588 = arith.constant 32 : index
        %get3A_589 = tpu.vector_load %arg12[%get3A_585, %get3A_586, %get3A_587, %get3A_588] {strides = array<i32>} : memref<2x3x2x128xi32, #tpu.memory_space<vmem>>, vector<16xi32>,
        %add3A_590 = vector.broadcast %mul3A_0 : i32 to vector<16xi32>
        %add3A_591 = arith.addi %get3A_589, %add3A_590 : vector<16xi32>
        %swap3A_592 = arith.constant 0 : i32
        %swap3A_593 = arith.index_cast %rem3A_522 : i32 to index
        %swap3A_594 = arith.index_cast %scan3A_555 : i32 to index
        %swap3A_595 = arith.index_cast %swap3A_592 : i32 to index
        %swap3A_596 = arith.constant 32 : index
        %swap3A_597 = tpu.vector_load %arg12[%swap3A_593, %swap3A_594, %swap3A_595, %swap3A_596] {strides = array<i32>} : memref<2x3x2x128xi32, #tpu.memory_space<vmem>>, vector<16xi32>,
        tpu.vector_store %arg12[%swap3A_593, %swap3A_594, %swap3A_595, %swap3A_596], %add3A_591 {strides = array<i32>} : memref<2x3x2x128xi32, #tpu.memory_space<vmem>>, vector<16xi32>,
        %get3A_598 = arith.constant 0 : i32
        %get3A_599 = arith.index_cast %rem3A_522 : i32 to index
        %get3A_600 = arith.index_cast %scan3A_555 : i32 to index
        %get3A_601 = arith.index_cast %get3A_598 : i32 to index
        %get3A_602 = arith.constant 48 : index
        %get3A_603 = tpu.vector_load %arg12[%get3A_599, %get3A_600, %get3A_601, %get3A_602] {strides = array<i32>} : memref<2x3x2x128xi32, #tpu.memory_space<vmem>>, vector<16xi32>,
        %add3A_604 = vector.broadcast %mul3A_0 : i32 to vector<16xi32>
        %add3A_605 = arith.addi %get3A_603, %add3A_604 : vector<16xi32>
        %swap3A_606 = arith.constant 0 : i32
        %swap3A_607 = arith.index_cast %rem3A_522 : i32 to index
        %swap3A_608 = arith.index_cast %scan3A_555 : i32 to index
        %swap3A_609 = arith.index_cast %swap3A_606 : i32 to index
        %swap3A_610 = arith.constant 48 : index
        %swap3A_611 = tpu.vector_load %arg12[%swap3A_607, %swap3A_608, %swap3A_609, %swap3A_610] {strides = array<i32>} : memref<2x3x2x128xi32, #tpu.memory_space<vmem>>, vector<16xi32>,
        tpu.vector_store %arg12[%swap3A_607, %swap3A_608, %swap3A_609, %swap3A_610], %add3A_605 {strides = array<i32>} : memref<2x3x2x128xi32, #tpu.memory_space<vmem>>, vector<16xi32>,
        %get3A_612 = arith.constant 0 : i32
        %get3A_613 = arith.index_cast %rem3A_522 : i32 to index
        %get3A_614 = arith.index_cast %scan3A_555 : i32 to index
        %get3A_615 = arith.index_cast %get3A_612 : i32 to index
        %get3A_616 = arith.constant 64 : index
        %get3A_617 = tpu.vector_load %arg12[%get3A_613, %get3A_614, %get3A_615, %get3A_616] {strides = array<i32>} : memref<2x3x2x128xi32, #tpu.memory_space<vmem>>, vector<16xi32>,
        %add3A_618 = vector.broadcast %mul3A_0 : i32 to vector<16xi32>
        %add3A_619 = arith.addi %get3A_617, %add3A_618 : vector<16xi32>
        %swap3A_620 = arith.constant 0 : i32
        %swap3A_621 = arith.index_cast %rem3A_522 : i32 to index
        %swap3A_622 = arith.index_cast %scan3A_555 : i32 to index
        %swap3A_623 = arith.index_cast %swap3A_620 : i32 to index
        %swap3A_624 = arith.constant 64 : index
        %swap3A_625 = tpu.vector_load %arg12[%swap3A_621, %swap3A_622, %swap3A_623, %swap3A_624] {strides = array<i32>} : memref<2x3x2x128xi32, #tpu.memory_space<vmem>>, vector<16xi32>,
        tpu.vector_store %arg12[%swap3A_621, %swap3A_622, %swap3A_623, %swap3A_624], %add3A_619 {strides = array<i32>} : memref<2x3x2x128xi32, #tpu.memory_space<vmem>>, vector<16xi32>,
        %get3A_626 = arith.constant 0 : i32
        %get3A_627 = arith.index_cast %rem3A_522 : i32 to index
        %get3A_628 = arith.index_cast %scan3A_555 : i32 to index
        %get3A_629 = arith.index_cast %get3A_626 : i32 to index
        %get3A_630 = arith.constant 80 : index
        %get3A_631 = tpu.vector_load %arg12[%get3A_627, %get3A_628, %get3A_629, %get3A_630] {strides = array<i32>} : memref<2x3x2x128xi32, #tpu.memory_space<vmem>>, vector<16xi32>,
        %add3A_632 = vector.broadcast %mul3A_0 : i32 to vector<16xi32>
        %add3A_633 = arith.addi %get3A_631, %add3A_632 : vector<16xi32>
        %swap3A_634 = arith.constant 0 : i32
        %swap3A_635 = arith.index_cast %rem3A_522 : i32 to index
        %swap3A_636 = arith.index_cast %scan3A_555 : i32 to index
        %swap3A_637 = arith.index_cast %swap3A_634 : i32 to index
        %swap3A_638 = arith.constant 80 : index
        %swap3A_639 = tpu.vector_load %arg12[%swap3A_635, %swap3A_636, %swap3A_637, %swap3A_638] {strides = array<i32>} : memref<2x3x2x128xi32, #tpu.memory_space<vmem>>, vector<16xi32>,
        tpu.vector_store %arg12[%swap3A_635, %swap3A_636, %swap3A_637, %swap3A_638], %add3A_633 {strides = array<i32>} : memref<2x3x2x128xi32, #tpu.memory_space<vmem>>, vector<16xi32>,
        %get3A_640 = arith.constant 0 : i32
        %get3A_641 = arith.index_cast %rem3A_522 : i32 to index
        %get3A_642 = arith.index_cast %scan3A_555 : i32 to index
        %get3A_643 = arith.index_cast %get3A_640 : i32 to index
        %get3A_644 = arith.constant 96 : index
        %get3A_645 = tpu.vector_load %arg12[%get3A_641, %get3A_642, %get3A_643, %get3A_644] {strides = array<i32>} : memref<2x3x2x128xi32, #tpu.memory_space<vmem>>, vector<16xi32>,
        %add3A_646 = vector.broadcast %mul3A_0 : i32 to vector<16xi32>
        %add3A_647 = arith.addi %get3A_645, %add3A_646 : vector<16xi32>
        %swap3A_648 = arith.constant 0 : i32
        %swap3A_649 = arith.index_cast %rem3A_522 : i32 to index
        %swap3A_650 = arith.index_cast %scan3A_555 : i32 to index
        %swap3A_651 = arith.index_cast %swap3A_648 : i32 to index
        %swap3A_652 = arith.constant 96 : index
        %swap3A_653 = tpu.vector_load %arg12[%swap3A_649, %swap3A_650, %swap3A_651, %swap3A_652] {strides = array<i32>} : memref<2x3x2x128xi32, #tpu.memory_space<vmem>>, vector<16xi32>,
        tpu.vector_store %arg12[%swap3A_649, %swap3A_650, %swap3A_651, %swap3A_652], %add3A_647 {strides = array<i32>} : memref<2x3x2x128xi32, #tpu.memory_space<vmem>>, vector<16xi32>,
        %get3A_654 = arith.constant 0 : i32
        %get3A_655 = arith.index_cast %rem3A_522 : i32 to index
        %get3A_656 = arith.index_cast %scan3A_555 : i32 to index
        %get3A_657 = arith.index_cast %get3A_654 : i32 to index
        %get3A_658 = arith.constant 112 : index
        %get3A_659 = tpu.vector_load %arg12[%get3A_655, %get3A_656, %get3A_657, %get3A_658] {strides = array<i32>} : memref<2x3x2x128xi32, #tpu.memory_space<vmem>>, vector<16xi32>,
        %add3A_660 = vector.broadcast %mul3A_0 : i32 to vector<16xi32>
        %add3A_661 = arith.addi %get3A_659, %add3A_660 : vector<16xi32>
        %swap3A_662 = arith.constant 0 : i32
        %swap3A_663 = arith.index_cast %rem3A_522 : i32 to index
        %swap3A_664 = arith.index_cast %scan3A_555 : i32 to index
        %swap3A_665 = arith.index_cast %swap3A_662 : i32 to index
        %swap3A_666 = arith.constant 112 : index
        %swap3A_667 = tpu.vector_load %arg12[%swap3A_663, %swap3A_664, %swap3A_665, %swap3A_666] {strides = array<i32>} : memref<2x3x2x128xi32, #tpu.memory_space<vmem>>, vector<16xi32>,
        tpu.vector_store %arg12[%swap3A_663, %swap3A_664, %swap3A_665, %swap3A_666], %add3A_661 {strides = array<i32>} : memref<2x3x2x128xi32, #tpu.memory_space<vmem>>, vector<16xi32>,
      }
      %scan3A_533 = arith.constant 3 : i32
      %scan3A_534 = arith.constant 0 : i32
      %scan3A_535 = arith.constant 3 : i32
      %scan3A_536 = arith.addi %scan3A_534, %scan3A_535 : i32
      %scan3A_537 = arith.constant 1 : i32
      scf.for %scan3A_555 = %scan3A_534 to %scan3A_536 step %scan3A_537  : i32 {
        %dma_start3A_556 = arith.constant 0 : i32
        %dma_start3A_557 = arith.constant 0 : i32
        %dma_start3A_558 = arith.constant 0 : i32
        %dma_start3A_559 = tpu.memref_slice %arg13[%rem3A_522, %scan3A_555, %dma_start3A_557, %dma_start3A_558] : memref<2x3x128x32xf32, #tpu.memory_space<vmem>> -> memref<1x1x128x32xf32, #tpu.memory_space<vmem>>
        %dma_start3A_560 = tpu.memref_squeeze %dma_start3A_559 : memref<1x1x128x32xf32, #tpu.memory_space<vmem>> -> memref<128x32xf32, #tpu.memory_space<vmem>>
        %dma_start3A_561 = arith.constant 0 : i32
        %dma_start3A_562 = tpu.memref_slice %arg12[%rem3A_522, %scan3A_555, %dma_start3A_556, %dma_start3A_561] : memref<2x3x2x128xi32, #tpu.memory_space<vmem>> -> memref<1x1x1x128xi32, #tpu.memory_space<vmem>>
        %dma_start3A_563 = tpu.memref_squeeze %dma_start3A_562 : memref<1x1x1x128xi32, #tpu.memory_space<vmem>> -> memref<128xi32, #tpu.memory_space<vmem>>
        %dma_start3A_564 = arith.constant 0 : i32
        %dma_start3A_565 = arith.constant 0 : i32
        %dma_start3A_566 = tpu.memref_slice %arg9[%dma_start3A_564, %dma_start3A_565] : memref<100096x32xf32, #tpu.memory_space<hbm>> -> memref<100096x32xf32, #tpu.memory_space<hbm>>
        %dma_start3A_567 = tpu.memref_slice %arg18[%rem3A_522] : memref<2x!tpu.dma_semaphore, #tpu.memory_space<semaphore_mem>> -> memref<1x!tpu.dma_semaphore, #tpu.memory_space<semaphore_mem>>
        %dma_start3A_568 = tpu.memref_squeeze %dma_start3A_567 : memref<1x!tpu.dma_semaphore, #tpu.memory_space<semaphore_mem>> -> memref<!tpu.dma_semaphore, #tpu.memory_space<semaphore_mem>>
        tpu.enqueue_indirect_dma source(%dma_start3A_566 : memref<100096x32xf32, #tpu.memory_space<hbm>>) target(%dma_start3A_560 : memref<128x32xf32, #tpu.memory_space<vmem>>) offsets(%dma_start3A_563 : memref<128xi32, #tpu.memory_space<vmem>>) semaphore(%dma_start3A_568 : memref<!tpu.dma_semaphore, #tpu.memory_space<semaphore_mem>>)
      }
      %scan3A_538 = arith.constant 3 : i32
      %gt3A = arith.constant 0 : i32
      %gt3A_539 = arith.cmpi sgt, %scan3A_521, %gt3A : i32
      %convert_element_type3A = arith.extui %gt3A_539 : i1 to i32
      %cond3A = arith.constant 0 : i32
      %cond3A_540 = arith.cmpi ne, %convert_element_type3A, %cond3A : i32
      scf.if %cond3A_540 {
        %scan3A_555 = arith.constant 0 : i32
        %scan3A_556 = arith.constant 3 : i32
        %scan3A_557 = arith.addi %scan3A_555, %scan3A_556 : i32
        %scan3A_558 = arith.constant 1 : i32
        scf.for %scan3A_560 = %scan3A_555 to %scan3A_557 step %scan3A_558  : i32 {
          %dma_wait3A_561 = arith.constant 1 : i32
          %dma_wait3A_562 = arith.constant 0 : i32
          %dma_wait3A_563 = arith.constant 0 : i32
          %dma_wait3A_564 = tpu.memref_slice %arg13[%sub3A_523, %scan3A_560, %dma_wait3A_562, %dma_wait3A_563] : memref<2x3x128x32xf32, #tpu.memory_space<vmem>> -> memref<1x1x128x32xf32, #tpu.memory_space<vmem>>
          %dma_wait3A_565 = tpu.memref_squeeze %dma_wait3A_564 : memref<1x1x128x32xf32, #tpu.memory_space<vmem>> -> memref<128x32xf32, #tpu.memory_space<vmem>>
          %dma_wait3A_566 = arith.constant 0 : i32
          %dma_wait3A_567 = tpu.memref_slice %arg12[%sub3A_523, %scan3A_560, %dma_wait3A_561, %dma_wait3A_566] : memref<2x3x2x128xi32, #tpu.memory_space<vmem>> -> memref<1x1x1x128xi32, #tpu.memory_space<vmem>>
          %dma_wait3A_568 = tpu.memref_squeeze %dma_wait3A_567 : memref<1x1x1x128xi32, #tpu.memory_space<vmem>> -> memref<128xi32, #tpu.memory_space<vmem>>
          %dma_wait3A_569 = arith.constant 0 : i32
          %dma_wait3A_570 = arith.constant 0 : i32
          %dma_wait3A_571 = tpu.memref_slice %arg20[%dma_wait3A_569, %dma_wait3A_570] : memref<50048x32xf32, #tpu.memory_space<vmem_shared>> -> memref<50048x32xf32, #tpu.memory_space<vmem_shared>>
          %dma_wait3A_572 = tpu.memref_slice %arg19[%sub3A_523] : memref<2x!tpu.dma_semaphore, #tpu.memory_space<semaphore_mem>> -> memref<1x!tpu.dma_semaphore, #tpu.memory_space<semaphore_mem>>
          %dma_wait3A_573 = tpu.memref_squeeze %dma_wait3A_572 : memref<1x!tpu.dma_semaphore, #tpu.memory_space<semaphore_mem>> -> memref<!tpu.dma_semaphore, #tpu.memory_space<semaphore_mem>>
          tpu.wait_indirect_dma semaphore(%dma_wait3A_573 : memref<!tpu.dma_semaphore, #tpu.memory_space<semaphore_mem>>) src(%dma_wait3A_565 : memref<128x32xf32, #tpu.memory_space<vmem>>) dst(%dma_wait3A_571 : memref<50048x32xf32, #tpu.memory_space<vmem_shared>>)
        }
        %scan3A_559 = arith.constant 3 : i32
      } else {
      }
      %lt3A = arith.constant 129 : i32
      %lt3A_541 = arith.cmpi slt, %scan3A_521, %lt3A : i32
      %convert_element_type3A_542 = arith.extui %lt3A_541 : i1 to i32
      %cond3A_543 = arith.constant 0 : i32
      %cond3A_544 = arith.cmpi ne, %convert_element_type3A_542, %cond3A_543 : i32
      scf.if %cond3A_544 {
        %add3A_555 = arith.constant 1 : i32
        %add3A_556 = arith.addi %scan3A_521, %add3A_555 : i32
        %scan3A_557 = arith.constant 0 : i32
        %scan3A_558 = arith.constant 3 : i32
        %scan3A_559 = arith.addi %scan3A_557, %scan3A_558 : i32
        %scan3A_560 = arith.constant 1 : i32
        scf.for %scan3A_562 = %scan3A_557 to %scan3A_559 step %scan3A_560  : i32 {
          %mul3A_563 = arith.constant 3 : i32
          %mul3A_564 = arith.muli %add3A_556, %mul3A_563 : i32
          %add3A_565 = arith.addi %mul3A_564, %scan3A_562 : i32
          %mul3A_566 = arith.constant 128 : i32
          %mul3A_567 = arith.muli %add3A_565, %mul3A_566 : i32
          %add3A_568 = arith.addi %mul3A_2, %mul3A_567 : i32
          %dma_start3A_569 = arith.constant 0 : i32
          %dma_start3A_570 = arith.constant 0 : i32
          %dma_start3A_571 = tpu.memref_slice %arg12[%sub3A_523, %scan3A_562, %dma_start3A_569, %dma_start3A_570] : memref<2x3x2x128xi32, #tpu.memory_space<vmem>> -> memref<1x1x1x128xi32, #tpu.memory_space<vmem>>
          %dma_start3A_572 = tpu.memref_squeeze %dma_start3A_571 : memref<1x1x1x128xi32, #tpu.memory_space<vmem>> -> memref<128xi32, #tpu.memory_space<vmem>>
          %dma_start3A_573 = tpu.memref_slice %arg3[%add3A_568] : memref<800000xi32, #tpu.memory_space<hbm>> -> memref<128xi32, #tpu.memory_space<hbm>>
          %dma_start3A_574 = tpu.memref_slice %arg17[%sub3A_523] : memref<2x!tpu.dma_semaphore, #tpu.memory_space<semaphore_mem>> -> memref<1x!tpu.dma_semaphore, #tpu.memory_space<semaphore_mem>>
          %dma_start3A_575 = tpu.memref_squeeze %dma_start3A_574 : memref<1x!tpu.dma_semaphore, #tpu.memory_space<semaphore_mem>> -> memref<!tpu.dma_semaphore, #tpu.memory_space<semaphore_mem>>
          %dma_start3A_576 = arith.constant 0 : i32
          %dma_start3A_577 = tpu.memref_slice %arg12[%sub3A_523, %scan3A_562, %dma_start3A_569, %dma_start3A_576] : memref<2x3x2x128xi32, #tpu.memory_space<vmem>> -> memref<1x1x1x128xi32, #tpu.memory_space<vmem>>
          %dma_start3A_578 = tpu.memref_squeeze %dma_start3A_577 : memref<1x1x1x128xi32, #tpu.memory_space<vmem>> -> memref<128xi32, #tpu.memory_space<vmem>>
          %dma_start3A_579 = tpu.memref_slice %arg3[%add3A_568] : memref<800000xi32, #tpu.memory_space<hbm>> -> memref<128xi32, #tpu.memory_space<hbm>>
          tpu.enqueue_dma source(%dma_start3A_579 : memref<128xi32, #tpu.memory_space<hbm>>) target(%dma_start3A_578 : memref<128xi32, #tpu.memory_space<vmem>>) target_semaphore(%dma_start3A_575 : memref<!tpu.dma_semaphore, #tpu.memory_space<semaphore_mem>>)
          %dma_start3A_580 = arith.constant 1 : i32
          %dma_start3A_581 = arith.constant 0 : i32
          %dma_start3A_582 = tpu.memref_slice %arg12[%sub3A_523, %scan3A_562, %dma_start3A_580, %dma_start3A_581] : memref<2x3x2x128xi32, #tpu.memory_space<vmem>> -> memref<1x1x1x128xi32, #tpu.memory_space<vmem>>
          %dma_start3A_583 = tpu.memref_squeeze %dma_start3A_582 : memref<1x1x1x128xi32, #tpu.memory_space<vmem>> -> memref<128xi32, #tpu.memory_space<vmem>>
          %dma_start3A_584 = tpu.memref_slice %arg4[%add3A_568] : memref<800000xi32, #tpu.memory_space<hbm>> -> memref<128xi32, #tpu.memory_space<hbm>>
          %dma_start3A_585 = tpu.memref_slice %arg17[%sub3A_523] : memref<2x!tpu.dma_semaphore, #tpu.memory_space<semaphore_mem>> -> memref<1x!tpu.dma_semaphore, #tpu.memory_space<semaphore_mem>>
          %dma_start3A_586 = tpu.memref_squeeze %dma_start3A_585 : memref<1x!tpu.dma_semaphore, #tpu.memory_space<semaphore_mem>> -> memref<!tpu.dma_semaphore, #tpu.memory_space<semaphore_mem>>
          %dma_start3A_587 = arith.constant 0 : i32
          %dma_start3A_588 = tpu.memref_slice %arg12[%sub3A_523, %scan3A_562, %dma_start3A_580, %dma_start3A_587] : memref<2x3x2x128xi32, #tpu.memory_space<vmem>> -> memref<1x1x1x128xi32, #tpu.memory_space<vmem>>
          %dma_start3A_589 = tpu.memref_squeeze %dma_start3A_588 : memref<1x1x1x128xi32, #tpu.memory_space<vmem>> -> memref<128xi32, #tpu.memory_space<vmem>>
          %dma_start3A_590 = tpu.memref_slice %arg4[%add3A_568] : memref<800000xi32, #tpu.memory_space<hbm>> -> memref<128xi32, #tpu.memory_space<hbm>>
          tpu.enqueue_dma source(%dma_start3A_590 : memref<128xi32, #tpu.memory_space<hbm>>) target(%dma_start3A_589 : memref<128xi32, #tpu.memory_space<vmem>>) target_semaphore(%dma_start3A_586 : memref<!tpu.dma_semaphore, #tpu.memory_space<semaphore_mem>>)
        }
        %scan3A_561 = arith.constant 3 : i32
      } else {
      }
      %scan3A_545 = arith.constant 0 : i32
      %scan3A_546 = arith.constant 3 : i32
      %scan3A_547 = arith.addi %scan3A_545, %scan3A_546 : i32
      %scan3A_548 = arith.constant 1 : i32
      scf.for %scan3A_555 = %scan3A_545 to %scan3A_547 step %scan3A_548  : i32 {
        %dma_wait3A_556 = arith.constant 0 : i32
        %dma_wait3A_557 = arith.constant 0 : i32
        %dma_wait3A_558 = arith.constant 0 : i32
        %dma_wait3A_559 = tpu.memref_slice %arg13[%rem3A_522, %scan3A_555, %dma_wait3A_557, %dma_wait3A_558] : memref<2x3x128x32xf32, #tpu.memory_space<vmem>> -> memref<1x1x128x32xf32, #tpu.memory_space<vmem>>
        %dma_wait3A_560 = tpu.memref_squeeze %dma_wait3A_559 : memref<1x1x128x32xf32, #tpu.memory_space<vmem>> -> memref<128x32xf32, #tpu.memory_space<vmem>>
        %dma_wait3A_561 = arith.constant 0 : i32
        %dma_wait3A_562 = tpu.memref_slice %arg12[%rem3A_522, %scan3A_555, %dma_wait3A_556, %dma_wait3A_561] : memref<2x3x2x128xi32, #tpu.memory_space<vmem>> -> memref<1x1x1x128xi32, #tpu.memory_space<vmem>>
        %dma_wait3A_563 = tpu.memref_squeeze %dma_wait3A_562 : memref<1x1x1x128xi32, #tpu.memory_space<vmem>> -> memref<128xi32, #tpu.memory_space<vmem>>
        %dma_wait3A_564 = arith.constant 0 : i32
        %dma_wait3A_565 = arith.constant 0 : i32
        %dma_wait3A_566 = tpu.memref_slice %arg9[%dma_wait3A_564, %dma_wait3A_565] : memref<100096x32xf32, #tpu.memory_space<hbm>> -> memref<100096x32xf32, #tpu.memory_space<hbm>>
        %dma_wait3A_567 = tpu.memref_slice %arg18[%rem3A_522] : memref<2x!tpu.dma_semaphore, #tpu.memory_space<semaphore_mem>> -> memref<1x!tpu.dma_semaphore, #tpu.memory_space<semaphore_mem>>
        %dma_wait3A_568 = tpu.memref_squeeze %dma_wait3A_567 : memref<1x!tpu.dma_semaphore, #tpu.memory_space<semaphore_mem>> -> memref<!tpu.dma_semaphore, #tpu.memory_space<semaphore_mem>>
        tpu.wait_indirect_dma semaphore(%dma_wait3A_568 : memref<!tpu.dma_semaphore, #tpu.memory_space<semaphore_mem>>) src(%dma_wait3A_566 : memref<100096x32xf32, #tpu.memory_space<hbm>>) dst(%dma_wait3A_560 : memref<128x32xf32, #tpu.memory_space<vmem>>)
      }
      %scan3A_549 = arith.constant 3 : i32
      %scan3A_550 = arith.constant 0 : i32
      %scan3A_551 = arith.constant 3 : i32
      %scan3A_552 = arith.addi %scan3A_550, %scan3A_551 : i32
      %scan3A_553 = arith.constant 1 : i32
      scf.for %scan3A_555 = %scan3A_550 to %scan3A_552 step %scan3A_553  : i32 {
        %dma_start3A_556 = arith.constant 1 : i32
        %dma_start3A_557 = arith.constant 0 : i32
        %dma_start3A_558 = arith.constant 0 : i32
        %dma_start3A_559 = tpu.memref_slice %arg13[%rem3A_522, %scan3A_555, %dma_start3A_557, %dma_start3A_558] : memref<2x3x128x32xf32, #tpu.memory_space<vmem>> -> memref<1x1x128x32xf32, #tpu.memory_space<vmem>>
        %dma_start3A_560 = tpu.memref_squeeze %dma_start3A_559 : memref<1x1x128x32xf32, #tpu.memory_space<vmem>> -> memref<128x32xf32, #tpu.memory_space<vmem>>
        %dma_start3A_561 = arith.constant 0 : i32
        %dma_start3A_562 = tpu.memref_slice %arg12[%rem3A_522, %scan3A_555, %dma_start3A_556, %dma_start3A_561] : memref<2x3x2x128xi32, #tpu.memory_space<vmem>> -> memref<1x1x1x128xi32, #tpu.memory_space<vmem>>
        %dma_start3A_563 = tpu.memref_squeeze %dma_start3A_562 : memref<1x1x1x128xi32, #tpu.memory_space<vmem>> -> memref<128xi32, #tpu.memory_space<vmem>>
        %dma_start3A_564 = arith.constant 0 : i32
        %dma_start3A_565 = arith.constant 0 : i32
        %dma_start3A_566 = tpu.memref_slice %arg20[%dma_start3A_564, %dma_start3A_565] : memref<50048x32xf32, #tpu.memory_space<vmem_shared>> -> memref<50048x32xf32, #tpu.memory_space<vmem_shared>>
        %dma_start3A_567 = tpu.memref_slice %arg19[%rem3A_522] : memref<2x!tpu.dma_semaphore, #tpu.memory_space<semaphore_mem>> -> memref<1x!tpu.dma_semaphore, #tpu.memory_space<semaphore_mem>>
        %dma_start3A_568 = tpu.memref_squeeze %dma_start3A_567 : memref<1x!tpu.dma_semaphore, #tpu.memory_space<semaphore_mem>> -> memref<!tpu.dma_semaphore, #tpu.memory_space<semaphore_mem>>
        tpu.enqueue_indirect_dma source(%dma_start3A_560 : memref<128x32xf32, #tpu.memory_space<vmem>>) target(%dma_start3A_566 : memref<50048x32xf32, #tpu.memory_space<vmem_shared>>) offsets(%dma_start3A_563 : memref<128xi32, #tpu.memory_space<vmem>>) semaphore(%dma_start3A_568 : memref<!tpu.dma_semaphore, #tpu.memory_space<semaphore_mem>>) {add = true}
      }
      %scan3A_554 = arith.constant 3 : i32
    }
    %scan3A_225 = arith.constant 130 : i32
    %scan3A_226 = arith.constant 0 : i32
    %scan3A_227 = arith.constant 3 : i32
    %scan3A_228 = arith.addi %scan3A_226, %scan3A_227 : i32
    %scan3A_229 = arith.constant 1 : i32
    scf.for %scan3A_521 = %scan3A_226 to %scan3A_228 step %scan3A_229  : i32 {
      %dma_wait3A_522 = arith.constant 1 : i32
      %dma_wait3A_523 = arith.constant 1 : i32
      %dma_wait3A_524 = arith.constant 1 : i32
      %dma_wait3A_525 = arith.constant 1 : i32
      %dma_wait3A_526 = arith.constant 0 : i32
      %dma_wait3A_527 = arith.constant 0 : i32
      %dma_wait3A_528 = tpu.memref_slice %arg13[%dma_wait3A_522, %scan3A_521, %dma_wait3A_526, %dma_wait3A_527] : memref<2x3x128x32xf32, #tpu.memory_space<vmem>> -> memref<1x1x128x32xf32, #tpu.memory_space<vmem>>
      %dma_wait3A_529 = tpu.memref_squeeze %dma_wait3A_528 : memref<1x1x128x32xf32, #tpu.memory_space<vmem>> -> memref<128x32xf32, #tpu.memory_space<vmem>>
      %dma_wait3A_530 = arith.constant 0 : i32
      %dma_wait3A_531 = tpu.memref_slice %arg12[%dma_wait3A_523, %scan3A_521, %dma_wait3A_524, %dma_wait3A_530] : memref<2x3x2x128xi32, #tpu.memory_space<vmem>> -> memref<1x1x1x128xi32, #tpu.memory_space<vmem>>
      %dma_wait3A_532 = tpu.memref_squeeze %dma_wait3A_531 : memref<1x1x1x128xi32, #tpu.memory_space<vmem>> -> memref<128xi32, #tpu.memory_space<vmem>>
      %dma_wait3A_533 = arith.constant 0 : i32
      %dma_wait3A_534 = arith.constant 0 : i32
      %dma_wait3A_535 = tpu.memref_slice %arg20[%dma_wait3A_533, %dma_wait3A_534] : memref<50048x32xf32, #tpu.memory_space<vmem_shared>> -> memref<50048x32xf32, #tpu.memory_space<vmem_shared>>
      %dma_wait3A_536 = tpu.memref_slice %arg19[%dma_wait3A_525] : memref<2x!tpu.dma_semaphore, #tpu.memory_space<semaphore_mem>> -> memref<1x!tpu.dma_semaphore, #tpu.memory_space<semaphore_mem>>
      %dma_wait3A_537 = tpu.memref_squeeze %dma_wait3A_536 : memref<1x!tpu.dma_semaphore, #tpu.memory_space<semaphore_mem>> -> memref<!tpu.dma_semaphore, #tpu.memory_space<semaphore_mem>>
      tpu.wait_indirect_dma semaphore(%dma_wait3A_537 : memref<!tpu.dma_semaphore, #tpu.memory_space<semaphore_mem>>) src(%dma_wait3A_529 : memref<128x32xf32, #tpu.memory_space<vmem>>) dst(%dma_wait3A_535 : memref<50048x32xf32, #tpu.memory_space<vmem_shared>>)
    }
    %scan3A_230 = arith.constant 3 : i32
    %add3A_231 = arith.constant 49920 : i32
    %add3A_232 = arith.addi %mul3A_2, %add3A_231 : i32
    %run_scoped3A_233 = arith.constant 0 : i32
    "tpu.region"() ({
      %run_scoped3A_521 = tpu.sem_alloc : memref<!tpu.dma_semaphore, #tpu.memory_space<semaphore_mem>>
      %dma_start3A_522 = arith.constant 0 : i32
      %dma_start3A_523 = tpu.memref_slice %arg11[%run_scoped3A_233, %dma_start3A_522] : memref<2x128xi32, #tpu.memory_space<vmem>> -> memref<1x80xi32, #tpu.memory_space<vmem>>
      %dma_start3A_524 = tpu.memref_squeeze %dma_start3A_523 : memref<1x80xi32, #tpu.memory_space<vmem>> -> memref<80xi32, #tpu.memory_space<vmem>>
      %dma_start3A_525 = tpu.memref_slice %arg3[%add3A_232] : memref<800000xi32, #tpu.memory_space<hbm>> -> memref<80xi32, #tpu.memory_space<hbm>>
      %dma_start3A_526 = arith.constant 0 : i32
      %dma_start3A_527 = tpu.memref_slice %arg11[%run_scoped3A_233, %dma_start3A_526] : memref<2x128xi32, #tpu.memory_space<vmem>> -> memref<1x80xi32, #tpu.memory_space<vmem>>
      %dma_start3A_528 = tpu.memref_squeeze %dma_start3A_527 : memref<1x80xi32, #tpu.memory_space<vmem>> -> memref<80xi32, #tpu.memory_space<vmem>>
      %dma_start3A_529 = tpu.memref_slice %arg3[%add3A_232] : memref<800000xi32, #tpu.memory_space<hbm>> -> memref<80xi32, #tpu.memory_space<hbm>>
      tpu.enqueue_dma source(%dma_start3A_529 : memref<80xi32, #tpu.memory_space<hbm>>) target(%dma_start3A_528 : memref<80xi32, #tpu.memory_space<vmem>>) target_semaphore(%run_scoped3A_521 : memref<!tpu.dma_semaphore, #tpu.memory_space<semaphore_mem>>)
      %dma_wait3A_530 = arith.constant 0 : i32
      %dma_wait3A_531 = tpu.memref_slice %arg11[%run_scoped3A_233, %dma_wait3A_530] : memref<2x128xi32, #tpu.memory_space<vmem>> -> memref<1x80xi32, #tpu.memory_space<vmem>>
      %dma_wait3A_532 = tpu.memref_squeeze %dma_wait3A_531 : memref<1x80xi32, #tpu.memory_space<vmem>> -> memref<80xi32, #tpu.memory_space<vmem>>
      %dma_wait3A_533 = tpu.memref_slice %arg3[%add3A_232] : memref<800000xi32, #tpu.memory_space<hbm>> -> memref<80xi32, #tpu.memory_space<hbm>>
      %dma_wait3A_534 = arith.constant 0 : i32
      %dma_wait3A_535 = tpu.memref_slice %arg11[%run_scoped3A_233, %dma_wait3A_534] : memref<2x128xi32, #tpu.memory_space<vmem>> -> memref<1x80xi32, #tpu.memory_space<vmem>>
      %dma_wait3A_536 = tpu.memref_squeeze %dma_wait3A_535 : memref<1x80xi32, #tpu.memory_space<vmem>> -> memref<80xi32, #tpu.memory_space<vmem>>
      %dma_wait3A_537 = tpu.memref_slice %arg3[%add3A_232] : memref<800000xi32, #tpu.memory_space<hbm>> -> memref<80xi32, #tpu.memory_space<hbm>>
      tpu.wait_dma2 semaphore(%run_scoped3A_521 : memref<!tpu.dma_semaphore, #tpu.memory_space<semaphore_mem>>) src(%dma_wait3A_537 : memref<80xi32, #tpu.memory_space<hbm>>) dst(%dma_wait3A_536 : memref<80xi32, #tpu.memory_space<vmem>>)
      tpu.yield
    }) : () -> ()
    %broadcast_in_dim3A_234 = arith.constant 0 : i32
    %broadcast_in_dim3A_235 = vector.broadcast %broadcast_in_dim3A_234 : i32 to vector<16xi32>
    %swap3A_236 = arith.constant 0 : i32
    %swap3A_237 = arith.index_cast %swap3A_236 : i32 to index
    %swap3A_238 = arith.constant 80 : index
    %swap3A_239 = tpu.vector_load %arg11[%swap3A_237, %swap3A_238] {strides = array<i32>} : memref<2x128xi32, #tpu.memory_space<vmem>>, vector<16xi32>,
    tpu.vector_store %arg11[%swap3A_237, %swap3A_238], %broadcast_in_dim3A_235 {strides = array<i32>} : memref<2x128xi32, #tpu.memory_space<vmem>>, vector<16xi32>,
    %swap3A_240 = arith.constant 0 : i32
    %swap3A_241 = arith.index_cast %swap3A_240 : i32 to index
    %swap3A_242 = arith.constant 96 : index
    %swap3A_243 = tpu.vector_load %arg11[%swap3A_241, %swap3A_242] {strides = array<i32>} : memref<2x128xi32, #tpu.memory_space<vmem>>, vector<16xi32>,
    tpu.vector_store %arg11[%swap3A_241, %swap3A_242], %broadcast_in_dim3A_235 {strides = array<i32>} : memref<2x128xi32, #tpu.memory_space<vmem>>, vector<16xi32>,
    %swap3A_244 = arith.constant 0 : i32
    %swap3A_245 = arith.index_cast %swap3A_244 : i32 to index
    %swap3A_246 = arith.constant 112 : index
    %swap3A_247 = tpu.vector_load %arg11[%swap3A_245, %swap3A_246] {strides = array<i32>} : memref<2x128xi32, #tpu.memory_space<vmem>>, vector<16xi32>,
    tpu.vector_store %arg11[%swap3A_245, %swap3A_246], %broadcast_in_dim3A_235 {strides = array<i32>} : memref<2x128xi32, #tpu.memory_space<vmem>>, vector<16xi32>,
    %add3A_248 = arith.constant 49920 : i32
    %add3A_249 = arith.addi %mul3A_2, %add3A_248 : i32
    %run_scoped3A_250 = arith.constant 1 : i32
    "tpu.region"() ({
      %run_scoped3A_521 = tpu.sem_alloc : memref<!tpu.dma_semaphore, #tpu.memory_space<semaphore_mem>>
      %dma_start3A_522 = arith.constant 0 : i32
      %dma_start3A_523 = tpu.memref_slice %arg11[%run_scoped3A_250, %dma_start3A_522] : memref<2x128xi32, #tpu.memory_space<vmem>> -> memref<1x80xi32, #tpu.memory_space<vmem>>
      %dma_start3A_524 = tpu.memref_squeeze %dma_start3A_523 : memref<1x80xi32, #tpu.memory_space<vmem>> -> memref<80xi32, #tpu.memory_space<vmem>>
      %dma_start3A_525 = tpu.memref_slice %arg4[%add3A_249] : memref<800000xi32, #tpu.memory_space<hbm>> -> memref<80xi32, #tpu.memory_space<hbm>>
      %dma_start3A_526 = arith.constant 0 : i32
      %dma_start3A_527 = tpu.memref_slice %arg11[%run_scoped3A_250, %dma_start3A_526] : memref<2x128xi32, #tpu.memory_space<vmem>> -> memref<1x80xi32, #tpu.memory_space<vmem>>
      %dma_start3A_528 = tpu.memref_squeeze %dma_start3A_527 : memref<1x80xi32, #tpu.memory_space<vmem>> -> memref<80xi32, #tpu.memory_space<vmem>>
      %dma_start3A_529 = tpu.memref_slice %arg4[%add3A_249] : memref<800000xi32, #tpu.memory_space<hbm>> -> memref<80xi32, #tpu.memory_space<hbm>>
      tpu.enqueue_dma source(%dma_start3A_529 : memref<80xi32, #tpu.memory_space<hbm>>) target(%dma_start3A_528 : memref<80xi32, #tpu.memory_space<vmem>>) target_semaphore(%run_scoped3A_521 : memref<!tpu.dma_semaphore, #tpu.memory_space<semaphore_mem>>)
      %dma_wait3A_530 = arith.constant 0 : i32
      %dma_wait3A_531 = tpu.memref_slice %arg11[%run_scoped3A_250, %dma_wait3A_530] : memref<2x128xi32, #tpu.memory_space<vmem>> -> memref<1x80xi32, #tpu.memory_space<vmem>>
      %dma_wait3A_532 = tpu.memref_squeeze %dma_wait3A_531 : memref<1x80xi32, #tpu.memory_space<vmem>> -> memref<80xi32, #tpu.memory_space<vmem>>
      %dma_wait3A_533 = tpu.memref_slice %arg4[%add3A_249] : memref<800000xi32, #tpu.memory_space<hbm>> -> memref<80xi32, #tpu.memory_space<hbm>>
      %dma_wait3A_534 = arith.constant 0 : i32
      %dma_wait3A_535 = tpu.memref_slice %arg11[%run_scoped3A_250, %dma_wait3A_534] : memref<2x128xi32, #tpu.memory_space<vmem>> -> memref<1x80xi32, #tpu.memory_space<vmem>>
      %dma_wait3A_536 = tpu.memref_squeeze %dma_wait3A_535 : memref<1x80xi32, #tpu.memory_space<vmem>> -> memref<80xi32, #tpu.memory_space<vmem>>
      %dma_wait3A_537 = tpu.memref_slice %arg4[%add3A_249] : memref<800000xi32, #tpu.memory_space<hbm>> -> memref<80xi32, #tpu.memory_space<hbm>>
      tpu.wait_dma2 semaphore(%run_scoped3A_521 : memref<!tpu.dma_semaphore, #tpu.memory_space<semaphore_mem>>) src(%dma_wait3A_537 : memref<80xi32, #tpu.memory_space<hbm>>) dst(%dma_wait3A_536 : memref<80xi32, #tpu.memory_space<vmem>>)
      tpu.yield
    }) : () -> ()
    %broadcast_in_dim3A_251 = arith.constant 50047 : i32
    %broadcast_in_dim3A_252 = vector.broadcast %broadcast_in_dim3A_251 : i32 to vector<16xi32>
    %swap3A_253 = arith.constant 1 : i32
    %swap3A_254 = arith.index_cast %swap3A_253 : i32 to index
    %swap3A_255 = arith.constant 80 : index
    %swap3A_256 = tpu.vector_load %arg11[%swap3A_254, %swap3A_255] {strides = array<i32>} : memref<2x128xi32, #tpu.memory_space<vmem>>, vector<16xi32>,
    tpu.vector_store %arg11[%swap3A_254, %swap3A_255], %broadcast_in_dim3A_252 {strides = array<i32>} : memref<2x128xi32, #tpu.memory_space<vmem>>, vector<16xi32>,
    %swap3A_257 = arith.constant 1 : i32
    %swap3A_258 = arith.index_cast %swap3A_257 : i32 to index
    %swap3A_259 = arith.constant 96 : index
    %swap3A_260 = tpu.vector_load %arg11[%swap3A_258, %swap3A_259] {strides = array<i32>} : memref<2x128xi32, #tpu.memory_space<vmem>>, vector<16xi32>,
    tpu.vector_store %arg11[%swap3A_258, %swap3A_259], %broadcast_in_dim3A_252 {strides = array<i32>} : memref<2x128xi32, #tpu.memory_space<vmem>>, vector<16xi32>,
    %swap3A_261 = arith.constant 1 : i32
    %swap3A_262 = arith.index_cast %swap3A_261 : i32 to index
    %swap3A_263 = arith.constant 112 : index
    %swap3A_264 = tpu.vector_load %arg11[%swap3A_262, %swap3A_263] {strides = array<i32>} : memref<2x128xi32, #tpu.memory_space<vmem>>, vector<16xi32>,
    tpu.vector_store %arg11[%swap3A_262, %swap3A_263], %broadcast_in_dim3A_252 {strides = array<i32>} : memref<2x128xi32, #tpu.memory_space<vmem>>, vector<16xi32>,
    %get3A = arith.constant 0 : i32
    %get3A_265 = arith.index_cast %get3A : i32 to index
    %get3A_266 = arith.constant 0 : index
    %get3A_267 = tpu.vector_load %arg11[%get3A_265, %get3A_266] {strides = array<i32>} : memref<2x128xi32, #tpu.memory_space<vmem>>, vector<16xi32>,
    %add3A_268 = vector.broadcast %mul3A_0 : i32 to vector<16xi32>
    %add3A_269 = arith.addi %get3A_267, %add3A_268 : vector<16xi32>
    %swap3A_270 = arith.constant 0 : i32
    %swap3A_271 = arith.index_cast %swap3A_270 : i32 to index
    %swap3A_272 = arith.constant 0 : index
    %swap3A_273 = tpu.vector_load %arg11[%swap3A_271, %swap3A_272] {strides = array<i32>} : memref<2x128xi32, #tpu.memory_space<vmem>>, vector<16xi32>,
    tpu.vector_store %arg11[%swap3A_271, %swap3A_272], %add3A_269 {strides = array<i32>} : memref<2x128xi32, #tpu.memory_space<vmem>>, vector<16xi32>,
    %get3A_274 = arith.constant 0 : i32
    %get3A_275 = arith.index_cast %get3A_274 : i32 to index
    %get3A_276 = arith.constant 16 : index
    %get3A_277 = tpu.vector_load %arg11[%get3A_275, %get3A_276] {strides = array<i32>} : memref<2x128xi32, #tpu.memory_space<vmem>>, vector<16xi32>,
    %add3A_278 = vector.broadcast %mul3A_0 : i32 to vector<16xi32>
    %add3A_279 = arith.addi %get3A_277, %add3A_278 : vector<16xi32>
    %swap3A_280 = arith.constant 0 : i32
    %swap3A_281 = arith.index_cast %swap3A_280 : i32 to index
    %swap3A_282 = arith.constant 16 : index
    %swap3A_283 = tpu.vector_load %arg11[%swap3A_281, %swap3A_282] {strides = array<i32>} : memref<2x128xi32, #tpu.memory_space<vmem>>, vector<16xi32>,
    tpu.vector_store %arg11[%swap3A_281, %swap3A_282], %add3A_279 {strides = array<i32>} : memref<2x128xi32, #tpu.memory_space<vmem>>, vector<16xi32>,
    %get3A_284 = arith.constant 0 : i32
    %get3A_285 = arith.index_cast %get3A_284 : i32 to index
    %get3A_286 = arith.constant 32 : index
    %get3A_287 = tpu.vector_load %arg11[%get3A_285, %get3A_286] {strides = array<i32>} : memref<2x128xi32, #tpu.memory_space<vmem>>, vector<16xi32>,
    %add3A_288 = vector.broadcast %mul3A_0 : i32 to vector<16xi32>
    %add3A_289 = arith.addi %get3A_287, %add3A_288 : vector<16xi32>
    %swap3A_290 = arith.constant 0 : i32
    %swap3A_291 = arith.index_cast %swap3A_290 : i32 to index
    %swap3A_292 = arith.constant 32 : index
    %swap3A_293 = tpu.vector_load %arg11[%swap3A_291, %swap3A_292] {strides = array<i32>} : memref<2x128xi32, #tpu.memory_space<vmem>>, vector<16xi32>,
    tpu.vector_store %arg11[%swap3A_291, %swap3A_292], %add3A_289 {strides = array<i32>} : memref<2x128xi32, #tpu.memory_space<vmem>>, vector<16xi32>,
    %get3A_294 = arith.constant 0 : i32
    %get3A_295 = arith.index_cast %get3A_294 : i32 to index
    %get3A_296 = arith.constant 48 : index
    %get3A_297 = tpu.vector_load %arg11[%get3A_295, %get3A_296] {strides = array<i32>} : memref<2x128xi32, #tpu.memory_space<vmem>>, vector<16xi32>,
    %add3A_298 = vector.broadcast %mul3A_0 : i32 to vector<16xi32>
    %add3A_299 = arith.addi %get3A_297, %add3A_298 : vector<16xi32>
    %swap3A_300 = arith.constant 0 : i32
    %swap3A_301 = arith.index_cast %swap3A_300 : i32 to index
    %swap3A_302 = arith.constant 48 : index
    %swap3A_303 = tpu.vector_load %arg11[%swap3A_301, %swap3A_302] {strides = array<i32>} : memref<2x128xi32, #tpu.memory_space<vmem>>, vector<16xi32>,
    tpu.vector_store %arg11[%swap3A_301, %swap3A_302], %add3A_299 {strides = array<i32>} : memref<2x128xi32, #tpu.memory_space<vmem>>, vector<16xi32>,
    %get3A_304 = arith.constant 0 : i32
    %get3A_305 = arith.index_cast %get3A_304 : i32 to index
    %get3A_306 = arith.constant 64 : index
    %get3A_307 = tpu.vector_load %arg11[%get3A_305, %get3A_306] {strides = array<i32>} : memref<2x128xi32, #tpu.memory_space<vmem>>, vector<16xi32>,
    %add3A_308 = vector.broadcast %mul3A_0 : i32 to vector<16xi32>
    %add3A_309 = arith.addi %get3A_307, %add3A_308 : vector<16xi32>
    %swap3A_310 = arith.constant 0 : i32
    %swap3A_311 = arith.index_cast %swap3A_310 : i32 to index
    %swap3A_312 = arith.constant 64 : index
    %swap3A_313 = tpu.vector_load %arg11[%swap3A_311, %swap3A_312] {strides = array<i32>} : memref<2x128xi32, #tpu.memory_space<vmem>>, vector<16xi32>,
    tpu.vector_store %arg11[%swap3A_311, %swap3A_312], %add3A_309 {strides = array<i32>} : memref<2x128xi32, #tpu.memory_space<vmem>>, vector<16xi32>,
    %get3A_314 = arith.constant 0 : i32
    %get3A_315 = arith.index_cast %get3A_314 : i32 to index
    %get3A_316 = arith.constant 80 : index
    %get3A_317 = tpu.vector_load %arg11[%get3A_315, %get3A_316] {strides = array<i32>} : memref<2x128xi32, #tpu.memory_space<vmem>>, vector<16xi32>,
    %add3A_318 = vector.broadcast %mul3A_0 : i32 to vector<16xi32>
    %add3A_319 = arith.addi %get3A_317, %add3A_318 : vector<16xi32>
    %swap3A_320 = arith.constant 0 : i32
    %swap3A_321 = arith.index_cast %swap3A_320 : i32 to index
    %swap3A_322 = arith.constant 80 : index
    %swap3A_323 = tpu.vector_load %arg11[%swap3A_321, %swap3A_322] {strides = array<i32>} : memref<2x128xi32, #tpu.memory_space<vmem>>, vector<16xi32>,
    tpu.vector_store %arg11[%swap3A_321, %swap3A_322], %add3A_319 {strides = array<i32>} : memref<2x128xi32, #tpu.memory_space<vmem>>, vector<16xi32>,
    %get3A_324 = arith.constant 0 : i32
    %get3A_325 = arith.index_cast %get3A_324 : i32 to index
    %get3A_326 = arith.constant 96 : index
    %get3A_327 = tpu.vector_load %arg11[%get3A_325, %get3A_326] {strides = array<i32>} : memref<2x128xi32, #tpu.memory_space<vmem>>, vector<16xi32>,
    %add3A_328 = vector.broadcast %mul3A_0 : i32 to vector<16xi32>
    %add3A_329 = arith.addi %get3A_327, %add3A_328 : vector<16xi32>
    %swap3A_330 = arith.constant 0 : i32
    %swap3A_331 = arith.index_cast %swap3A_330 : i32 to index
    %swap3A_332 = arith.constant 96 : index
    %swap3A_333 = tpu.vector_load %arg11[%swap3A_331, %swap3A_332] {strides = array<i32>} : memref<2x128xi32, #tpu.memory_space<vmem>>, vector<16xi32>,
    tpu.vector_store %arg11[%swap3A_331, %swap3A_332], %add3A_329 {strides = array<i32>} : memref<2x128xi32, #tpu.memory_space<vmem>>, vector<16xi32>,
    %get3A_334 = arith.constant 0 : i32
    %get3A_335 = arith.index_cast %get3A_334 : i32 to index
    %get3A_336 = arith.constant 112 : index
    %get3A_337 = tpu.vector_load %arg11[%get3A_335, %get3A_336] {strides = array<i32>} : memref<2x128xi32, #tpu.memory_space<vmem>>, vector<16xi32>,
    %add3A_338 = vector.broadcast %mul3A_0 : i32 to vector<16xi32>
    %add3A_339 = arith.addi %get3A_337, %add3A_338 : vector<16xi32>
    %swap3A_340 = arith.constant 0 : i32
    %swap3A_341 = arith.index_cast %swap3A_340 : i32 to index
    %swap3A_342 = arith.constant 112 : index
    %swap3A_343 = tpu.vector_load %arg11[%swap3A_341, %swap3A_342] {strides = array<i32>} : memref<2x128xi32, #tpu.memory_space<vmem>>, vector<16xi32>,
    tpu.vector_store %arg11[%swap3A_341, %swap3A_342], %add3A_339 {strides = array<i32>} : memref<2x128xi32, #tpu.memory_space<vmem>>, vector<16xi32>,
    %run_scoped3A_344 = arith.constant 0 : i32
    %run_scoped3A_345 = arith.constant 1 : i32
    %run_scoped3A_346 = arith.constant 0 : i32
    "tpu.region"() ({
      %run_scoped3A_521 = tpu.sem_alloc : memref<!tpu.dma_semaphore, #tpu.memory_space<semaphore_mem>>
      %dma_start3A_522 = arith.constant 0 : i32
      %dma_start3A_523 = arith.constant 0 : i32
      %dma_start3A_524 = tpu.memref_slice %arg13[%run_scoped3A_345, %run_scoped3A_346, %dma_start3A_522, %dma_start3A_523] : memref<2x3x128x32xf32, #tpu.memory_space<vmem>> -> memref<1x1x128x32xf32, #tpu.memory_space<vmem>>
      %dma_start3A_525 = tpu.memref_squeeze %dma_start3A_524 : memref<1x1x128x32xf32, #tpu.memory_space<vmem>> -> memref<128x32xf32, #tpu.memory_space<vmem>>
      %dma_start3A_526 = arith.constant 0 : i32
      %dma_start3A_527 = tpu.memref_slice %arg11[%run_scoped3A_344, %dma_start3A_526] : memref<2x128xi32, #tpu.memory_space<vmem>> -> memref<1x128xi32, #tpu.memory_space<vmem>>
      %dma_start3A_528 = tpu.memref_squeeze %dma_start3A_527 : memref<1x128xi32, #tpu.memory_space<vmem>> -> memref<128xi32, #tpu.memory_space<vmem>>
      %dma_start3A_529 = arith.constant 0 : i32
      %dma_start3A_530 = arith.constant 0 : i32
      %dma_start3A_531 = tpu.memref_slice %arg9[%dma_start3A_529, %dma_start3A_530] : memref<100096x32xf32, #tpu.memory_space<hbm>> -> memref<100096x32xf32, #tpu.memory_space<hbm>>
      tpu.enqueue_indirect_dma source(%dma_start3A_531 : memref<100096x32xf32, #tpu.memory_space<hbm>>) target(%dma_start3A_525 : memref<128x32xf32, #tpu.memory_space<vmem>>) offsets(%dma_start3A_528 : memref<128xi32, #tpu.memory_space<vmem>>) semaphore(%run_scoped3A_521 : memref<!tpu.dma_semaphore, #tpu.memory_space<semaphore_mem>>)
      %dma_wait3A_532 = arith.constant 0 : i32
      %dma_wait3A_533 = arith.constant 0 : i32
      %dma_wait3A_534 = tpu.memref_slice %arg13[%run_scoped3A_345, %run_scoped3A_346, %dma_wait3A_532, %dma_wait3A_533] : memref<2x3x128x32xf32, #tpu.memory_space<vmem>> -> memref<1x1x128x32xf32, #tpu.memory_space<vmem>>
      %dma_wait3A_535 = tpu.memref_squeeze %dma_wait3A_534 : memref<1x1x128x32xf32, #tpu.memory_space<vmem>> -> memref<128x32xf32, #tpu.memory_space<vmem>>
      %dma_wait3A_536 = arith.constant 0 : i32
      %dma_wait3A_537 = tpu.memref_slice %arg11[%run_scoped3A_344, %dma_wait3A_536] : memref<2x128xi32, #tpu.memory_space<vmem>> -> memref<1x128xi32, #tpu.memory_space<vmem>>
      %dma_wait3A_538 = tpu.memref_squeeze %dma_wait3A_537 : memref<1x128xi32, #tpu.memory_space<vmem>> -> memref<128xi32, #tpu.memory_space<vmem>>
      %dma_wait3A_539 = arith.constant 0 : i32
      %dma_wait3A_540 = arith.constant 0 : i32
      %dma_wait3A_541 = tpu.memref_slice %arg9[%dma_wait3A_539, %dma_wait3A_540] : memref<100096x32xf32, #tpu.memory_space<hbm>> -> memref<100096x32xf32, #tpu.memory_space<hbm>>
      tpu.wait_indirect_dma semaphore(%run_scoped3A_521 : memref<!tpu.dma_semaphore, #tpu.memory_space<semaphore_mem>>) src(%dma_wait3A_541 : memref<100096x32xf32, #tpu.memory_space<hbm>>) dst(%dma_wait3A_535 : memref<128x32xf32, #tpu.memory_space<vmem>>)
      tpu.yield
    }) : () -> ()
    %run_scoped3A_347 = arith.constant 1 : i32
    %run_scoped3A_348 = arith.constant 0 : i32
    %run_scoped3A_349 = arith.constant 1 : i32
    "tpu.region"() ({
      %run_scoped3A_521 = tpu.sem_alloc : memref<!tpu.dma_semaphore, #tpu.memory_space<semaphore_mem>>
      %dma_start3A_522 = arith.constant 0 : i32
      %dma_start3A_523 = arith.constant 0 : i32
      %dma_start3A_524 = tpu.memref_slice %arg13[%run_scoped3A_347, %run_scoped3A_348, %dma_start3A_522, %dma_start3A_523] : memref<2x3x128x32xf32, #tpu.memory_space<vmem>> -> memref<1x1x128x32xf32, #tpu.memory_space<vmem>>
      %dma_start3A_525 = tpu.memref_squeeze %dma_start3A_524 : memref<1x1x128x32xf32, #tpu.memory_space<vmem>> -> memref<128x32xf32, #tpu.memory_space<vmem>>
      %dma_start3A_526 = arith.constant 0 : i32
      %dma_start3A_527 = tpu.memref_slice %arg11[%run_scoped3A_349, %dma_start3A_526] : memref<2x128xi32, #tpu.memory_space<vmem>> -> memref<1x128xi32, #tpu.memory_space<vmem>>
      %dma_start3A_528 = tpu.memref_squeeze %dma_start3A_527 : memref<1x128xi32, #tpu.memory_space<vmem>> -> memref<128xi32, #tpu.memory_space<vmem>>
      %dma_start3A_529 = arith.constant 0 : i32
      %dma_start3A_530 = arith.constant 0 : i32
      %dma_start3A_531 = tpu.memref_slice %arg20[%dma_start3A_529, %dma_start3A_530] : memref<50048x32xf32, #tpu.memory_space<vmem_shared>> -> memref<50048x32xf32, #tpu.memory_space<vmem_shared>>
      tpu.enqueue_indirect_dma source(%dma_start3A_525 : memref<128x32xf32, #tpu.memory_space<vmem>>) target(%dma_start3A_531 : memref<50048x32xf32, #tpu.memory_space<vmem_shared>>) offsets(%dma_start3A_528 : memref<128xi32, #tpu.memory_space<vmem>>) semaphore(%run_scoped3A_521 : memref<!tpu.dma_semaphore, #tpu.memory_space<semaphore_mem>>) {add = true}
      %dma_wait3A_532 = arith.constant 0 : i32
      %dma_wait3A_533 = arith.constant 0 : i32
      %dma_wait3A_534 = tpu.memref_slice %arg13[%run_scoped3A_347, %run_scoped3A_348, %dma_wait3A_532, %dma_wait3A_533] : memref<2x3x128x32xf32, #tpu.memory_space<vmem>> -> memref<1x1x128x32xf32, #tpu.memory_space<vmem>>
      %dma_wait3A_535 = tpu.memref_squeeze %dma_wait3A_534 : memref<1x1x128x32xf32, #tpu.memory_space<vmem>> -> memref<128x32xf32, #tpu.memory_space<vmem>>
      %dma_wait3A_536 = arith.constant 0 : i32
      %dma_wait3A_537 = tpu.memref_slice %arg11[%run_scoped3A_349, %dma_wait3A_536] : memref<2x128xi32, #tpu.memory_space<vmem>> -> memref<1x128xi32, #tpu.memory_space<vmem>>
      %dma_wait3A_538 = tpu.memref_squeeze %dma_wait3A_537 : memref<1x128xi32, #tpu.memory_space<vmem>> -> memref<128xi32, #tpu.memory_space<vmem>>
      %dma_wait3A_539 = arith.constant 0 : i32
      %dma_wait3A_540 = arith.constant 0 : i32
      %dma_wait3A_541 = tpu.memref_slice %arg20[%dma_wait3A_539, %dma_wait3A_540] : memref<50048x32xf32, #tpu.memory_space<vmem_shared>> -> memref<50048x32xf32, #tpu.memory_space<vmem_shared>>
      tpu.wait_indirect_dma semaphore(%run_scoped3A_521 : memref<!tpu.dma_semaphore, #tpu.memory_space<semaphore_mem>>) src(%dma_wait3A_535 : memref<128x32xf32, #tpu.memory_space<vmem>>) dst(%dma_wait3A_541 : memref<50048x32xf32, #tpu.memory_space<vmem_shared>>)
      tpu.yield
    }) : () -> ()
    %barrier3A_350 = arith.constant 0 : index
    tpu.barrier barrier_id(%barrier3A_350)
    %scan3A_351 = arith.constant 0 : i32
    %scan3A_352 = arith.constant 0 : i32
    %scan3A_353 = arith.constant 0 : i32
    %scan3A_354 = arith.constant 128 : i32
    %scan3A_355 = arith.addi %scan3A_353, %scan3A_354 : i32
    %scan3A_356 = arith.constant 1 : i32
    scf.for %scan3A_521 = %scan3A_353 to %scan3A_355 step %scan3A_356  : i32 {
      %broadcast_in_dim3A_522 = arith.constant 0.000000e+00 : f32
      %broadcast_in_dim3A_523 = vector.broadcast %broadcast_in_dim3A_522 : f32 to vector<16xf32>
      %swap3A_524 = arith.constant 0 : i32
      %swap3A_525 = arith.constant 0 : i32
      %swap3A_526 = tpu.memref_slice %arg13[%scan3A_351, %scan3A_352, %swap3A_524, %swap3A_525] : memref<2x3x128x32xf32, #tpu.memory_space<vmem>> -> memref<1x1x128x32xf32, #tpu.memory_space<vmem>>
      %swap3A_527 = tpu.memref_squeeze %swap3A_526 : memref<1x1x128x32xf32, #tpu.memory_space<vmem>> -> memref<128x32xf32, #tpu.memory_space<vmem>>
      %swap3A_528 = arith.index_cast %scan3A_521 : i32 to index
      %swap3A_529 = arith.constant 0 : index
      %swap3A_530 = tpu.vector_load %swap3A_527[%swap3A_528, %swap3A_529] {strides = array<i32>} : memref<128x32xf32, #tpu.memory_space<vmem>>, vector<16xf32>,
      tpu.vector_store %swap3A_527[%swap3A_528, %swap3A_529], %broadcast_in_dim3A_523 {strides = array<i32>} : memref<128x32xf32, #tpu.memory_space<vmem>>, vector<16xf32>,
      %broadcast_in_dim3A_531 = arith.constant 0.000000e+00 : f32
      %broadcast_in_dim3A_532 = vector.broadcast %broadcast_in_dim3A_531 : f32 to vector<16xf32>
      %swap3A_533 = arith.constant 0 : i32
      %swap3A_534 = arith.constant 0 : i32
      %swap3A_535 = tpu.memref_slice %arg13[%scan3A_351, %scan3A_352, %swap3A_533, %swap3A_534] : memref<2x3x128x32xf32, #tpu.memory_space<vmem>> -> memref<1x1x128x32xf32, #tpu.memory_space<vmem>>
      %swap3A_536 = tpu.memref_squeeze %swap3A_535 : memref<1x1x128x32xf32, #tpu.memory_space<vmem>> -> memref<128x32xf32, #tpu.memory_space<vmem>>
      %swap3A_537 = arith.index_cast %scan3A_521 : i32 to index
      %swap3A_538 = arith.constant 16 : index
      %swap3A_539 = tpu.vector_load %swap3A_536[%swap3A_537, %swap3A_538] {strides = array<i32>} : memref<128x32xf32, #tpu.memory_space<vmem>>, vector<16xf32>,
      tpu.vector_store %swap3A_536[%swap3A_537, %swap3A_538], %broadcast_in_dim3A_532 {strides = array<i32>} : memref<128x32xf32, #tpu.memory_space<vmem>>, vector<16xf32>,
    }
    %scan3A_357 = arith.constant 128 : i32
    %scan3A_358 = arith.constant 1 : i32
    %scan3A_359 = arith.constant 0 : i32
    %scan3A_360 = arith.constant 0 : i32
    %scan3A_361 = arith.constant 0 : i32
    %scan3A_362 = arith.constant 0 : i32
    %scan3A_363 = arith.constant 1 : i32
    %scan3A_364 = arith.constant 1 : i32
    %scan3A_365 = arith.constant 1 : i32
    %scan3A_366 = arith.constant 0 : i32
    %scan3A_367 = arith.constant 25 : i32
    %scan3A_368 = arith.addi %scan3A_366, %scan3A_367 : i32
    %scan3A_369 = arith.constant 1 : i32
    scf.for %scan3A_521 = %scan3A_366 to %scan3A_368 step %scan3A_369  : i32 {
      %add3A_522 = arith.constant 0 : i32
      %add3A_523 = arith.addi %add3A_522, %arg1 : i32
      %mul3A_524 = arith.constant 16 : i32
      %mul3A_525 = arith.muli %mul3A_524, %scan3A_521 : i32
      %add3A_526 = arith.addi %add3A_523, %mul3A_525 : i32
      %lt3A = arith.constant 391 : i32
      %lt3A_527 = arith.cmpi slt, %add3A_526, %lt3A : i32
      %convert_element_type3A = arith.extui %lt3A_527 : i1 to i32
      %cond3A = arith.constant 0 : i32
      %cond3A_528 = arith.cmpi ne, %convert_element_type3A, %cond3A : i32
      scf.if %cond3A_528 {
        %mul3A_529 = arith.constant 128 : i32
        %mul3A_530 = arith.muli %add3A_526, %mul3A_529 : i32
        "tpu.region"() ({
          %run_scoped3A_547 = tpu.sem_alloc : memref<!tpu.dma_semaphore, #tpu.memory_space<semaphore_mem>>
          %dma_start3A_548 = arith.constant 0 : i32
          %dma_start3A_549 = arith.constant 0 : i32
          %dma_start3A_550 = tpu.memref_slice %arg13[%scan3A_358, %scan3A_359, %dma_start3A_548, %dma_start3A_549] : memref<2x3x128x32xf32, #tpu.memory_space<vmem>> -> memref<1x1x128x32xf32, #tpu.memory_space<vmem>>
          %dma_start3A_551 = tpu.memref_squeeze %dma_start3A_550 : memref<1x1x128x32xf32, #tpu.memory_space<vmem>> -> memref<128x32xf32, #tpu.memory_space<vmem>>
          %dma_start3A_552 = arith.constant 0 : i32
          %dma_start3A_553 = tpu.memref_slice %arg20[%mul3A_530, %dma_start3A_552] : memref<50048x32xf32, #tpu.memory_space<vmem_shared>> -> memref<128x32xf32, #tpu.memory_space<vmem_shared>>
          %dma_start3A_554 = arith.constant 0 : i32
          %dma_start3A_555 = arith.constant 0 : i32
          %dma_start3A_556 = tpu.memref_slice %arg13[%scan3A_358, %scan3A_359, %dma_start3A_554, %dma_start3A_555] : memref<2x3x128x32xf32, #tpu.memory_space<vmem>> -> memref<1x1x128x32xf32, #tpu.memory_space<vmem>>
          %dma_start3A_557 = tpu.memref_squeeze %dma_start3A_556 : memref<1x1x128x32xf32, #tpu.memory_space<vmem>> -> memref<128x32xf32, #tpu.memory_space<vmem>>
          %dma_start3A_558 = arith.constant 0 : i32
          %dma_start3A_559 = tpu.memref_slice %arg20[%mul3A_530, %dma_start3A_558] : memref<50048x32xf32, #tpu.memory_space<vmem_shared>> -> memref<128x32xf32, #tpu.memory_space<vmem_shared>>
          tpu.enqueue_dma source(%dma_start3A_559 : memref<128x32xf32, #tpu.memory_space<vmem_shared>>) target(%dma_start3A_557 : memref<128x32xf32, #tpu.memory_space<vmem>>) target_semaphore(%run_scoped3A_547 : memref<!tpu.dma_semaphore, #tpu.memory_space<semaphore_mem>>)
          %dma_wait3A_560 = arith.constant 0 : i32
          %dma_wait3A_561 = arith.constant 0 : i32
          %dma_wait3A_562 = tpu.memref_slice %arg13[%scan3A_358, %scan3A_359, %dma_wait3A_560, %dma_wait3A_561] : memref<2x3x128x32xf32, #tpu.memory_space<vmem>> -> memref<1x1x128x32xf32, #tpu.memory_space<vmem>>
          %dma_wait3A_563 = tpu.memref_squeeze %dma_wait3A_562 : memref<1x1x128x32xf32, #tpu.memory_space<vmem>> -> memref<128x32xf32, #tpu.memory_space<vmem>>
          %dma_wait3A_564 = arith.constant 0 : i32
          %dma_wait3A_565 = tpu.memref_slice %arg20[%mul3A_530, %dma_wait3A_564] : memref<50048x32xf32, #tpu.memory_space<vmem_shared>> -> memref<128x32xf32, #tpu.memory_space<vmem_shared>>
          %dma_wait3A_566 = arith.constant 0 : i32
          %dma_wait3A_567 = arith.constant 0 : i32
          %dma_wait3A_568 = tpu.memref_slice %arg13[%scan3A_358, %scan3A_359, %dma_wait3A_566, %dma_wait3A_567] : memref<2x3x128x32xf32, #tpu.memory_space<vmem>> -> memref<1x1x128x32xf32, #tpu.memory_space<vmem>>
          %dma_wait3A_569 = tpu.memref_squeeze %dma_wait3A_568 : memref<1x1x128x32xf32, #tpu.memory_space<vmem>> -> memref<128x32xf32, #tpu.memory_space<vmem>>
          %dma_wait3A_570 = arith.constant 0 : i32
          %dma_wait3A_571 = tpu.memref_slice %arg20[%mul3A_530, %dma_wait3A_570] : memref<50048x32xf32, #tpu.memory_space<vmem_shared>> -> memref<128x32xf32, #tpu.memory_space<vmem_shared>>
          tpu.wait_dma2 semaphore(%run_scoped3A_547 : memref<!tpu.dma_semaphore, #tpu.memory_space<semaphore_mem>>) src(%dma_wait3A_571 : memref<128x32xf32, #tpu.memory_space<vmem_shared>>) dst(%dma_wait3A_569 : memref<128x32xf32, #tpu.memory_space<vmem>>)
          tpu.yield
        }) : () -> ()
        %mul3A_531 = arith.constant 128 : i32
        %mul3A_532 = arith.muli %add3A_526, %mul3A_531 : i32
        "tpu.region"() ({
          %run_scoped3A_547 = tpu.sem_alloc : memref<!tpu.dma_semaphore, #tpu.memory_space<semaphore_mem>>
          %dma_start3A_548 = arith.constant 0 : i32
          %dma_start3A_549 = arith.constant 0 : i32
          %dma_start3A_550 = tpu.memref_slice %arg13[%scan3A_360, %scan3A_361, %dma_start3A_548, %dma_start3A_549] : memref<2x3x128x32xf32, #tpu.memory_space<vmem>> -> memref<1x1x128x32xf32, #tpu.memory_space<vmem>>
          %dma_start3A_551 = tpu.memref_squeeze %dma_start3A_550 : memref<1x1x128x32xf32, #tpu.memory_space<vmem>> -> memref<128x32xf32, #tpu.memory_space<vmem>>
          %dma_start3A_552 = arith.constant 0 : i32
          %dma_start3A_553 = tpu.memref_slice %arg20[%mul3A_532, %dma_start3A_552] : memref<50048x32xf32, #tpu.memory_space<vmem_shared>> -> memref<128x32xf32, #tpu.memory_space<vmem_shared>>
          %dma_start3A_554 = arith.constant 0 : i32
          %dma_start3A_555 = tpu.memref_slice %arg20[%mul3A_532, %dma_start3A_554] : memref<50048x32xf32, #tpu.memory_space<vmem_shared>> -> memref<128x32xf32, #tpu.memory_space<vmem_shared>>
          %dma_start3A_556 = arith.constant 0 : i32
          %dma_start3A_557 = arith.constant 0 : i32
          %dma_start3A_558 = tpu.memref_slice %arg13[%scan3A_360, %scan3A_361, %dma_start3A_556, %dma_start3A_557] : memref<2x3x128x32xf32, #tpu.memory_space<vmem>> -> memref<1x1x128x32xf32, #tpu.memory_space<vmem>>
          %dma_start3A_559 = tpu.memref_squeeze %dma_start3A_558 : memref<1x1x128x32xf32, #tpu.memory_space<vmem>> -> memref<128x32xf32, #tpu.memory_space<vmem>>
          tpu.enqueue_dma source(%dma_start3A_559 : memref<128x32xf32, #tpu.memory_space<vmem>>) target(%dma_start3A_555 : memref<128x32xf32, #tpu.memory_space<vmem_shared>>) target_semaphore(%run_scoped3A_547 : memref<!tpu.dma_semaphore, #tpu.memory_space<semaphore_mem>>)
          %dma_wait3A_560 = arith.constant 0 : i32
          %dma_wait3A_561 = arith.constant 0 : i32
          %dma_wait3A_562 = tpu.memref_slice %arg13[%scan3A_360, %scan3A_361, %dma_wait3A_560, %dma_wait3A_561] : memref<2x3x128x32xf32, #tpu.memory_space<vmem>> -> memref<1x1x128x32xf32, #tpu.memory_space<vmem>>
          %dma_wait3A_563 = tpu.memref_squeeze %dma_wait3A_562 : memref<1x1x128x32xf32, #tpu.memory_space<vmem>> -> memref<128x32xf32, #tpu.memory_space<vmem>>
          %dma_wait3A_564 = arith.constant 0 : i32
          %dma_wait3A_565 = tpu.memref_slice %arg20[%mul3A_532, %dma_wait3A_564] : memref<50048x32xf32, #tpu.memory_space<vmem_shared>> -> memref<128x32xf32, #tpu.memory_space<vmem_shared>>
          %dma_wait3A_566 = arith.constant 0 : i32
          %dma_wait3A_567 = tpu.memref_slice %arg20[%mul3A_532, %dma_wait3A_566] : memref<50048x32xf32, #tpu.memory_space<vmem_shared>> -> memref<128x32xf32, #tpu.memory_space<vmem_shared>>
          %dma_wait3A_568 = arith.constant 0 : i32
          %dma_wait3A_569 = arith.constant 0 : i32
          %dma_wait3A_570 = tpu.memref_slice %arg13[%scan3A_360, %scan3A_361, %dma_wait3A_568, %dma_wait3A_569] : memref<2x3x128x32xf32, #tpu.memory_space<vmem>> -> memref<1x1x128x32xf32, #tpu.memory_space<vmem>>
          %dma_wait3A_571 = tpu.memref_squeeze %dma_wait3A_570 : memref<1x1x128x32xf32, #tpu.memory_space<vmem>> -> memref<128x32xf32, #tpu.memory_space<vmem>>
          tpu.wait_dma2 semaphore(%run_scoped3A_547 : memref<!tpu.dma_semaphore, #tpu.memory_space<semaphore_mem>>) src(%dma_wait3A_571 : memref<128x32xf32, #tpu.memory_space<vmem>>) dst(%dma_wait3A_567 : memref<128x32xf32, #tpu.memory_space<vmem_shared>>)
          tpu.yield
        }) : () -> ()
        %mul3A_533 = arith.constant 128 : i32
        %mul3A_534 = arith.muli %add3A_526, %mul3A_533 : i32
        %add3A_535 = arith.addi %mul3A_0, %mul3A_534 : i32
        "tpu.region"() ({
          %run_scoped3A_547 = tpu.sem_alloc : memref<!tpu.dma_semaphore, #tpu.memory_space<semaphore_mem>>
          %dma_start3A_548 = tpu.memref_slice %arg10[%add3A_535] : memref<100096xf32, #tpu.memory_space<hbm>> -> memref<128xf32, #tpu.memory_space<hbm>>
          %dma_start3A_549 = tpu.memref_slice %arg10[%add3A_535] : memref<100096xf32, #tpu.memory_space<hbm>> -> memref<128xf32, #tpu.memory_space<hbm>>
          tpu.enqueue_dma source(%dma_start3A_549 : memref<128xf32, #tpu.memory_space<hbm>>) target(%arg14 : memref<128xf32, #tpu.memory_space<vmem>>) target_semaphore(%run_scoped3A_547 : memref<!tpu.dma_semaphore, #tpu.memory_space<semaphore_mem>>)
          %dma_wait3A_550 = tpu.memref_slice %arg10[%add3A_535] : memref<100096xf32, #tpu.memory_space<hbm>> -> memref<128xf32, #tpu.memory_space<hbm>>
          %dma_wait3A_551 = tpu.memref_slice %arg10[%add3A_535] : memref<100096xf32, #tpu.memory_space<hbm>> -> memref<128xf32, #tpu.memory_space<hbm>>
          tpu.wait_dma2 semaphore(%run_scoped3A_547 : memref<!tpu.dma_semaphore, #tpu.memory_space<semaphore_mem>>) src(%dma_wait3A_551 : memref<128xf32, #tpu.memory_space<hbm>>) dst(%arg14 : memref<128xf32, #tpu.memory_space<vmem>>)
          tpu.yield
        }) : () -> ()
        %scan3A_536 = arith.constant 0 : i32
        %scan3A_537 = arith.constant 128 : i32
        %scan3A_538 = arith.addi %scan3A_536, %scan3A_537 : i32
        %scan3A_539 = arith.constant 1 : i32
        scf.for %scan3A_547 = %scan3A_536 to %scan3A_538 step %scan3A_539  : i32 {
          %broadcast_in_dim3A_548 = vector.broadcast %scan3A_547 : i32 to vector<16xi32>
          %gather3A = tpu.vector_load_idx %arg14[%broadcast_in_dim3A_548] : memref<128xf32, #tpu.memory_space<vmem>>[vector<16xi32>], vector<16xf32>,
          %get3A_549 = arith.constant 0 : i32
          %get3A_550 = arith.constant 0 : i32
          %get3A_551 = tpu.memref_slice %arg13[%scan3A_358, %scan3A_359, %get3A_549, %get3A_550] : memref<2x3x128x32xf32, #tpu.memory_space<vmem>> -> memref<1x1x128x32xf32, #tpu.memory_space<vmem>>
          %get3A_552 = tpu.memref_squeeze %get3A_551 : memref<1x1x128x32xf32, #tpu.memory_space<vmem>> -> memref<128x32xf32, #tpu.memory_space<vmem>>
          %get3A_553 = arith.index_cast %scan3A_547 : i32 to index
          %get3A_554 = arith.constant 0 : index
          %get3A_555 = tpu.vector_load %get3A_552[%get3A_553, %get3A_554] {strides = array<i32>} : memref<128x32xf32, #tpu.memory_space<vmem>>, vector<16xf32>,
          %mul3A_556 = arith.mulf %get3A_555, %gather3A : vector<16xf32>
          %swap3A_557 = arith.constant 0 : i32
          %swap3A_558 = arith.constant 0 : i32
          %swap3A_559 = tpu.memref_slice %arg13[%scan3A_362, %scan3A_363, %swap3A_557, %swap3A_558] : memref<2x3x128x32xf32, #tpu.memory_space<vmem>> -> memref<1x1x128x32xf32, #tpu.memory_space<vmem>>
          %swap3A_560 = tpu.memref_squeeze %swap3A_559 : memref<1x1x128x32xf32, #tpu.memory_space<vmem>> -> memref<128x32xf32, #tpu.memory_space<vmem>>
          %swap3A_561 = arith.index_cast %scan3A_547 : i32 to index
          %swap3A_562 = arith.constant 0 : index
          %swap3A_563 = tpu.vector_load %swap3A_560[%swap3A_561, %swap3A_562] {strides = array<i32>} : memref<128x32xf32, #tpu.memory_space<vmem>>, vector<16xf32>,
          tpu.vector_store %swap3A_560[%swap3A_561, %swap3A_562], %mul3A_556 {strides = array<i32>} : memref<128x32xf32, #tpu.memory_space<vmem>>, vector<16xf32>,
          %mul3A_564 = arith.mulf %mul3A_556, %gather3A : vector<16xf32>
          %swap3A_565 = arith.constant 0 : i32
          %swap3A_566 = arith.constant 0 : i32
          %swap3A_567 = tpu.memref_slice %arg13[%scan3A_364, %scan3A_365, %swap3A_565, %swap3A_566] : memref<2x3x128x32xf32, #tpu.memory_space<vmem>> -> memref<1x1x128x32xf32, #tpu.memory_space<vmem>>
          %swap3A_568 = tpu.memref_squeeze %swap3A_567 : memref<1x1x128x32xf32, #tpu.memory_space<vmem>> -> memref<128x32xf32, #tpu.memory_space<vmem>>
          %swap3A_569 = arith.index_cast %scan3A_547 : i32 to index
          %swap3A_570 = arith.constant 0 : index
          %swap3A_571 = tpu.vector_load %swap3A_568[%swap3A_569, %swap3A_570] {strides = array<i32>} : memref<128x32xf32, #tpu.memory_space<vmem>>, vector<16xf32>,
          tpu.vector_store %swap3A_568[%swap3A_569, %swap3A_570], %mul3A_564 {strides = array<i32>} : memref<128x32xf32, #tpu.memory_space<vmem>>, vector<16xf32>,
          %get3A_572 = arith.constant 0 : i32
          %get3A_573 = arith.constant 0 : i32
          %get3A_574 = tpu.memref_slice %arg13[%scan3A_358, %scan3A_359, %get3A_572, %get3A_573] : memref<2x3x128x32xf32, #tpu.memory_space<vmem>> -> memref<1x1x128x32xf32, #tpu.memory_space<vmem>>
          %get3A_575 = tpu.memref_squeeze %get3A_574 : memref<1x1x128x32xf32, #tpu.memory_space<vmem>> -> memref<128x32xf32, #tpu.memory_space<vmem>>
          %get3A_576 = arith.index_cast %scan3A_547 : i32 to index
          %get3A_577 = arith.constant 16 : index
          %get3A_578 = tpu.vector_load %get3A_575[%get3A_576, %get3A_577] {strides = array<i32>} : memref<128x32xf32, #tpu.memory_space<vmem>>, vector<16xf32>,
          %mul3A_579 = arith.mulf %get3A_578, %gather3A : vector<16xf32>
          %swap3A_580 = arith.constant 0 : i32
          %swap3A_581 = arith.constant 0 : i32
          %swap3A_582 = tpu.memref_slice %arg13[%scan3A_362, %scan3A_363, %swap3A_580, %swap3A_581] : memref<2x3x128x32xf32, #tpu.memory_space<vmem>> -> memref<1x1x128x32xf32, #tpu.memory_space<vmem>>
          %swap3A_583 = tpu.memref_squeeze %swap3A_582 : memref<1x1x128x32xf32, #tpu.memory_space<vmem>> -> memref<128x32xf32, #tpu.memory_space<vmem>>
          %swap3A_584 = arith.index_cast %scan3A_547 : i32 to index
          %swap3A_585 = arith.constant 16 : index
          %swap3A_586 = tpu.vector_load %swap3A_583[%swap3A_584, %swap3A_585] {strides = array<i32>} : memref<128x32xf32, #tpu.memory_space<vmem>>, vector<16xf32>,
          tpu.vector_store %swap3A_583[%swap3A_584, %swap3A_585], %mul3A_579 {strides = array<i32>} : memref<128x32xf32, #tpu.memory_space<vmem>>, vector<16xf32>,
          %mul3A_587 = arith.mulf %mul3A_579, %gather3A : vector<16xf32>
          %swap3A_588 = arith.constant 0 : i32
          %swap3A_589 = arith.constant 0 : i32
          %swap3A_590 = tpu.memref_slice %arg13[%scan3A_364, %scan3A_365, %swap3A_588, %swap3A_589] : memref<2x3x128x32xf32, #tpu.memory_space<vmem>> -> memref<1x1x128x32xf32, #tpu.memory_space<vmem>>
          %swap3A_591 = tpu.memref_squeeze %swap3A_590 : memref<1x1x128x32xf32, #tpu.memory_space<vmem>> -> memref<128x32xf32, #tpu.memory_space<vmem>>
          %swap3A_592 = arith.index_cast %scan3A_547 : i32 to index
          %swap3A_593 = arith.constant 16 : index
          %swap3A_594 = tpu.vector_load %swap3A_591[%swap3A_592, %swap3A_593] {strides = array<i32>} : memref<128x32xf32, #tpu.memory_space<vmem>>, vector<16xf32>,
          tpu.vector_store %swap3A_591[%swap3A_592, %swap3A_593], %mul3A_587 {strides = array<i32>} : memref<128x32xf32, #tpu.memory_space<vmem>>, vector<16xf32>,
        }
        %scan3A_540 = arith.constant 128 : i32
        %mul3A_541 = arith.constant 128 : i32
        %mul3A_542 = arith.muli %add3A_526, %mul3A_541 : i32
        %add3A_543 = arith.addi %mul3A_0, %mul3A_542 : i32
        "tpu.region"() ({
          %run_scoped3A_547 = tpu.sem_alloc : memref<!tpu.dma_semaphore, #tpu.memory_space<semaphore_mem>>
          %dma_start3A_548 = arith.constant 0 : i32
          %dma_start3A_549 = arith.constant 0 : i32
          %dma_start3A_550 = tpu.memref_slice %arg13[%scan3A_362, %scan3A_363, %dma_start3A_548, %dma_start3A_549] : memref<2x3x128x32xf32, #tpu.memory_space<vmem>> -> memref<1x1x128x32xf32, #tpu.memory_space<vmem>>
          %dma_start3A_551 = tpu.memref_squeeze %dma_start3A_550 : memref<1x1x128x32xf32, #tpu.memory_space<vmem>> -> memref<128x32xf32, #tpu.memory_space<vmem>>
          %dma_start3A_552 = arith.constant 0 : i32
          %dma_start3A_553 = tpu.memref_slice %arg8[%add3A_543, %dma_start3A_552] : memref<100096x32xf32, #tpu.memory_space<hbm>> -> memref<128x32xf32, #tpu.memory_space<hbm>>
          %dma_start3A_554 = arith.constant 0 : i32
          %dma_start3A_555 = tpu.memref_slice %arg8[%add3A_543, %dma_start3A_554] : memref<100096x32xf32, #tpu.memory_space<hbm>> -> memref<128x32xf32, #tpu.memory_space<hbm>>
          %dma_start3A_556 = arith.constant 0 : i32
          %dma_start3A_557 = arith.constant 0 : i32
          %dma_start3A_558 = tpu.memref_slice %arg13[%scan3A_362, %scan3A_363, %dma_start3A_556, %dma_start3A_557] : memref<2x3x128x32xf32, #tpu.memory_space<vmem>> -> memref<1x1x128x32xf32, #tpu.memory_space<vmem>>
          %dma_start3A_559 = tpu.memref_squeeze %dma_start3A_558 : memref<1x1x128x32xf32, #tpu.memory_space<vmem>> -> memref<128x32xf32, #tpu.memory_space<vmem>>
          tpu.enqueue_dma source(%dma_start3A_559 : memref<128x32xf32, #tpu.memory_space<vmem>>) target(%dma_start3A_555 : memref<128x32xf32, #tpu.memory_space<hbm>>) target_semaphore(%run_scoped3A_547 : memref<!tpu.dma_semaphore, #tpu.memory_space<semaphore_mem>>)
          %dma_wait3A_560 = arith.constant 0 : i32
          %dma_wait3A_561 = arith.constant 0 : i32
          %dma_wait3A_562 = tpu.memref_slice %arg13[%scan3A_362, %scan3A_363, %dma_wait3A_560, %dma_wait3A_561] : memref<2x3x128x32xf32, #tpu.memory_space<vmem>> -> memref<1x1x128x32xf32, #tpu.memory_space<vmem>>
          %dma_wait3A_563 = tpu.memref_squeeze %dma_wait3A_562 : memref<1x1x128x32xf32, #tpu.memory_space<vmem>> -> memref<128x32xf32, #tpu.memory_space<vmem>>
          %dma_wait3A_564 = arith.constant 0 : i32
          %dma_wait3A_565 = tpu.memref_slice %arg8[%add3A_543, %dma_wait3A_564] : memref<100096x32xf32, #tpu.memory_space<hbm>> -> memref<128x32xf32, #tpu.memory_space<hbm>>
          %dma_wait3A_566 = arith.constant 0 : i32
          %dma_wait3A_567 = tpu.memref_slice %arg8[%add3A_543, %dma_wait3A_566] : memref<100096x32xf32, #tpu.memory_space<hbm>> -> memref<128x32xf32, #tpu.memory_space<hbm>>
          %dma_wait3A_568 = arith.constant 0 : i32
          %dma_wait3A_569 = arith.constant 0 : i32
          %dma_wait3A_570 = tpu.memref_slice %arg13[%scan3A_362, %scan3A_363, %dma_wait3A_568, %dma_wait3A_569] : memref<2x3x128x32xf32, #tpu.memory_space<vmem>> -> memref<1x1x128x32xf32, #tpu.memory_space<vmem>>
          %dma_wait3A_571 = tpu.memref_squeeze %dma_wait3A_570 : memref<1x1x128x32xf32, #tpu.memory_space<vmem>> -> memref<128x32xf32, #tpu.memory_space<vmem>>
          tpu.wait_dma2 semaphore(%run_scoped3A_547 : memref<!tpu.dma_semaphore, #tpu.memory_space<semaphore_mem>>) src(%dma_wait3A_571 : memref<128x32xf32, #tpu.memory_space<vmem>>) dst(%dma_wait3A_567 : memref<128x32xf32, #tpu.memory_space<hbm>>)
          tpu.yield
        }) : () -> ()
        %mul3A_544 = arith.constant 128 : i32
        %mul3A_545 = arith.muli %add3A_526, %mul3A_544 : i32
        %add3A_546 = arith.addi %mul3A_0, %mul3A_545 : i32
        "tpu.region"() ({
          %run_scoped3A_547 = tpu.sem_alloc : memref<!tpu.dma_semaphore, #tpu.memory_space<semaphore_mem>>
          %dma_start3A_548 = arith.constant 0 : i32
          %dma_start3A_549 = arith.constant 0 : i32
          %dma_start3A_550 = tpu.memref_slice %arg13[%scan3A_364, %scan3A_365, %dma_start3A_548, %dma_start3A_549] : memref<2x3x128x32xf32, #tpu.memory_space<vmem>> -> memref<1x1x128x32xf32, #tpu.memory_space<vmem>>
          %dma_start3A_551 = tpu.memref_squeeze %dma_start3A_550 : memref<1x1x128x32xf32, #tpu.memory_space<vmem>> -> memref<128x32xf32, #tpu.memory_space<vmem>>
          %dma_start3A_552 = arith.constant 0 : i32
          %dma_start3A_553 = tpu.memref_slice %arg9[%add3A_546, %dma_start3A_552] : memref<100096x32xf32, #tpu.memory_space<hbm>> -> memref<128x32xf32, #tpu.memory_space<hbm>>
          %dma_start3A_554 = arith.constant 0 : i32
          %dma_start3A_555 = tpu.memref_slice %arg9[%add3A_546, %dma_start3A_554] : memref<100096x32xf32, #tpu.memory_space<hbm>> -> memref<128x32xf32, #tpu.memory_space<hbm>>
          %dma_start3A_556 = arith.constant 0 : i32
          %dma_start3A_557 = arith.constant 0 : i32
          %dma_start3A_558 = tpu.memref_slice %arg13[%scan3A_364, %scan3A_365, %dma_start3A_556, %dma_start3A_557] : memref<2x3x128x32xf32, #tpu.memory_space<vmem>> -> memref<1x1x128x32xf32, #tpu.memory_space<vmem>>
          %dma_start3A_559 = tpu.memref_squeeze %dma_start3A_558 : memref<1x1x128x32xf32, #tpu.memory_space<vmem>> -> memref<128x32xf32, #tpu.memory_space<vmem>>
          tpu.enqueue_dma source(%dma_start3A_559 : memref<128x32xf32, #tpu.memory_space<vmem>>) target(%dma_start3A_555 : memref<128x32xf32, #tpu.memory_space<hbm>>) target_semaphore(%run_scoped3A_547 : memref<!tpu.dma_semaphore, #tpu.memory_space<semaphore_mem>>)
          %dma_wait3A_560 = arith.constant 0 : i32
          %dma_wait3A_561 = arith.constant 0 : i32
          %dma_wait3A_562 = tpu.memref_slice %arg13[%scan3A_364, %scan3A_365, %dma_wait3A_560, %dma_wait3A_561] : memref<2x3x128x32xf32, #tpu.memory_space<vmem>> -> memref<1x1x128x32xf32, #tpu.memory_space<vmem>>
          %dma_wait3A_563 = tpu.memref_squeeze %dma_wait3A_562 : memref<1x1x128x32xf32, #tpu.memory_space<vmem>> -> memref<128x32xf32, #tpu.memory_space<vmem>>
          %dma_wait3A_564 = arith.constant 0 : i32
          %dma_wait3A_565 = tpu.memref_slice %arg9[%add3A_546, %dma_wait3A_564] : memref<100096x32xf32, #tpu.memory_space<hbm>> -> memref<128x32xf32, #tpu.memory_space<hbm>>
          %dma_wait3A_566 = arith.constant 0 : i32
          %dma_wait3A_567 = tpu.memref_slice %arg9[%add3A_546, %dma_wait3A_566] : memref<100096x32xf32, #tpu.memory_space<hbm>> -> memref<128x32xf32, #tpu.memory_space<hbm>>
          %dma_wait3A_568 = arith.constant 0 : i32
          %dma_wait3A_569 = arith.constant 0 : i32
          %dma_wait3A_570 = tpu.memref_slice %arg13[%scan3A_364, %scan3A_365, %dma_wait3A_568, %dma_wait3A_569] : memref<2x3x128x32xf32, #tpu.memory_space<vmem>> -> memref<1x1x128x32xf32, #tpu.memory_space<vmem>>
          %dma_wait3A_571 = tpu.memref_squeeze %dma_wait3A_570 : memref<1x1x128x32xf32, #tpu.memory_space<vmem>> -> memref<128x32xf32, #tpu.memory_space<vmem>>
          tpu.wait_dma2 semaphore(%run_scoped3A_547 : memref<!tpu.dma_semaphore, #tpu.memory_space<semaphore_mem>>) src(%dma_wait3A_571 : memref<128x32xf32, #tpu.memory_space<vmem>>) dst(%dma_wait3A_567 : memref<128x32xf32, #tpu.memory_space<hbm>>)
          tpu.yield
        }) : () -> ()
      } else {
      }
    }
    %scan3A_370 = arith.constant 25 : i32
    %barrier3A_371 = arith.constant 0 : index
    tpu.barrier barrier_id(%barrier3A_371)
    %scan3A_372 = arith.constant 0 : i32
    %scan3A_373 = arith.constant 3 : i32
    %scan3A_374 = arith.addi %scan3A_372, %scan3A_373 : i32
    %scan3A_375 = arith.constant 1 : i32
    scf.for %scan3A_521 = %scan3A_372 to %scan3A_374 step %scan3A_375  : i32 {
      %add3A_522 = arith.constant 0 : i32
      %add3A_523 = arith.addi %add3A_522, %scan3A_521 : i32
      %mul3A_524 = arith.constant 128 : i32
      %mul3A_525 = arith.muli %add3A_523, %mul3A_524 : i32
      %add3A_526 = arith.addi %mul3A_2, %mul3A_525 : i32
      %dma_start3A_527 = arith.constant 0 : i32
      %dma_start3A_528 = arith.constant 0 : i32
      %dma_start3A_529 = arith.constant 0 : i32
      %dma_start3A_530 = arith.constant 0 : i32
      %dma_start3A_531 = tpu.memref_slice %arg12[%dma_start3A_527, %scan3A_521, %dma_start3A_528, %dma_start3A_530] : memref<2x3x2x128xi32, #tpu.memory_space<vmem>> -> memref<1x1x1x128xi32, #tpu.memory_space<vmem>>
      %dma_start3A_532 = tpu.memref_squeeze %dma_start3A_531 : memref<1x1x1x128xi32, #tpu.memory_space<vmem>> -> memref<128xi32, #tpu.memory_space<vmem>>
      %dma_start3A_533 = tpu.memref_slice %arg3[%add3A_526] : memref<800000xi32, #tpu.memory_space<hbm>> -> memref<128xi32, #tpu.memory_space<hbm>>
      %dma_start3A_534 = tpu.memref_slice %arg17[%dma_start3A_529] : memref<2x!tpu.dma_semaphore, #tpu.memory_space<semaphore_mem>> -> memref<1x!tpu.dma_semaphore, #tpu.memory_space<semaphore_mem>>
      %dma_start3A_535 = tpu.memref_squeeze %dma_start3A_534 : memref<1x!tpu.dma_semaphore, #tpu.memory_space<semaphore_mem>> -> memref<!tpu.dma_semaphore, #tpu.memory_space<semaphore_mem>>
      %dma_start3A_536 = arith.constant 0 : i32
      %dma_start3A_537 = tpu.memref_slice %arg12[%dma_start3A_527, %scan3A_521, %dma_start3A_528, %dma_start3A_536] : memref<2x3x2x128xi32, #tpu.memory_space<vmem>> -> memref<1x1x1x128xi32, #tpu.memory_space<vmem>>
      %dma_start3A_538 = tpu.memref_squeeze %dma_start3A_537 : memref<1x1x1x128xi32, #tpu.memory_space<vmem>> -> memref<128xi32, #tpu.memory_space<vmem>>
      %dma_start3A_539 = tpu.memref_slice %arg3[%add3A_526] : memref<800000xi32, #tpu.memory_space<hbm>> -> memref<128xi32, #tpu.memory_space<hbm>>
      tpu.enqueue_dma source(%dma_start3A_539 : memref<128xi32, #tpu.memory_space<hbm>>) target(%dma_start3A_538 : memref<128xi32, #tpu.memory_space<vmem>>) target_semaphore(%dma_start3A_535 : memref<!tpu.dma_semaphore, #tpu.memory_space<semaphore_mem>>)
      %dma_start3A_540 = arith.constant 0 : i32
      %dma_start3A_541 = arith.constant 1 : i32
      %dma_start3A_542 = arith.constant 0 : i32
      %dma_start3A_543 = arith.constant 0 : i32
      %dma_start3A_544 = tpu.memref_slice %arg12[%dma_start3A_540, %scan3A_521, %dma_start3A_541, %dma_start3A_543] : memref<2x3x2x128xi32, #tpu.memory_space<vmem>> -> memref<1x1x1x128xi32, #tpu.memory_space<vmem>>
      %dma_start3A_545 = tpu.memref_squeeze %dma_start3A_544 : memref<1x1x1x128xi32, #tpu.memory_space<vmem>> -> memref<128xi32, #tpu.memory_space<vmem>>
      %dma_start3A_546 = tpu.memref_slice %arg4[%add3A_526] : memref<800000xi32, #tpu.memory_space<hbm>> -> memref<128xi32, #tpu.memory_space<hbm>>
      %dma_start3A_547 = tpu.memref_slice %arg17[%dma_start3A_542] : memref<2x!tpu.dma_semaphore, #tpu.memory_space<semaphore_mem>> -> memref<1x!tpu.dma_semaphore, #tpu.memory_space<semaphore_mem>>
      %dma_start3A_548 = tpu.memref_squeeze %dma_start3A_547 : memref<1x!tpu.dma_semaphore, #tpu.memory_space<semaphore_mem>> -> memref<!tpu.dma_semaphore, #tpu.memory_space<semaphore_mem>>
      %dma_start3A_549 = arith.constant 0 : i32
      %dma_start3A_550 = tpu.memref_slice %arg12[%dma_start3A_540, %scan3A_521, %dma_start3A_541, %dma_start3A_549] : memref<2x3x2x128xi32, #tpu.memory_space<vmem>> -> memref<1x1x1x128xi32, #tpu.memory_space<vmem>>
      %dma_start3A_551 = tpu.memref_squeeze %dma_start3A_550 : memref<1x1x1x128xi32, #tpu.memory_space<vmem>> -> memref<128xi32, #tpu.memory_space<vmem>>
      %dma_start3A_552 = tpu.memref_slice %arg4[%add3A_526] : memref<800000xi32, #tpu.memory_space<hbm>> -> memref<128xi32, #tpu.memory_space<hbm>>
      tpu.enqueue_dma source(%dma_start3A_552 : memref<128xi32, #tpu.memory_space<hbm>>) target(%dma_start3A_551 : memref<128xi32, #tpu.memory_space<vmem>>) target_semaphore(%dma_start3A_548 : memref<!tpu.dma_semaphore, #tpu.memory_space<semaphore_mem>>)
    }
    %scan3A_376 = arith.constant 3 : i32
    %scan3A_377 = arith.constant 0 : i32
    %scan3A_378 = arith.constant 130 : i32
    %scan3A_379 = arith.addi %scan3A_377, %scan3A_378 : i32
    %scan3A_380 = arith.constant 1 : i32
    scf.for %scan3A_521 = %scan3A_377 to %scan3A_379 step %scan3A_380  : i32 {
      %rem3A = arith.constant 2 : i32
      %rem3A_522 = arith.remsi %scan3A_521, %rem3A : i32
      %sub3A = arith.constant 1 : i32
      %sub3A_523 = arith.subi %sub3A, %rem3A_522 : i32
      %scan3A_524 = arith.constant 0 : i32
      %scan3A_525 = arith.constant 3 : i32
      %scan3A_526 = arith.addi %scan3A_524, %scan3A_525 : i32
      %scan3A_527 = arith.constant 1 : i32
      scf.for %scan3A_555 = %scan3A_524 to %scan3A_526 step %scan3A_527  : i32 {
        %dma_wait3A_556 = arith.constant 0 : i32
        %dma_wait3A_557 = arith.constant 0 : i32
        %dma_wait3A_558 = tpu.memref_slice %arg12[%rem3A_522, %scan3A_555, %dma_wait3A_556, %dma_wait3A_557] : memref<2x3x2x128xi32, #tpu.memory_space<vmem>> -> memref<1x1x1x128xi32, #tpu.memory_space<vmem>>
        %dma_wait3A_559 = tpu.memref_squeeze %dma_wait3A_558 : memref<1x1x1x128xi32, #tpu.memory_space<vmem>> -> memref<128xi32, #tpu.memory_space<vmem>>
        %dma_wait3A_560 = arith.constant 0 : i32
        %dma_wait3A_561 = tpu.memref_slice %arg3[%dma_wait3A_560] : memref<800000xi32, #tpu.memory_space<hbm>> -> memref<128xi32, #tpu.memory_space<hbm>>
        %dma_wait3A_562 = tpu.memref_slice %arg17[%rem3A_522] : memref<2x!tpu.dma_semaphore, #tpu.memory_space<semaphore_mem>> -> memref<1x!tpu.dma_semaphore, #tpu.memory_space<semaphore_mem>>
        %dma_wait3A_563 = tpu.memref_squeeze %dma_wait3A_562 : memref<1x!tpu.dma_semaphore, #tpu.memory_space<semaphore_mem>> -> memref<!tpu.dma_semaphore, #tpu.memory_space<semaphore_mem>>
        %dma_wait3A_564 = arith.constant 0 : i32
        %dma_wait3A_565 = tpu.memref_slice %arg12[%rem3A_522, %scan3A_555, %dma_wait3A_556, %dma_wait3A_564] : memref<2x3x2x128xi32, #tpu.memory_space<vmem>> -> memref<1x1x1x128xi32, #tpu.memory_space<vmem>>
        %dma_wait3A_566 = tpu.memref_squeeze %dma_wait3A_565 : memref<1x1x1x128xi32, #tpu.memory_space<vmem>> -> memref<128xi32, #tpu.memory_space<vmem>>
        %dma_wait3A_567 = arith.constant 0 : i32
        %dma_wait3A_568 = tpu.memref_slice %arg3[%dma_wait3A_567] : memref<800000xi32, #tpu.memory_space<hbm>> -> memref<128xi32, #tpu.memory_space<hbm>>
        tpu.wait_dma2 semaphore(%dma_wait3A_563 : memref<!tpu.dma_semaphore, #tpu.memory_space<semaphore_mem>>) src(%dma_wait3A_568 : memref<128xi32, #tpu.memory_space<hbm>>) dst(%dma_wait3A_566 : memref<128xi32, #tpu.memory_space<vmem>>)
        %dma_wait3A_569 = arith.constant 1 : i32
        %dma_wait3A_570 = arith.constant 0 : i32
        %dma_wait3A_571 = tpu.memref_slice %arg12[%rem3A_522, %scan3A_555, %dma_wait3A_569, %dma_wait3A_570] : memref<2x3x2x128xi32, #tpu.memory_space<vmem>> -> memref<1x1x1x128xi32, #tpu.memory_space<vmem>>
        %dma_wait3A_572 = tpu.memref_squeeze %dma_wait3A_571 : memref<1x1x1x128xi32, #tpu.memory_space<vmem>> -> memref<128xi32, #tpu.memory_space<vmem>>
        %dma_wait3A_573 = arith.constant 0 : i32
        %dma_wait3A_574 = tpu.memref_slice %arg4[%dma_wait3A_573] : memref<800000xi32, #tpu.memory_space<hbm>> -> memref<128xi32, #tpu.memory_space<hbm>>
        %dma_wait3A_575 = tpu.memref_slice %arg17[%rem3A_522] : memref<2x!tpu.dma_semaphore, #tpu.memory_space<semaphore_mem>> -> memref<1x!tpu.dma_semaphore, #tpu.memory_space<semaphore_mem>>
        %dma_wait3A_576 = tpu.memref_squeeze %dma_wait3A_575 : memref<1x!tpu.dma_semaphore, #tpu.memory_space<semaphore_mem>> -> memref<!tpu.dma_semaphore, #tpu.memory_space<semaphore_mem>>
        %dma_wait3A_577 = arith.constant 0 : i32
        %dma_wait3A_578 = tpu.memref_slice %arg12[%rem3A_522, %scan3A_555, %dma_wait3A_569, %dma_wait3A_577] : memref<2x3x2x128xi32, #tpu.memory_space<vmem>> -> memref<1x1x1x128xi32, #tpu.memory_space<vmem>>
        %dma_wait3A_579 = tpu.memref_squeeze %dma_wait3A_578 : memref<1x1x1x128xi32, #tpu.memory_space<vmem>> -> memref<128xi32, #tpu.memory_space<vmem>>
        %dma_wait3A_580 = arith.constant 0 : i32
        %dma_wait3A_581 = tpu.memref_slice %arg4[%dma_wait3A_580] : memref<800000xi32, #tpu.memory_space<hbm>> -> memref<128xi32, #tpu.memory_space<hbm>>
        tpu.wait_dma2 semaphore(%dma_wait3A_576 : memref<!tpu.dma_semaphore, #tpu.memory_space<semaphore_mem>>) src(%dma_wait3A_581 : memref<128xi32, #tpu.memory_space<hbm>>) dst(%dma_wait3A_579 : memref<128xi32, #tpu.memory_space<vmem>>)
      }
      %scan3A_528 = arith.constant 3 : i32
      %scan3A_529 = arith.constant 0 : i32
      %scan3A_530 = arith.constant 3 : i32
      %scan3A_531 = arith.addi %scan3A_529, %scan3A_530 : i32
      %scan3A_532 = arith.constant 1 : i32
      scf.for %scan3A_555 = %scan3A_529 to %scan3A_531 step %scan3A_532  : i32 {
        %get3A_556 = arith.constant 0 : i32
        %get3A_557 = arith.index_cast %rem3A_522 : i32 to index
        %get3A_558 = arith.index_cast %scan3A_555 : i32 to index
        %get3A_559 = arith.index_cast %get3A_556 : i32 to index
        %get3A_560 = arith.constant 0 : index
        %get3A_561 = tpu.vector_load %arg12[%get3A_557, %get3A_558, %get3A_559, %get3A_560] {strides = array<i32>} : memref<2x3x2x128xi32, #tpu.memory_space<vmem>>, vector<16xi32>,
        %add3A_562 = vector.broadcast %mul3A_0 : i32 to vector<16xi32>
        %add3A_563 = arith.addi %get3A_561, %add3A_562 : vector<16xi32>
        %swap3A_564 = arith.constant 0 : i32
        %swap3A_565 = arith.index_cast %rem3A_522 : i32 to index
        %swap3A_566 = arith.index_cast %scan3A_555 : i32 to index
        %swap3A_567 = arith.index_cast %swap3A_564 : i32 to index
        %swap3A_568 = arith.constant 0 : index
        %swap3A_569 = tpu.vector_load %arg12[%swap3A_565, %swap3A_566, %swap3A_567, %swap3A_568] {strides = array<i32>} : memref<2x3x2x128xi32, #tpu.memory_space<vmem>>, vector<16xi32>,
        tpu.vector_store %arg12[%swap3A_565, %swap3A_566, %swap3A_567, %swap3A_568], %add3A_563 {strides = array<i32>} : memref<2x3x2x128xi32, #tpu.memory_space<vmem>>, vector<16xi32>,
        %get3A_570 = arith.constant 0 : i32
        %get3A_571 = arith.index_cast %rem3A_522 : i32 to index
        %get3A_572 = arith.index_cast %scan3A_555 : i32 to index
        %get3A_573 = arith.index_cast %get3A_570 : i32 to index
        %get3A_574 = arith.constant 16 : index
        %get3A_575 = tpu.vector_load %arg12[%get3A_571, %get3A_572, %get3A_573, %get3A_574] {strides = array<i32>} : memref<2x3x2x128xi32, #tpu.memory_space<vmem>>, vector<16xi32>,
        %add3A_576 = vector.broadcast %mul3A_0 : i32 to vector<16xi32>
        %add3A_577 = arith.addi %get3A_575, %add3A_576 : vector<16xi32>
        %swap3A_578 = arith.constant 0 : i32
        %swap3A_579 = arith.index_cast %rem3A_522 : i32 to index
        %swap3A_580 = arith.index_cast %scan3A_555 : i32 to index
        %swap3A_581 = arith.index_cast %swap3A_578 : i32 to index
        %swap3A_582 = arith.constant 16 : index
        %swap3A_583 = tpu.vector_load %arg12[%swap3A_579, %swap3A_580, %swap3A_581, %swap3A_582] {strides = array<i32>} : memref<2x3x2x128xi32, #tpu.memory_space<vmem>>, vector<16xi32>,
        tpu.vector_store %arg12[%swap3A_579, %swap3A_580, %swap3A_581, %swap3A_582], %add3A_577 {strides = array<i32>} : memref<2x3x2x128xi32, #tpu.memory_space<vmem>>, vector<16xi32>,
        %get3A_584 = arith.constant 0 : i32
        %get3A_585 = arith.index_cast %rem3A_522 : i32 to index
        %get3A_586 = arith.index_cast %scan3A_555 : i32 to index
        %get3A_587 = arith.index_cast %get3A_584 : i32 to index
        %get3A_588 = arith.constant 32 : index
        %get3A_589 = tpu.vector_load %arg12[%get3A_585, %get3A_586, %get3A_587, %get3A_588] {strides = array<i32>} : memref<2x3x2x128xi32, #tpu.memory_space<vmem>>, vector<16xi32>,
        %add3A_590 = vector.broadcast %mul3A_0 : i32 to vector<16xi32>
        %add3A_591 = arith.addi %get3A_589, %add3A_590 : vector<16xi32>
        %swap3A_592 = arith.constant 0 : i32
        %swap3A_593 = arith.index_cast %rem3A_522 : i32 to index
        %swap3A_594 = arith.index_cast %scan3A_555 : i32 to index
        %swap3A_595 = arith.index_cast %swap3A_592 : i32 to index
        %swap3A_596 = arith.constant 32 : index
        %swap3A_597 = tpu.vector_load %arg12[%swap3A_593, %swap3A_594, %swap3A_595, %swap3A_596] {strides = array<i32>} : memref<2x3x2x128xi32, #tpu.memory_space<vmem>>, vector<16xi32>,
        tpu.vector_store %arg12[%swap3A_593, %swap3A_594, %swap3A_595, %swap3A_596], %add3A_591 {strides = array<i32>} : memref<2x3x2x128xi32, #tpu.memory_space<vmem>>, vector<16xi32>,
        %get3A_598 = arith.constant 0 : i32
        %get3A_599 = arith.index_cast %rem3A_522 : i32 to index
        %get3A_600 = arith.index_cast %scan3A_555 : i32 to index
        %get3A_601 = arith.index_cast %get3A_598 : i32 to index
        %get3A_602 = arith.constant 48 : index
        %get3A_603 = tpu.vector_load %arg12[%get3A_599, %get3A_600, %get3A_601, %get3A_602] {strides = array<i32>} : memref<2x3x2x128xi32, #tpu.memory_space<vmem>>, vector<16xi32>,
        %add3A_604 = vector.broadcast %mul3A_0 : i32 to vector<16xi32>
        %add3A_605 = arith.addi %get3A_603, %add3A_604 : vector<16xi32>
        %swap3A_606 = arith.constant 0 : i32
        %swap3A_607 = arith.index_cast %rem3A_522 : i32 to index
        %swap3A_608 = arith.index_cast %scan3A_555 : i32 to index
        %swap3A_609 = arith.index_cast %swap3A_606 : i32 to index
        %swap3A_610 = arith.constant 48 : index
        %swap3A_611 = tpu.vector_load %arg12[%swap3A_607, %swap3A_608, %swap3A_609, %swap3A_610] {strides = array<i32>} : memref<2x3x2x128xi32, #tpu.memory_space<vmem>>, vector<16xi32>,
        tpu.vector_store %arg12[%swap3A_607, %swap3A_608, %swap3A_609, %swap3A_610], %add3A_605 {strides = array<i32>} : memref<2x3x2x128xi32, #tpu.memory_space<vmem>>, vector<16xi32>,
        %get3A_612 = arith.constant 0 : i32
        %get3A_613 = arith.index_cast %rem3A_522 : i32 to index
        %get3A_614 = arith.index_cast %scan3A_555 : i32 to index
        %get3A_615 = arith.index_cast %get3A_612 : i32 to index
        %get3A_616 = arith.constant 64 : index
        %get3A_617 = tpu.vector_load %arg12[%get3A_613, %get3A_614, %get3A_615, %get3A_616] {strides = array<i32>} : memref<2x3x2x128xi32, #tpu.memory_space<vmem>>, vector<16xi32>,
        %add3A_618 = vector.broadcast %mul3A_0 : i32 to vector<16xi32>
        %add3A_619 = arith.addi %get3A_617, %add3A_618 : vector<16xi32>
        %swap3A_620 = arith.constant 0 : i32
        %swap3A_621 = arith.index_cast %rem3A_522 : i32 to index
        %swap3A_622 = arith.index_cast %scan3A_555 : i32 to index
        %swap3A_623 = arith.index_cast %swap3A_620 : i32 to index
        %swap3A_624 = arith.constant 64 : index
        %swap3A_625 = tpu.vector_load %arg12[%swap3A_621, %swap3A_622, %swap3A_623, %swap3A_624] {strides = array<i32>} : memref<2x3x2x128xi32, #tpu.memory_space<vmem>>, vector<16xi32>,
        tpu.vector_store %arg12[%swap3A_621, %swap3A_622, %swap3A_623, %swap3A_624], %add3A_619 {strides = array<i32>} : memref<2x3x2x128xi32, #tpu.memory_space<vmem>>, vector<16xi32>,
        %get3A_626 = arith.constant 0 : i32
        %get3A_627 = arith.index_cast %rem3A_522 : i32 to index
        %get3A_628 = arith.index_cast %scan3A_555 : i32 to index
        %get3A_629 = arith.index_cast %get3A_626 : i32 to index
        %get3A_630 = arith.constant 80 : index
        %get3A_631 = tpu.vector_load %arg12[%get3A_627, %get3A_628, %get3A_629, %get3A_630] {strides = array<i32>} : memref<2x3x2x128xi32, #tpu.memory_space<vmem>>, vector<16xi32>,
        %add3A_632 = vector.broadcast %mul3A_0 : i32 to vector<16xi32>
        %add3A_633 = arith.addi %get3A_631, %add3A_632 : vector<16xi32>
        %swap3A_634 = arith.constant 0 : i32
        %swap3A_635 = arith.index_cast %rem3A_522 : i32 to index
        %swap3A_636 = arith.index_cast %scan3A_555 : i32 to index
        %swap3A_637 = arith.index_cast %swap3A_634 : i32 to index
        %swap3A_638 = arith.constant 80 : index
        %swap3A_639 = tpu.vector_load %arg12[%swap3A_635, %swap3A_636, %swap3A_637, %swap3A_638] {strides = array<i32>} : memref<2x3x2x128xi32, #tpu.memory_space<vmem>>, vector<16xi32>,
        tpu.vector_store %arg12[%swap3A_635, %swap3A_636, %swap3A_637, %swap3A_638], %add3A_633 {strides = array<i32>} : memref<2x3x2x128xi32, #tpu.memory_space<vmem>>, vector<16xi32>,
        %get3A_640 = arith.constant 0 : i32
        %get3A_641 = arith.index_cast %rem3A_522 : i32 to index
        %get3A_642 = arith.index_cast %scan3A_555 : i32 to index
        %get3A_643 = arith.index_cast %get3A_640 : i32 to index
        %get3A_644 = arith.constant 96 : index
        %get3A_645 = tpu.vector_load %arg12[%get3A_641, %get3A_642, %get3A_643, %get3A_644] {strides = array<i32>} : memref<2x3x2x128xi32, #tpu.memory_space<vmem>>, vector<16xi32>,
        %add3A_646 = vector.broadcast %mul3A_0 : i32 to vector<16xi32>
        %add3A_647 = arith.addi %get3A_645, %add3A_646 : vector<16xi32>
        %swap3A_648 = arith.constant 0 : i32
        %swap3A_649 = arith.index_cast %rem3A_522 : i32 to index
        %swap3A_650 = arith.index_cast %scan3A_555 : i32 to index
        %swap3A_651 = arith.index_cast %swap3A_648 : i32 to index
        %swap3A_652 = arith.constant 96 : index
        %swap3A_653 = tpu.vector_load %arg12[%swap3A_649, %swap3A_650, %swap3A_651, %swap3A_652] {strides = array<i32>} : memref<2x3x2x128xi32, #tpu.memory_space<vmem>>, vector<16xi32>,
        tpu.vector_store %arg12[%swap3A_649, %swap3A_650, %swap3A_651, %swap3A_652], %add3A_647 {strides = array<i32>} : memref<2x3x2x128xi32, #tpu.memory_space<vmem>>, vector<16xi32>,
        %get3A_654 = arith.constant 0 : i32
        %get3A_655 = arith.index_cast %rem3A_522 : i32 to index
        %get3A_656 = arith.index_cast %scan3A_555 : i32 to index
        %get3A_657 = arith.index_cast %get3A_654 : i32 to index
        %get3A_658 = arith.constant 112 : index
        %get3A_659 = tpu.vector_load %arg12[%get3A_655, %get3A_656, %get3A_657, %get3A_658] {strides = array<i32>} : memref<2x3x2x128xi32, #tpu.memory_space<vmem>>, vector<16xi32>,
        %add3A_660 = vector.broadcast %mul3A_0 : i32 to vector<16xi32>
        %add3A_661 = arith.addi %get3A_659, %add3A_660 : vector<16xi32>
        %swap3A_662 = arith.constant 0 : i32
        %swap3A_663 = arith.index_cast %rem3A_522 : i32 to index
        %swap3A_664 = arith.index_cast %scan3A_555 : i32 to index
        %swap3A_665 = arith.index_cast %swap3A_662 : i32 to index
        %swap3A_666 = arith.constant 112 : index
        %swap3A_667 = tpu.vector_load %arg12[%swap3A_663, %swap3A_664, %swap3A_665, %swap3A_666] {strides = array<i32>} : memref<2x3x2x128xi32, #tpu.memory_space<vmem>>, vector<16xi32>,
        tpu.vector_store %arg12[%swap3A_663, %swap3A_664, %swap3A_665, %swap3A_666], %add3A_661 {strides = array<i32>} : memref<2x3x2x128xi32, #tpu.memory_space<vmem>>, vector<16xi32>,
      }
      %scan3A_533 = arith.constant 3 : i32
      %scan3A_534 = arith.constant 0 : i32
      %scan3A_535 = arith.constant 3 : i32
      %scan3A_536 = arith.addi %scan3A_534, %scan3A_535 : i32
      %scan3A_537 = arith.constant 1 : i32
      scf.for %scan3A_555 = %scan3A_534 to %scan3A_536 step %scan3A_537  : i32 {
        %dma_start3A_556 = arith.constant 0 : i32
        %dma_start3A_557 = arith.constant 0 : i32
        %dma_start3A_558 = arith.constant 0 : i32
        %dma_start3A_559 = tpu.memref_slice %arg13[%rem3A_522, %scan3A_555, %dma_start3A_557, %dma_start3A_558] : memref<2x3x128x32xf32, #tpu.memory_space<vmem>> -> memref<1x1x128x32xf32, #tpu.memory_space<vmem>>
        %dma_start3A_560 = tpu.memref_squeeze %dma_start3A_559 : memref<1x1x128x32xf32, #tpu.memory_space<vmem>> -> memref<128x32xf32, #tpu.memory_space<vmem>>
        %dma_start3A_561 = arith.constant 0 : i32
        %dma_start3A_562 = tpu.memref_slice %arg12[%rem3A_522, %scan3A_555, %dma_start3A_556, %dma_start3A_561] : memref<2x3x2x128xi32, #tpu.memory_space<vmem>> -> memref<1x1x1x128xi32, #tpu.memory_space<vmem>>
        %dma_start3A_563 = tpu.memref_squeeze %dma_start3A_562 : memref<1x1x1x128xi32, #tpu.memory_space<vmem>> -> memref<128xi32, #tpu.memory_space<vmem>>
        %dma_start3A_564 = arith.constant 0 : i32
        %dma_start3A_565 = arith.constant 0 : i32
        %dma_start3A_566 = tpu.memref_slice %arg9[%dma_start3A_564, %dma_start3A_565] : memref<100096x32xf32, #tpu.memory_space<hbm>> -> memref<100096x32xf32, #tpu.memory_space<hbm>>
        %dma_start3A_567 = tpu.memref_slice %arg18[%rem3A_522] : memref<2x!tpu.dma_semaphore, #tpu.memory_space<semaphore_mem>> -> memref<1x!tpu.dma_semaphore, #tpu.memory_space<semaphore_mem>>
        %dma_start3A_568 = tpu.memref_squeeze %dma_start3A_567 : memref<1x!tpu.dma_semaphore, #tpu.memory_space<semaphore_mem>> -> memref<!tpu.dma_semaphore, #tpu.memory_space<semaphore_mem>>
        tpu.enqueue_indirect_dma source(%dma_start3A_566 : memref<100096x32xf32, #tpu.memory_space<hbm>>) target(%dma_start3A_560 : memref<128x32xf32, #tpu.memory_space<vmem>>) offsets(%dma_start3A_563 : memref<128xi32, #tpu.memory_space<vmem>>) semaphore(%dma_start3A_568 : memref<!tpu.dma_semaphore, #tpu.memory_space<semaphore_mem>>)
      }
      %scan3A_538 = arith.constant 3 : i32
      %gt3A = arith.constant 0 : i32
      %gt3A_539 = arith.cmpi sgt, %scan3A_521, %gt3A : i32
      %convert_element_type3A = arith.extui %gt3A_539 : i1 to i32
      %cond3A = arith.constant 0 : i32
      %cond3A_540 = arith.cmpi ne, %convert_element_type3A, %cond3A : i32
      scf.if %cond3A_540 {
        %scan3A_555 = arith.constant 0 : i32
        %scan3A_556 = arith.constant 3 : i32
        %scan3A_557 = arith.addi %scan3A_555, %scan3A_556 : i32
        %scan3A_558 = arith.constant 1 : i32
        scf.for %scan3A_560 = %scan3A_555 to %scan3A_557 step %scan3A_558  : i32 {
          %dma_wait3A_561 = arith.constant 1 : i32
          %dma_wait3A_562 = arith.constant 0 : i32
          %dma_wait3A_563 = arith.constant 0 : i32
          %dma_wait3A_564 = tpu.memref_slice %arg13[%sub3A_523, %scan3A_560, %dma_wait3A_562, %dma_wait3A_563] : memref<2x3x128x32xf32, #tpu.memory_space<vmem>> -> memref<1x1x128x32xf32, #tpu.memory_space<vmem>>
          %dma_wait3A_565 = tpu.memref_squeeze %dma_wait3A_564 : memref<1x1x128x32xf32, #tpu.memory_space<vmem>> -> memref<128x32xf32, #tpu.memory_space<vmem>>
          %dma_wait3A_566 = arith.constant 0 : i32
          %dma_wait3A_567 = tpu.memref_slice %arg12[%sub3A_523, %scan3A_560, %dma_wait3A_561, %dma_wait3A_566] : memref<2x3x2x128xi32, #tpu.memory_space<vmem>> -> memref<1x1x1x128xi32, #tpu.memory_space<vmem>>
          %dma_wait3A_568 = tpu.memref_squeeze %dma_wait3A_567 : memref<1x1x1x128xi32, #tpu.memory_space<vmem>> -> memref<128xi32, #tpu.memory_space<vmem>>
          %dma_wait3A_569 = arith.constant 0 : i32
          %dma_wait3A_570 = arith.constant 0 : i32
          %dma_wait3A_571 = tpu.memref_slice %arg20[%dma_wait3A_569, %dma_wait3A_570] : memref<50048x32xf32, #tpu.memory_space<vmem_shared>> -> memref<50048x32xf32, #tpu.memory_space<vmem_shared>>
          %dma_wait3A_572 = tpu.memref_slice %arg19[%sub3A_523] : memref<2x!tpu.dma_semaphore, #tpu.memory_space<semaphore_mem>> -> memref<1x!tpu.dma_semaphore, #tpu.memory_space<semaphore_mem>>
          %dma_wait3A_573 = tpu.memref_squeeze %dma_wait3A_572 : memref<1x!tpu.dma_semaphore, #tpu.memory_space<semaphore_mem>> -> memref<!tpu.dma_semaphore, #tpu.memory_space<semaphore_mem>>
          tpu.wait_indirect_dma semaphore(%dma_wait3A_573 : memref<!tpu.dma_semaphore, #tpu.memory_space<semaphore_mem>>) src(%dma_wait3A_565 : memref<128x32xf32, #tpu.memory_space<vmem>>) dst(%dma_wait3A_571 : memref<50048x32xf32, #tpu.memory_space<vmem_shared>>)
        }
        %scan3A_559 = arith.constant 3 : i32
      } else {
      }
      %lt3A = arith.constant 129 : i32
      %lt3A_541 = arith.cmpi slt, %scan3A_521, %lt3A : i32
      %convert_element_type3A_542 = arith.extui %lt3A_541 : i1 to i32
      %cond3A_543 = arith.constant 0 : i32
      %cond3A_544 = arith.cmpi ne, %convert_element_type3A_542, %cond3A_543 : i32
      scf.if %cond3A_544 {
        %add3A_555 = arith.constant 1 : i32
        %add3A_556 = arith.addi %scan3A_521, %add3A_555 : i32
        %scan3A_557 = arith.constant 0 : i32
        %scan3A_558 = arith.constant 3 : i32
        %scan3A_559 = arith.addi %scan3A_557, %scan3A_558 : i32
        %scan3A_560 = arith.constant 1 : i32
        scf.for %scan3A_562 = %scan3A_557 to %scan3A_559 step %scan3A_560  : i32 {
          %mul3A_563 = arith.constant 3 : i32
          %mul3A_564 = arith.muli %add3A_556, %mul3A_563 : i32
          %add3A_565 = arith.addi %mul3A_564, %scan3A_562 : i32
          %mul3A_566 = arith.constant 128 : i32
          %mul3A_567 = arith.muli %add3A_565, %mul3A_566 : i32
          %add3A_568 = arith.addi %mul3A_2, %mul3A_567 : i32
          %dma_start3A_569 = arith.constant 0 : i32
          %dma_start3A_570 = arith.constant 0 : i32
          %dma_start3A_571 = tpu.memref_slice %arg12[%sub3A_523, %scan3A_562, %dma_start3A_569, %dma_start3A_570] : memref<2x3x2x128xi32, #tpu.memory_space<vmem>> -> memref<1x1x1x128xi32, #tpu.memory_space<vmem>>
          %dma_start3A_572 = tpu.memref_squeeze %dma_start3A_571 : memref<1x1x1x128xi32, #tpu.memory_space<vmem>> -> memref<128xi32, #tpu.memory_space<vmem>>
          %dma_start3A_573 = tpu.memref_slice %arg3[%add3A_568] : memref<800000xi32, #tpu.memory_space<hbm>> -> memref<128xi32, #tpu.memory_space<hbm>>
          %dma_start3A_574 = tpu.memref_slice %arg17[%sub3A_523] : memref<2x!tpu.dma_semaphore, #tpu.memory_space<semaphore_mem>> -> memref<1x!tpu.dma_semaphore, #tpu.memory_space<semaphore_mem>>
          %dma_start3A_575 = tpu.memref_squeeze %dma_start3A_574 : memref<1x!tpu.dma_semaphore, #tpu.memory_space<semaphore_mem>> -> memref<!tpu.dma_semaphore, #tpu.memory_space<semaphore_mem>>
          %dma_start3A_576 = arith.constant 0 : i32
          %dma_start3A_577 = tpu.memref_slice %arg12[%sub3A_523, %scan3A_562, %dma_start3A_569, %dma_start3A_576] : memref<2x3x2x128xi32, #tpu.memory_space<vmem>> -> memref<1x1x1x128xi32, #tpu.memory_space<vmem>>
          %dma_start3A_578 = tpu.memref_squeeze %dma_start3A_577 : memref<1x1x1x128xi32, #tpu.memory_space<vmem>> -> memref<128xi32, #tpu.memory_space<vmem>>
          %dma_start3A_579 = tpu.memref_slice %arg3[%add3A_568] : memref<800000xi32, #tpu.memory_space<hbm>> -> memref<128xi32, #tpu.memory_space<hbm>>
          tpu.enqueue_dma source(%dma_start3A_579 : memref<128xi32, #tpu.memory_space<hbm>>) target(%dma_start3A_578 : memref<128xi32, #tpu.memory_space<vmem>>) target_semaphore(%dma_start3A_575 : memref<!tpu.dma_semaphore, #tpu.memory_space<semaphore_mem>>)
          %dma_start3A_580 = arith.constant 1 : i32
          %dma_start3A_581 = arith.constant 0 : i32
          %dma_start3A_582 = tpu.memref_slice %arg12[%sub3A_523, %scan3A_562, %dma_start3A_580, %dma_start3A_581] : memref<2x3x2x128xi32, #tpu.memory_space<vmem>> -> memref<1x1x1x128xi32, #tpu.memory_space<vmem>>
          %dma_start3A_583 = tpu.memref_squeeze %dma_start3A_582 : memref<1x1x1x128xi32, #tpu.memory_space<vmem>> -> memref<128xi32, #tpu.memory_space<vmem>>
          %dma_start3A_584 = tpu.memref_slice %arg4[%add3A_568] : memref<800000xi32, #tpu.memory_space<hbm>> -> memref<128xi32, #tpu.memory_space<hbm>>
          %dma_start3A_585 = tpu.memref_slice %arg17[%sub3A_523] : memref<2x!tpu.dma_semaphore, #tpu.memory_space<semaphore_mem>> -> memref<1x!tpu.dma_semaphore, #tpu.memory_space<semaphore_mem>>
          %dma_start3A_586 = tpu.memref_squeeze %dma_start3A_585 : memref<1x!tpu.dma_semaphore, #tpu.memory_space<semaphore_mem>> -> memref<!tpu.dma_semaphore, #tpu.memory_space<semaphore_mem>>
          %dma_start3A_587 = arith.constant 0 : i32
          %dma_start3A_588 = tpu.memref_slice %arg12[%sub3A_523, %scan3A_562, %dma_start3A_580, %dma_start3A_587] : memref<2x3x2x128xi32, #tpu.memory_space<vmem>> -> memref<1x1x1x128xi32, #tpu.memory_space<vmem>>
          %dma_start3A_589 = tpu.memref_squeeze %dma_start3A_588 : memref<1x1x1x128xi32, #tpu.memory_space<vmem>> -> memref<128xi32, #tpu.memory_space<vmem>>
          %dma_start3A_590 = tpu.memref_slice %arg4[%add3A_568] : memref<800000xi32, #tpu.memory_space<hbm>> -> memref<128xi32, #tpu.memory_space<hbm>>
          tpu.enqueue_dma source(%dma_start3A_590 : memref<128xi32, #tpu.memory_space<hbm>>) target(%dma_start3A_589 : memref<128xi32, #tpu.memory_space<vmem>>) target_semaphore(%dma_start3A_586 : memref<!tpu.dma_semaphore, #tpu.memory_space<semaphore_mem>>)
        }
        %scan3A_561 = arith.constant 3 : i32
      } else {
      }
      %scan3A_545 = arith.constant 0 : i32
      %scan3A_546 = arith.constant 3 : i32
      %scan3A_547 = arith.addi %scan3A_545, %scan3A_546 : i32
      %scan3A_548 = arith.constant 1 : i32
      scf.for %scan3A_555 = %scan3A_545 to %scan3A_547 step %scan3A_548  : i32 {
        %dma_wait3A_556 = arith.constant 0 : i32
        %dma_wait3A_557 = arith.constant 0 : i32
        %dma_wait3A_558 = arith.constant 0 : i32
        %dma_wait3A_559 = tpu.memref_slice %arg13[%rem3A_522, %scan3A_555, %dma_wait3A_557, %dma_wait3A_558] : memref<2x3x128x32xf32, #tpu.memory_space<vmem>> -> memref<1x1x128x32xf32, #tpu.memory_space<vmem>>
        %dma_wait3A_560 = tpu.memref_squeeze %dma_wait3A_559 : memref<1x1x128x32xf32, #tpu.memory_space<vmem>> -> memref<128x32xf32, #tpu.memory_space<vmem>>
        %dma_wait3A_561 = arith.constant 0 : i32
        %dma_wait3A_562 = tpu.memref_slice %arg12[%rem3A_522, %scan3A_555, %dma_wait3A_556, %dma_wait3A_561] : memref<2x3x2x128xi32, #tpu.memory_space<vmem>> -> memref<1x1x1x128xi32, #tpu.memory_space<vmem>>
        %dma_wait3A_563 = tpu.memref_squeeze %dma_wait3A_562 : memref<1x1x1x128xi32, #tpu.memory_space<vmem>> -> memref<128xi32, #tpu.memory_space<vmem>>
        %dma_wait3A_564 = arith.constant 0 : i32
        %dma_wait3A_565 = arith.constant 0 : i32
        %dma_wait3A_566 = tpu.memref_slice %arg9[%dma_wait3A_564, %dma_wait3A_565] : memref<100096x32xf32, #tpu.memory_space<hbm>> -> memref<100096x32xf32, #tpu.memory_space<hbm>>
        %dma_wait3A_567 = tpu.memref_slice %arg18[%rem3A_522] : memref<2x!tpu.dma_semaphore, #tpu.memory_space<semaphore_mem>> -> memref<1x!tpu.dma_semaphore, #tpu.memory_space<semaphore_mem>>
        %dma_wait3A_568 = tpu.memref_squeeze %dma_wait3A_567 : memref<1x!tpu.dma_semaphore, #tpu.memory_space<semaphore_mem>> -> memref<!tpu.dma_semaphore, #tpu.memory_space<semaphore_mem>>
        tpu.wait_indirect_dma semaphore(%dma_wait3A_568 : memref<!tpu.dma_semaphore, #tpu.memory_space<semaphore_mem>>) src(%dma_wait3A_566 : memref<100096x32xf32, #tpu.memory_space<hbm>>) dst(%dma_wait3A_560 : memref<128x32xf32, #tpu.memory_space<vmem>>)
      }
      %scan3A_549 = arith.constant 3 : i32
      %scan3A_550 = arith.constant 0 : i32
      %scan3A_551 = arith.constant 3 : i32
      %scan3A_552 = arith.addi %scan3A_550, %scan3A_551 : i32
      %scan3A_553 = arith.constant 1 : i32
      scf.for %scan3A_555 = %scan3A_550 to %scan3A_552 step %scan3A_553  : i32 {
        %dma_start3A_556 = arith.constant 1 : i32
        %dma_start3A_557 = arith.constant 0 : i32
        %dma_start3A_558 = arith.constant 0 : i32
        %dma_start3A_559 = tpu.memref_slice %arg13[%rem3A_522, %scan3A_555, %dma_start3A_557, %dma_start3A_558] : memref<2x3x128x32xf32, #tpu.memory_space<vmem>> -> memref<1x1x128x32xf32, #tpu.memory_space<vmem>>
        %dma_start3A_560 = tpu.memref_squeeze %dma_start3A_559 : memref<1x1x128x32xf32, #tpu.memory_space<vmem>> -> memref<128x32xf32, #tpu.memory_space<vmem>>
        %dma_start3A_561 = arith.constant 0 : i32
        %dma_start3A_562 = tpu.memref_slice %arg12[%rem3A_522, %scan3A_555, %dma_start3A_556, %dma_start3A_561] : memref<2x3x2x128xi32, #tpu.memory_space<vmem>> -> memref<1x1x1x128xi32, #tpu.memory_space<vmem>>
        %dma_start3A_563 = tpu.memref_squeeze %dma_start3A_562 : memref<1x1x1x128xi32, #tpu.memory_space<vmem>> -> memref<128xi32, #tpu.memory_space<vmem>>
        %dma_start3A_564 = arith.constant 0 : i32
        %dma_start3A_565 = arith.constant 0 : i32
        %dma_start3A_566 = tpu.memref_slice %arg20[%dma_start3A_564, %dma_start3A_565] : memref<50048x32xf32, #tpu.memory_space<vmem_shared>> -> memref<50048x32xf32, #tpu.memory_space<vmem_shared>>
        %dma_start3A_567 = tpu.memref_slice %arg19[%rem3A_522] : memref<2x!tpu.dma_semaphore, #tpu.memory_space<semaphore_mem>> -> memref<1x!tpu.dma_semaphore, #tpu.memory_space<semaphore_mem>>
        %dma_start3A_568 = tpu.memref_squeeze %dma_start3A_567 : memref<1x!tpu.dma_semaphore, #tpu.memory_space<semaphore_mem>> -> memref<!tpu.dma_semaphore, #tpu.memory_space<semaphore_mem>>
        tpu.enqueue_indirect_dma source(%dma_start3A_560 : memref<128x32xf32, #tpu.memory_space<vmem>>) target(%dma_start3A_566 : memref<50048x32xf32, #tpu.memory_space<vmem_shared>>) offsets(%dma_start3A_563 : memref<128xi32, #tpu.memory_space<vmem>>) semaphore(%dma_start3A_568 : memref<!tpu.dma_semaphore, #tpu.memory_space<semaphore_mem>>) {add = true}
      }
      %scan3A_554 = arith.constant 3 : i32
    }
    %scan3A_381 = arith.constant 130 : i32
    %scan3A_382 = arith.constant 0 : i32
    %scan3A_383 = arith.constant 3 : i32
    %scan3A_384 = arith.addi %scan3A_382, %scan3A_383 : i32
    %scan3A_385 = arith.constant 1 : i32
    scf.for %scan3A_521 = %scan3A_382 to %scan3A_384 step %scan3A_385  : i32 {
      %dma_wait3A_522 = arith.constant 1 : i32
      %dma_wait3A_523 = arith.constant 1 : i32
      %dma_wait3A_524 = arith.constant 1 : i32
      %dma_wait3A_525 = arith.constant 1 : i32
      %dma_wait3A_526 = arith.constant 0 : i32
      %dma_wait3A_527 = arith.constant 0 : i32
      %dma_wait3A_528 = tpu.memref_slice %arg13[%dma_wait3A_522, %scan3A_521, %dma_wait3A_526, %dma_wait3A_527] : memref<2x3x128x32xf32, #tpu.memory_space<vmem>> -> memref<1x1x128x32xf32, #tpu.memory_space<vmem>>
      %dma_wait3A_529 = tpu.memref_squeeze %dma_wait3A_528 : memref<1x1x128x32xf32, #tpu.memory_space<vmem>> -> memref<128x32xf32, #tpu.memory_space<vmem>>
      %dma_wait3A_530 = arith.constant 0 : i32
      %dma_wait3A_531 = tpu.memref_slice %arg12[%dma_wait3A_523, %scan3A_521, %dma_wait3A_524, %dma_wait3A_530] : memref<2x3x2x128xi32, #tpu.memory_space<vmem>> -> memref<1x1x1x128xi32, #tpu.memory_space<vmem>>
      %dma_wait3A_532 = tpu.memref_squeeze %dma_wait3A_531 : memref<1x1x1x128xi32, #tpu.memory_space<vmem>> -> memref<128xi32, #tpu.memory_space<vmem>>
      %dma_wait3A_533 = arith.constant 0 : i32
      %dma_wait3A_534 = arith.constant 0 : i32
      %dma_wait3A_535 = tpu.memref_slice %arg20[%dma_wait3A_533, %dma_wait3A_534] : memref<50048x32xf32, #tpu.memory_space<vmem_shared>> -> memref<50048x32xf32, #tpu.memory_space<vmem_shared>>
      %dma_wait3A_536 = tpu.memref_slice %arg19[%dma_wait3A_525] : memref<2x!tpu.dma_semaphore, #tpu.memory_space<semaphore_mem>> -> memref<1x!tpu.dma_semaphore, #tpu.memory_space<semaphore_mem>>
      %dma_wait3A_537 = tpu.memref_squeeze %dma_wait3A_536 : memref<1x!tpu.dma_semaphore, #tpu.memory_space<semaphore_mem>> -> memref<!tpu.dma_semaphore, #tpu.memory_space<semaphore_mem>>
      tpu.wait_indirect_dma semaphore(%dma_wait3A_537 : memref<!tpu.dma_semaphore, #tpu.memory_space<semaphore_mem>>) src(%dma_wait3A_529 : memref<128x32xf32, #tpu.memory_space<vmem>>) dst(%dma_wait3A_535 : memref<50048x32xf32, #tpu.memory_space<vmem_shared>>)
    }
    %scan3A_386 = arith.constant 3 : i32
    %add3A_387 = arith.constant 49920 : i32
    %add3A_388 = arith.addi %mul3A_2, %add3A_387 : i32
    %run_scoped3A_389 = arith.constant 0 : i32
    "tpu.region"() ({
      %run_scoped3A_521 = tpu.sem_alloc : memref<!tpu.dma_semaphore, #tpu.memory_space<semaphore_mem>>
      %dma_start3A_522 = arith.constant 0 : i32
      %dma_start3A_523 = tpu.memref_slice %arg11[%run_scoped3A_389, %dma_start3A_522] : memref<2x128xi32, #tpu.memory_space<vmem>> -> memref<1x80xi32, #tpu.memory_space<vmem>>
      %dma_start3A_524 = tpu.memref_squeeze %dma_start3A_523 : memref<1x80xi32, #tpu.memory_space<vmem>> -> memref<80xi32, #tpu.memory_space<vmem>>
      %dma_start3A_525 = tpu.memref_slice %arg3[%add3A_388] : memref<800000xi32, #tpu.memory_space<hbm>> -> memref<80xi32, #tpu.memory_space<hbm>>
      %dma_start3A_526 = arith.constant 0 : i32
      %dma_start3A_527 = tpu.memref_slice %arg11[%run_scoped3A_389, %dma_start3A_526] : memref<2x128xi32, #tpu.memory_space<vmem>> -> memref<1x80xi32, #tpu.memory_space<vmem>>
      %dma_start3A_528 = tpu.memref_squeeze %dma_start3A_527 : memref<1x80xi32, #tpu.memory_space<vmem>> -> memref<80xi32, #tpu.memory_space<vmem>>
      %dma_start3A_529 = tpu.memref_slice %arg3[%add3A_388] : memref<800000xi32, #tpu.memory_space<hbm>> -> memref<80xi32, #tpu.memory_space<hbm>>
      tpu.enqueue_dma source(%dma_start3A_529 : memref<80xi32, #tpu.memory_space<hbm>>) target(%dma_start3A_528 : memref<80xi32, #tpu.memory_space<vmem>>) target_semaphore(%run_scoped3A_521 : memref<!tpu.dma_semaphore, #tpu.memory_space<semaphore_mem>>)
      %dma_wait3A_530 = arith.constant 0 : i32
      %dma_wait3A_531 = tpu.memref_slice %arg11[%run_scoped3A_389, %dma_wait3A_530] : memref<2x128xi32, #tpu.memory_space<vmem>> -> memref<1x80xi32, #tpu.memory_space<vmem>>
      %dma_wait3A_532 = tpu.memref_squeeze %dma_wait3A_531 : memref<1x80xi32, #tpu.memory_space<vmem>> -> memref<80xi32, #tpu.memory_space<vmem>>
      %dma_wait3A_533 = tpu.memref_slice %arg3[%add3A_388] : memref<800000xi32, #tpu.memory_space<hbm>> -> memref<80xi32, #tpu.memory_space<hbm>>
      %dma_wait3A_534 = arith.constant 0 : i32
      %dma_wait3A_535 = tpu.memref_slice %arg11[%run_scoped3A_389, %dma_wait3A_534] : memref<2x128xi32, #tpu.memory_space<vmem>> -> memref<1x80xi32, #tpu.memory_space<vmem>>
      %dma_wait3A_536 = tpu.memref_squeeze %dma_wait3A_535 : memref<1x80xi32, #tpu.memory_space<vmem>> -> memref<80xi32, #tpu.memory_space<vmem>>
      %dma_wait3A_537 = tpu.memref_slice %arg3[%add3A_388] : memref<800000xi32, #tpu.memory_space<hbm>> -> memref<80xi32, #tpu.memory_space<hbm>>
      tpu.wait_dma2 semaphore(%run_scoped3A_521 : memref<!tpu.dma_semaphore, #tpu.memory_space<semaphore_mem>>) src(%dma_wait3A_537 : memref<80xi32, #tpu.memory_space<hbm>>) dst(%dma_wait3A_536 : memref<80xi32, #tpu.memory_space<vmem>>)
      tpu.yield
    }) : () -> ()
    %broadcast_in_dim3A_390 = arith.constant 0 : i32
    %broadcast_in_dim3A_391 = vector.broadcast %broadcast_in_dim3A_390 : i32 to vector<16xi32>
    %swap3A_392 = arith.constant 0 : i32
    %swap3A_393 = arith.index_cast %swap3A_392 : i32 to index
    %swap3A_394 = arith.constant 80 : index
    %swap3A_395 = tpu.vector_load %arg11[%swap3A_393, %swap3A_394] {strides = array<i32>} : memref<2x128xi32, #tpu.memory_space<vmem>>, vector<16xi32>,
    tpu.vector_store %arg11[%swap3A_393, %swap3A_394], %broadcast_in_dim3A_391 {strides = array<i32>} : memref<2x128xi32, #tpu.memory_space<vmem>>, vector<16xi32>,
    %swap3A_396 = arith.constant 0 : i32
    %swap3A_397 = arith.index_cast %swap3A_396 : i32 to index
    %swap3A_398 = arith.constant 96 : index
    %swap3A_399 = tpu.vector_load %arg11[%swap3A_397, %swap3A_398] {strides = array<i32>} : memref<2x128xi32, #tpu.memory_space<vmem>>, vector<16xi32>,
    tpu.vector_store %arg11[%swap3A_397, %swap3A_398], %broadcast_in_dim3A_391 {strides = array<i32>} : memref<2x128xi32, #tpu.memory_space<vmem>>, vector<16xi32>,
    %swap3A_400 = arith.constant 0 : i32
    %swap3A_401 = arith.index_cast %swap3A_400 : i32 to index
    %swap3A_402 = arith.constant 112 : index
    %swap3A_403 = tpu.vector_load %arg11[%swap3A_401, %swap3A_402] {strides = array<i32>} : memref<2x128xi32, #tpu.memory_space<vmem>>, vector<16xi32>,
    tpu.vector_store %arg11[%swap3A_401, %swap3A_402], %broadcast_in_dim3A_391 {strides = array<i32>} : memref<2x128xi32, #tpu.memory_space<vmem>>, vector<16xi32>,
    %add3A_404 = arith.constant 49920 : i32
    %add3A_405 = arith.addi %mul3A_2, %add3A_404 : i32
    %run_scoped3A_406 = arith.constant 1 : i32
    "tpu.region"() ({
      %run_scoped3A_521 = tpu.sem_alloc : memref<!tpu.dma_semaphore, #tpu.memory_space<semaphore_mem>>
      %dma_start3A_522 = arith.constant 0 : i32
      %dma_start3A_523 = tpu.memref_slice %arg11[%run_scoped3A_406, %dma_start3A_522] : memref<2x128xi32, #tpu.memory_space<vmem>> -> memref<1x80xi32, #tpu.memory_space<vmem>>
      %dma_start3A_524 = tpu.memref_squeeze %dma_start3A_523 : memref<1x80xi32, #tpu.memory_space<vmem>> -> memref<80xi32, #tpu.memory_space<vmem>>
      %dma_start3A_525 = tpu.memref_slice %arg4[%add3A_405] : memref<800000xi32, #tpu.memory_space<hbm>> -> memref<80xi32, #tpu.memory_space<hbm>>
      %dma_start3A_526 = arith.constant 0 : i32
      %dma_start3A_527 = tpu.memref_slice %arg11[%run_scoped3A_406, %dma_start3A_526] : memref<2x128xi32, #tpu.memory_space<vmem>> -> memref<1x80xi32, #tpu.memory_space<vmem>>
      %dma_start3A_528 = tpu.memref_squeeze %dma_start3A_527 : memref<1x80xi32, #tpu.memory_space<vmem>> -> memref<80xi32, #tpu.memory_space<vmem>>
      %dma_start3A_529 = tpu.memref_slice %arg4[%add3A_405] : memref<800000xi32, #tpu.memory_space<hbm>> -> memref<80xi32, #tpu.memory_space<hbm>>
      tpu.enqueue_dma source(%dma_start3A_529 : memref<80xi32, #tpu.memory_space<hbm>>) target(%dma_start3A_528 : memref<80xi32, #tpu.memory_space<vmem>>) target_semaphore(%run_scoped3A_521 : memref<!tpu.dma_semaphore, #tpu.memory_space<semaphore_mem>>)
      %dma_wait3A_530 = arith.constant 0 : i32
      %dma_wait3A_531 = tpu.memref_slice %arg11[%run_scoped3A_406, %dma_wait3A_530] : memref<2x128xi32, #tpu.memory_space<vmem>> -> memref<1x80xi32, #tpu.memory_space<vmem>>
      %dma_wait3A_532 = tpu.memref_squeeze %dma_wait3A_531 : memref<1x80xi32, #tpu.memory_space<vmem>> -> memref<80xi32, #tpu.memory_space<vmem>>
      %dma_wait3A_533 = tpu.memref_slice %arg4[%add3A_405] : memref<800000xi32, #tpu.memory_space<hbm>> -> memref<80xi32, #tpu.memory_space<hbm>>
      %dma_wait3A_534 = arith.constant 0 : i32
      %dma_wait3A_535 = tpu.memref_slice %arg11[%run_scoped3A_406, %dma_wait3A_534] : memref<2x128xi32, #tpu.memory_space<vmem>> -> memref<1x80xi32, #tpu.memory_space<vmem>>
      %dma_wait3A_536 = tpu.memref_squeeze %dma_wait3A_535 : memref<1x80xi32, #tpu.memory_space<vmem>> -> memref<80xi32, #tpu.memory_space<vmem>>
      %dma_wait3A_537 = tpu.memref_slice %arg4[%add3A_405] : memref<800000xi32, #tpu.memory_space<hbm>> -> memref<80xi32, #tpu.memory_space<hbm>>
      tpu.wait_dma2 semaphore(%run_scoped3A_521 : memref<!tpu.dma_semaphore, #tpu.memory_space<semaphore_mem>>) src(%dma_wait3A_537 : memref<80xi32, #tpu.memory_space<hbm>>) dst(%dma_wait3A_536 : memref<80xi32, #tpu.memory_space<vmem>>)
      tpu.yield
    }) : () -> ()
    %broadcast_in_dim3A_407 = arith.constant 50047 : i32
    %broadcast_in_dim3A_408 = vector.broadcast %broadcast_in_dim3A_407 : i32 to vector<16xi32>
    %swap3A_409 = arith.constant 1 : i32
    %swap3A_410 = arith.index_cast %swap3A_409 : i32 to index
    %swap3A_411 = arith.constant 80 : index
    %swap3A_412 = tpu.vector_load %arg11[%swap3A_410, %swap3A_411] {strides = array<i32>} : memref<2x128xi32, #tpu.memory_space<vmem>>, vector<16xi32>,
    tpu.vector_store %arg11[%swap3A_410, %swap3A_411], %broadcast_in_dim3A_408 {strides = array<i32>} : memref<2x128xi32, #tpu.memory_space<vmem>>, vector<16xi32>,
    %swap3A_413 = arith.constant 1 : i32
    %swap3A_414 = arith.index_cast %swap3A_413 : i32 to index
    %swap3A_415 = arith.constant 96 : index
    %swap3A_416 = tpu.vector_load %arg11[%swap3A_414, %swap3A_415] {strides = array<i32>} : memref<2x128xi32, #tpu.memory_space<vmem>>, vector<16xi32>,
    tpu.vector_store %arg11[%swap3A_414, %swap3A_415], %broadcast_in_dim3A_408 {strides = array<i32>} : memref<2x128xi32, #tpu.memory_space<vmem>>, vector<16xi32>,
    %swap3A_417 = arith.constant 1 : i32
    %swap3A_418 = arith.index_cast %swap3A_417 : i32 to index
    %swap3A_419 = arith.constant 112 : index
    %swap3A_420 = tpu.vector_load %arg11[%swap3A_418, %swap3A_419] {strides = array<i32>} : memref<2x128xi32, #tpu.memory_space<vmem>>, vector<16xi32>,
    tpu.vector_store %arg11[%swap3A_418, %swap3A_419], %broadcast_in_dim3A_408 {strides = array<i32>} : memref<2x128xi32, #tpu.memory_space<vmem>>, vector<16xi32>,
    %get3A_421 = arith.constant 0 : i32
    %get3A_422 = arith.index_cast %get3A_421 : i32 to index
    %get3A_423 = arith.constant 0 : index
    %get3A_424 = tpu.vector_load %arg11[%get3A_422, %get3A_423] {strides = array<i32>} : memref<2x128xi32, #tpu.memory_space<vmem>>, vector<16xi32>,
    %add3A_425 = vector.broadcast %mul3A_0 : i32 to vector<16xi32>
    %add3A_426 = arith.addi %get3A_424, %add3A_425 : vector<16xi32>
    %swap3A_427 = arith.constant 0 : i32
    %swap3A_428 = arith.index_cast %swap3A_427 : i32 to index
    %swap3A_429 = arith.constant 0 : index
    %swap3A_430 = tpu.vector_load %arg11[%swap3A_428, %swap3A_429] {strides = array<i32>} : memref<2x128xi32, #tpu.memory_space<vmem>>, vector<16xi32>,
    tpu.vector_store %arg11[%swap3A_428, %swap3A_429], %add3A_426 {strides = array<i32>} : memref<2x128xi32, #tpu.memory_space<vmem>>, vector<16xi32>,
    %get3A_431 = arith.constant 0 : i32
    %get3A_432 = arith.index_cast %get3A_431 : i32 to index
    %get3A_433 = arith.constant 16 : index
    %get3A_434 = tpu.vector_load %arg11[%get3A_432, %get3A_433] {strides = array<i32>} : memref<2x128xi32, #tpu.memory_space<vmem>>, vector<16xi32>,
    %add3A_435 = vector.broadcast %mul3A_0 : i32 to vector<16xi32>
    %add3A_436 = arith.addi %get3A_434, %add3A_435 : vector<16xi32>
    %swap3A_437 = arith.constant 0 : i32
    %swap3A_438 = arith.index_cast %swap3A_437 : i32 to index
    %swap3A_439 = arith.constant 16 : index
    %swap3A_440 = tpu.vector_load %arg11[%swap3A_438, %swap3A_439] {strides = array<i32>} : memref<2x128xi32, #tpu.memory_space<vmem>>, vector<16xi32>,
    tpu.vector_store %arg11[%swap3A_438, %swap3A_439], %add3A_436 {strides = array<i32>} : memref<2x128xi32, #tpu.memory_space<vmem>>, vector<16xi32>,
    %get3A_441 = arith.constant 0 : i32
    %get3A_442 = arith.index_cast %get3A_441 : i32 to index
    %get3A_443 = arith.constant 32 : index
    %get3A_444 = tpu.vector_load %arg11[%get3A_442, %get3A_443] {strides = array<i32>} : memref<2x128xi32, #tpu.memory_space<vmem>>, vector<16xi32>,
    %add3A_445 = vector.broadcast %mul3A_0 : i32 to vector<16xi32>
    %add3A_446 = arith.addi %get3A_444, %add3A_445 : vector<16xi32>
    %swap3A_447 = arith.constant 0 : i32
    %swap3A_448 = arith.index_cast %swap3A_447 : i32 to index
    %swap3A_449 = arith.constant 32 : index
    %swap3A_450 = tpu.vector_load %arg11[%swap3A_448, %swap3A_449] {strides = array<i32>} : memref<2x128xi32, #tpu.memory_space<vmem>>, vector<16xi32>,
    tpu.vector_store %arg11[%swap3A_448, %swap3A_449], %add3A_446 {strides = array<i32>} : memref<2x128xi32, #tpu.memory_space<vmem>>, vector<16xi32>,
    %get3A_451 = arith.constant 0 : i32
    %get3A_452 = arith.index_cast %get3A_451 : i32 to index
    %get3A_453 = arith.constant 48 : index
    %get3A_454 = tpu.vector_load %arg11[%get3A_452, %get3A_453] {strides = array<i32>} : memref<2x128xi32, #tpu.memory_space<vmem>>, vector<16xi32>,
    %add3A_455 = vector.broadcast %mul3A_0 : i32 to vector<16xi32>
    %add3A_456 = arith.addi %get3A_454, %add3A_455 : vector<16xi32>
    %swap3A_457 = arith.constant 0 : i32
    %swap3A_458 = arith.index_cast %swap3A_457 : i32 to index
    %swap3A_459 = arith.constant 48 : index
    %swap3A_460 = tpu.vector_load %arg11[%swap3A_458, %swap3A_459] {strides = array<i32>} : memref<2x128xi32, #tpu.memory_space<vmem>>, vector<16xi32>,
    tpu.vector_store %arg11[%swap3A_458, %swap3A_459], %add3A_456 {strides = array<i32>} : memref<2x128xi32, #tpu.memory_space<vmem>>, vector<16xi32>,
    %get3A_461 = arith.constant 0 : i32
    %get3A_462 = arith.index_cast %get3A_461 : i32 to index
    %get3A_463 = arith.constant 64 : index
    %get3A_464 = tpu.vector_load %arg11[%get3A_462, %get3A_463] {strides = array<i32>} : memref<2x128xi32, #tpu.memory_space<vmem>>, vector<16xi32>,
    %add3A_465 = vector.broadcast %mul3A_0 : i32 to vector<16xi32>
    %add3A_466 = arith.addi %get3A_464, %add3A_465 : vector<16xi32>
    %swap3A_467 = arith.constant 0 : i32
    %swap3A_468 = arith.index_cast %swap3A_467 : i32 to index
    %swap3A_469 = arith.constant 64 : index
    %swap3A_470 = tpu.vector_load %arg11[%swap3A_468, %swap3A_469] {strides = array<i32>} : memref<2x128xi32, #tpu.memory_space<vmem>>, vector<16xi32>,
    tpu.vector_store %arg11[%swap3A_468, %swap3A_469], %add3A_466 {strides = array<i32>} : memref<2x128xi32, #tpu.memory_space<vmem>>, vector<16xi32>,
    %get3A_471 = arith.constant 0 : i32
    %get3A_472 = arith.index_cast %get3A_471 : i32 to index
    %get3A_473 = arith.constant 80 : index
    %get3A_474 = tpu.vector_load %arg11[%get3A_472, %get3A_473] {strides = array<i32>} : memref<2x128xi32, #tpu.memory_space<vmem>>, vector<16xi32>,
    %add3A_475 = vector.broadcast %mul3A_0 : i32 to vector<16xi32>
    %add3A_476 = arith.addi %get3A_474, %add3A_475 : vector<16xi32>
    %swap3A_477 = arith.constant 0 : i32
    %swap3A_478 = arith.index_cast %swap3A_477 : i32 to index
    %swap3A_479 = arith.constant 80 : index
    %swap3A_480 = tpu.vector_load %arg11[%swap3A_478, %swap3A_479] {strides = array<i32>} : memref<2x128xi32, #tpu.memory_space<vmem>>, vector<16xi32>,
    tpu.vector_store %arg11[%swap3A_478, %swap3A_479], %add3A_476 {strides = array<i32>} : memref<2x128xi32, #tpu.memory_space<vmem>>, vector<16xi32>,
    %get3A_481 = arith.constant 0 : i32
    %get3A_482 = arith.index_cast %get3A_481 : i32 to index
    %get3A_483 = arith.constant 96 : index
    %get3A_484 = tpu.vector_load %arg11[%get3A_482, %get3A_483] {strides = array<i32>} : memref<2x128xi32, #tpu.memory_space<vmem>>, vector<16xi32>,
    %add3A_485 = vector.broadcast %mul3A_0 : i32 to vector<16xi32>
    %add3A_486 = arith.addi %get3A_484, %add3A_485 : vector<16xi32>
    %swap3A_487 = arith.constant 0 : i32
    %swap3A_488 = arith.index_cast %swap3A_487 : i32 to index
    %swap3A_489 = arith.constant 96 : index
    %swap3A_490 = tpu.vector_load %arg11[%swap3A_488, %swap3A_489] {strides = array<i32>} : memref<2x128xi32, #tpu.memory_space<vmem>>, vector<16xi32>,
    tpu.vector_store %arg11[%swap3A_488, %swap3A_489], %add3A_486 {strides = array<i32>} : memref<2x128xi32, #tpu.memory_space<vmem>>, vector<16xi32>,
    %get3A_491 = arith.constant 0 : i32
    %get3A_492 = arith.index_cast %get3A_491 : i32 to index
    %get3A_493 = arith.constant 112 : index
    %get3A_494 = tpu.vector_load %arg11[%get3A_492, %get3A_493] {strides = array<i32>} : memref<2x128xi32, #tpu.memory_space<vmem>>, vector<16xi32>,
    %add3A_495 = vector.broadcast %mul3A_0 : i32 to vector<16xi32>
    %add3A_496 = arith.addi %get3A_494, %add3A_495 : vector<16xi32>
    %swap3A_497 = arith.constant 0 : i32
    %swap3A_498 = arith.index_cast %swap3A_497 : i32 to index
    %swap3A_499 = arith.constant 112 : index
    %swap3A_500 = tpu.vector_load %arg11[%swap3A_498, %swap3A_499] {strides = array<i32>} : memref<2x128xi32, #tpu.memory_space<vmem>>, vector<16xi32>,
    tpu.vector_store %arg11[%swap3A_498, %swap3A_499], %add3A_496 {strides = array<i32>} : memref<2x128xi32, #tpu.memory_space<vmem>>, vector<16xi32>,
    %run_scoped3A_501 = arith.constant 0 : i32
    %run_scoped3A_502 = arith.constant 1 : i32
    %run_scoped3A_503 = arith.constant 0 : i32
    "tpu.region"() ({
      %run_scoped3A_521 = tpu.sem_alloc : memref<!tpu.dma_semaphore, #tpu.memory_space<semaphore_mem>>
      %dma_start3A_522 = arith.constant 0 : i32
      %dma_start3A_523 = arith.constant 0 : i32
      %dma_start3A_524 = tpu.memref_slice %arg13[%run_scoped3A_502, %run_scoped3A_503, %dma_start3A_522, %dma_start3A_523] : memref<2x3x128x32xf32, #tpu.memory_space<vmem>> -> memref<1x1x128x32xf32, #tpu.memory_space<vmem>>
      %dma_start3A_525 = tpu.memref_squeeze %dma_start3A_524 : memref<1x1x128x32xf32, #tpu.memory_space<vmem>> -> memref<128x32xf32, #tpu.memory_space<vmem>>
      %dma_start3A_526 = arith.constant 0 : i32
      %dma_start3A_527 = tpu.memref_slice %arg11[%run_scoped3A_501, %dma_start3A_526] : memref<2x128xi32, #tpu.memory_space<vmem>> -> memref<1x128xi32, #tpu.memory_space<vmem>>
      %dma_start3A_528 = tpu.memref_squeeze %dma_start3A_527 : memref<1x128xi32, #tpu.memory_space<vmem>> -> memref<128xi32, #tpu.memory_space<vmem>>
      %dma_start3A_529 = arith.constant 0 : i32
      %dma_start3A_530 = arith.constant 0 : i32
      %dma_start3A_531 = tpu.memref_slice %arg9[%dma_start3A_529, %dma_start3A_530] : memref<100096x32xf32, #tpu.memory_space<hbm>> -> memref<100096x32xf32, #tpu.memory_space<hbm>>
      tpu.enqueue_indirect_dma source(%dma_start3A_531 : memref<100096x32xf32, #tpu.memory_space<hbm>>) target(%dma_start3A_525 : memref<128x32xf32, #tpu.memory_space<vmem>>) offsets(%dma_start3A_528 : memref<128xi32, #tpu.memory_space<vmem>>) semaphore(%run_scoped3A_521 : memref<!tpu.dma_semaphore, #tpu.memory_space<semaphore_mem>>)
      %dma_wait3A_532 = arith.constant 0 : i32
      %dma_wait3A_533 = arith.constant 0 : i32
      %dma_wait3A_534 = tpu.memref_slice %arg13[%run_scoped3A_502, %run_scoped3A_503, %dma_wait3A_532, %dma_wait3A_533] : memref<2x3x128x32xf32, #tpu.memory_space<vmem>> -> memref<1x1x128x32xf32, #tpu.memory_space<vmem>>
      %dma_wait3A_535 = tpu.memref_squeeze %dma_wait3A_534 : memref<1x1x128x32xf32, #tpu.memory_space<vmem>> -> memref<128x32xf32, #tpu.memory_space<vmem>>
      %dma_wait3A_536 = arith.constant 0 : i32
      %dma_wait3A_537 = tpu.memref_slice %arg11[%run_scoped3A_501, %dma_wait3A_536] : memref<2x128xi32, #tpu.memory_space<vmem>> -> memref<1x128xi32, #tpu.memory_space<vmem>>
      %dma_wait3A_538 = tpu.memref_squeeze %dma_wait3A_537 : memref<1x128xi32, #tpu.memory_space<vmem>> -> memref<128xi32, #tpu.memory_space<vmem>>
      %dma_wait3A_539 = arith.constant 0 : i32
      %dma_wait3A_540 = arith.constant 0 : i32
      %dma_wait3A_541 = tpu.memref_slice %arg9[%dma_wait3A_539, %dma_wait3A_540] : memref<100096x32xf32, #tpu.memory_space<hbm>> -> memref<100096x32xf32, #tpu.memory_space<hbm>>
      tpu.wait_indirect_dma semaphore(%run_scoped3A_521 : memref<!tpu.dma_semaphore, #tpu.memory_space<semaphore_mem>>) src(%dma_wait3A_541 : memref<100096x32xf32, #tpu.memory_space<hbm>>) dst(%dma_wait3A_535 : memref<128x32xf32, #tpu.memory_space<vmem>>)
      tpu.yield
    }) : () -> ()
    %run_scoped3A_504 = arith.constant 1 : i32
    %run_scoped3A_505 = arith.constant 0 : i32
    %run_scoped3A_506 = arith.constant 1 : i32
    "tpu.region"() ({
      %run_scoped3A_521 = tpu.sem_alloc : memref<!tpu.dma_semaphore, #tpu.memory_space<semaphore_mem>>
      %dma_start3A_522 = arith.constant 0 : i32
      %dma_start3A_523 = arith.constant 0 : i32
      %dma_start3A_524 = tpu.memref_slice %arg13[%run_scoped3A_504, %run_scoped3A_505, %dma_start3A_522, %dma_start3A_523] : memref<2x3x128x32xf32, #tpu.memory_space<vmem>> -> memref<1x1x128x32xf32, #tpu.memory_space<vmem>>
      %dma_start3A_525 = tpu.memref_squeeze %dma_start3A_524 : memref<1x1x128x32xf32, #tpu.memory_space<vmem>> -> memref<128x32xf32, #tpu.memory_space<vmem>>
      %dma_start3A_526 = arith.constant 0 : i32
      %dma_start3A_527 = tpu.memref_slice %arg11[%run_scoped3A_506, %dma_start3A_526] : memref<2x128xi32, #tpu.memory_space<vmem>> -> memref<1x128xi32, #tpu.memory_space<vmem>>
      %dma_start3A_528 = tpu.memref_squeeze %dma_start3A_527 : memref<1x128xi32, #tpu.memory_space<vmem>> -> memref<128xi32, #tpu.memory_space<vmem>>
      %dma_start3A_529 = arith.constant 0 : i32
      %dma_start3A_530 = arith.constant 0 : i32
      %dma_start3A_531 = tpu.memref_slice %arg20[%dma_start3A_529, %dma_start3A_530] : memref<50048x32xf32, #tpu.memory_space<vmem_shared>> -> memref<50048x32xf32, #tpu.memory_space<vmem_shared>>
      tpu.enqueue_indirect_dma source(%dma_start3A_525 : memref<128x32xf32, #tpu.memory_space<vmem>>) target(%dma_start3A_531 : memref<50048x32xf32, #tpu.memory_space<vmem_shared>>) offsets(%dma_start3A_528 : memref<128xi32, #tpu.memory_space<vmem>>) semaphore(%run_scoped3A_521 : memref<!tpu.dma_semaphore, #tpu.memory_space<semaphore_mem>>) {add = true}
      %dma_wait3A_532 = arith.constant 0 : i32
      %dma_wait3A_533 = arith.constant 0 : i32
      %dma_wait3A_534 = tpu.memref_slice %arg13[%run_scoped3A_504, %run_scoped3A_505, %dma_wait3A_532, %dma_wait3A_533] : memref<2x3x128x32xf32, #tpu.memory_space<vmem>> -> memref<1x1x128x32xf32, #tpu.memory_space<vmem>>
      %dma_wait3A_535 = tpu.memref_squeeze %dma_wait3A_534 : memref<1x1x128x32xf32, #tpu.memory_space<vmem>> -> memref<128x32xf32, #tpu.memory_space<vmem>>
      %dma_wait3A_536 = arith.constant 0 : i32
      %dma_wait3A_537 = tpu.memref_slice %arg11[%run_scoped3A_506, %dma_wait3A_536] : memref<2x128xi32, #tpu.memory_space<vmem>> -> memref<1x128xi32, #tpu.memory_space<vmem>>
      %dma_wait3A_538 = tpu.memref_squeeze %dma_wait3A_537 : memref<1x128xi32, #tpu.memory_space<vmem>> -> memref<128xi32, #tpu.memory_space<vmem>>
      %dma_wait3A_539 = arith.constant 0 : i32
      %dma_wait3A_540 = arith.constant 0 : i32
      %dma_wait3A_541 = tpu.memref_slice %arg20[%dma_wait3A_539, %dma_wait3A_540] : memref<50048x32xf32, #tpu.memory_space<vmem_shared>> -> memref<50048x32xf32, #tpu.memory_space<vmem_shared>>
      tpu.wait_indirect_dma semaphore(%run_scoped3A_521 : memref<!tpu.dma_semaphore, #tpu.memory_space<semaphore_mem>>) src(%dma_wait3A_535 : memref<128x32xf32, #tpu.memory_space<vmem>>) dst(%dma_wait3A_541 : memref<50048x32xf32, #tpu.memory_space<vmem_shared>>)
      tpu.yield
    }) : () -> ()
    %barrier3A_507 = arith.constant 0 : index
    tpu.barrier barrier_id(%barrier3A_507)
    %scan3A_508 = arith.constant 1 : i32
    %scan3A_509 = arith.constant 0 : i32
    %scan3A_510 = arith.constant 0 : i32
    %scan3A_511 = arith.constant 1 : i32
    %scan3A_512 = arith.constant 1 : i32
    %scan3A_513 = arith.constant 1 : i32
    %scan3A_514 = arith.constant 0 : i32
    %scan3A_515 = arith.constant 0 : i32
    %scan3A_516 = arith.constant 0 : i32
    %scan3A_517 = arith.constant 25 : i32
    %scan3A_518 = arith.addi %scan3A_516, %scan3A_517 : i32
    %scan3A_519 = arith.constant 1 : i32
    scf.for %scan3A_521 = %scan3A_516 to %scan3A_518 step %scan3A_519  : i32 {
      %add3A_522 = arith.constant 0 : i32
      %add3A_523 = arith.addi %add3A_522, %arg1 : i32
      %mul3A_524 = arith.constant 16 : i32
      %mul3A_525 = arith.muli %mul3A_524, %scan3A_521 : i32
      %add3A_526 = arith.addi %add3A_523, %mul3A_525 : i32
      %lt3A = arith.constant 391 : i32
      %lt3A_527 = arith.cmpi slt, %add3A_526, %lt3A : i32
      %convert_element_type3A = arith.extui %lt3A_527 : i1 to i32
      %cond3A = arith.constant 0 : i32
      %cond3A_528 = arith.cmpi ne, %convert_element_type3A, %cond3A : i32
      scf.if %cond3A_528 {
        %mul3A_529 = arith.constant 128 : i32
        %mul3A_530 = arith.muli %add3A_526, %mul3A_529 : i32
        "tpu.region"() ({
          %run_scoped3A_550 = tpu.sem_alloc : memref<!tpu.dma_semaphore, #tpu.memory_space<semaphore_mem>>
          %dma_start3A_551 = arith.constant 0 : i32
          %dma_start3A_552 = arith.constant 0 : i32
          %dma_start3A_553 = tpu.memref_slice %arg13[%scan3A_508, %scan3A_509, %dma_start3A_551, %dma_start3A_552] : memref<2x3x128x32xf32, #tpu.memory_space<vmem>> -> memref<1x1x128x32xf32, #tpu.memory_space<vmem>>
          %dma_start3A_554 = tpu.memref_squeeze %dma_start3A_553 : memref<1x1x128x32xf32, #tpu.memory_space<vmem>> -> memref<128x32xf32, #tpu.memory_space<vmem>>
          %dma_start3A_555 = arith.constant 0 : i32
          %dma_start3A_556 = tpu.memref_slice %arg20[%mul3A_530, %dma_start3A_555] : memref<50048x32xf32, #tpu.memory_space<vmem_shared>> -> memref<128x32xf32, #tpu.memory_space<vmem_shared>>
          %dma_start3A_557 = arith.constant 0 : i32
          %dma_start3A_558 = arith.constant 0 : i32
          %dma_start3A_559 = tpu.memref_slice %arg13[%scan3A_508, %scan3A_509, %dma_start3A_557, %dma_start3A_558] : memref<2x3x128x32xf32, #tpu.memory_space<vmem>> -> memref<1x1x128x32xf32, #tpu.memory_space<vmem>>
          %dma_start3A_560 = tpu.memref_squeeze %dma_start3A_559 : memref<1x1x128x32xf32, #tpu.memory_space<vmem>> -> memref<128x32xf32, #tpu.memory_space<vmem>>
          %dma_start3A_561 = arith.constant 0 : i32
          %dma_start3A_562 = tpu.memref_slice %arg20[%mul3A_530, %dma_start3A_561] : memref<50048x32xf32, #tpu.memory_space<vmem_shared>> -> memref<128x32xf32, #tpu.memory_space<vmem_shared>>
          tpu.enqueue_dma source(%dma_start3A_562 : memref<128x32xf32, #tpu.memory_space<vmem_shared>>) target(%dma_start3A_560 : memref<128x32xf32, #tpu.memory_space<vmem>>) target_semaphore(%run_scoped3A_550 : memref<!tpu.dma_semaphore, #tpu.memory_space<semaphore_mem>>)
          %dma_wait3A_563 = arith.constant 0 : i32
          %dma_wait3A_564 = arith.constant 0 : i32
          %dma_wait3A_565 = tpu.memref_slice %arg13[%scan3A_508, %scan3A_509, %dma_wait3A_563, %dma_wait3A_564] : memref<2x3x128x32xf32, #tpu.memory_space<vmem>> -> memref<1x1x128x32xf32, #tpu.memory_space<vmem>>
          %dma_wait3A_566 = tpu.memref_squeeze %dma_wait3A_565 : memref<1x1x128x32xf32, #tpu.memory_space<vmem>> -> memref<128x32xf32, #tpu.memory_space<vmem>>
          %dma_wait3A_567 = arith.constant 0 : i32
          %dma_wait3A_568 = tpu.memref_slice %arg20[%mul3A_530, %dma_wait3A_567] : memref<50048x32xf32, #tpu.memory_space<vmem_shared>> -> memref<128x32xf32, #tpu.memory_space<vmem_shared>>
          %dma_wait3A_569 = arith.constant 0 : i32
          %dma_wait3A_570 = arith.constant 0 : i32
          %dma_wait3A_571 = tpu.memref_slice %arg13[%scan3A_508, %scan3A_509, %dma_wait3A_569, %dma_wait3A_570] : memref<2x3x128x32xf32, #tpu.memory_space<vmem>> -> memref<1x1x128x32xf32, #tpu.memory_space<vmem>>
          %dma_wait3A_572 = tpu.memref_squeeze %dma_wait3A_571 : memref<1x1x128x32xf32, #tpu.memory_space<vmem>> -> memref<128x32xf32, #tpu.memory_space<vmem>>
          %dma_wait3A_573 = arith.constant 0 : i32
          %dma_wait3A_574 = tpu.memref_slice %arg20[%mul3A_530, %dma_wait3A_573] : memref<50048x32xf32, #tpu.memory_space<vmem_shared>> -> memref<128x32xf32, #tpu.memory_space<vmem_shared>>
          tpu.wait_dma2 semaphore(%run_scoped3A_550 : memref<!tpu.dma_semaphore, #tpu.memory_space<semaphore_mem>>) src(%dma_wait3A_574 : memref<128x32xf32, #tpu.memory_space<vmem_shared>>) dst(%dma_wait3A_572 : memref<128x32xf32, #tpu.memory_space<vmem>>)
          tpu.yield
        }) : () -> ()
        %mul3A_531 = arith.constant 128 : i32
        %mul3A_532 = arith.muli %add3A_526, %mul3A_531 : i32
        %add3A_533 = arith.addi %mul3A_0, %mul3A_532 : i32
        "tpu.region"() ({
          %run_scoped3A_550 = tpu.sem_alloc : memref<!tpu.dma_semaphore, #tpu.memory_space<semaphore_mem>>
          %dma_start3A_551 = arith.constant 0 : i32
          %dma_start3A_552 = arith.constant 0 : i32
          %dma_start3A_553 = tpu.memref_slice %arg13[%scan3A_510, %scan3A_511, %dma_start3A_551, %dma_start3A_552] : memref<2x3x128x32xf32, #tpu.memory_space<vmem>> -> memref<1x1x128x32xf32, #tpu.memory_space<vmem>>
          %dma_start3A_554 = tpu.memref_squeeze %dma_start3A_553 : memref<1x1x128x32xf32, #tpu.memory_space<vmem>> -> memref<128x32xf32, #tpu.memory_space<vmem>>
          %dma_start3A_555 = arith.constant 0 : i32
          %dma_start3A_556 = tpu.memref_slice %arg7[%add3A_533, %dma_start3A_555] : memref<100096x32xf32, #tpu.memory_space<hbm>> -> memref<128x32xf32, #tpu.memory_space<hbm>>
          %dma_start3A_557 = arith.constant 0 : i32
          %dma_start3A_558 = arith.constant 0 : i32
          %dma_start3A_559 = tpu.memref_slice %arg13[%scan3A_510, %scan3A_511, %dma_start3A_557, %dma_start3A_558] : memref<2x3x128x32xf32, #tpu.memory_space<vmem>> -> memref<1x1x128x32xf32, #tpu.memory_space<vmem>>
          %dma_start3A_560 = tpu.memref_squeeze %dma_start3A_559 : memref<1x1x128x32xf32, #tpu.memory_space<vmem>> -> memref<128x32xf32, #tpu.memory_space<vmem>>
          %dma_start3A_561 = arith.constant 0 : i32
          %dma_start3A_562 = tpu.memref_slice %arg7[%add3A_533, %dma_start3A_561] : memref<100096x32xf32, #tpu.memory_space<hbm>> -> memref<128x32xf32, #tpu.memory_space<hbm>>
          tpu.enqueue_dma source(%dma_start3A_562 : memref<128x32xf32, #tpu.memory_space<hbm>>) target(%dma_start3A_560 : memref<128x32xf32, #tpu.memory_space<vmem>>) target_semaphore(%run_scoped3A_550 : memref<!tpu.dma_semaphore, #tpu.memory_space<semaphore_mem>>)
          %dma_wait3A_563 = arith.constant 0 : i32
          %dma_wait3A_564 = arith.constant 0 : i32
          %dma_wait3A_565 = tpu.memref_slice %arg13[%scan3A_510, %scan3A_511, %dma_wait3A_563, %dma_wait3A_564] : memref<2x3x128x32xf32, #tpu.memory_space<vmem>> -> memref<1x1x128x32xf32, #tpu.memory_space<vmem>>
          %dma_wait3A_566 = tpu.memref_squeeze %dma_wait3A_565 : memref<1x1x128x32xf32, #tpu.memory_space<vmem>> -> memref<128x32xf32, #tpu.memory_space<vmem>>
          %dma_wait3A_567 = arith.constant 0 : i32
          %dma_wait3A_568 = tpu.memref_slice %arg7[%add3A_533, %dma_wait3A_567] : memref<100096x32xf32, #tpu.memory_space<hbm>> -> memref<128x32xf32, #tpu.memory_space<hbm>>
          %dma_wait3A_569 = arith.constant 0 : i32
          %dma_wait3A_570 = arith.constant 0 : i32
          %dma_wait3A_571 = tpu.memref_slice %arg13[%scan3A_510, %scan3A_511, %dma_wait3A_569, %dma_wait3A_570] : memref<2x3x128x32xf32, #tpu.memory_space<vmem>> -> memref<1x1x128x32xf32, #tpu.memory_space<vmem>>
          %dma_wait3A_572 = tpu.memref_squeeze %dma_wait3A_571 : memref<1x1x128x32xf32, #tpu.memory_space<vmem>> -> memref<128x32xf32, #tpu.memory_space<vmem>>
          %dma_wait3A_573 = arith.constant 0 : i32
          %dma_wait3A_574 = tpu.memref_slice %arg7[%add3A_533, %dma_wait3A_573] : memref<100096x32xf32, #tpu.memory_space<hbm>> -> memref<128x32xf32, #tpu.memory_space<hbm>>
          tpu.wait_dma2 semaphore(%run_scoped3A_550 : memref<!tpu.dma_semaphore, #tpu.memory_space<semaphore_mem>>) src(%dma_wait3A_574 : memref<128x32xf32, #tpu.memory_space<hbm>>) dst(%dma_wait3A_572 : memref<128x32xf32, #tpu.memory_space<vmem>>)
          tpu.yield
        }) : () -> ()
        %mul3A_534 = arith.constant 128 : i32
        %mul3A_535 = arith.muli %add3A_526, %mul3A_534 : i32
        %add3A_536 = arith.addi %mul3A_0, %mul3A_535 : i32
        "tpu.region"() ({
          %run_scoped3A_550 = tpu.sem_alloc : memref<!tpu.dma_semaphore, #tpu.memory_space<semaphore_mem>>
          %dma_start3A_551 = arith.constant 0 : i32
          %dma_start3A_552 = arith.constant 0 : i32
          %dma_start3A_553 = tpu.memref_slice %arg13[%scan3A_512, %scan3A_513, %dma_start3A_551, %dma_start3A_552] : memref<2x3x128x32xf32, #tpu.memory_space<vmem>> -> memref<1x1x128x32xf32, #tpu.memory_space<vmem>>
          %dma_start3A_554 = tpu.memref_squeeze %dma_start3A_553 : memref<1x1x128x32xf32, #tpu.memory_space<vmem>> -> memref<128x32xf32, #tpu.memory_space<vmem>>
          %dma_start3A_555 = arith.constant 0 : i32
          %dma_start3A_556 = tpu.memref_slice %arg8[%add3A_536, %dma_start3A_555] : memref<100096x32xf32, #tpu.memory_space<hbm>> -> memref<128x32xf32, #tpu.memory_space<hbm>>
          %dma_start3A_557 = arith.constant 0 : i32
          %dma_start3A_558 = arith.constant 0 : i32
          %dma_start3A_559 = tpu.memref_slice %arg13[%scan3A_512, %scan3A_513, %dma_start3A_557, %dma_start3A_558] : memref<2x3x128x32xf32, #tpu.memory_space<vmem>> -> memref<1x1x128x32xf32, #tpu.memory_space<vmem>>
          %dma_start3A_560 = tpu.memref_squeeze %dma_start3A_559 : memref<1x1x128x32xf32, #tpu.memory_space<vmem>> -> memref<128x32xf32, #tpu.memory_space<vmem>>
          %dma_start3A_561 = arith.constant 0 : i32
          %dma_start3A_562 = tpu.memref_slice %arg8[%add3A_536, %dma_start3A_561] : memref<100096x32xf32, #tpu.memory_space<hbm>> -> memref<128x32xf32, #tpu.memory_space<hbm>>
          tpu.enqueue_dma source(%dma_start3A_562 : memref<128x32xf32, #tpu.memory_space<hbm>>) target(%dma_start3A_560 : memref<128x32xf32, #tpu.memory_space<vmem>>) target_semaphore(%run_scoped3A_550 : memref<!tpu.dma_semaphore, #tpu.memory_space<semaphore_mem>>)
          %dma_wait3A_563 = arith.constant 0 : i32
          %dma_wait3A_564 = arith.constant 0 : i32
          %dma_wait3A_565 = tpu.memref_slice %arg13[%scan3A_512, %scan3A_513, %dma_wait3A_563, %dma_wait3A_564] : memref<2x3x128x32xf32, #tpu.memory_space<vmem>> -> memref<1x1x128x32xf32, #tpu.memory_space<vmem>>
          %dma_wait3A_566 = tpu.memref_squeeze %dma_wait3A_565 : memref<1x1x128x32xf32, #tpu.memory_space<vmem>> -> memref<128x32xf32, #tpu.memory_space<vmem>>
          %dma_wait3A_567 = arith.constant 0 : i32
          %dma_wait3A_568 = tpu.memref_slice %arg8[%add3A_536, %dma_wait3A_567] : memref<100096x32xf32, #tpu.memory_space<hbm>> -> memref<128x32xf32, #tpu.memory_space<hbm>>
          %dma_wait3A_569 = arith.constant 0 : i32
          %dma_wait3A_570 = arith.constant 0 : i32
          %dma_wait3A_571 = tpu.memref_slice %arg13[%scan3A_512, %scan3A_513, %dma_wait3A_569, %dma_wait3A_570] : memref<2x3x128x32xf32, #tpu.memory_space<vmem>> -> memref<1x1x128x32xf32, #tpu.memory_space<vmem>>
          %dma_wait3A_572 = tpu.memref_squeeze %dma_wait3A_571 : memref<1x1x128x32xf32, #tpu.memory_space<vmem>> -> memref<128x32xf32, #tpu.memory_space<vmem>>
          %dma_wait3A_573 = arith.constant 0 : i32
          %dma_wait3A_574 = tpu.memref_slice %arg8[%add3A_536, %dma_wait3A_573] : memref<100096x32xf32, #tpu.memory_space<hbm>> -> memref<128x32xf32, #tpu.memory_space<hbm>>
          tpu.wait_dma2 semaphore(%run_scoped3A_550 : memref<!tpu.dma_semaphore, #tpu.memory_space<semaphore_mem>>) src(%dma_wait3A_574 : memref<128x32xf32, #tpu.memory_space<hbm>>) dst(%dma_wait3A_572 : memref<128x32xf32, #tpu.memory_space<vmem>>)
          tpu.yield
        }) : () -> ()
        %mul3A_537 = arith.constant 128 : i32
        %mul3A_538 = arith.muli %add3A_526, %mul3A_537 : i32
        %add3A_539 = arith.addi %mul3A_0, %mul3A_538 : i32
        "tpu.region"() ({
          %run_scoped3A_550 = tpu.sem_alloc : memref<!tpu.dma_semaphore, #tpu.memory_space<semaphore_mem>>
          %dma_start3A_551 = tpu.memref_slice %arg10[%add3A_539] : memref<100096xf32, #tpu.memory_space<hbm>> -> memref<128xf32, #tpu.memory_space<hbm>>
          %dma_start3A_552 = tpu.memref_slice %arg10[%add3A_539] : memref<100096xf32, #tpu.memory_space<hbm>> -> memref<128xf32, #tpu.memory_space<hbm>>
          tpu.enqueue_dma source(%dma_start3A_552 : memref<128xf32, #tpu.memory_space<hbm>>) target(%arg14 : memref<128xf32, #tpu.memory_space<vmem>>) target_semaphore(%run_scoped3A_550 : memref<!tpu.dma_semaphore, #tpu.memory_space<semaphore_mem>>)
          %dma_wait3A_553 = tpu.memref_slice %arg10[%add3A_539] : memref<100096xf32, #tpu.memory_space<hbm>> -> memref<128xf32, #tpu.memory_space<hbm>>
          %dma_wait3A_554 = tpu.memref_slice %arg10[%add3A_539] : memref<100096xf32, #tpu.memory_space<hbm>> -> memref<128xf32, #tpu.memory_space<hbm>>
          tpu.wait_dma2 semaphore(%run_scoped3A_550 : memref<!tpu.dma_semaphore, #tpu.memory_space<semaphore_mem>>) src(%dma_wait3A_554 : memref<128xf32, #tpu.memory_space<hbm>>) dst(%arg14 : memref<128xf32, #tpu.memory_space<vmem>>)
          tpu.yield
        }) : () -> ()
        %scan3A_540 = arith.constant 0.333333343 : f32
        %scan3A_541 = arith.constant 0 : i32
        %scan3A_542 = arith.constant 128 : i32
        %scan3A_543 = arith.addi %scan3A_541, %scan3A_542 : i32
        %scan3A_544 = arith.constant 1 : i32
        scf.for %scan3A_550 = %scan3A_541 to %scan3A_543 step %scan3A_544  : i32 {
          %broadcast_in_dim3A_551 = vector.broadcast %scan3A_550 : i32 to vector<16xi32>
          %gather3A = tpu.vector_load_idx %arg14[%broadcast_in_dim3A_551] : memref<128xf32, #tpu.memory_space<vmem>>[vector<16xi32>], vector<16xf32>,
          %get3A_552 = arith.constant 0 : i32
          %get3A_553 = arith.constant 0 : i32
          %get3A_554 = tpu.memref_slice %arg13[%scan3A_510, %scan3A_511, %get3A_552, %get3A_553] : memref<2x3x128x32xf32, #tpu.memory_space<vmem>> -> memref<1x1x128x32xf32, #tpu.memory_space<vmem>>
          %get3A_555 = tpu.memref_squeeze %get3A_554 : memref<1x1x128x32xf32, #tpu.memory_space<vmem>> -> memref<128x32xf32, #tpu.memory_space<vmem>>
          %get3A_556 = arith.index_cast %scan3A_550 : i32 to index
          %get3A_557 = arith.constant 0 : index
          %get3A_558 = tpu.vector_load %get3A_555[%get3A_556, %get3A_557] {strides = array<i32>} : memref<128x32xf32, #tpu.memory_space<vmem>>, vector<16xf32>,
          %get3A_559 = arith.constant 0 : i32
          %get3A_560 = arith.constant 0 : i32
          %get3A_561 = tpu.memref_slice %arg13[%scan3A_512, %scan3A_513, %get3A_559, %get3A_560] : memref<2x3x128x32xf32, #tpu.memory_space<vmem>> -> memref<1x1x128x32xf32, #tpu.memory_space<vmem>>
          %get3A_562 = tpu.memref_squeeze %get3A_561 : memref<1x1x128x32xf32, #tpu.memory_space<vmem>> -> memref<128x32xf32, #tpu.memory_space<vmem>>
          %get3A_563 = arith.index_cast %scan3A_550 : i32 to index
          %get3A_564 = arith.constant 0 : index
          %get3A_565 = tpu.vector_load %get3A_562[%get3A_563, %get3A_564] {strides = array<i32>} : memref<128x32xf32, #tpu.memory_space<vmem>>, vector<16xf32>,
          %add3A_566 = arith.addf %get3A_558, %get3A_565 : vector<16xf32>
          %get3A_567 = arith.constant 0 : i32
          %get3A_568 = arith.constant 0 : i32
          %get3A_569 = tpu.memref_slice %arg13[%scan3A_508, %scan3A_509, %get3A_567, %get3A_568] : memref<2x3x128x32xf32, #tpu.memory_space<vmem>> -> memref<1x1x128x32xf32, #tpu.memory_space<vmem>>
          %get3A_570 = tpu.memref_squeeze %get3A_569 : memref<1x1x128x32xf32, #tpu.memory_space<vmem>> -> memref<128x32xf32, #tpu.memory_space<vmem>>
          %get3A_571 = arith.index_cast %scan3A_550 : i32 to index
          %get3A_572 = arith.constant 0 : index
          %get3A_573 = tpu.vector_load %get3A_570[%get3A_571, %get3A_572] {strides = array<i32>} : memref<128x32xf32, #tpu.memory_space<vmem>>, vector<16xf32>,
          %mul3A_574 = arith.mulf %get3A_573, %gather3A : vector<16xf32>
          %add3A_575 = arith.addf %add3A_566, %mul3A_574 : vector<16xf32>
          %mul3A_576 = vector.broadcast %scan3A_540 : f32 to vector<16xf32>
          %mul3A_577 = arith.mulf %add3A_575, %mul3A_576 : vector<16xf32>
          %swap3A_578 = arith.constant 0 : i32
          %swap3A_579 = arith.constant 0 : i32
          %swap3A_580 = tpu.memref_slice %arg13[%scan3A_514, %scan3A_515, %swap3A_578, %swap3A_579] : memref<2x3x128x32xf32, #tpu.memory_space<vmem>> -> memref<1x1x128x32xf32, #tpu.memory_space<vmem>>
          %swap3A_581 = tpu.memref_squeeze %swap3A_580 : memref<1x1x128x32xf32, #tpu.memory_space<vmem>> -> memref<128x32xf32, #tpu.memory_space<vmem>>
          %swap3A_582 = arith.index_cast %scan3A_550 : i32 to index
          %swap3A_583 = arith.constant 0 : index
          %swap3A_584 = tpu.vector_load %swap3A_581[%swap3A_582, %swap3A_583] {strides = array<i32>} : memref<128x32xf32, #tpu.memory_space<vmem>>, vector<16xf32>,
          tpu.vector_store %swap3A_581[%swap3A_582, %swap3A_583], %mul3A_577 {strides = array<i32>} : memref<128x32xf32, #tpu.memory_space<vmem>>, vector<16xf32>,
          %get3A_585 = arith.constant 0 : i32
          %get3A_586 = arith.constant 0 : i32
          %get3A_587 = tpu.memref_slice %arg13[%scan3A_510, %scan3A_511, %get3A_585, %get3A_586] : memref<2x3x128x32xf32, #tpu.memory_space<vmem>> -> memref<1x1x128x32xf32, #tpu.memory_space<vmem>>
          %get3A_588 = tpu.memref_squeeze %get3A_587 : memref<1x1x128x32xf32, #tpu.memory_space<vmem>> -> memref<128x32xf32, #tpu.memory_space<vmem>>
          %get3A_589 = arith.index_cast %scan3A_550 : i32 to index
          %get3A_590 = arith.constant 16 : index
          %get3A_591 = tpu.vector_load %get3A_588[%get3A_589, %get3A_590] {strides = array<i32>} : memref<128x32xf32, #tpu.memory_space<vmem>>, vector<16xf32>,
          %get3A_592 = arith.constant 0 : i32
          %get3A_593 = arith.constant 0 : i32
          %get3A_594 = tpu.memref_slice %arg13[%scan3A_512, %scan3A_513, %get3A_592, %get3A_593] : memref<2x3x128x32xf32, #tpu.memory_space<vmem>> -> memref<1x1x128x32xf32, #tpu.memory_space<vmem>>
          %get3A_595 = tpu.memref_squeeze %get3A_594 : memref<1x1x128x32xf32, #tpu.memory_space<vmem>> -> memref<128x32xf32, #tpu.memory_space<vmem>>
          %get3A_596 = arith.index_cast %scan3A_550 : i32 to index
          %get3A_597 = arith.constant 16 : index
          %get3A_598 = tpu.vector_load %get3A_595[%get3A_596, %get3A_597] {strides = array<i32>} : memref<128x32xf32, #tpu.memory_space<vmem>>, vector<16xf32>,
          %add3A_599 = arith.addf %get3A_591, %get3A_598 : vector<16xf32>
          %get3A_600 = arith.constant 0 : i32
          %get3A_601 = arith.constant 0 : i32
          %get3A_602 = tpu.memref_slice %arg13[%scan3A_508, %scan3A_509, %get3A_600, %get3A_601] : memref<2x3x128x32xf32, #tpu.memory_space<vmem>> -> memref<1x1x128x32xf32, #tpu.memory_space<vmem>>
          %get3A_603 = tpu.memref_squeeze %get3A_602 : memref<1x1x128x32xf32, #tpu.memory_space<vmem>> -> memref<128x32xf32, #tpu.memory_space<vmem>>
          %get3A_604 = arith.index_cast %scan3A_550 : i32 to index
          %get3A_605 = arith.constant 16 : index
          %get3A_606 = tpu.vector_load %get3A_603[%get3A_604, %get3A_605] {strides = array<i32>} : memref<128x32xf32, #tpu.memory_space<vmem>>, vector<16xf32>,
          %mul3A_607 = arith.mulf %get3A_606, %gather3A : vector<16xf32>
          %add3A_608 = arith.addf %add3A_599, %mul3A_607 : vector<16xf32>
          %mul3A_609 = vector.broadcast %scan3A_540 : f32 to vector<16xf32>
          %mul3A_610 = arith.mulf %add3A_608, %mul3A_609 : vector<16xf32>
          %swap3A_611 = arith.constant 0 : i32
          %swap3A_612 = arith.constant 0 : i32
          %swap3A_613 = tpu.memref_slice %arg13[%scan3A_514, %scan3A_515, %swap3A_611, %swap3A_612] : memref<2x3x128x32xf32, #tpu.memory_space<vmem>> -> memref<1x1x128x32xf32, #tpu.memory_space<vmem>>
          %swap3A_614 = tpu.memref_squeeze %swap3A_613 : memref<1x1x128x32xf32, #tpu.memory_space<vmem>> -> memref<128x32xf32, #tpu.memory_space<vmem>>
          %swap3A_615 = arith.index_cast %scan3A_550 : i32 to index
          %swap3A_616 = arith.constant 16 : index
          %swap3A_617 = tpu.vector_load %swap3A_614[%swap3A_615, %swap3A_616] {strides = array<i32>} : memref<128x32xf32, #tpu.memory_space<vmem>>, vector<16xf32>,
          tpu.vector_store %swap3A_614[%swap3A_615, %swap3A_616], %mul3A_610 {strides = array<i32>} : memref<128x32xf32, #tpu.memory_space<vmem>>, vector<16xf32>,
        }
        %scan3A_545 = arith.constant 128 : i32
        %mul3A_546 = arith.constant 128 : i32
        %mul3A_547 = arith.muli %add3A_526, %mul3A_546 : i32
        %mul3A_548 = arith.constant 32 : i32
        %mul3A_549 = arith.muli %arg0, %mul3A_548 : i32
        "tpu.region"() ({
          %run_scoped3A_550 = tpu.sem_alloc : memref<!tpu.dma_semaphore, #tpu.memory_space<semaphore_mem>>
          %dma_start3A_551 = arith.constant 0 : i32
          %dma_start3A_552 = arith.constant 0 : i32
          %dma_start3A_553 = tpu.memref_slice %arg13[%scan3A_514, %scan3A_515, %dma_start3A_551, %dma_start3A_552] : memref<2x3x128x32xf32, #tpu.memory_space<vmem>> -> memref<1x1x128x32xf32, #tpu.memory_space<vmem>>
          %dma_start3A_554 = tpu.memref_squeeze %dma_start3A_553 : memref<1x1x128x32xf32, #tpu.memory_space<vmem>> -> memref<128x32xf32, #tpu.memory_space<vmem>>
          %dma_start3A_555 = tpu.memref_slice %arg6[%mul3A_547, %mul3A_549] : memref<50048x64xf32, #tpu.memory_space<hbm>> -> memref<128x32xf32, #tpu.memory_space<hbm>>
          %dma_start3A_556 = tpu.memref_slice %arg6[%mul3A_547, %mul3A_549] : memref<50048x64xf32, #tpu.memory_space<hbm>> -> memref<128x32xf32, #tpu.memory_space<hbm>>
          %dma_start3A_557 = arith.constant 0 : i32
          %dma_start3A_558 = arith.constant 0 : i32
          %dma_start3A_559 = tpu.memref_slice %arg13[%scan3A_514, %scan3A_515, %dma_start3A_557, %dma_start3A_558] : memref<2x3x128x32xf32, #tpu.memory_space<vmem>> -> memref<1x1x128x32xf32, #tpu.memory_space<vmem>>
          %dma_start3A_560 = tpu.memref_squeeze %dma_start3A_559 : memref<1x1x128x32xf32, #tpu.memory_space<vmem>> -> memref<128x32xf32, #tpu.memory_space<vmem>>
          tpu.enqueue_dma source(%dma_start3A_560 : memref<128x32xf32, #tpu.memory_space<vmem>>) target(%dma_start3A_556 : memref<128x32xf32, #tpu.memory_space<hbm>>) target_semaphore(%run_scoped3A_550 : memref<!tpu.dma_semaphore, #tpu.memory_space<semaphore_mem>>)
          %dma_wait3A_561 = arith.constant 0 : i32
          %dma_wait3A_562 = arith.constant 0 : i32
          %dma_wait3A_563 = tpu.memref_slice %arg13[%scan3A_514, %scan3A_515, %dma_wait3A_561, %dma_wait3A_562] : memref<2x3x128x32xf32, #tpu.memory_space<vmem>> -> memref<1x1x128x32xf32, #tpu.memory_space<vmem>>
          %dma_wait3A_564 = tpu.memref_squeeze %dma_wait3A_563 : memref<1x1x128x32xf32, #tpu.memory_space<vmem>> -> memref<128x32xf32, #tpu.memory_space<vmem>>
          %dma_wait3A_565 = tpu.memref_slice %arg6[%mul3A_547, %mul3A_549] : memref<50048x64xf32, #tpu.memory_space<hbm>> -> memref<128x32xf32, #tpu.memory_space<hbm>>
          %dma_wait3A_566 = tpu.memref_slice %arg6[%mul3A_547, %mul3A_549] : memref<50048x64xf32, #tpu.memory_space<hbm>> -> memref<128x32xf32, #tpu.memory_space<hbm>>
          %dma_wait3A_567 = arith.constant 0 : i32
          %dma_wait3A_568 = arith.constant 0 : i32
          %dma_wait3A_569 = tpu.memref_slice %arg13[%scan3A_514, %scan3A_515, %dma_wait3A_567, %dma_wait3A_568] : memref<2x3x128x32xf32, #tpu.memory_space<vmem>> -> memref<1x1x128x32xf32, #tpu.memory_space<vmem>>
          %dma_wait3A_570 = tpu.memref_squeeze %dma_wait3A_569 : memref<1x1x128x32xf32, #tpu.memory_space<vmem>> -> memref<128x32xf32, #tpu.memory_space<vmem>>
          tpu.wait_dma2 semaphore(%run_scoped3A_550 : memref<!tpu.dma_semaphore, #tpu.memory_space<semaphore_mem>>) src(%dma_wait3A_570 : memref<128x32xf32, #tpu.memory_space<vmem>>) dst(%dma_wait3A_566 : memref<128x32xf32, #tpu.memory_space<hbm>>)
          tpu.yield
        }) : () -> ()
      } else {
      }
    }
    %scan3A_520 = arith.constant 25 : i32
    return
  }
}

</mosaic_0001>

<sc_bundles>
// kernel: kernel.3.cloned.1.call-start
scs
__scs_entry_jumppad:
0x0: {  	(pc) =	sbr.rel $0x88, $3  }
0x1: {  	(tag) =	ssettag $0x0;
	lr =	simm.s32 $0x1  }
0x2: {  	[smem:$0x3F9E] =	sst lr;
	_ =	strace $0xD0000000  }
0x3: {  	_ = 	snop  }
0x4: {  	_ = 	snop  }
0x5: {  	_ = 	snop  }
0x6: {  	_ = 	snop  }
0x7: {  	_ = 	snop  }
__scs_overlays_trampoline_lowered:
0x8: {  	[smem:$0x3FAD] =	sst s0  }
0x9: {  	[smem:$0x3FAE] =	sst s1  }
0xa: {  	[smem:$0x3FAF] =	sst s2  }
0xb: {  	[smem:$0x3FB0] =	sst s3  }
0xc: {  	[smem:$0x3FB1] =	sst s4  }
0xd: {  	[smem:$0x3FB2] =	sst s5  }
0xe: {  	[smem:$0x3FB3] =	sst s6  }
0xf: {  	[smem:$0x3FB4] =	sst s7  }
0x10: {  	[smem:$0x3FB5] =	sst s8  }
0x11: {  	[smem:$0x3FB6] =	sst s9;
	s0 =	simm.s32 @!p0 $0x0  }
0x12: {  	s1 =	sld [smem:$0x3F9C];
	s0 =	simm.s32 @p0 $0x1  }
0x13: {  	[smem:$0x3FB7] =	sst s0;
	s0 =	simm.s32 @!p1 $0x0  }
0x14: {  	s2 =	sld [smem:$0x3F9B];
	s0 =	simm.s32 @p1 $0x1  }
0x15: {  	[smem:$0x3FB8] =	sst s0;
	s0 =	simm.s32 @!p2 $0x0  }
0x16: {  	s3 =	sld [smem:$0x3FDB];
	s0 =	simm.s32 @p2 $0x1  }
0x17: {  	s4 =	simm.s32 $0x1BF5;
	[smem:$0x3FBA] =	sst s0  }
0x18: {  	s0 =	sld [smem:$0x3F9D];
	_ =	swait.ge [sflag:s4], $0x0  }
0x19: {  	s7 =	sld [smem:$0x3F9E]  }
0x1a: {  	s8 =	sadd.s32 $0xFFFFE003, lr  }
0x1b: {  	s9 =	sadd.s32 $0xFFFFFEF7, lr;
	s5 =	simm.s32 $0xFFFFFFFF;
	p2 =	slt.u32 s8, $0xFFFFF086  }
0x1c: {  	p1 =	slt.u32 s9, $0xF7A;
	s5 =	simm.s32 @!p2 $0x0  }
0x1d: {  	s5 =	simm.s32 @p1 $0x1;
	p0 =	seq.s32 s7, s2  }
0x1e: {  	s7 =	smul.u32 @!p0 $0xF7A, s2;
	p2 =	seq.s32 @!p0 s5, $0x0  }
0x1f: {  	s9 =	smul.u32 $0xF7A, s1;
	s8 =	simm.s32 @!p0 $0x1BF5;
	p2 =	por !p2, p0  }
0x20: {  	[sflag:s8] =	ssyncset.s32 @!p0 $0xFFFFF086;
	s6 =	sadd.s32 @!p0 s3, s7;
	s7 =	simm.s32 @!p0 $0x108  }
0x21: {  	s3 =	sadd.s32 s3, s9;
	s6 =	sadd.s32 @!p0 $0x88, s6;
	s7 =	simm.s32 @p2 $0x1082  }
0x22: {  	[simem:s7], [sflag:s8] =	dma.local @!p0 [hbm:s6], $0xF7A  }
0x23: {  	s9 =	sor.u32 $0xD0000000, s2;
	s6 =	simm.s32 $0x108;
	_ =	swait.ge @!p0 [sflag:s8], $0x0  }
0x24: {  	s3 =	sadd.s32 $0x88, s3;
	s6 =	simm.s32 @!p1 $0x1082;
	[sflag:s4] =	ssyncset.s32 $0xFFFFF086  }
0x25: {  	[simem:s6], [sflag:s4] =	dma.local [hbm:s3], $0xF7A  }
0x26: {  	[smem:$0x3F9E] =	sst s1;
	(tag) =	ssettag s2;
	_ =	strace s9  }
0x27: {  	s1 =	sld [smem:$0x3FAE]  }
0x28: {  	s2 =	sld [smem:$0x3FAF]  }
0x29: {  	s4 =	sld [smem:$0x3FB1]  }
0x2a: {  	p0 =	seq.s32 s5, $0x0;
	s5 =	sld [smem:$0x3FB2]  }
0x2b: {  	s6 =	sld [smem:$0x3FB3]  }
0x2c: {  	s7 =	sld [smem:$0x3FB4]  }
0x2d: {  	s3 =	simm.s32 $0x108;
	s8 =	sld [smem:$0x3FB5]  }
0x2e: {  	s3 =	simm.s32 @!p0 $0x1082;
	s9 =	sld [smem:$0x3FB6]  }
0x2f: {  	lr =	sadd.s32 s0, s3;
	s0 =	sld [smem:$0x3FAD]  }
0x30: {  	s3 =	sld [smem:$0x3FB0]  }
0x31: {  	[smem:$0x3FB9] =	sst s10  }
0x32: {  	s10 =	sld [smem:$0x3FB7];
	_ =	sdelay $0x3  }
0x33: {  	p0 =	seq.s32 s10, $0x1;
	s10 =	sld [smem:$0x3FB9];
	_ =	sdelay $0x3  }
0x34: {  	[smem:$0x3FB9] =	sst s10  }
0x35: {  	s10 =	sld [smem:$0x3FB8];
	_ =	sdelay $0x3  }
0x36: {  	p1 =	seq.s32 s10, $0x1;
	s10 =	sld [smem:$0x3FB9];
	_ =	sdelay $0x3  }
0x37: {  	[smem:$0x3FB9] =	sst s10  }
0x38: {  	s10 =	sld [smem:$0x3FBA]  }
0x39: {  	_ = 	snop;
	(pc) =	sbr.ind lr, $3  }
0x3a: {  	_ = 	snop  }
0x3b: {  	_ = 	snop  }
0x3c: {  	p2 =	seq.s32 s10, $0x1;
	s10 =	sld [smem:$0x3FB9]  }
0x3d: {  	_ =	shalt  }
0x3e: {  	_ =	shalt  }
0x3f: {  	_ =	shalt  }
0x40: {  	_ =	shalt  }
0x41: {  	_ =	shalt  }
0x42: {  	_ =	shalt  }
0x43: {  	_ =	shalt  }
0x44: {  	_ =	shalt  }
0x45: {  	_ =	shalt  }
0x46: {  	_ =	shalt  }
0x47: {  	_ =	shalt  }
0x48: {  	_ =	shalt  }
0x49: {  	_ =	shalt  }
0x4a: {  	_ =	shalt  }
0x4b: {  	_ =	shalt  }
0x4c: {  	_ =	shalt  }
0x4d: {  	_ =	shalt  }
0x4e: {  	_ =	shalt  }
0x4f: {  	_ =	shalt  }
0x50: {  	_ =	shalt  }
0x51: {  	_ =	shalt  }
0x52: {  	_ =	shalt  }
0x53: {  	_ =	shalt  }
0x54: {  	_ =	shalt  }
0x55: {  	_ =	shalt  }
0x56: {  	_ =	shalt  }
0x57: {  	_ =	shalt  }
0x58: {  	_ =	shalt  }
0x59: {  	_ =	shalt  }
0x5a: {  	_ =	shalt  }
0x5b: {  	_ =	shalt  }
0x5c: {  	_ =	shalt  }
0x5d: {  	_ =	shalt  }
0x5e: {  	_ =	shalt  }
0x5f: {  	_ =	shalt  }
0x60: {  	_ =	shalt  }
0x61: {  	_ =	shalt  }
0x62: {  	_ =	shalt  }
0x63: {  	_ =	shalt  }
0x64: {  	_ =	shalt  }
0x65: {  	_ =	shalt  }
0x66: {  	_ =	shalt  }
0x67: {  	_ =	shalt  }
0x68: {  	_ =	shalt  }
0x69: {  	_ =	shalt  }
0x6a: {  	_ =	shalt  }
0x6b: {  	_ =	shalt  }
0x6c: {  	_ =	shalt  }
0x6d: {  	_ =	shalt  }
0x6e: {  	_ =	shalt  }
0x6f: {  	_ =	shalt  }
0x70: {  	_ =	shalt  }
0x71: {  	_ =	shalt  }
0x72: {  	_ =	shalt  }
0x73: {  	_ =	shalt  }
0x74: {  	_ =	shalt  }
0x75: {  	_ =	shalt  }
0x76: {  	_ =	shalt  }
0x77: {  	_ =	shalt  }
0x78: {  	_ =	shalt  }
0x79: {  	_ =	shalt  }
0x7a: {  	_ =	shalt  }
0x7b: {  	_ =	shalt  }
0x7c: {  	_ =	shalt  }
0x7d: {  	_ =	shalt  }
0x7e: {  	_ =	shalt  }
0x7f: {  	_ =	shalt  }
0x80: {  	_ =	shalt  }
0x81: {  	_ =	shalt  }
0x82: {  	_ =	shalt  }
0x83: {  	_ =	shalt  }
0x84: {  	_ =	shalt  }
0x85: {  	_ =	shalt  }
0x86: {  	_ =	shalt  }
0x87: {  	_ =	shalt  }
.Lfunc_end0:
.L_simem_size_0:
called_computation_lowered:
.L_overlay_start_0:
0x88: {  	s2 =	sld [smem:$0x3FD9]  }
0x89: {  	s3 =	sld [smem:$0x3FFE];
	_ =	sdelay $0x1  }
0x8a: {  	s1 =	srdreg.scid  }
0x8b: {  	s0 =	sand.u32 $0x1, s1  }
0x8c: {  	s15 =	sshll.u32 s0, $0xA;
	s2 =	sadd.s32 s3, s2  }
0x8d: {  	s3 =	sadd.s32 s2, s15  }
0x8e: {  	[smem:$0x3FC5] =	sst s3  }
0x8f: {  	_ = 	snop  }
0x90: {  	s3 =	sld [smem:$0x3FC7]  }
0x91: {  	s4 =	sld [smem:$0x3FD0];
	(tm) =	ssettm $0x1  }
0x92: {  	s5 =	sld [smem:$0x3FFB];
	_ =	sdelay $0x3  }
0x93: {  	_ =	strace s5  }
0x94: {  	s5 =	sld [smem:$0x3FFC];
	_ =	sdelay $0x3  }
0x95: {  	_ =	strace s5  }
0x96: {  	s5 =	sld [smem:$0x3FFD];
	_ =	sdelay $0x3  }
0x97: {  	_ =	strace s5  }
0x98: {  	_ =	strace $0x8FFFFFFF  }
0x99: {  	s16 =	sld [smem:$0x3FDB];
	_ =	sdelay $0x1  }
0x9a: {  	s6 =	simm.s32 $_scs_section_size  }
0x9b: {  	s7 =	simm.s32 $_size__tile_overlayer_lowered;
	s8 =	simm.s32 $_tile_overlayer_lowered  }
0x9c: {  	s19 =	simm.s32 $0x1BFF;
	s18 =	sshll.u32 s8, $0x1;
	s5 =	sadd.s32 s6, s16  }
0x9d: {  	s9 =	simm.s32 $0x0;
	s17 =	sshll.u32 s7, $0x1;
	s7 =	sadd.s32 s18, s5  }
0x9e: {  	[timem:s9], [sflag:s19] =	dma.local [hbm:s7], s17  }
0x9f: {  	_ =	swait.ge [sflag:s19], s17  }
0xa0: {  	s6 =	ssub.s32 $0x0, s17;
	[sflag:s19] =	ssyncset.done $0x0  }
0xa1: {  	[sflag:s19] =	ssyncadd.s32 s6;
	_ =	sdelay $0x1  }
0xa2: {  	s20 =	simm.s32 $0x1B8B  }
0xa3: {  	_ =	swait.ge [sflag:s20], $0x1  }
0xa4: {  	[sflag:s20] =	ssyncset.done $0x0  }
0xa5: {  	s22 =	simm.s32 $0x1B8E;
	s21 =	sld [smem:$0x3FFE];
	[sflag:s20] =	ssyncadd.s32 $0xFFFFFFFF  }
0xa6: {  	s23 =	simm.s32 $execute0_lowered;
	[smem:$0x3FD2] =	sst s22  }
0xa7: {  	s7 =	sshll.u32 s23, $0x1;
	_ =	strace $0x80000046;
	[dreg:$0x1] =	wrdreg $0xFFFFFFFF  }
0xa8: {  	s24 =	simm.s32 $_size_execute0_lowered;
	s5 =	sadd.s32 s5, s7;
	[dreg:$0x0] =	wrdreg $0x0  }
0xa9: {  	s7 =	sshll.u32 s24, $0x1;
	[dreg:$0x2] =	wrdreg s5  }
0xaa: {  	[dreg:$0x3] =	wrdreg s7  }
0xab: {  	[dreg:$0x4] =	wrdreg $0xC0  }
0xac: {  	_ =	task [dreg:s9], $0x5FFFF  }
0xad: {  	[dreg:$0x1] =	wrdreg $0xFFFFFFFF  }
0xae: {  	[dreg:$0x0] =	wrdreg $0x60  }
0xaf: {  	[dreg:$0x2] =	wrdreg s21  }
0xb0: {  	[dreg:$0x3] =	wrdreg s3  }
0xb1: {  	[dreg:$0x4] =	wrdreg s4  }
0xb2: {  	s25 =	sadd.s32 $0x125C00, s2;
	[dreg:$0x5] =	wrdreg $0x68800  }
0xb3: {  	s26 =	sadd.s32 $0x800, s2;
	[dreg:$0x6] =	wrdreg s25  }
0xb4: {  	s28 =	sadd.s32 $0xC4000, s2;
	[dreg:$0x7] =	wrdreg s26  }
0xb5: {  	s2 =	sadd.s32 $0x62400, s2;
	[dreg:$0x8] =	wrdreg s28  }
0xb6: {  	[dreg:$0x9] =	wrdreg s2  }
0xb7: {  	[dreg:$0xa] =	wrdreg $0x9  }
0xb8: {  	_ =	task.clear_ibuf [dreg:s9], $0xBFFFF;
	_ =	strace $0x90000046  }
0xb9: {  	s29 =	simm.s32 $0x9;
	_ =	strace $0x80000048  }
0xba: {  	_ =	swait.ge [sflag:s29], $0x1  }
0xbb: {  	[sflag:s29] =	ssyncadd.s32 $0xFFFFFFFF  }
0xbc: {  	_ =	strace $0x90000048  }
0xbd: {  	_ =	sfence  }
0xbe: {  	s30 =	sld [smem:$0x0];
	_ =	sdelay $0x2  }
0xbf: {  	s31 =	sshll.u32 s1, $0xD;
	s1 =	sshrl.u32 s1, $0x2  }
0xc0: {  	s3 =	sand.u32 $0x4000, s31;
	s1 =	sadd.s32 s1, s30  }
0xc1: {  	s0 =	sor.u32 s3, s0;
	s1 =	sshll.u32 s1, $0x11  }
0xc2: {  	s0 =	sor.u32 s1, s0  }
0xc3: {  	s0 =	sadd.s32 $0x8F2B, s0  }
0xc4: {  	[sflag:s0] =	ssyncadd.remote.s32 $0x1  }
0xc5: {  	_ =	sfence.sel $0xFFFF  }
0xc6: {  	[dreg:$0x0] =	wrdreg $0xFFFFFFFF;
	(pc) =	sbr.abs _section_cstart, $3  }
0xc7: {  	[dreg:$0x1] =	wrdreg $0xFFFFFFFF  }
0xc8: {  	_ =	task.clear_ibuf [dreg:s9], $0x2FFFF;
	_ =	strace $0x9FFFFFFF  }
0xc9: {  	(tm) =	ssettm $0x7FFFFFFF  }
tec
execute0_lowered:
.L_overlay_start_1:
0x0: {  	(tag) =	ssettag $0x1  }
0x1: {  	s0 =	rddreg [dreg:$0x0]  }
0x2: {  	s4 =	rddreg [dreg:$0x1]  }
0x3: {  	s1 =	rddreg [dreg:$0x2]  }
0x4: {  	s2 =	rddreg [dreg:$0x3]  }
0x5: {  	s3 =	rddreg [dreg:$0x4]  }
0x6: {  	s5 =	rddreg [dreg:$0x6]  }
0x7: {  	s9 =	srdreg.scid;
	s8 =	simm.s32 $0x0;
	s6 =	stileid.u32  }
0x8: {  	s29 =	simm.s32 $0x80;
	s30 =	simm.s32 $0x8;
	s28 =	simm.s32 $0x700  }
0x9: {  	s11 =	sand.u32 $0x1, s9;
	[smem:$0x7FF] =	sst s8;
	s12 =	smul.u32 $0xC350, s6  }
0xa: {  	s7 =	sadd.s32 $0xF42400, s0;
	s15 =	sadd.s32 $0x18800, s0;
	s18 =	smul.u32 $0x186A, s6  }
0xb: {  	s23 =	sshll.u32 s6, $0xC;
	s24 =	sadd.s32 $0x1860, s4;
	s4 =	simm.s32 $0x0  }
0xc: {  	s10 =	ssub.s32 $0x2, s11;
	_ =	strace $0x80000047;
	[dreg:$0x9] =	wrdreg s7  }
0xd: {  	s16 =	sshll.u32 s11, $0x2;
	[dreg:$0x13] =	wrdreg s24;
	s13 =	sshrl.u32 s10, $0x1  }
0xe: {  	s12 =	sshrl.u32 s12, $0x3;
	s19 =	sadd.s32 s1, s16;
	s20 =	sadd.s32 s18, s0  }
0xf: {  	s25 =	sadd.s32 s0, s12;
	s14 =	sadd.s32 $0x1860, s12;
	[dreg:$0xd] =	wrdreg s19  }
0x10: {  	s13 =	ssub.s32 s10, s13;
	[dreg:$0xa] =	wrdreg s25;
	s26 =	sadd.s32 s0, s14  }
0x11: {  	s17 =	sadd.s32 $0x10, s12;
	s31 =	sadd.s32 s15, s14;
	[dreg:$0xb] =	wrdreg s26  }
0x12: {  	s10 =	smul.u32 $0xC380, s11;
	s9 =	sadd.s32 s0, s17;
	[dreg:$0xc] =	wrdreg s31  }
0x13: {  	s16 =	sadd.s32 $0x20, s12;
	s14 =	sadd.s32 s15, s12;
	[dreg:$0xe] =	wrdreg s9  }
0x14: {  	s21 =	sadd.s32 s15, s17;
	s22 =	sadd.s32 s15, s16;
	[dreg:$0xf] =	wrdreg s14  }
0x15: {  	v1 =	vlaneseq.u32;
	s1 =	sadd.s32 s0, s16;
	s25 =	smax.u32 s13, $0x1;
	[dreg:$0x10] =	wrdreg s21  }
.Ltmp0:
0x16: {  	v3 =	vimm.f32 $1.000000000e+00;
	v1 =	vmul.u32 $0x20, v1;
	s13 =	simm.s32 $0x6700;
	[dreg:$0x11] =	wrdreg s22;
	(pc) =	sbr.rel .LBB2_1-.Ltmp0, $4  }
0x17: {  	v4 =	vimm.f32 $0.0e+00;
	v12 =	vimm.s32 $0xC37F;
	v13 =	vimm.s32 $0x0;
	s16 =	simm.s32 $0x2700;
	s17 =	simm.s32 $0x4700;
	[dreg:$0x12] =	wrdreg s1  }
0x18: {  	v0 =	vmov s11;
	v5 =	vor.u32 $0x200, v1;
	v6 =	vor.u32 $0x400, v1;
	s21 =	sadd.s32 s18, s15;
	[dreg:$0x14] =	wrdreg s25;
	s26 =	sadd.s32 s23, s2  }
0x19: {  	v7 =	vor.u32 $0x600, v1;
	v8 =	vor.u32 $0x800, v1;
	v9 =	vor.u32 $0xA00, v1;
	s31 =	sadd.s32 $0x20, s20;
	s1 =	simm.s32 $0x7;
	[dreg:$0x15] =	wrdreg s26  }
0x1a: {  	v10 =	vor.u32 $0xC00, v1;
	v11 =	vor.u32 $0xE00, v1;
	s23 =	simm.s32 $0x3700;
	v2 =	vmov s10;
	[dreg:$0x16] =	wrdreg s31;
	s26 =	simm.s32 $0x1700  }
.LBB2_33:
0x1b: {  	s4 =	rddreg [dreg:$0x17]  }
0x1c: {  	s0 =	rddreg [dreg:$0x14];
	s4 =	sadd.s32 $0x1, s4  }
0x1d: {  	p0 =	sne.s32 s4, s0  }
.Ltmp1:
0x1e: {  	_ = 	snop;
	(pc) =	sbr.rel @!p0 .LBB2_34-.Ltmp1, $1  }
0x1f: {  	_ =	sdelay $0x3  }
.LBB2_1:
0x20: {  	[tilespmem:$0x6780] =	vst v3  }
0x21: {  	[tilespmem:$0x6790] =	vst v3  }
0x22: {  	[tilespmem:$0x67A0] =	vst v3  }
0x23: {  	[tilespmem:$0x67B0] =	vst v3  }
0x24: {  	[tilespmem:$0x67C0] =	vst v3  }
0x25: {  	[tilespmem:$0x67D0] =	vst v3  }
0x26: {  	[tilespmem:$0x67E0] =	vst v3  }
0x27: {  	[tilespmem:$0x67F0] =	vst v3  }
0x28: {  	[tilespmem:$0x6800] =	vst v4  }
0x29: {  	[tilespmem:$0x6810] =	vst v4  }
0x2a: {  	[tilespmem:$0x6820] =	vst v4  }
0x2b: {  	[tilespmem:$0x6830] =	vst v4  }
0x2c: {  	[tilespmem:$0x6840] =	vst v4  }
0x2d: {  	[tilespmem:$0x6850] =	vst v4  }
0x2e: {  	[tilespmem:$0x6860] =	vst v4  }
0x2f: {  	[dreg:$0x17] =	wrdreg s4;
	[tilespmem:$0x6870] =	vst v4;
	s0 =	simm.s32 $0x80;
	s11 =	simm.s32 $0x0  }
.LBB2_2:
0x30: {  	p0 =	sne.s32 s0, $0x3F80;
	[tilespmem:s11+$0x700] =	vst v4;
	s12 =	smov.u32 s0;
	s0 =	sadd.s32 $0x80, s0  }
.Ltmp2:
0x31: {  	[tilespmem:s11+$0x710] =	vst v4;
	(pc) =	sbr.rel @p0 .LBB2_2-.Ltmp2, $2  }
0x32: {  	_ =	sdelay $0x2  }
0x33: {  	s11 =	sshra.s32 s12, $0x2  }
0x34: {  	s0 =	sadd.s32 $0x0, s6  }
0x35: {  	[tilespmem:s11+$0x700] =	vst v4;
	p0 =	sgt.u32 s0, $0x186  }
0x36: {  	[tilespmem:s11+$0x710] =	vst v4;
	s4 =	rddreg [dreg:$0x15];
	s0 =	simm.s32 @!p0 $0x700;
	s15 =	simm.s32 @!p0 $0x7  }
0x37: {  	[spmem:s4] =	stream.linear.scatter @!p0 [tilespmem:s0], [sflag:$0x7], $0x1000, $0x38;
	[tilespmem:$0x1EF80] =	vst v63  }
0x38: {  	s11 =	simm.s32 $0x10;
	_ =	swait.ge @!p0 [sflag:s15], $0x1000  }
0x39: {  	s12 =	simm.s32 $0x20;
	s0 =	sadd.s32 $0x10000, s4;
	[sflag:s15] =	ssyncset.done @!p0 $0x0  }
.LBB2_4:
0x3a: {  	s18 =	sadd.s32 s11, s6;
	s11 =	smov.u32 s12;
	s12 =	sadd.s32 $0x10, s12  }
0x3b: {  	[sflag:s15] =	ssyncadd.s32 @!p0 $0xFFFFF000;
	p1 =	sne.s32 s12, $0x190  }
.Ltmp3:
0x3c: {  	p0 =	sgt.u32 s18, $0x186;
	(pc) =	sbr.rel @p1 .LBB2_4-.Ltmp3, $4  }
0x3d: {  	s18 =	simm.s32 @!p0 $0x700;
	s15 =	simm.s32 @!p0 $0x7  }
0x3e: {  	[spmem:s0] =	stream.linear.scatter @!p0 [tilespmem:s18], [sflag:$0x7], $0x1000, $0x38;
	[tilespmem:$0x1EF80] =	vst v63  }
0x3f: {  	_ =	swait.ge @!p0 [sflag:s15], $0x1000  }
0x40: {  	s0 =	sadd.s32 $0x10000, s0;
	[sflag:s15] =	ssyncset.done @!p0 $0x0  }
0x41: {  	s11 =	sadd.s32 s11, s6  }
0x42: {  	p1 =	sgt.u32 s11, $0x186  }
0x43: {  	[sflag:s15] =	ssyncadd.s32 @!p0 $0xFFFFF000;
	s11 =	simm.s32 @!p1 $0x700;
	s12 =	simm.s32 @!p1 $0x7  }
0x44: {  	[spmem:s0] =	stream.linear.scatter @!p1 [tilespmem:s11], [sflag:$0x7], $0x1000, $0x38;
	[tilespmem:$0x1EF80] =	vst v63  }
0x45: {  	_ =	swait.ge @!p1 [sflag:s12], $0x1000  }
0x46: {  	[sflag:s12] =	ssyncset.done @!p1 $0x0  }
0x47: {  	s0 =	simm.s32 $0x80;
	s11 =	simm.s32 $0x0;
	[sflag:s12] =	ssyncadd.s32 @!p1 $0xFFFFF000  }
.LBB2_6:
0x48: {  	p0 =	sne.s32 s0, $0x3F80;
	[tilespmem:s11+$0x1700] =	vst v4;
	s12 =	smov.u32 s0;
	s0 =	sadd.s32 $0x80, s0  }
.Ltmp4:
0x49: {  	[tilespmem:s11+$0x1710] =	vst v4;
	(pc) =	sbr.rel @p0 .LBB2_6-.Ltmp4, $2  }
0x4a: {  	_ =	sdelay $0x2  }
0x4b: {  	s11 =	sshra.s32 s12, $0x2  }
0x4c: {  	_ =	sdelay $0x1  }
0x4d: {  	[tilespmem:s11+$0x1700] =	vst v4  }
0x4e: {  	[tilespmem:s11+$0x1710] =	vst v4  }
0x4f: {  	[tilespmem:v1+s26+$0x0] =	vst.idx.msk $0xffff, v3  }
0x50: {  	[tilespmem:v5+s26+$0x0] =	vst.idx.msk $0xffff, v3  }
0x51: {  	[tilespmem:v6+s26+$0x0] =	vst.idx.msk $0xffff, v3  }
0x52: {  	[tilespmem:v7+s26+$0x0] =	vst.idx.msk $0xffff, v3  }
0x53: {  	[tilespmem:v8+s26+$0x0] =	vst.idx.msk $0xffff, v3  }
0x54: {  	[tilespmem:v9+s26+$0x0] =	vst.idx.msk $0xffff, v3  }
0x55: {  	[tilespmem:v10+s26+$0x0] =	vst.idx.msk $0xffff, v3  }
0x56: {  	[tilespmem:v11+s26+$0x0] =	vst.idx.msk $0xffff, v3  }
0x57: {  	s0 =	simm.s32 $0x0;
	[bflag:$0x0] =	sbarrier.arrive $0xFFFF  }
0x58: {  	s7 =	simm.s32 $0x180;
	s14 =	simm.s32 $0x1;
	s4 =	rddreg [dreg:$0xa]  }
0x59: {  	[tilespmem:s7], [sflag:$0x1] =	stream.linear.gather [hbm4b:s4+s0], $0x80, $0x38;
	[tilespmem:$0x1EF80] =	vst v63  }
0x5a: {  	_ =	swait.ge [sflag:s14], $0x80  }
0x5b: {  	[sflag:s14] =	ssyncset.done $0x0  }
0x5c: {  	s12 =	simm.s32 $0x480;
	s15 =	rddreg [dreg:$0xe];
	[sflag:s14] =	ssyncadd.s32 $0xFFFFFF80  }
0x5d: {  	[tilespmem:s12], [sflag:$0x2] =	stream.linear.gather [hbm4b:s15+s0], $0x80, $0x38;
	[tilespmem:$0x1EF80] =	vst v63  }
0x5e: {  	s18 =	simm.s32 $0x2  }
0x5f: {  	[spmem:s2] =	stream.indirect.scatter.add.f32 [tilespmem:s26], [sflag:$0x5], $0x20, s7, s29, $0xb8;
	[tilespmem:$0x1EF80] =	vst v63  }
0x60: {  	_ =	swait.ge [sflag:s18], $0x80  }
0x61: {  	[sflag:s18] =	ssyncset.done $0x0  }
0x62: {  	s19 =	simm.s32 $0x5;
	s0 =	smul.u32 $0xC00, s0;
	[sflag:s18] =	ssyncadd.s32 $0xFFFFFF80  }
0x63: {  	s11 =	sand.u32 $0x1, s18;
	_ =	swait.ge [sflag:s19], $0x1000  }
0x64: {  	s15 =	simm.s32 $0x1;
	s0 =	sshra.s32 s0, $0x2;
	[sflag:s19] =	ssyncset.done $0x0  }
0x65: {  	s0 =	sadd.s32 $0x180, s0;
	s22 =	rddreg [dreg:$0x16];
	[sflag:s19] =	ssyncadd.s32 $0xFFFFF000  }
0x66: {  	[tilespmem:s0], [sflag:s15] =	stream.linear.gather [hbm4b:s22+s8], $0x80, $0x38;
	[tilespmem:$0x1EF80] =	vst v63  }
0x67: {  	s25 =	simm.s32 $0x6;
	s31 =	sadd.s32 $0x1, s11;
	s18 =	sxor.u32 $0x1, s11  }
0x68: {  	[spmem:s2] =	stream.indirect.scatter.add.f32 [tilespmem:s26], [sflag:s25], $0x20, s12, s29, $0xb8;
	[tilespmem:$0x1EF80] =	vst v63  }
0x69: {  	s24 =	sadd.s32 $0x5, s18;
	s19 =	smul.u32 $0xC00, s11;
	_ =	swait.ge [sflag:s31], $0x80  }
0x6a: {  	s0 =	simm.s32 $0x3;
	s15 =	smov.u32 s22;
	[sflag:s31] =	ssyncset.done $0x0  }
0x6b: {  	s19 =	sshrl.u32 s19, $0x2;
	s25 =	smul.u32 $0xC00, s18;
	[sflag:s31] =	ssyncadd.s32 $0xFFFFFF80  }
0x6c: {  	s12 =	simm.s32 $0x4;
	s19 =	sadd.s32 $0x180, s19;
	_ =	swait.ge [sflag:s24], $0x1000  }
.LBB2_8:
0x6d: {  	s25 =	sshra.s32 s25, $0x2  }
0x6e: {  	[sflag:s24] =	ssyncset.done $0x0;
	s15 =	sadd.s32 $0x10, s15;
	s31 =	smov.u32 s12  }
0x6f: {  	s18 =	sadd.s32 $0x1, s18;
	s25 =	sadd.s32 $0x180, s25;
	[sflag:s24] =	ssyncadd.s32 $0xFFFFF000  }
0x70: {  	[tilespmem:s25], [sflag:s18] =	stream.linear.gather [hbm4b:s15+s8], $0x80, $0x38;
	[tilespmem:$0x1EF80] =	vst v63  }
0x71: {  	p0 =	sne.s32 s12, $0x185;
	s18 =	sadd.s32 $0x5, s11;
	s11 =	sand.u32 $0x1, s0  }
0x72: {  	[spmem:s2] =	stream.indirect.scatter.add.f32 [tilespmem:s26], [sflag:s18], $0x20, s19, s29, $0xb8;
	[tilespmem:$0x1EF80] =	vst v63  }
.Ltmp5:
0x73: {  	s18 =	sxor.u32 $0x1, s11;
	s19 =	sadd.s32 $0x1, s11;
	(pc) =	sbr.rel @p0 .LBB2_8-.Ltmp5, $4  }
0x74: {  	s12 =	sadd.s32 $0x1, s12;
	s4 =	smul.u32 $0xC00, s11;
	_ =	swait.ge [sflag:s19], $0x80  }
0x75: {  	s0 =	smov.u32 s31;
	s24 =	sadd.s32 $0x5, s18;
	[sflag:s19] =	ssyncset.done $0x0  }
0x76: {  	s25 =	smul.u32 $0xC00, s18;
	s4 =	sshrl.u32 s4, $0x2;
	[sflag:s19] =	ssyncadd.s32 $0xFFFFFF80  }
0x77: {  	s19 =	sadd.s32 $0x180, s4;
	_ =	swait.ge [sflag:s24], $0x1000  }
0x78: {  	s4 =	sshra.s32 s25, $0x2  }
0x79: {  	[sflag:s24] =	ssyncset.done $0x0;
	s12 =	sadd.s32 $0x10, s15;
	s14 =	sadd.s32 $0x1, s18  }
0x7a: {  	s0 =	sand.u32 $0x1, s0;
	s4 =	sadd.s32 $0x180, s4;
	[sflag:s24] =	ssyncadd.s32 $0xFFFFF000  }
0x7b: {  	[tilespmem:s4], [sflag:s14] =	stream.linear.gather [hbm4b:s12+s8], $0x80, $0x38;
	[tilespmem:$0x1EF80] =	vst v63  }
0x7c: {  	s15 =	sadd.s32 $0x5, s11;
	s18 =	sadd.s32 $0x1, s0  }
0x7d: {  	[spmem:s2] =	stream.indirect.scatter.add.f32 [tilespmem:s26], [sflag:s15], $0x20, s19, s29, $0xb8;
	[tilespmem:$0x1EF80] =	vst v63  }
0x7e: {  	_ =	swait.ge [sflag:s18], $0x80  }
0x7f: {  	s19 =	sxor.u32 $0x1, s0;
	[sflag:s18] =	ssyncset.done $0x0  }
0x80: {  	s22 =	smul.u32 $0xC00, s0;
	s11 =	sadd.s32 $0x5, s19;
	[sflag:s18] =	ssyncadd.s32 $0xFFFFFF80  }
0x81: {  	_ =	swait.ge [sflag:s11], $0x1000  }
0x82: {  	s25 =	simm.s32 $0x6;
	s24 =	sshrl.u32 s22, $0x2;
	[sflag:s11] =	ssyncset.done $0x0  }
0x83: {  	s4 =	sadd.s32 $0x180, s24;
	s0 =	sadd.s32 $0x5, s0;
	[sflag:s11] =	ssyncadd.s32 $0xFFFFF000  }
0x84: {  	[spmem:s2] =	stream.indirect.scatter.add.f32 [tilespmem:s26], [sflag:s0], $0x20, s4, s29, $0xb8;
	[tilespmem:$0x1EF80] =	vst v63  }
0x85: {  	_ =	swait.ge [sflag:s25], $0x1000  }
0x86: {  	[sflag:s25] =	ssyncset.done $0x0  }
0x87: {  	s31 =	rddreg [dreg:$0xb];
	[sflag:s25] =	ssyncadd.s32 $0xFFFFF000;
	s25 =	simm.s32 $0x0  }
0x88: {  	[tilespmem:s29], [sflag:$0x7] =	stream.linear.gather [hbm4b:s31+s25], $0x50, $0x38;
	[tilespmem:$0x1EF80] =	vst v63  }
0x89: {  	_ =	swait.ge [sflag:s1], $0x50  }
0x8a: {  	[sflag:s1] =	ssyncset.done $0x0  }
0x8b: {  	[sflag:s1] =	ssyncadd.s32 $0xFFFFFFB0  }
0x8c: {  	[tilespmem:$0xD0] =	vst v12  }
0x8d: {  	[tilespmem:$0xE0] =	vst v12  }
0x8e: {  	[tilespmem:$0xF0] =	vst v12  }
0x8f: {  	[spmem:s2] =	stream.indirect.scatter.add.f32 [tilespmem:s26], [sflag:$0x7], $0x20, s29, s29, $0xb8;
	[tilespmem:$0x1EF80] =	vst v63  }
0x90: {  	_ =	swait.ge [sflag:s1], $0x1000  }
0x91: {  	[sflag:s1] =	ssyncset.done $0x0  }
0x92: {  	[sflag:s1] =	ssyncadd.s32 $0xFFFFF000  }
.Ltmp6:
0x93: {  	[bflag:$0x0] =	sbarrier.arrive $0xFFFF;
	(pc) =	sbr.rel .LBB2_10-.Ltmp6, $4  }
0x94: {  	s7 =	rddreg [dreg:$0x1]  }
0x95: {  	s9 =	rddreg [dreg:$0x5]  }
0x96: {  	s14 =	rddreg [dreg:$0x9]  }
0x97: {  	s18 =	rddreg [dreg:$0x13]  }
.LBB2_14:
0x98: {  	s25 =	sadd.s32 $0x1, s25  }
0x99: {  	p0 =	sne.s32 s25, $0x19  }
.Ltmp7:
0x9a: {  	_ = 	snop;
	(pc) =	sbr.rel @!p0 .LBB2_15-.Ltmp7, $1  }
0x9b: {  	_ =	sdelay $0x3  }
.LBB2_10:
0x9c: {  	s0 =	sshll.u32 s25, $0x4  }
0x9d: {  	s11 =	sor.u32 s6, s0  }
0x9e: {  	p0 =	sgt.u32 s11, $0x186  }
.Ltmp8:
0x9f: {  	_ = 	snop;
	(pc) =	sbr.rel @p0 .LBB2_14-.Ltmp8, $1  }
0xa0: {  	_ =	sdelay $0x3  }
0xa1: {  	s0 =	sshll.u32 s11, $0xC  }
0xa2: {  	s0 =	sand.u32 $0x3FFFF000, s0  }
0xa3: {  	s12 =	sadd.s32 s0, s2  }
0xa4: {  	[tilespmem:s23], [sflag:$0x8] =	stream.linear.gather [spmem:s12], $0x1000, $0x38;
	[tilespmem:$0x1EF80] =	vst v63  }
0xa5: {  	_ =	swait.ge [sflag:s30], $0x1000  }
0xa6: {  	[sflag:s30] =	ssyncset.done $0x0  }
0xa7: {  	[sflag:s30] =	ssyncadd.s32 $0xFFFFF000  }
0xa8: {  	v14 =	vld.idx.msk [tilespmem:v1+s23+$0x0], $0xffff;
	_ =	sdelay $0x4  }
0xa9: {  	v15 =	vmax.f32 v14, $1.000000000e+00  }
0xaa: {  	v16 =	vadd.f32 $1.000000000e+00, v15;
	_ =	sdelay $0x1  }
0xab: {  	v16 =	vmul.f32 $5.000000000e-01, v16;
	_ =	sdelay $0x1  }
0xac: {  	(erf) = vrcp.f32 v16;
	_ =	sdelay $0x8  }
0xad: {  	v17 =	vpop (erf)  }
0xae: {  	v17 =	vmul.f32 v17, v15;
	_ =	sdelay $0x1  }
0xaf: {  	v16 =	vadd.f32 v17, v16;
	_ =	sdelay $0x1  }
0xb0: {  	v16 =	vmul.f32 $5.000000000e-01, v16;
	_ =	sdelay $0x1  }
0xb1: {  	(erf) = vrcp.f32 v16;
	_ =	sdelay $0x8  }
0xb2: {  	v17 =	vpop (erf)  }
0xb3: {  	v17 =	vmul.f32 v17, v15;
	_ =	sdelay $0x1  }
0xb4: {  	v16 =	vadd.f32 v17, v16;
	_ =	sdelay $0x1  }
0xb5: {  	v16 =	vmul.f32 $5.000000000e-01, v16;
	_ =	sdelay $0x1  }
0xb6: {  	(erf) = vrcp.f32 v16;
	_ =	sdelay $0x8  }
0xb7: {  	v17 =	vpop (erf)  }
0xb8: {  	v17 =	vmul.f32 v17, v15;
	_ =	sdelay $0x1  }
0xb9: {  	v16 =	vadd.f32 v17, v16;
	_ =	sdelay $0x1  }
0xba: {  	v16 =	vmul.f32 $5.000000000e-01, v16;
	_ =	sdelay $0x1  }
0xbb: {  	(erf) = vrcp.f32 v16;
	_ =	sdelay $0x8  }
0xbc: {  	v17 =	vpop (erf)  }
0xbd: {  	v17 =	vmul.f32 v17, v15;
	_ =	sdelay $0x1  }
0xbe: {  	v16 =	vadd.f32 v17, v16;
	_ =	sdelay $0x1  }
0xbf: {  	v16 =	vmul.f32 $5.000000000e-01, v16;
	_ =	sdelay $0x1  }
0xc0: {  	(erf) = vrcp.f32 v16;
	_ =	sdelay $0x8  }
0xc1: {  	v17 =	vpop (erf)  }
0xc2: {  	v17 =	vmul.f32 v17, v15;
	_ =	sdelay $0x1  }
0xc3: {  	v16 =	vadd.f32 v17, v16;
	_ =	sdelay $0x1  }
0xc4: {  	v16 =	vmul.f32 $5.000000000e-01, v16;
	_ =	sdelay $0x1  }
0xc5: {  	(erf) = vrcp.f32 v16;
	_ =	sdelay $0x8  }
0xc6: {  	v17 =	vpop (erf)  }
0xc7: {  	v17 =	vmul.f32 v17, v15;
	_ =	sdelay $0x1  }
0xc8: {  	v16 =	vadd.f32 v17, v16;
	_ =	sdelay $0x1  }
0xc9: {  	v16 =	vmul.f32 $5.000000000e-01, v16;
	_ =	sdelay $0x1  }
0xca: {  	(erf) = vrcp.f32 v16;
	_ =	sdelay $0x8  }
0xcb: {  	v17 =	vpop (erf)  }
0xcc: {  	v17 =	vmul.f32 v17, v15;
	_ =	sdelay $0x1  }
0xcd: {  	v16 =	vadd.f32 v17, v16;
	_ =	sdelay $0x1  }
0xce: {  	v16 =	vmul.f32 $5.000000000e-01, v16;
	_ =	sdelay $0x1  }
0xcf: {  	(erf) = vrcp.f32 v16;
	_ =	sdelay $0x8  }
0xd0: {  	v17 =	vpop (erf)  }
0xd1: {  	v17 =	vmul.f32 v17, v15;
	_ =	sdelay $0x1  }
0xd2: {  	v16 =	vadd.f32 v17, v16;
	_ =	sdelay $0x1  }
0xd3: {  	v16 =	vmul.f32 $5.000000000e-01, v16;
	_ =	sdelay $0x1  }
0xd4: {  	(erf) = vrcp.f32 v16;
	_ =	sdelay $0x8  }
0xd5: {  	v17 =	vpop (erf)  }
0xd6: {  	v17 =	vmul.f32 v17, v15;
	_ =	sdelay $0x1  }
0xd7: {  	v16 =	vadd.f32 v17, v16;
	_ =	sdelay $0x1  }
0xd8: {  	v16 =	vmul.f32 $5.000000000e-01, v16;
	_ =	sdelay $0x1  }
0xd9: {  	(erf) = vrcp.f32 v16;
	_ =	sdelay $0x8  }
0xda: {  	v17 =	vpop (erf)  }
0xdb: {  	v17 =	vmul.f32 v17, v15;
	_ =	sdelay $0x1  }
0xdc: {  	v16 =	vadd.f32 v17, v16;
	_ =	sdelay $0x1  }
0xdd: {  	v16 =	vmul.f32 $5.000000000e-01, v16;
	_ =	sdelay $0x1  }
0xde: {  	(erf) = vrcp.f32 v16;
	_ =	sdelay $0x8  }
0xdf: {  	v17 =	vpop (erf)  }
0xe0: {  	v17 =	vmul.f32 v17, v15;
	_ =	sdelay $0x1  }
0xe1: {  	v16 =	vadd.f32 v17, v16;
	_ =	sdelay $0x1  }
0xe2: {  	v16 =	vmul.f32 $5.000000000e-01, v16;
	_ =	sdelay $0x1  }
0xe3: {  	(erf) = vrcp.f32 v16;
	_ =	sdelay $0x8  }
0xe4: {  	v17 =	vpop (erf)  }
0xe5: {  	v17 =	vmul.f32 v17, v15;
	_ =	sdelay $0x1  }
0xe6: {  	v16 =	vadd.f32 v17, v16;
	_ =	sdelay $0x1  }
0xe7: {  	v16 =	vmul.f32 $5.000000000e-01, v16;
	_ =	sdelay $0x1  }
0xe8: {  	(erf) = vrcp.f32 v16;
	_ =	sdelay $0x8  }
0xe9: {  	v17 =	vpop (erf)  }
0xea: {  	v17 =	vmul.f32 v17, v15;
	_ =	sdelay $0x1  }
0xeb: {  	v16 =	vadd.f32 v17, v16;
	_ =	sdelay $0x1  }
0xec: {  	v16 =	vmul.f32 $5.000000000e-01, v16;
	_ =	sdelay $0x1  }
0xed: {  	(erf) = vrcp.f32 v16;
	_ =	sdelay $0x8  }
0xee: {  	v17 =	vpop (erf)  }
0xef: {  	v17 =	vmul.f32 v17, v15;
	_ =	sdelay $0x1  }
0xf0: {  	v16 =	vadd.f32 v17, v16;
	_ =	sdelay $0x1  }
0xf1: {  	v16 =	vmul.f32 $5.000000000e-01, v16;
	_ =	sdelay $0x1  }
0xf2: {  	(erf) = vrcp.f32 v16;
	_ =	sdelay $0x8  }
0xf3: {  	v17 =	vpop (erf)  }
0xf4: {  	v15 =	vmul.f32 v17, v15;
	_ =	sdelay $0x1  }
0xf5: {  	v15 =	vadd.f32 v15, v16;
	_ =	sdelay $0x1  }
0xf6: {  	v15 =	vmul.f32 $5.000000000e-01, v15;
	_ =	sdelay $0x1  }
0xf7: {  	(erf) = vrcp.f32 v15;
	_ =	sdelay $0x8  }
0xf8: {  	vm0 =	vgt.f32 v14, $0.0e+00;
	v14 =	vpop (erf)  }
0xf9: {  	v14 =	vnsel vm0, $0x0, v14  }
0xfa: {  	[tilespmem:$0x6700] =	vst v14  }
0xfb: {  	v14 =	vld.idx.msk [tilespmem:v5+s23+$0x0], $0xffff;
	_ =	sdelay $0x4  }
0xfc: {  	v15 =	vmax.f32 v14, $1.000000000e+00  }
0xfd: {  	v16 =	vadd.f32 $1.000000000e+00, v15;
	_ =	sdelay $0x1  }
0xfe: {  	v16 =	vmul.f32 $5.000000000e-01, v16;
	_ =	sdelay $0x1  }
0xff: {  	(erf) = vrcp.f32 v16;
	_ =	sdelay $0x8  }
0x100: {  	v17 =	vpop (erf)  }
0x101: {  	v17 =	vmul.f32 v17, v15;
	_ =	sdelay $0x1  }
0x102: {  	v16 =	vadd.f32 v17, v16;
	_ =	sdelay $0x1  }
0x103: {  	v16 =	vmul.f32 $5.000000000e-01, v16;
	_ =	sdelay $0x1  }
0x104: {  	(erf) = vrcp.f32 v16;
	_ =	sdelay $0x8  }
0x105: {  	v17 =	vpop (erf)  }
0x106: {  	v17 =	vmul.f32 v17, v15;
	_ =	sdelay $0x1  }
0x107: {  	v16 =	vadd.f32 v17, v16;
	_ =	sdelay $0x1  }
0x108: {  	v16 =	vmul.f32 $5.000000000e-01, v16;
	_ =	sdelay $0x1  }
0x109: {  	(erf) = vrcp.f32 v16;
	_ =	sdelay $0x8  }
0x10a: {  	v17 =	vpop (erf)  }
0x10b: {  	v17 =	vmul.f32 v17, v15;
	_ =	sdelay $0x1  }
0x10c: {  	v16 =	vadd.f32 v17, v16;
	_ =	sdelay $0x1  }
0x10d: {  	v16 =	vmul.f32 $5.000000000e-01, v16;
	_ =	sdelay $0x1  }
0x10e: {  	(erf) = vrcp.f32 v16;
	_ =	sdelay $0x8  }
0x10f: {  	v17 =	vpop (erf)  }
0x110: {  	v17 =	vmul.f32 v17, v15;
	_ =	sdelay $0x1  }
0x111: {  	v16 =	vadd.f32 v17, v16;
	_ =	sdelay $0x1  }
0x112: {  	v16 =	vmul.f32 $5.000000000e-01, v16;
	_ =	sdelay $0x1  }
0x113: {  	(erf) = vrcp.f32 v16;
	_ =	sdelay $0x8  }
0x114: {  	v17 =	vpop (erf)  }
0x115: {  	v17 =	vmul.f32 v17, v15;
	_ =	sdelay $0x1  }
0x116: {  	v16 =	vadd.f32 v17, v16;
	_ =	sdelay $0x1  }
0x117: {  	v16 =	vmul.f32 $5.000000000e-01, v16;
	_ =	sdelay $0x1  }
0x118: {  	(erf) = vrcp.f32 v16;
	_ =	sdelay $0x8  }
0x119: {  	v17 =	vpop (erf)  }
0x11a: {  	v17 =	vmul.f32 v17, v15;
	_ =	sdelay $0x1  }
0x11b: {  	v16 =	vadd.f32 v17, v16;
	_ =	sdelay $0x1  }
0x11c: {  	v16 =	vmul.f32 $5.000000000e-01, v16;
	_ =	sdelay $0x1  }
0x11d: {  	(erf) = vrcp.f32 v16;
	_ =	sdelay $0x8  }
0x11e: {  	v17 =	vpop (erf)  }
0x11f: {  	v17 =	vmul.f32 v17, v15;
	_ =	sdelay $0x1  }
0x120: {  	v16 =	vadd.f32 v17, v16;
	_ =	sdelay $0x1  }
0x121: {  	v16 =	vmul.f32 $5.000000000e-01, v16;
	_ =	sdelay $0x1  }
0x122: {  	(erf) = vrcp.f32 v16;
	_ =	sdelay $0x8  }
0x123: {  	v17 =	vpop (erf)  }
0x124: {  	v17 =	vmul.f32 v17, v15;
	_ =	sdelay $0x1  }
0x125: {  	v16 =	vadd.f32 v17, v16;
	_ =	sdelay $0x1  }
0x126: {  	v16 =	vmul.f32 $5.000000000e-01, v16;
	_ =	sdelay $0x1  }
0x127: {  	(erf) = vrcp.f32 v16;
	_ =	sdelay $0x8  }
0x128: {  	v17 =	vpop (erf)  }
0x129: {  	v17 =	vmul.f32 v17, v15;
	_ =	sdelay $0x1  }
0x12a: {  	v16 =	vadd.f32 v17, v16;
	_ =	sdelay $0x1  }
0x12b: {  	v16 =	vmul.f32 $5.000000000e-01, v16;
	_ =	sdelay $0x1  }
0x12c: {  	(erf) = vrcp.f32 v16;
	_ =	sdelay $0x8  }
0x12d: {  	v17 =	vpop (erf)  }
0x12e: {  	v17 =	vmul.f32 v17, v15;
	_ =	sdelay $0x1  }
0x12f: {  	v16 =	vadd.f32 v17, v16;
	_ =	sdelay $0x1  }
0x130: {  	v16 =	vmul.f32 $5.000000000e-01, v16;
	_ =	sdelay $0x1  }
0x131: {  	(erf) = vrcp.f32 v16;
	_ =	sdelay $0x8  }
0x132: {  	v17 =	vpop (erf)  }
0x133: {  	v17 =	vmul.f32 v17, v15;
	_ =	sdelay $0x1  }
0x134: {  	v16 =	vadd.f32 v17, v16;
	_ =	sdelay $0x1  }
0x135: {  	v16 =	vmul.f32 $5.000000000e-01, v16;
	_ =	sdelay $0x1  }
0x136: {  	(erf) = vrcp.f32 v16;
	_ =	sdelay $0x8  }
0x137: {  	v17 =	vpop (erf)  }
0x138: {  	v17 =	vmul.f32 v17, v15;
	_ =	sdelay $0x1  }
0x139: {  	v16 =	vadd.f32 v17, v16;
	_ =	sdelay $0x1  }
0x13a: {  	v16 =	vmul.f32 $5.000000000e-01, v16;
	_ =	sdelay $0x1  }
0x13b: {  	(erf) = vrcp.f32 v16;
	_ =	sdelay $0x8  }
0x13c: {  	v17 =	vpop (erf)  }
0x13d: {  	v17 =	vmul.f32 v17, v15;
	_ =	sdelay $0x1  }
0x13e: {  	v16 =	vadd.f32 v17, v16;
	_ =	sdelay $0x1  }
0x13f: {  	v16 =	vmul.f32 $5.000000000e-01, v16;
	_ =	sdelay $0x1  }
0x140: {  	(erf) = vrcp.f32 v16;
	_ =	sdelay $0x8  }
0x141: {  	v17 =	vpop (erf)  }
0x142: {  	v17 =	vmul.f32 v17, v15;
	_ =	sdelay $0x1  }
0x143: {  	v16 =	vadd.f32 v17, v16;
	_ =	sdelay $0x1  }
0x144: {  	v16 =	vmul.f32 $5.000000000e-01, v16;
	_ =	sdelay $0x1  }
0x145: {  	(erf) = vrcp.f32 v16;
	_ =	sdelay $0x8  }
0x146: {  	v17 =	vpop (erf)  }
0x147: {  	v15 =	vmul.f32 v17, v15;
	_ =	sdelay $0x1  }
0x148: {  	v15 =	vadd.f32 v15, v16;
	_ =	sdelay $0x1  }
0x149: {  	v15 =	vmul.f32 $5.000000000e-01, v15;
	_ =	sdelay $0x1  }
0x14a: {  	(erf) = vrcp.f32 v15;
	_ =	sdelay $0x8  }
0x14b: {  	vm9 =	vgt.f32 v14, $0.0e+00;
	v14 =	vpop (erf)  }
0x14c: {  	v14 =	vnsel vm9, $0x0, v14  }
0x14d: {  	[tilespmem:$0x6710] =	vst v14  }
0x14e: {  	v14 =	vld.idx.msk [tilespmem:v6+s23+$0x0], $0xffff;
	_ =	sdelay $0x4  }
0x14f: {  	v15 =	vmax.f32 v14, $1.000000000e+00  }
0x150: {  	v16 =	vadd.f32 $1.000000000e+00, v15;
	_ =	sdelay $0x1  }
0x151: {  	v16 =	vmul.f32 $5.000000000e-01, v16;
	_ =	sdelay $0x1  }
0x152: {  	(erf) = vrcp.f32 v16;
	_ =	sdelay $0x8  }
0x153: {  	v17 =	vpop (erf)  }
0x154: {  	v17 =	vmul.f32 v17, v15;
	_ =	sdelay $0x1  }
0x155: {  	v16 =	vadd.f32 v17, v16;
	_ =	sdelay $0x1  }
0x156: {  	v16 =	vmul.f32 $5.000000000e-01, v16;
	_ =	sdelay $0x1  }
0x157: {  	(erf) = vrcp.f32 v16;
	_ =	sdelay $0x8  }
0x158: {  	v17 =	vpop (erf)  }
0x159: {  	v17 =	vmul.f32 v17, v15;
	_ =	sdelay $0x1  }
0x15a: {  	v16 =	vadd.f32 v17, v16;
	_ =	sdelay $0x1  }
0x15b: {  	v16 =	vmul.f32 $5.000000000e-01, v16;
	_ =	sdelay $0x1  }
0x15c: {  	(erf) = vrcp.f32 v16;
	_ =	sdelay $0x8  }
0x15d: {  	v17 =	vpop (erf)  }
0x15e: {  	v17 =	vmul.f32 v17, v15;
	_ =	sdelay $0x1  }
0x15f: {  	v16 =	vadd.f32 v17, v16;
	_ =	sdelay $0x1  }
0x160: {  	v16 =	vmul.f32 $5.000000000e-01, v16;
	_ =	sdelay $0x1  }
0x161: {  	(erf) = vrcp.f32 v16;
	_ =	sdelay $0x8  }
0x162: {  	v17 =	vpop (erf)  }
0x163: {  	v17 =	vmul.f32 v17, v15;
	_ =	sdelay $0x1  }
0x164: {  	v16 =	vadd.f32 v17, v16;
	_ =	sdelay $0x1  }
0x165: {  	v16 =	vmul.f32 $5.000000000e-01, v16;
	_ =	sdelay $0x1  }
0x166: {  	(erf) = vrcp.f32 v16;
	_ =	sdelay $0x8  }
0x167: {  	v17 =	vpop (erf)  }
0x168: {  	v17 =	vmul.f32 v17, v15;
	_ =	sdelay $0x1  }
0x169: {  	v16 =	vadd.f32 v17, v16;
	_ =	sdelay $0x1  }
0x16a: {  	v16 =	vmul.f32 $5.000000000e-01, v16;
	_ =	sdelay $0x1  }
0x16b: {  	(erf) = vrcp.f32 v16;
	_ =	sdelay $0x8  }
0x16c: {  	v17 =	vpop (erf)  }
0x16d: {  	v17 =	vmul.f32 v17, v15;
	_ =	sdelay $0x1  }
0x16e: {  	v16 =	vadd.f32 v17, v16;
	_ =	sdelay $0x1  }
0x16f: {  	v16 =	vmul.f32 $5.000000000e-01, v16;
	_ =	sdelay $0x1  }
0x170: {  	(erf) = vrcp.f32 v16;
	_ =	sdelay $0x8  }
0x171: {  	v17 =	vpop (erf)  }
0x172: {  	v17 =	vmul.f32 v17, v15;
	_ =	sdelay $0x1  }
0x173: {  	v16 =	vadd.f32 v17, v16;
	_ =	sdelay $0x1  }
0x174: {  	v16 =	vmul.f32 $5.000000000e-01, v16;
	_ =	sdelay $0x1  }
0x175: {  	(erf) = vrcp.f32 v16;
	_ =	sdelay $0x8  }
0x176: {  	v17 =	vpop (erf)  }
0x177: {  	v17 =	vmul.f32 v17, v15;
	_ =	sdelay $0x1  }
0x178: {  	v16 =	vadd.f32 v17, v16;
	_ =	sdelay $0x1  }
0x179: {  	v16 =	vmul.f32 $5.000000000e-01, v16;
	_ =	sdelay $0x1  }
0x17a: {  	(erf) = vrcp.f32 v16;
	_ =	sdelay $0x8  }
0x17b: {  	v17 =	vpop (erf)  }
0x17c: {  	v17 =	vmul.f32 v17, v15;
	_ =	sdelay $0x1  }
0x17d: {  	v16 =	vadd.f32 v17, v16;
	_ =	sdelay $0x1  }
0x17e: {  	v16 =	vmul.f32 $5.000000000e-01, v16;
	_ =	sdelay $0x1  }
0x17f: {  	(erf) = vrcp.f32 v16;
	_ =	sdelay $0x8  }
0x180: {  	v17 =	vpop (erf)  }
0x181: {  	v17 =	vmul.f32 v17, v15;
	_ =	sdelay $0x1  }
0x182: {  	v16 =	vadd.f32 v17, v16;
	_ =	sdelay $0x1  }
0x183: {  	v16 =	vmul.f32 $5.000000000e-01, v16;
	_ =	sdelay $0x1  }
0x184: {  	(erf) = vrcp.f32 v16;
	_ =	sdelay $0x8  }
0x185: {  	v17 =	vpop (erf)  }
0x186: {  	v17 =	vmul.f32 v17, v15;
	_ =	sdelay $0x1  }
0x187: {  	v16 =	vadd.f32 v17, v16;
	_ =	sdelay $0x1  }
0x188: {  	v16 =	vmul.f32 $5.000000000e-01, v16;
	_ =	sdelay $0x1  }
0x189: {  	(erf) = vrcp.f32 v16;
	_ =	sdelay $0x8  }
0x18a: {  	v17 =	vpop (erf)  }
0x18b: {  	v17 =	vmul.f32 v17, v15;
	_ =	sdelay $0x1  }
0x18c: {  	v16 =	vadd.f32 v17, v16;
	_ =	sdelay $0x1  }
0x18d: {  	v16 =	vmul.f32 $5.000000000e-01, v16;
	_ =	sdelay $0x1  }
0x18e: {  	(erf) = vrcp.f32 v16;
	_ =	sdelay $0x8  }
0x18f: {  	v17 =	vpop (erf)  }
0x190: {  	v17 =	vmul.f32 v17, v15;
	_ =	sdelay $0x1  }
0x191: {  	v16 =	vadd.f32 v17, v16;
	_ =	sdelay $0x1  }
0x192: {  	v16 =	vmul.f32 $5.000000000e-01, v16;
	_ =	sdelay $0x1  }
0x193: {  	(erf) = vrcp.f32 v16;
	_ =	sdelay $0x8  }
0x194: {  	v17 =	vpop (erf)  }
0x195: {  	v17 =	vmul.f32 v17, v15;
	_ =	sdelay $0x1  }
0x196: {  	v16 =	vadd.f32 v17, v16;
	_ =	sdelay $0x1  }
0x197: {  	v16 =	vmul.f32 $5.000000000e-01, v16;
	_ =	sdelay $0x1  }
0x198: {  	(erf) = vrcp.f32 v16;
	_ =	sdelay $0x8  }
0x199: {  	v17 =	vpop (erf)  }
0x19a: {  	v15 =	vmul.f32 v17, v15;
	_ =	sdelay $0x1  }
0x19b: {  	v15 =	vadd.f32 v15, v16;
	_ =	sdelay $0x1  }
0x19c: {  	v15 =	vmul.f32 $5.000000000e-01, v15;
	_ =	sdelay $0x1  }
0x19d: {  	(erf) = vrcp.f32 v15;
	_ =	sdelay $0x8  }
0x19e: {  	vm10 =	vgt.f32 v14, $0.0e+00;
	v14 =	vpop (erf)  }
0x19f: {  	v14 =	vnsel vm10, $0x0, v14  }
0x1a0: {  	[tilespmem:$0x6720] =	vst v14  }
0x1a1: {  	v14 =	vld.idx.msk [tilespmem:v7+s23+$0x0], $0xffff;
	_ =	sdelay $0x4  }
0x1a2: {  	v15 =	vmax.f32 v14, $1.000000000e+00  }
0x1a3: {  	v16 =	vadd.f32 $1.000000000e+00, v15;
	_ =	sdelay $0x1  }
0x1a4: {  	v16 =	vmul.f32 $5.000000000e-01, v16;
	_ =	sdelay $0x1  }
0x1a5: {  	(erf) = vrcp.f32 v16;
	_ =	sdelay $0x8  }
0x1a6: {  	v17 =	vpop (erf)  }
0x1a7: {  	v17 =	vmul.f32 v17, v15;
	_ =	sdelay $0x1  }
0x1a8: {  	v16 =	vadd.f32 v17, v16;
	_ =	sdelay $0x1  }
0x1a9: {  	v16 =	vmul.f32 $5.000000000e-01, v16;
	_ =	sdelay $0x1  }
0x1aa: {  	(erf) = vrcp.f32 v16;
	_ =	sdelay $0x8  }
0x1ab: {  	v17 =	vpop (erf)  }
0x1ac: {  	v17 =	vmul.f32 v17, v15;
	_ =	sdelay $0x1  }
0x1ad: {  	v16 =	vadd.f32 v17, v16;
	_ =	sdelay $0x1  }
0x1ae: {  	v16 =	vmul.f32 $5.000000000e-01, v16;
	_ =	sdelay $0x1  }
0x1af: {  	(erf) = vrcp.f32 v16;
	_ =	sdelay $0x8  }
0x1b0: {  	v17 =	vpop (erf)  }
0x1b1: {  	v17 =	vmul.f32 v17, v15;
	_ =	sdelay $0x1  }
0x1b2: {  	v16 =	vadd.f32 v17, v16;
	_ =	sdelay $0x1  }
0x1b3: {  	v16 =	vmul.f32 $5.000000000e-01, v16;
	_ =	sdelay $0x1  }
0x1b4: {  	(erf) = vrcp.f32 v16;
	_ =	sdelay $0x8  }
0x1b5: {  	v17 =	vpop (erf)  }
0x1b6: {  	v17 =	vmul.f32 v17, v15;
	_ =	sdelay $0x1  }
0x1b7: {  	v16 =	vadd.f32 v17, v16;
	_ =	sdelay $0x1  }
0x1b8: {  	v16 =	vmul.f32 $5.000000000e-01, v16;
	_ =	sdelay $0x1  }
0x1b9: {  	(erf) = vrcp.f32 v16;
	_ =	sdelay $0x8  }
0x1ba: {  	v17 =	vpop (erf)  }
0x1bb: {  	v17 =	vmul.f32 v17, v15;
	_ =	sdelay $0x1  }
0x1bc: {  	v16 =	vadd.f32 v17, v16;
	_ =	sdelay $0x1  }
0x1bd: {  	v16 =	vmul.f32 $5.000000000e-01, v16;
	_ =	sdelay $0x1  }
0x1be: {  	(erf) = vrcp.f32 v16;
	_ =	sdelay $0x8  }
0x1bf: {  	v17 =	vpop (erf)  }
0x1c0: {  	v17 =	vmul.f32 v17, v15;
	_ =	sdelay $0x1  }
0x1c1: {  	v16 =	vadd.f32 v17, v16;
	_ =	sdelay $0x1  }
0x1c2: {  	v16 =	vmul.f32 $5.000000000e-01, v16;
	_ =	sdelay $0x1  }
0x1c3: {  	(erf) = vrcp.f32 v16;
	_ =	sdelay $0x8  }
0x1c4: {  	v17 =	vpop (erf)  }
0x1c5: {  	v17 =	vmul.f32 v17, v15;
	_ =	sdelay $0x1  }
0x1c6: {  	v16 =	vadd.f32 v17, v16;
	_ =	sdelay $0x1  }
0x1c7: {  	v16 =	vmul.f32 $5.000000000e-01, v16;
	_ =	sdelay $0x1  }
0x1c8: {  	(erf) = vrcp.f32 v16;
	_ =	sdelay $0x8  }
0x1c9: {  	v17 =	vpop (erf)  }
0x1ca: {  	v17 =	vmul.f32 v17, v15;
	_ =	sdelay $0x1  }
0x1cb: {  	v16 =	vadd.f32 v17, v16;
	_ =	sdelay $0x1  }
0x1cc: {  	v16 =	vmul.f32 $5.000000000e-01, v16;
	_ =	sdelay $0x1  }
0x1cd: {  	(erf) = vrcp.f32 v16;
	_ =	sdelay $0x8  }
0x1ce: {  	v17 =	vpop (erf)  }
0x1cf: {  	v17 =	vmul.f32 v17, v15;
	_ =	sdelay $0x1  }
0x1d0: {  	v16 =	vadd.f32 v17, v16;
	_ =	sdelay $0x1  }
0x1d1: {  	v16 =	vmul.f32 $5.000000000e-01, v16;
	_ =	sdelay $0x1  }
0x1d2: {  	(erf) = vrcp.f32 v16;
	_ =	sdelay $0x8  }
0x1d3: {  	v17 =	vpop (erf)  }
0x1d4: {  	v17 =	vmul.f32 v17, v15;
	_ =	sdelay $0x1  }
0x1d5: {  	v16 =	vadd.f32 v17, v16;
	_ =	sdelay $0x1  }
0x1d6: {  	v16 =	vmul.f32 $5.000000000e-01, v16;
	_ =	sdelay $0x1  }
0x1d7: {  	(erf) = vrcp.f32 v16;
	_ =	sdelay $0x8  }
0x1d8: {  	v17 =	vpop (erf)  }
0x1d9: {  	v17 =	vmul.f32 v17, v15;
	_ =	sdelay $0x1  }
0x1da: {  	v16 =	vadd.f32 v17, v16;
	_ =	sdelay $0x1  }
0x1db: {  	v16 =	vmul.f32 $5.000000000e-01, v16;
	_ =	sdelay $0x1  }
0x1dc: {  	(erf) = vrcp.f32 v16;
	_ =	sdelay $0x8  }
0x1dd: {  	v17 =	vpop (erf)  }
0x1de: {  	v17 =	vmul.f32 v17, v15;
	_ =	sdelay $0x1  }
0x1df: {  	v16 =	vadd.f32 v17, v16;
	_ =	sdelay $0x1  }
0x1e0: {  	v16 =	vmul.f32 $5.000000000e-01, v16;
	_ =	sdelay $0x1  }
0x1e1: {  	(erf) = vrcp.f32 v16;
	_ =	sdelay $0x8  }
0x1e2: {  	v17 =	vpop (erf)  }
0x1e3: {  	v17 =	vmul.f32 v17, v15;
	_ =	sdelay $0x1  }
0x1e4: {  	v16 =	vadd.f32 v17, v16;
	_ =	sdelay $0x1  }
0x1e5: {  	v16 =	vmul.f32 $5.000000000e-01, v16;
	_ =	sdelay $0x1  }
0x1e6: {  	(erf) = vrcp.f32 v16;
	_ =	sdelay $0x8  }
0x1e7: {  	v17 =	vpop (erf)  }
0x1e8: {  	v17 =	vmul.f32 v17, v15;
	_ =	sdelay $0x1  }
0x1e9: {  	v16 =	vadd.f32 v17, v16;
	_ =	sdelay $0x1  }
0x1ea: {  	v16 =	vmul.f32 $5.000000000e-01, v16;
	_ =	sdelay $0x1  }
0x1eb: {  	(erf) = vrcp.f32 v16;
	_ =	sdelay $0x8  }
0x1ec: {  	v17 =	vpop (erf)  }
0x1ed: {  	v15 =	vmul.f32 v17, v15;
	_ =	sdelay $0x1  }
0x1ee: {  	v15 =	vadd.f32 v15, v16;
	_ =	sdelay $0x1  }
0x1ef: {  	v15 =	vmul.f32 $5.000000000e-01, v15;
	_ =	sdelay $0x1  }
0x1f0: {  	(erf) = vrcp.f32 v15;
	_ =	sdelay $0x8  }
0x1f1: {  	vm11 =	vgt.f32 v14, $0.0e+00;
	v14 =	vpop (erf)  }
0x1f2: {  	v14 =	vnsel vm11, $0x0, v14  }
0x1f3: {  	[tilespmem:$0x6730] =	vst v14  }
0x1f4: {  	v14 =	vld.idx.msk [tilespmem:v8+s23+$0x0], $0xffff;
	_ =	sdelay $0x4  }
0x1f5: {  	v15 =	vmax.f32 v14, $1.000000000e+00  }
0x1f6: {  	v16 =	vadd.f32 $1.000000000e+00, v15;
	_ =	sdelay $0x1  }
0x1f7: {  	v16 =	vmul.f32 $5.000000000e-01, v16;
	_ =	sdelay $0x1  }
0x1f8: {  	(erf) = vrcp.f32 v16;
	_ =	sdelay $0x8  }
0x1f9: {  	v17 =	vpop (erf)  }
0x1fa: {  	v17 =	vmul.f32 v17, v15;
	_ =	sdelay $0x1  }
0x1fb: {  	v16 =	vadd.f32 v17, v16;
	_ =	sdelay $0x1  }
0x1fc: {  	v16 =	vmul.f32 $5.000000000e-01, v16;
	_ =	sdelay $0x1  }
0x1fd: {  	(erf) = vrcp.f32 v16;
	_ =	sdelay $0x8  }
0x1fe: {  	v17 =	vpop (erf)  }
0x1ff: {  	v17 =	vmul.f32 v17, v15;
	_ =	sdelay $0x1  }
0x200: {  	v16 =	vadd.f32 v17, v16;
	_ =	sdelay $0x1  }
0x201: {  	v16 =	vmul.f32 $5.000000000e-01, v16;
	_ =	sdelay $0x1  }
0x202: {  	(erf) = vrcp.f32 v16;
	_ =	sdelay $0x8  }
0x203: {  	v17 =	vpop (erf)  }
0x204: {  	v17 =	vmul.f32 v17, v15;
	_ =	sdelay $0x1  }
0x205: {  	v16 =	vadd.f32 v17, v16;
	_ =	sdelay $0x1  }
0x206: {  	v16 =	vmul.f32 $5.000000000e-01, v16;
	_ =	sdelay $0x1  }
0x207: {  	(erf) = vrcp.f32 v16;
	_ =	sdelay $0x8  }
0x208: {  	v17 =	vpop (erf)  }
0x209: {  	v17 =	vmul.f32 v17, v15;
	_ =	sdelay $0x1  }
0x20a: {  	v16 =	vadd.f32 v17, v16;
	_ =	sdelay $0x1  }
0x20b: {  	v16 =	vmul.f32 $5.000000000e-01, v16;
	_ =	sdelay $0x1  }
0x20c: {  	(erf) = vrcp.f32 v16;
	_ =	sdelay $0x8  }
0x20d: {  	v17 =	vpop (erf)  }
0x20e: {  	v17 =	vmul.f32 v17, v15;
	_ =	sdelay $0x1  }
0x20f: {  	v16 =	vadd.f32 v17, v16;
	_ =	sdelay $0x1  }
0x210: {  	v16 =	vmul.f32 $5.000000000e-01, v16;
	_ =	sdelay $0x1  }
0x211: {  	(erf) = vrcp.f32 v16;
	_ =	sdelay $0x8  }
0x212: {  	v17 =	vpop (erf)  }
0x213: {  	v17 =	vmul.f32 v17, v15;
	_ =	sdelay $0x1  }
0x214: {  	v16 =	vadd.f32 v17, v16;
	_ =	sdelay $0x1  }
0x215: {  	v16 =	vmul.f32 $5.000000000e-01, v16;
	_ =	sdelay $0x1  }
0x216: {  	(erf) = vrcp.f32 v16;
	_ =	sdelay $0x8  }
0x217: {  	v17 =	vpop (erf)  }
0x218: {  	v17 =	vmul.f32 v17, v15;
	_ =	sdelay $0x1  }
0x219: {  	v16 =	vadd.f32 v17, v16;
	_ =	sdelay $0x1  }
0x21a: {  	v16 =	vmul.f32 $5.000000000e-01, v16;
	_ =	sdelay $0x1  }
0x21b: {  	(erf) = vrcp.f32 v16;
	_ =	sdelay $0x8  }
0x21c: {  	v17 =	vpop (erf)  }
0x21d: {  	v17 =	vmul.f32 v17, v15;
	_ =	sdelay $0x1  }
0x21e: {  	v16 =	vadd.f32 v17, v16;
	_ =	sdelay $0x1  }
0x21f: {  	v16 =	vmul.f32 $5.000000000e-01, v16;
	_ =	sdelay $0x1  }
0x220: {  	(erf) = vrcp.f32 v16;
	_ =	sdelay $0x8  }
0x221: {  	v17 =	vpop (erf)  }
0x222: {  	v17 =	vmul.f32 v17, v15;
	_ =	sdelay $0x1  }
0x223: {  	v16 =	vadd.f32 v17, v16;
	_ =	sdelay $0x1  }
0x224: {  	v16 =	vmul.f32 $5.000000000e-01, v16;
	_ =	sdelay $0x1  }
0x225: {  	(erf) = vrcp.f32 v16;
	_ =	sdelay $0x8  }
0x226: {  	v17 =	vpop (erf)  }
0x227: {  	v17 =	vmul.f32 v17, v15;
	_ =	sdelay $0x1  }
0x228: {  	v16 =	vadd.f32 v17, v16;
	_ =	sdelay $0x1  }
0x229: {  	v16 =	vmul.f32 $5.000000000e-01, v16;
	_ =	sdelay $0x1  }
0x22a: {  	(erf) = vrcp.f32 v16;
	_ =	sdelay $0x8  }
0x22b: {  	v17 =	vpop (erf)  }
0x22c: {  	v17 =	vmul.f32 v17, v15;
	_ =	sdelay $0x1  }
0x22d: {  	v16 =	vadd.f32 v17, v16;
	_ =	sdelay $0x1  }
0x22e: {  	v16 =	vmul.f32 $5.000000000e-01, v16;
	_ =	sdelay $0x1  }
0x22f: {  	(erf) = vrcp.f32 v16;
	_ =	sdelay $0x8  }
0x230: {  	v17 =	vpop (erf)  }
0x231: {  	v17 =	vmul.f32 v17, v15;
	_ =	sdelay $0x1  }
0x232: {  	v16 =	vadd.f32 v17, v16;
	_ =	sdelay $0x1  }
0x233: {  	v16 =	vmul.f32 $5.000000000e-01, v16;
	_ =	sdelay $0x1  }
0x234: {  	(erf) = vrcp.f32 v16;
	_ =	sdelay $0x8  }
0x235: {  	v17 =	vpop (erf)  }
0x236: {  	v17 =	vmul.f32 v17, v15;
	_ =	sdelay $0x1  }
0x237: {  	v16 =	vadd.f32 v17, v16;
	_ =	sdelay $0x1  }
0x238: {  	v16 =	vmul.f32 $5.000000000e-01, v16;
	_ =	sdelay $0x1  }
0x239: {  	(erf) = vrcp.f32 v16;
	_ =	sdelay $0x8  }
0x23a: {  	v17 =	vpop (erf)  }
0x23b: {  	v17 =	vmul.f32 v17, v15;
	_ =	sdelay $0x1  }
0x23c: {  	v16 =	vadd.f32 v17, v16;
	_ =	sdelay $0x1  }
0x23d: {  	v16 =	vmul.f32 $5.000000000e-01, v16;
	_ =	sdelay $0x1  }
0x23e: {  	(erf) = vrcp.f32 v16;
	_ =	sdelay $0x8  }
0x23f: {  	v17 =	vpop (erf)  }
0x240: {  	v15 =	vmul.f32 v17, v15;
	_ =	sdelay $0x1  }
0x241: {  	v15 =	vadd.f32 v15, v16;
	_ =	sdelay $0x1  }
0x242: {  	v15 =	vmul.f32 $5.000000000e-01, v15;
	_ =	sdelay $0x1  }
0x243: {  	(erf) = vrcp.f32 v15;
	_ =	sdelay $0x8  }
0x244: {  	vm12 =	vgt.f32 v14, $0.0e+00;
	v14 =	vpop (erf)  }
0x245: {  	v14 =	vnsel vm12, $0x0, v14  }
0x246: {  	[tilespmem:$0x6740] =	vst v14  }
0x247: {  	v14 =	vld.idx.msk [tilespmem:v9+s23+$0x0], $0xffff;
	_ =	sdelay $0x4  }
0x248: {  	v15 =	vmax.f32 v14, $1.000000000e+00  }
0x249: {  	v16 =	vadd.f32 $1.000000000e+00, v15;
	_ =	sdelay $0x1  }
0x24a: {  	v16 =	vmul.f32 $5.000000000e-01, v16;
	_ =	sdelay $0x1  }
0x24b: {  	(erf) = vrcp.f32 v16;
	_ =	sdelay $0x8  }
0x24c: {  	v17 =	vpop (erf)  }
0x24d: {  	v17 =	vmul.f32 v17, v15;
	_ =	sdelay $0x1  }
0x24e: {  	v16 =	vadd.f32 v17, v16;
	_ =	sdelay $0x1  }
0x24f: {  	v16 =	vmul.f32 $5.000000000e-01, v16;
	_ =	sdelay $0x1  }
0x250: {  	(erf) = vrcp.f32 v16;
	_ =	sdelay $0x8  }
0x251: {  	v17 =	vpop (erf)  }
0x252: {  	v17 =	vmul.f32 v17, v15;
	_ =	sdelay $0x1  }
0x253: {  	v16 =	vadd.f32 v17, v16;
	_ =	sdelay $0x1  }
0x254: {  	v16 =	vmul.f32 $5.000000000e-01, v16;
	_ =	sdelay $0x1  }
0x255: {  	(erf) = vrcp.f32 v16;
	_ =	sdelay $0x8  }
0x256: {  	v17 =	vpop (erf)  }
0x257: {  	v17 =	vmul.f32 v17, v15;
	_ =	sdelay $0x1  }
0x258: {  	v16 =	vadd.f32 v17, v16;
	_ =	sdelay $0x1  }
0x259: {  	v16 =	vmul.f32 $5.000000000e-01, v16;
	_ =	sdelay $0x1  }
0x25a: {  	(erf) = vrcp.f32 v16;
	_ =	sdelay $0x8  }
0x25b: {  	v17 =	vpop (erf)  }
0x25c: {  	v17 =	vmul.f32 v17, v15;
	_ =	sdelay $0x1  }
0x25d: {  	v16 =	vadd.f32 v17, v16;
	_ =	sdelay $0x1  }
0x25e: {  	v16 =	vmul.f32 $5.000000000e-01, v16;
	_ =	sdelay $0x1  }
0x25f: {  	(erf) = vrcp.f32 v16;
	_ =	sdelay $0x8  }
0x260: {  	v17 =	vpop (erf)  }
0x261: {  	v17 =	vmul.f32 v17, v15;
	_ =	sdelay $0x1  }
0x262: {  	v16 =	vadd.f32 v17, v16;
	_ =	sdelay $0x1  }
0x263: {  	v16 =	vmul.f32 $5.000000000e-01, v16;
	_ =	sdelay $0x1  }
0x264: {  	(erf) = vrcp.f32 v16;
	_ =	sdelay $0x8  }
0x265: {  	v17 =	vpop (erf)  }
0x266: {  	v17 =	vmul.f32 v17, v15;
	_ =	sdelay $0x1  }
0x267: {  	v16 =	vadd.f32 v17, v16;
	_ =	sdelay $0x1  }
0x268: {  	v16 =	vmul.f32 $5.000000000e-01, v16;
	_ =	sdelay $0x1  }
0x269: {  	(erf) = vrcp.f32 v16;
	_ =	sdelay $0x8  }
0x26a: {  	v17 =	vpop (erf)  }
0x26b: {  	v17 =	vmul.f32 v17, v15;
	_ =	sdelay $0x1  }
0x26c: {  	v16 =	vadd.f32 v17, v16;
	_ =	sdelay $0x1  }
0x26d: {  	v16 =	vmul.f32 $5.000000000e-01, v16;
	_ =	sdelay $0x1  }
0x26e: {  	(erf) = vrcp.f32 v16;
	_ =	sdelay $0x8  }
0x26f: {  	v17 =	vpop (erf)  }
0x270: {  	v17 =	vmul.f32 v17, v15;
	_ =	sdelay $0x1  }
0x271: {  	v16 =	vadd.f32 v17, v16;
	_ =	sdelay $0x1  }
0x272: {  	v16 =	vmul.f32 $5.000000000e-01, v16;
	_ =	sdelay $0x1  }
0x273: {  	(erf) = vrcp.f32 v16;
	_ =	sdelay $0x8  }
0x274: {  	v17 =	vpop (erf)  }
0x275: {  	v17 =	vmul.f32 v17, v15;
	_ =	sdelay $0x1  }
0x276: {  	v16 =	vadd.f32 v17, v16;
	_ =	sdelay $0x1  }
0x277: {  	v16 =	vmul.f32 $5.000000000e-01, v16;
	_ =	sdelay $0x1  }
0x278: {  	(erf) = vrcp.f32 v16;
	_ =	sdelay $0x8  }
0x279: {  	v17 =	vpop (erf)  }
0x27a: {  	v17 =	vmul.f32 v17, v15;
	_ =	sdelay $0x1  }
0x27b: {  	v16 =	vadd.f32 v17, v16;
	_ =	sdelay $0x1  }
0x27c: {  	v16 =	vmul.f32 $5.000000000e-01, v16;
	_ =	sdelay $0x1  }
0x27d: {  	(erf) = vrcp.f32 v16;
	_ =	sdelay $0x8  }
0x27e: {  	v17 =	vpop (erf)  }
0x27f: {  	v17 =	vmul.f32 v17, v15;
	_ =	sdelay $0x1  }
0x280: {  	v16 =	vadd.f32 v17, v16;
	_ =	sdelay $0x1  }
0x281: {  	v16 =	vmul.f32 $5.000000000e-01, v16;
	_ =	sdelay $0x1  }
0x282: {  	(erf) = vrcp.f32 v16;
	_ =	sdelay $0x8  }
0x283: {  	v17 =	vpop (erf)  }
0x284: {  	v17 =	vmul.f32 v17, v15;
	_ =	sdelay $0x1  }
0x285: {  	v16 =	vadd.f32 v17, v16;
	_ =	sdelay $0x1  }
0x286: {  	v16 =	vmul.f32 $5.000000000e-01, v16;
	_ =	sdelay $0x1  }
0x287: {  	(erf) = vrcp.f32 v16;
	_ =	sdelay $0x8  }
0x288: {  	v17 =	vpop (erf)  }
0x289: {  	v17 =	vmul.f32 v17, v15;
	_ =	sdelay $0x1  }
0x28a: {  	v16 =	vadd.f32 v17, v16;
	_ =	sdelay $0x1  }
0x28b: {  	v16 =	vmul.f32 $5.000000000e-01, v16;
	_ =	sdelay $0x1  }
0x28c: {  	(erf) = vrcp.f32 v16;
	_ =	sdelay $0x8  }
0x28d: {  	v17 =	vpop (erf)  }
0x28e: {  	v17 =	vmul.f32 v17, v15;
	_ =	sdelay $0x1  }
0x28f: {  	v16 =	vadd.f32 v17, v16;
	_ =	sdelay $0x1  }
0x290: {  	v16 =	vmul.f32 $5.000000000e-01, v16;
	_ =	sdelay $0x1  }
0x291: {  	(erf) = vrcp.f32 v16;
	_ =	sdelay $0x8  }
0x292: {  	v17 =	vpop (erf)  }
0x293: {  	v15 =	vmul.f32 v17, v15;
	_ =	sdelay $0x1  }
0x294: {  	v15 =	vadd.f32 v15, v16;
	_ =	sdelay $0x1  }
0x295: {  	v15 =	vmul.f32 $5.000000000e-01, v15;
	_ =	sdelay $0x1  }
0x296: {  	(erf) = vrcp.f32 v15;
	_ =	sdelay $0x8  }
0x297: {  	vm13 =	vgt.f32 v14, $0.0e+00;
	v14 =	vpop (erf)  }
0x298: {  	v14 =	vnsel vm13, $0x0, v14  }
0x299: {  	[tilespmem:$0x6750] =	vst v14  }
0x29a: {  	v14 =	vld.idx.msk [tilespmem:v10+s23+$0x0], $0xffff;
	_ =	sdelay $0x4  }
0x29b: {  	v15 =	vmax.f32 v14, $1.000000000e+00  }
0x29c: {  	v16 =	vadd.f32 $1.000000000e+00, v15;
	_ =	sdelay $0x1  }
0x29d: {  	v16 =	vmul.f32 $5.000000000e-01, v16;
	_ =	sdelay $0x1  }
0x29e: {  	(erf) = vrcp.f32 v16;
	_ =	sdelay $0x8  }
0x29f: {  	v17 =	vpop (erf)  }
0x2a0: {  	v17 =	vmul.f32 v17, v15;
	_ =	sdelay $0x1  }
0x2a1: {  	v16 =	vadd.f32 v17, v16;
	_ =	sdelay $0x1  }
0x2a2: {  	v16 =	vmul.f32 $5.000000000e-01, v16;
	_ =	sdelay $0x1  }
0x2a3: {  	(erf) = vrcp.f32 v16;
	_ =	sdelay $0x8  }
0x2a4: {  	v17 =	vpop (erf)  }
0x2a5: {  	v17 =	vmul.f32 v17, v15;
	_ =	sdelay $0x1  }
0x2a6: {  	v16 =	vadd.f32 v17, v16;
	_ =	sdelay $0x1  }
0x2a7: {  	v16 =	vmul.f32 $5.000000000e-01, v16;
	_ =	sdelay $0x1  }
0x2a8: {  	(erf) = vrcp.f32 v16;
	_ =	sdelay $0x8  }
0x2a9: {  	v17 =	vpop (erf)  }
0x2aa: {  	v17 =	vmul.f32 v17, v15;
	_ =	sdelay $0x1  }
0x2ab: {  	v16 =	vadd.f32 v17, v16;
	_ =	sdelay $0x1  }
0x2ac: {  	v16 =	vmul.f32 $5.000000000e-01, v16;
	_ =	sdelay $0x1  }
0x2ad: {  	(erf) = vrcp.f32 v16;
	_ =	sdelay $0x8  }
0x2ae: {  	v17 =	vpop (erf)  }
0x2af: {  	v17 =	vmul.f32 v17, v15;
	_ =	sdelay $0x1  }
0x2b0: {  	v16 =	vadd.f32 v17, v16;
	_ =	sdelay $0x1  }
0x2b1: {  	v16 =	vmul.f32 $5.000000000e-01, v16;
	_ =	sdelay $0x1  }
0x2b2: {  	(erf) = vrcp.f32 v16;
	_ =	sdelay $0x8  }
0x2b3: {  	v17 =	vpop (erf)  }
0x2b4: {  	v17 =	vmul.f32 v17, v15;
	_ =	sdelay $0x1  }
0x2b5: {  	v16 =	vadd.f32 v17, v16;
	_ =	sdelay $0x1  }
0x2b6: {  	v16 =	vmul.f32 $5.000000000e-01, v16;
	_ =	sdelay $0x1  }
0x2b7: {  	(erf) = vrcp.f32 v16;
	_ =	sdelay $0x8  }
0x2b8: {  	v17 =	vpop (erf)  }
0x2b9: {  	v17 =	vmul.f32 v17, v15;
	_ =	sdelay $0x1  }
0x2ba: {  	v16 =	vadd.f32 v17, v16;
	_ =	sdelay $0x1  }
0x2bb: {  	v16 =	vmul.f32 $5.000000000e-01, v16;
	_ =	sdelay $0x1  }
0x2bc: {  	(erf) = vrcp.f32 v16;
	_ =	sdelay $0x8  }
0x2bd: {  	v17 =	vpop (erf)  }
0x2be: {  	v17 =	vmul.f32 v17, v15;
	_ =	sdelay $0x1  }
0x2bf: {  	v16 =	vadd.f32 v17, v16;
	_ =	sdelay $0x1  }
0x2c0: {  	v16 =	vmul.f32 $5.000000000e-01, v16;
	_ =	sdelay $0x1  }
0x2c1: {  	(erf) = vrcp.f32 v16;
	_ =	sdelay $0x8  }
0x2c2: {  	v17 =	vpop (erf)  }
0x2c3: {  	v17 =	vmul.f32 v17, v15;
	_ =	sdelay $0x1  }
0x2c4: {  	v16 =	vadd.f32 v17, v16;
	_ =	sdelay $0x1  }
0x2c5: {  	v16 =	vmul.f32 $5.000000000e-01, v16;
	_ =	sdelay $0x1  }
0x2c6: {  	(erf) = vrcp.f32 v16;
	_ =	sdelay $0x8  }
0x2c7: {  	v17 =	vpop (erf)  }
0x2c8: {  	v17 =	vmul.f32 v17, v15;
	_ =	sdelay $0x1  }
0x2c9: {  	v16 =	vadd.f32 v17, v16;
	_ =	sdelay $0x1  }
0x2ca: {  	v16 =	vmul.f32 $5.000000000e-01, v16;
	_ =	sdelay $0x1  }
0x2cb: {  	(erf) = vrcp.f32 v16;
	_ =	sdelay $0x8  }
0x2cc: {  	v17 =	vpop (erf)  }
0x2cd: {  	v17 =	vmul.f32 v17, v15;
	_ =	sdelay $0x1  }
0x2ce: {  	v16 =	vadd.f32 v17, v16;
	_ =	sdelay $0x1  }
0x2cf: {  	v16 =	vmul.f32 $5.000000000e-01, v16;
	_ =	sdelay $0x1  }
0x2d0: {  	(erf) = vrcp.f32 v16;
	_ =	sdelay $0x8  }
0x2d1: {  	v17 =	vpop (erf)  }
0x2d2: {  	v17 =	vmul.f32 v17, v15;
	_ =	sdelay $0x1  }
0x2d3: {  	v16 =	vadd.f32 v17, v16;
	_ =	sdelay $0x1  }
0x2d4: {  	v16 =	vmul.f32 $5.000000000e-01, v16;
	_ =	sdelay $0x1  }
0x2d5: {  	(erf) = vrcp.f32 v16;
	_ =	sdelay $0x8  }
0x2d6: {  	v17 =	vpop (erf)  }
0x2d7: {  	v17 =	vmul.f32 v17, v15;
	_ =	sdelay $0x1  }
0x2d8: {  	v16 =	vadd.f32 v17, v16;
	_ =	sdelay $0x1  }
0x2d9: {  	v16 =	vmul.f32 $5.000000000e-01, v16;
	_ =	sdelay $0x1  }
0x2da: {  	(erf) = vrcp.f32 v16;
	_ =	sdelay $0x8  }
0x2db: {  	v17 =	vpop (erf)  }
0x2dc: {  	v17 =	vmul.f32 v17, v15;
	_ =	sdelay $0x1  }
0x2dd: {  	v16 =	vadd.f32 v17, v16;
	_ =	sdelay $0x1  }
0x2de: {  	v16 =	vmul.f32 $5.000000000e-01, v16;
	_ =	sdelay $0x1  }
0x2df: {  	(erf) = vrcp.f32 v16;
	_ =	sdelay $0x8  }
0x2e0: {  	v17 =	vpop (erf)  }
0x2e1: {  	v17 =	vmul.f32 v17, v15;
	_ =	sdelay $0x1  }
0x2e2: {  	v16 =	vadd.f32 v17, v16;
	_ =	sdelay $0x1  }
0x2e3: {  	v16 =	vmul.f32 $5.000000000e-01, v16;
	_ =	sdelay $0x1  }
0x2e4: {  	(erf) = vrcp.f32 v16;
	_ =	sdelay $0x8  }
0x2e5: {  	v17 =	vpop (erf)  }
0x2e6: {  	v15 =	vmul.f32 v17, v15;
	_ =	sdelay $0x1  }
0x2e7: {  	v15 =	vadd.f32 v15, v16;
	_ =	sdelay $0x1  }
0x2e8: {  	v15 =	vmul.f32 $5.000000000e-01, v15;
	_ =	sdelay $0x1  }
0x2e9: {  	(erf) = vrcp.f32 v15;
	_ =	sdelay $0x8  }
0x2ea: {  	vm14 =	vgt.f32 v14, $0.0e+00;
	v14 =	vpop (erf)  }
0x2eb: {  	v14 =	vnsel vm14, $0x0, v14  }
0x2ec: {  	[tilespmem:$0x6760] =	vst v14  }
0x2ed: {  	v14 =	vld.idx.msk [tilespmem:v11+s23+$0x0], $0xffff;
	_ =	sdelay $0x4  }
0x2ee: {  	v15 =	vmax.f32 v14, $1.000000000e+00  }
0x2ef: {  	v16 =	vadd.f32 $1.000000000e+00, v15;
	_ =	sdelay $0x1  }
0x2f0: {  	v16 =	vmul.f32 $5.000000000e-01, v16;
	_ =	sdelay $0x1  }
0x2f1: {  	(erf) = vrcp.f32 v16;
	_ =	sdelay $0x8  }
0x2f2: {  	v17 =	vpop (erf)  }
0x2f3: {  	v17 =	vmul.f32 v17, v15;
	_ =	sdelay $0x1  }
0x2f4: {  	v16 =	vadd.f32 v17, v16;
	_ =	sdelay $0x1  }
0x2f5: {  	v16 =	vmul.f32 $5.000000000e-01, v16;
	_ =	sdelay $0x1  }
0x2f6: {  	(erf) = vrcp.f32 v16;
	_ =	sdelay $0x8  }
0x2f7: {  	v17 =	vpop (erf)  }
0x2f8: {  	v17 =	vmul.f32 v17, v15;
	_ =	sdelay $0x1  }
0x2f9: {  	v16 =	vadd.f32 v17, v16;
	_ =	sdelay $0x1  }
0x2fa: {  	v16 =	vmul.f32 $5.000000000e-01, v16;
	_ =	sdelay $0x1  }
0x2fb: {  	(erf) = vrcp.f32 v16;
	_ =	sdelay $0x8  }
0x2fc: {  	v17 =	vpop (erf)  }
0x2fd: {  	v17 =	vmul.f32 v17, v15;
	_ =	sdelay $0x1  }
0x2fe: {  	v16 =	vadd.f32 v17, v16;
	_ =	sdelay $0x1  }
0x2ff: {  	v16 =	vmul.f32 $5.000000000e-01, v16;
	_ =	sdelay $0x1  }
0x300: {  	(erf) = vrcp.f32 v16;
	_ =	sdelay $0x8  }
0x301: {  	v17 =	vpop (erf)  }
0x302: {  	v17 =	vmul.f32 v17, v15;
	_ =	sdelay $0x1  }
0x303: {  	v16 =	vadd.f32 v17, v16;
	_ =	sdelay $0x1  }
0x304: {  	v16 =	vmul.f32 $5.000000000e-01, v16;
	_ =	sdelay $0x1  }
0x305: {  	(erf) = vrcp.f32 v16;
	_ =	sdelay $0x8  }
0x306: {  	v17 =	vpop (erf)  }
0x307: {  	v17 =	vmul.f32 v17, v15;
	_ =	sdelay $0x1  }
0x308: {  	v16 =	vadd.f32 v17, v16;
	_ =	sdelay $0x1  }
0x309: {  	v16 =	vmul.f32 $5.000000000e-01, v16;
	_ =	sdelay $0x1  }
0x30a: {  	(erf) = vrcp.f32 v16;
	_ =	sdelay $0x8  }
0x30b: {  	v17 =	vpop (erf)  }
0x30c: {  	v17 =	vmul.f32 v17, v15;
	_ =	sdelay $0x1  }
0x30d: {  	v16 =	vadd.f32 v17, v16;
	_ =	sdelay $0x1  }
0x30e: {  	v16 =	vmul.f32 $5.000000000e-01, v16;
	_ =	sdelay $0x1  }
0x30f: {  	(erf) = vrcp.f32 v16;
	_ =	sdelay $0x8  }
0x310: {  	v17 =	vpop (erf)  }
0x311: {  	v17 =	vmul.f32 v17, v15;
	_ =	sdelay $0x1  }
0x312: {  	v16 =	vadd.f32 v17, v16;
	_ =	sdelay $0x1  }
0x313: {  	v16 =	vmul.f32 $5.000000000e-01, v16;
	_ =	sdelay $0x1  }
0x314: {  	(erf) = vrcp.f32 v16;
	_ =	sdelay $0x8  }
0x315: {  	v17 =	vpop (erf)  }
0x316: {  	v17 =	vmul.f32 v17, v15;
	_ =	sdelay $0x1  }
0x317: {  	v16 =	vadd.f32 v17, v16;
	_ =	sdelay $0x1  }
0x318: {  	v16 =	vmul.f32 $5.000000000e-01, v16;
	_ =	sdelay $0x1  }
0x319: {  	(erf) = vrcp.f32 v16;
	_ =	sdelay $0x8  }
0x31a: {  	v17 =	vpop (erf)  }
0x31b: {  	v17 =	vmul.f32 v17, v15;
	_ =	sdelay $0x1  }
0x31c: {  	v16 =	vadd.f32 v17, v16;
	_ =	sdelay $0x1  }
0x31d: {  	v16 =	vmul.f32 $5.000000000e-01, v16;
	_ =	sdelay $0x1  }
0x31e: {  	(erf) = vrcp.f32 v16;
	_ =	sdelay $0x8  }
0x31f: {  	v17 =	vpop (erf)  }
0x320: {  	v17 =	vmul.f32 v17, v15;
	_ =	sdelay $0x1  }
0x321: {  	v16 =	vadd.f32 v17, v16;
	_ =	sdelay $0x1  }
0x322: {  	v16 =	vmul.f32 $5.000000000e-01, v16;
	_ =	sdelay $0x1  }
0x323: {  	(erf) = vrcp.f32 v16;
	_ =	sdelay $0x8  }
0x324: {  	v17 =	vpop (erf)  }
0x325: {  	v17 =	vmul.f32 v17, v15;
	_ =	sdelay $0x1  }
0x326: {  	v16 =	vadd.f32 v17, v16;
	_ =	sdelay $0x1  }
0x327: {  	v16 =	vmul.f32 $5.000000000e-01, v16;
	_ =	sdelay $0x1  }
0x328: {  	(erf) = vrcp.f32 v16;
	_ =	sdelay $0x8  }
0x329: {  	v17 =	vpop (erf)  }
0x32a: {  	v17 =	vmul.f32 v17, v15;
	_ =	sdelay $0x1  }
0x32b: {  	v16 =	vadd.f32 v17, v16;
	_ =	sdelay $0x1  }
0x32c: {  	v16 =	vmul.f32 $5.000000000e-01, v16;
	_ =	sdelay $0x1  }
0x32d: {  	(erf) = vrcp.f32 v16;
	_ =	sdelay $0x8  }
0x32e: {  	v17 =	vpop (erf)  }
0x32f: {  	v17 =	vmul.f32 v17, v15;
	_ =	sdelay $0x1  }
0x330: {  	v16 =	vadd.f32 v17, v16;
	_ =	sdelay $0x1  }
0x331: {  	v16 =	vmul.f32 $5.000000000e-01, v16;
	_ =	sdelay $0x1  }
0x332: {  	(erf) = vrcp.f32 v16;
	_ =	sdelay $0x8  }
0x333: {  	v17 =	vpop (erf)  }
0x334: {  	v17 =	vmul.f32 v17, v15;
	_ =	sdelay $0x1  }
0x335: {  	v16 =	vadd.f32 v17, v16;
	_ =	sdelay $0x1  }
0x336: {  	v16 =	vmul.f32 $5.000000000e-01, v16;
	_ =	sdelay $0x1  }
0x337: {  	(erf) = vrcp.f32 v16;
	_ =	sdelay $0x8  }
0x338: {  	v17 =	vpop (erf)  }
0x339: {  	v15 =	vmul.f32 v17, v15;
	_ =	sdelay $0x1  }
0x33a: {  	v15 =	vadd.f32 v15, v16;
	_ =	sdelay $0x1  }
0x33b: {  	v15 =	vmul.f32 $5.000000000e-01, v15;
	_ =	sdelay $0x1  }
0x33c: {  	(erf) = vrcp.f32 v15;
	_ =	sdelay $0x7  }
0x33d: {  	s22 =	sshll.u32 s11, $0x7  }
0x33e: {  	s15 =	sadd.s32 s10, s22;
	vm15 =	vgt.f32 v14, $0.0e+00;
	v14 =	vpop (erf)  }
0x33f: {  	s0 =	sshrl.u32 s15, $0x3;
	v14 =	vnsel vm15, $0x0, v14  }
0x340: {  	s0 =	sadd.s32 s0, s3;
	[tilespmem:$0x6770] =	vst v14  }
0x341: {  	[hbm4b:s0+s8] =	stream.linear.scatter [tilespmem:s13], [sflag:$0x8], $0x80, $0x38;
	[tilespmem:$0x1EF80] =	vst v63  }
0x342: {  	_ =	swait.ge [sflag:s30], $0x80  }
0x343: {  	[sflag:s30] =	ssyncset.done $0x0  }
0x344: {  	[sflag:s30] =	ssyncadd.s32 $0xFFFFFF80  }
0x345: {  	[spmem:s12] =	stream.linear.scatter [tilespmem:s28], [sflag:$0x8], $0x1000, $0x38;
	[tilespmem:$0x1EF80] =	vst v63  }
0x346: {  	_ =	swait.ge [sflag:s30], $0x1000  }
0x347: {  	p0 =	seq.s32 s11, $0x186;
	[sflag:s30] =	ssyncset.done $0x0  }
0x348: {  	s0 =	simm.s32 @p0 $0x0;
	[sflag:s30] =	ssyncadd.s32 $0xFFFFF000  }
0x349: {  	[tilespmem:s0], [sflag:$0x8] =	stream.linear.gather @p0 [hbm4b:s18+s0], $0x50, $0x38;
	[tilespmem:$0x1EF80] =	vst v63  }
0x34a: {  	s0 =	simm.s32 @p0 $0x8  }
0x34b: {  	_ =	swait.ge @p0 [sflag:s0], $0x50  }
0x34c: {  	[sflag:s0] =	ssyncset.done @p0 $0x0  }
0x34d: {  	v14 =	vimm.s32 @p0 $0x0;
	[sflag:s0] =	ssyncadd.s32 @p0 $0xFFFFFFB0  }
0x34e: {  	[tilespmem:$0x50] =	vst @p0 v14  }
0x34f: {  	s0 =	sshll.u32 @!p0 s11, $0x4;
	[tilespmem:$0x60] =	vst @p0 v14  }
0x350: {  	s4 =	simm.s32 @!p0 $0x0;
	[tilespmem:$0x70] =	vst @p0 v14;
	s0 =	sadd.s32 @!p0 s7, s0  }
0x351: {  	[tilespmem:s4], [sflag:$0x8] =	stream.linear.gather @!p0 [hbm4b:s0+s4], $0x80, $0x38;
	[tilespmem:$0x1EF80] =	vst v63  }
0x352: {  	s0 =	simm.s32 @!p0 $0x8  }
0x353: {  	_ =	swait.ge @!p0 [sflag:s0], $0x80  }
0x354: {  	[sflag:s0] =	ssyncset.done @!p0 $0x0  }
0x355: {  	[sflag:s0] =	ssyncadd.s32 @!p0 $0xFFFFFF80  }
0x356: {  	v14 =	vld [tilespmem:$0x0]  }
0x357: {  	v15 =	vld [tilespmem:$0x10]  }
0x358: {  	v16 =	vld [tilespmem:$0x20]  }
0x359: {  	v17 =	vld [tilespmem:$0x30]  }
0x35a: {  	v18 =	vld [tilespmem:$0x40]  }
0x35b: {  	v19 =	vld [tilespmem:$0x50];
	v14 =	vshll.u32 v14, $0x1  }
0x35c: {  	v20 =	vld [tilespmem:$0x60];
	v15 =	vshll.u32 v15, $0x1;
	v14 =	vor.u32 v0, v14  }
0x35d: {  	[tilespmem:$0x0] =	vst v14;
	v14 =	vor.u32 v0, v15;
	v15 =	vshll.u32 v16, $0x1;
	v16 =	vld [tilespmem:$0x70]  }
0x35e: {  	[tilespmem:$0x10] =	vst v14;
	v14 =	vor.u32 v0, v15;
	v15 =	vshll.u32 v17, $0x1  }
0x35f: {  	[tilespmem:$0x20] =	vst v14;
	v14 =	vor.u32 v0, v15;
	v15 =	vshll.u32 v18, $0x1  }
0x360: {  	[tilespmem:$0x30] =	vst v14;
	v14 =	vor.u32 v0, v15;
	v15 =	vshll.u32 v19, $0x1  }
0x361: {  	[tilespmem:$0x40] =	vst v14;
	v14 =	vor.u32 v0, v15;
	v15 =	vshll.u32 v20, $0x1  }
0x362: {  	[tilespmem:$0x50] =	vst v14;
	v14 =	vor.u32 v0, v15;
	v15 =	vshll.u32 v16, $0x1  }
0x363: {  	[tilespmem:$0x60] =	vst v14;
	v14 =	vor.u32 v0, v15  }
0x364: {  	s24 =	simm.s32 $0x0;
	[tilespmem:$0x70] =	vst v14  }
0x365: {  	v14 =	vmov s24;
	[tilespmem:s16], [sflag:$0x8] =	stream.indirect.gather [hbm4b:s14+s29], $0x20, s24, s29, $0xb8;
	[tilespmem:$0x1EF80] =	vst v63  }
0x366: {  	_ =	swait.ge [sflag:s30], $0x1000  }
0x367: {  	[sflag:s30] =	ssyncset.done $0x0  }
0x368: {  	s0 =	simm.s32 $0x4710;
	[sflag:s30] =	ssyncadd.s32 $0xFFFFF000  }
0x369: {  	v15 =	vld [tilespmem:s0+$0xFFFFDFF0]  }
0x36a: {  	v16 =	vld.idx.msk [tilespmem:v14+s13+$0x0], $0xffff  }
0x36b: {  	v17 =	vld [tilespmem:s0+$0xFFFFE000];
	_ =	sdelay $0x2  }
0x36c: {  	s31 =	simm.s32 $0x1  }
0x36d: {  	s12 =	simm.s32 $0x2;
	s11 =	simm.s32 $0x4710;
	v14 =	vmov s31  }
.LBB2_12:
0x36e: {  	p0 =	sne.s32 s12, $0x7F;
	v15 =	vmul.f32 v15, v16;
	v16 =	vmul.f32 v17, v16;
	_ =	sdelay $0x1  }
0x36f: {  	s11 =	sadd.s32 $0x20, s11;
	[tilespmem:s0+$0xFFFFFFF0] =	vst v15  }
0x370: {  	v15 =	vld [tilespmem:s11+$0xFFFFDFF0];
	[tilespmem:s0+$0x0] =	vst v16;
	s0 =	smov.u32 s11  }
0x371: {  	v16 =	vld.idx.msk [tilespmem:v14+s13+$0x0], $0xffff  }
.Ltmp9:
0x372: {  	v17 =	vld [tilespmem:s11+$0xFFFFE000];
	(pc) =	sbr.rel @p0 .LBB2_12-.Ltmp9, $2  }
0x373: {  	_ =	sdelay $0x2  }
0x374: {  	v14 =	vmov s12;
	s12 =	sadd.s32 $0x1, s12  }
0x375: {  	v15 =	vmul.f32 v15, v16  }
0x376: {  	v62 =	vmul.f32 v17, v16  }
0x377: {  	s4 =	sadd.s32 $0x20, s11;
	[tilespmem:s0+$0xFFFFFFF0] =	vst v15  }
0x378: {  	v15 =	vld [tilespmem:s4+$0xFFFFDFF0];
	[tilespmem:s0+$0x0] =	vst v62  }
0x379: {  	v14 =	vld.idx.msk [tilespmem:v14+s13+$0x0], $0xffff  }
0x37a: {  	v63 =	vld [tilespmem:s4+$0xFFFFE000];
	_ =	sdelay $0x3  }
0x37b: {  	v15 =	vmul.f32 v15, v14  }
0x37c: {  	v14 =	vmul.f32 v63, v14  }
0x37d: {  	s24 =	sshll.u32 s15, $0x2;
	[tilespmem:s4+$0xFFFFFFF0] =	vst v15  }
0x37e: {  	s31 =	sadd.s32 s24, s9;
	[tilespmem:s4+$0x0] =	vst v14  }
0x37f: {  	[hbm4b:s31+s8] =	stream.linear.scatter [tilespmem:s16], [sflag:$0x8], $0x1000, $0x38;
	[tilespmem:$0x1EF80] =	vst v63  }
0x380: {  	_ =	swait.ge [sflag:s30], $0x1000  }
0x381: {  	[sflag:s30] =	ssyncset.done $0x0  }
.Ltmp10:
0x382: {  	s0 =	sadd.s32 s24, s5;
	[sflag:s30] =	ssyncadd.s32 $0xFFFFF000;
	(pc) =	sbr.rel .LBB2_14-.Ltmp10, $4  }
0x383: {  	[hbm4b:s0+s8] =	stream.linear.scatter [tilespmem:s17], [sflag:$0x7], $0x1000, $0x38;
	[tilespmem:$0x1EF80] =	vst v63  }
0x384: {  	_ =	swait.ge [sflag:s1], $0x1000  }
0x385: {  	[sflag:s1] =	ssyncset.done $0x0  }
0x386: {  	[sflag:s1] =	ssyncadd.s32 $0xFFFFF000  }
.LBB2_15:
0x387: {  	[bflag:$0x0] =	sbarrier.arrive $0xFFFF  }
0x388: {  	s11 =	simm.s32 $0x0;
	s4 =	simm.s32 $0x100;
	s0 =	rddreg [dreg:$0xf]  }
0x389: {  	[tilespmem:s4], [sflag:$0x1] =	stream.linear.gather [hbm4b:s0+s11], $0x80, $0x38;
	[tilespmem:$0x1EF80] =	vst v63  }
0x38a: {  	s12 =	simm.s32 $0x180;
	s9 =	rddreg [dreg:$0xa]  }
0x38b: {  	[tilespmem:s12], [sflag:$0x1] =	stream.linear.gather [hbm4b:s9+s11], $0x80, $0x38;
	[tilespmem:$0x1EF80] =	vst v63  }
0x38c: {  	s15 =	simm.s32 $0x200;
	s14 =	rddreg [dreg:$0x10]  }
0x38d: {  	[tilespmem:s15], [sflag:$0x1] =	stream.linear.gather [hbm4b:s14+s11], $0x80, $0x38;
	[tilespmem:$0x1EF80] =	vst v63  }
0x38e: {  	s19 =	simm.s32 $0x280;
	s18 =	rddreg [dreg:$0xe]  }
0x38f: {  	[tilespmem:s19], [sflag:$0x1] =	stream.linear.gather [hbm4b:s18+s11], $0x80, $0x38;
	[tilespmem:$0x1EF80] =	vst v63  }
0x390: {  	s24 =	simm.s32 $0x300;
	s22 =	rddreg [dreg:$0x11]  }
0x391: {  	[tilespmem:s24], [sflag:$0x1] =	stream.linear.gather [hbm4b:s22+s11], $0x80, $0x38;
	[tilespmem:$0x1EF80] =	vst v63  }
0x392: {  	s31 =	simm.s32 $0x380;
	s25 =	rddreg [dreg:$0x12];
	s12 =	simm.s32 $0x0  }
0x393: {  	[tilespmem:s31], [sflag:$0x1] =	stream.linear.gather [hbm4b:s25+s11], $0x80, $0x38;
	[tilespmem:$0x1EF80] =	vst v63  }
.LBB2_16:
0x394: {  	s25 =	sand.u32 $0x1, s12  }
0x395: {  	s0 =	sadd.s32 $0x1, s25  }
0x396: {  	_ =	swait.ge [sflag:s0], $0x80  }
0x397: {  	[sflag:s0] =	ssyncset.done $0x0  }
0x398: {  	[sflag:s0] =	ssyncadd.s32 $0xFFFFFF80  }
0x399: {  	_ =	swait.ge [sflag:s0], $0x80  }
0x39a: {  	[sflag:s0] =	ssyncset.done $0x0  }
0x39b: {  	[sflag:s0] =	ssyncadd.s32 $0xFFFFFF80  }
0x39c: {  	_ =	swait.ge [sflag:s0], $0x80  }
0x39d: {  	[sflag:s0] =	ssyncset.done $0x0  }
0x39e: {  	[sflag:s0] =	ssyncadd.s32 $0xFFFFFF80  }
0x39f: {  	_ =	swait.ge [sflag:s0], $0x80  }
0x3a0: {  	[sflag:s0] =	ssyncset.done $0x0  }
0x3a1: {  	[sflag:s0] =	ssyncadd.s32 $0xFFFFFF80  }
0x3a2: {  	_ =	swait.ge [sflag:s0], $0x80  }
0x3a3: {  	[sflag:s0] =	ssyncset.done $0x0  }
0x3a4: {  	[sflag:s0] =	ssyncadd.s32 $0xFFFFFF80  }
0x3a5: {  	s4 =	smul.u32 $0xC00, s25;
	_ =	swait.ge [sflag:s0], $0x80  }
0x3a6: {  	[sflag:s0] =	ssyncset.done $0x0  }
0x3a7: {  	s15 =	sshrl.u32 s4, $0x2;
	[sflag:s0] =	ssyncadd.s32 $0xFFFFFF80  }
0x3a8: {  	v14 =	vld [tilespmem:s15+$0x100]  }
0x3a9: {  	v15 =	vld [tilespmem:s15+$0x110]  }
0x3aa: {  	v16 =	vld [tilespmem:s15+$0x120]  }
0x3ab: {  	v17 =	vld [tilespmem:s15+$0x130]  }
0x3ac: {  	v18 =	vld [tilespmem:s15+$0x140]  }
0x3ad: {  	v19 =	vld [tilespmem:s15+$0x150];
	v14 =	vadd.s32 v2, v14  }
0x3ae: {  	[tilespmem:s15+$0x100] =	vst v14;
	v14 =	vadd.s32 v2, v15;
	v15 =	vld [tilespmem:s15+$0x160]  }
0x3af: {  	v50 =	vld [tilespmem:s15+$0x170];
	[tilespmem:s15+$0x110] =	vst v14;
	v14 =	vadd.s32 v2, v16  }
0x3b0: {  	v51 =	vld [tilespmem:s15+$0x200];
	[tilespmem:s15+$0x120] =	vst v14;
	v14 =	vadd.s32 v2, v17  }
0x3b1: {  	v52 =	vld [tilespmem:s15+$0x210];
	[tilespmem:s15+$0x130] =	vst v14;
	v14 =	vadd.s32 v2, v18  }
0x3b2: {  	v53 =	vld [tilespmem:s15+$0x220];
	[tilespmem:s15+$0x140] =	vst v14;
	v14 =	vadd.s32 v2, v19  }
0x3b3: {  	[tilespmem:s15+$0x150] =	vst v14;
	v14 =	vadd.s32 v2, v15;
	v15 =	vld [tilespmem:s15+$0x230]  }
0x3b4: {  	v54 =	vld [tilespmem:s15+$0x240];
	[tilespmem:s15+$0x160] =	vst v14;
	v14 =	vadd.s32 v2, v50  }
0x3b5: {  	v55 =	vld [tilespmem:s15+$0x250];
	[tilespmem:s15+$0x170] =	vst v14;
	v14 =	vadd.s32 v2, v51  }
0x3b6: {  	v56 =	vld [tilespmem:s15+$0x260];
	[tilespmem:s15+$0x200] =	vst v14;
	v14 =	vadd.s32 v2, v52  }
0x3b7: {  	v57 =	vld [tilespmem:s15+$0x270];
	[tilespmem:s15+$0x210] =	vst v14;
	v14 =	vadd.s32 v2, v53  }
0x3b8: {  	[tilespmem:s15+$0x220] =	vst v14;
	v14 =	vadd.s32 v2, v15;
	v15 =	vld [tilespmem:s15+$0x300]  }
0x3b9: {  	v58 =	vld [tilespmem:s15+$0x310];
	[tilespmem:s15+$0x230] =	vst v14;
	v14 =	vadd.s32 v2, v54  }
0x3ba: {  	v59 =	vld [tilespmem:s15+$0x320];
	[tilespmem:s15+$0x240] =	vst v14;
	v14 =	vadd.s32 v2, v55  }
0x3bb: {  	v60 =	vld [tilespmem:s15+$0x330];
	[tilespmem:s15+$0x250] =	vst v14;
	v14 =	vadd.s32 v2, v56  }
0x3bc: {  	v61 =	vld [tilespmem:s15+$0x340];
	[tilespmem:s15+$0x260] =	vst v14;
	v14 =	vadd.s32 v2, v57  }
0x3bd: {  	[tilespmem:s15+$0x270] =	vst v14;
	v14 =	vadd.s32 v2, v15;
	v15 =	vld [tilespmem:s15+$0x350]  }
0x3be: {  	v62 =	vld [tilespmem:s15+$0x360];
	[tilespmem:s15+$0x300] =	vst v14;
	v14 =	vadd.s32 v2, v58  }
0x3bf: {  	v63 =	vld [tilespmem:s15+$0x370];
	[tilespmem:s15+$0x310] =	vst v14;
	v14 =	vadd.s32 v2, v59  }
0x3c0: {  	[tilespmem:s15+$0x320] =	vst v14;
	v14 =	vadd.s32 v2, v60  }
0x3c1: {  	[tilespmem:s15+$0x330] =	vst v14;
	v14 =	vadd.s32 v2, v61  }
0x3c2: {  	s9 =	smul.u32 $0xC000, s25;
	[tilespmem:s15+$0x340] =	vst v14;
	v14 =	vadd.s32 v2, v15  }
0x3c3: {  	[tilespmem:s15+$0x350] =	vst v14;
	v14 =	vadd.s32 v2, v62  }
0x3c4: {  	s14 =	sshrl.u32 s9, $0x2;
	[tilespmem:s15+$0x360] =	vst v14;
	v14 =	vadd.s32 v2, v63  }
0x3c5: {  	s19 =	sadd.s32 $0x3, s25;
	s18 =	sadd.s32 $0x100, s15;
	s24 =	sor.u32 $0x700, s14;
	[tilespmem:s15+$0x370] =	vst v14  }
0x3c6: {  	[tilespmem:s24], [sflag:s19] =	stream.indirect.gather [hbm4b:s5+s29], $0x20, s18, s29, $0xb8;
	[tilespmem:$0x1EF80] =	vst v63  }
0x3c7: {  	s0 =	sadd.s32 $0x1700, s14;
	s18 =	sadd.s32 $0x200, s15  }
0x3c8: {  	[tilespmem:s0], [sflag:s19] =	stream.indirect.gather [hbm4b:s5+s29], $0x20, s18, s29, $0xb8;
	[tilespmem:$0x1EF80] =	vst v63  }
0x3c9: {  	s31 =	sadd.s32 $0x300, s15;
	s18 =	sadd.s32 $0x2700, s14  }
0x3ca: {  	[tilespmem:s18], [sflag:s19] =	stream.indirect.gather [hbm4b:s5+s29], $0x20, s31, s29, $0xb8;
	[tilespmem:$0x1EF80] =	vst v63  }
0x3cb: {  	p0 =	seq.s32 s11, $0x0;
	s31 =	sxor.u32 $0x1, s25  }
0x3cc: {  	s4 =	sadd.s32 @!p0 $0x5, s31  }
0x3cd: {  	_ =	swait.ge @!p0 [sflag:s4], $0x1000  }
0x3ce: {  	[sflag:s4] =	ssyncset.done @!p0 $0x0  }
0x3cf: {  	[sflag:s4] =	ssyncadd.s32 @!p0 $0xFFFFF000  }
0x3d0: {  	_ =	swait.ge @!p0 [sflag:s4], $0x1000  }
0x3d1: {  	[sflag:s4] =	ssyncset.done @!p0 $0x0  }
0x3d2: {  	[sflag:s4] =	ssyncadd.s32 @!p0 $0xFFFFF000  }
0x3d3: {  	p1 =	seq.s32 @!p0 s11, $0x1830;
	_ =	swait.ge @!p0 [sflag:s4], $0x1000  }
0x3d4: {  	p1 =	por p0, !p1;
	[sflag:s4] =	ssyncset.done @!p0 $0x0  }
0x3d5: {  	[sflag:s4] =	ssyncadd.s32 @!p0 $0xFFFFF000;
	s4 =	smul.u32 @p1 $0xC00, s31;
	_ =	sdelay $0x1  }
0x3d6: {  	s7 =	sadd.s32 @p1 s11, s21;
	s4 =	sshrl.u32 @p1 s4, $0x2  }
0x3d7: {  	s14 =	sadd.s32 @p1 $0x30, s7;
	s31 =	sadd.s32 @p1 $0x1, s31;
	s9 =	sadd.s32 @p1 $0x100, s4  }
0x3d8: {  	[tilespmem:s9], [sflag:s31] =	stream.linear.gather @p1 [hbm4b:s14+s8], $0x80, $0x38;
	[tilespmem:$0x1EF80] =	vst v63  }
0x3d9: {  	s9 =	sadd.s32 @p1 s11, s20  }
0x3da: {  	s14 =	sadd.s32 @p1 $0x180, s4;
	s22 =	sadd.s32 @p1 $0x30, s9  }
0x3db: {  	[tilespmem:s14], [sflag:s31] =	stream.linear.gather @p1 [hbm4b:s22+s8], $0x80, $0x38;
	[tilespmem:$0x1EF80] =	vst v63  }
0x3dc: {  	s14 =	sadd.s32 @p1 $0x200, s4;
	s22 =	sadd.s32 @p1 $0x40, s7  }
0x3dd: {  	[tilespmem:s14], [sflag:s31] =	stream.linear.gather @p1 [hbm4b:s22+s8], $0x80, $0x38;
	[tilespmem:$0x1EF80] =	vst v63  }
0x3de: {  	s14 =	sadd.s32 @p1 $0x280, s4;
	s22 =	sadd.s32 @p1 $0x40, s9  }
0x3df: {  	[tilespmem:s14], [sflag:s31] =	stream.linear.gather @p1 [hbm4b:s22+s8], $0x80, $0x38;
	[tilespmem:$0x1EF80] =	vst v63  }
0x3e0: {  	s7 =	sadd.s32 @p1 $0x50, s7;
	s14 =	sadd.s32 @p1 $0x300, s4  }
0x3e1: {  	[tilespmem:s14], [sflag:s31] =	stream.linear.gather @p1 [hbm4b:s7+s8], $0x80, $0x38;
	[tilespmem:$0x1EF80] =	vst v63  }
0x3e2: {  	s4 =	sadd.s32 @p1 $0x380, s4;
	s7 =	sadd.s32 @p1 $0x50, s9  }
0x3e3: {  	[tilespmem:s4], [sflag:s31] =	stream.linear.gather @p1 [hbm4b:s7+s8], $0x80, $0x38;
	[tilespmem:$0x1EF80] =	vst v63  }
0x3e4: {  	_ =	swait.ge [sflag:s19], $0x1000  }
0x3e5: {  	[sflag:s19] =	ssyncset.done $0x0  }
0x3e6: {  	[sflag:s19] =	ssyncadd.s32 $0xFFFFF000  }
0x3e7: {  	_ =	swait.ge [sflag:s19], $0x1000  }
0x3e8: {  	[sflag:s19] =	ssyncset.done $0x0  }
0x3e9: {  	[sflag:s19] =	ssyncadd.s32 $0xFFFFF000  }
0x3ea: {  	s11 =	sadd.s32 $0x30, s11;
	_ =	swait.ge [sflag:s19], $0x1000  }
0x3eb: {  	p0 =	sne.s32 s11, $0x1860;
	[sflag:s19] =	ssyncset.done $0x0  }
0x3ec: {  	s22 =	sadd.s32 $0x180, s15;
	[sflag:s19] =	ssyncadd.s32 $0xFFFFF000;
	s19 =	sadd.s32 $0x5, s25  }
0x3ed: {  	[spmem:s2] =	stream.indirect.scatter.add.f32 [tilespmem:s24], [sflag:s19], $0x20, s22, s29, $0xb8;
	[tilespmem:$0x1EF80] =	vst v63  }
.Ltmp11:
0x3ee: {  	_ = 	snop;
	(pc) =	sbr.rel @p0 .LBB2_16-.Ltmp11, $4  }
0x3ef: {  	s25 =	sadd.s32 $0x280, s15  }
0x3f0: {  	[spmem:s2] =	stream.indirect.scatter.add.f32 [tilespmem:s0], [sflag:s19], $0x20, s25, s29, $0xb8;
	[tilespmem:$0x1EF80] =	vst v63  }
0x3f1: {  	s12 =	sadd.s32 $0x1, s12;
	s31 =	sadd.s32 $0x380, s15  }
0x3f2: {  	[spmem:s2] =	stream.indirect.scatter.add.f32 [tilespmem:s18], [sflag:s19], $0x20, s31, s29, $0xb8;
	[tilespmem:$0x1EF80] =	vst v63  }
0x3f3: {  	s0 =	simm.s32 $0x6  }
0x3f4: {  	_ =	swait.ge [sflag:s0], $0x1000  }
0x3f5: {  	[sflag:s0] =	ssyncset.done $0x0  }
0x3f6: {  	[sflag:s0] =	ssyncadd.s32 $0xFFFFF000  }
0x3f7: {  	_ =	swait.ge [sflag:s0], $0x1000  }
0x3f8: {  	[sflag:s0] =	ssyncset.done $0x0  }
0x3f9: {  	[sflag:s0] =	ssyncadd.s32 $0xFFFFF000  }
0x3fa: {  	_ =	swait.ge [sflag:s0], $0x1000  }
0x3fb: {  	[sflag:s0] =	ssyncset.done $0x0  }
0x3fc: {  	s11 =	simm.s32 $0x0;
	s25 =	rddreg [dreg:$0xc];
	[sflag:s0] =	ssyncadd.s32 $0xFFFFF000  }
0x3fd: {  	[tilespmem:s11], [sflag:$0x7] =	stream.linear.gather [hbm4b:s25+s11], $0x50, $0x38;
	[tilespmem:$0x1EF80] =	vst v63  }
0x3fe: {  	_ =	swait.ge [sflag:s1], $0x50  }
0x3ff: {  	[sflag:s1] =	ssyncset.done $0x0  }
0x400: {  	[sflag:s1] =	ssyncadd.s32 $0xFFFFFFB0  }
0x401: {  	[tilespmem:$0x50] =	vst v13  }
0x402: {  	[tilespmem:$0x60] =	vst v13  }
0x403: {  	s31 =	rddreg [dreg:$0xb];
	[tilespmem:$0x70] =	vst v13  }
0x404: {  	[tilespmem:s29], [sflag:$0x7] =	stream.linear.gather [hbm4b:s31+s11], $0x50, $0x38;
	[tilespmem:$0x1EF80] =	vst v63  }
0x405: {  	_ =	swait.ge [sflag:s1], $0x50  }
0x406: {  	[sflag:s1] =	ssyncset.done $0x0  }
0x407: {  	[sflag:s1] =	ssyncadd.s32 $0xFFFFFFB0  }
0x408: {  	v14 =	vld [tilespmem:$0x0]  }
0x409: {  	v15 =	vld [tilespmem:$0x10]  }
0x40a: {  	v16 =	vld [tilespmem:$0x20]  }
0x40b: {  	v17 =	vld [tilespmem:$0x30];
	[tilespmem:$0xD0] =	vst v12  }
0x40c: {  	v18 =	vld [tilespmem:$0x40];
	[tilespmem:$0xE0] =	vst v12  }
0x40d: {  	v19 =	vld [tilespmem:$0x50];
	[tilespmem:$0xF0] =	vst v12;
	v14 =	vadd.s32 v2, v14  }
0x40e: {  	[tilespmem:$0x0] =	vst v14;
	v14 =	vadd.s32 v2, v15;
	v15 =	vld [tilespmem:$0x60]  }
0x40f: {  	v63 =	vld [tilespmem:$0x70];
	[tilespmem:$0x10] =	vst v14;
	v14 =	vadd.s32 v2, v16  }
0x410: {  	[tilespmem:$0x20] =	vst v14;
	v14 =	vadd.s32 v2, v17  }
0x411: {  	[tilespmem:$0x30] =	vst v14;
	v14 =	vadd.s32 v2, v18  }
0x412: {  	[tilespmem:$0x40] =	vst v14;
	v14 =	vadd.s32 v2, v19  }
0x413: {  	[tilespmem:$0x50] =	vst v14;
	v14 =	vadd.s32 v2, v15  }
0x414: {  	[tilespmem:$0x60] =	vst v14;
	v14 =	vadd.s32 v2, v63  }
0x415: {  	[tilespmem:$0x70] =	vst v14  }
0x416: {  	[tilespmem:s23], [sflag:$0x7] =	stream.indirect.gather [hbm4b:s5+s29], $0x20, s11, s29, $0xb8;
	[tilespmem:$0x1EF80] =	vst v63  }
0x417: {  	_ =	swait.ge [sflag:s1], $0x1000  }
0x418: {  	[sflag:s1] =	ssyncset.done $0x0  }
0x419: {  	[sflag:s1] =	ssyncadd.s32 $0xFFFFF000  }
0x41a: {  	[spmem:s2] =	stream.indirect.scatter.add.f32 [tilespmem:s23], [sflag:$0x7], $0x20, s29, s29, $0xb8;
	[tilespmem:$0x1EF80] =	vst v63  }
0x41b: {  	_ =	swait.ge [sflag:s1], $0x1000  }
0x41c: {  	[sflag:s1] =	ssyncset.done $0x0  }
0x41d: {  	[sflag:s1] =	ssyncadd.s32 $0xFFFFF000  }
0x41e: {  	s12 =	simm.s32 $0x0;
	s0 =	simm.s32 $0x80;
	[bflag:$0x0] =	sbarrier.arrive $0xFFFF  }
.LBB2_18:
0x41f: {  	p0 =	sne.s32 s0, $0x3F80;
	[tilespmem:s12+$0x700] =	vst v4;
	s4 =	smov.u32 s0;
	s0 =	sadd.s32 $0x80, s0  }
.Ltmp12:
0x420: {  	[tilespmem:s12+$0x710] =	vst v4;
	(pc) =	sbr.rel @p0 .LBB2_18-.Ltmp12, $2  }
0x421: {  	_ =	sdelay $0x2  }
0x422: {  	s12 =	sshra.s32 s4, $0x2  }
.Ltmp13:
0x423: {  	(pc) =	sbr.rel .LBB2_20-.Ltmp13, $3  }
0x424: {  	_ =	sdelay $0x1  }
0x425: {  	[tilespmem:s12+$0x700] =	vst v4  }
0x426: {  	[tilespmem:s12+$0x710] =	vst v4;
	s7 =	rddreg [dreg:$0x7]  }
.LBB2_24:
0x427: {  	s11 =	sadd.s32 $0x1, s11  }
0x428: {  	p0 =	sne.s32 s11, $0x19  }
.Ltmp14:
0x429: {  	_ = 	snop;
	(pc) =	sbr.rel @!p0 .LBB2_25-.Ltmp14, $1  }
0x42a: {  	_ =	sdelay $0x3  }
.LBB2_20:
0x42b: {  	s0 =	sshll.u32 s11, $0x4  }
0x42c: {  	s0 =	sor.u32 s6, s0  }
0x42d: {  	p0 =	sgt.u32 s0, $0x186  }
.Ltmp15:
0x42e: {  	_ = 	snop;
	(pc) =	sbr.rel @p0 .LBB2_24-.Ltmp15, $1  }
0x42f: {  	_ =	sdelay $0x3  }
0x430: {  	s4 =	sshll.u32 s0, $0xC  }
0x431: {  	s4 =	sand.u32 $0x3FFFF000, s4  }
0x432: {  	s4 =	sadd.s32 s4, s2  }
0x433: {  	[tilespmem:s23], [sflag:$0x8] =	stream.linear.gather [spmem:s4], $0x1000, $0x38;
	[tilespmem:$0x1EF80] =	vst v63  }
0x434: {  	_ =	swait.ge [sflag:s30], $0x1000  }
0x435: {  	[sflag:s30] =	ssyncset.done $0x0  }
0x436: {  	s24 =	sshll.u32 s0, $0x7;
	[sflag:s30] =	ssyncadd.s32 $0xFFFFF000  }
0x437: {  	[spmem:s4] =	stream.linear.scatter [tilespmem:s28], [sflag:$0x8], $0x1000, $0x38;
	[tilespmem:$0x1EF80] =	vst v63  }
0x438: {  	s12 =	sadd.s32 s10, s24;
	_ =	swait.ge [sflag:s30], $0x1000  }
0x439: {  	s0 =	sshrl.u32 s12, $0x3;
	[sflag:s30] =	ssyncset.done $0x0  }
0x43a: {  	s25 =	simm.s32 $0x0;
	s0 =	sadd.s32 s0, s3;
	[sflag:s30] =	ssyncadd.s32 $0xFFFFF000  }
0x43b: {  	v14 =	vmov s25;
	[tilespmem:s13], [sflag:$0x8] =	stream.linear.gather [hbm4b:s0+s25], $0x80, $0x38;
	[tilespmem:$0x1EF80] =	vst v63  }
0x43c: {  	_ =	swait.ge [sflag:s30], $0x80  }
0x43d: {  	[sflag:s30] =	ssyncset.done $0x0  }
0x43e: {  	s0 =	simm.s32 $0x4710;
	[sflag:s30] =	ssyncadd.s32 $0xFFFFFF80  }
0x43f: {  	v16 =	vld [tilespmem:s0+$0xFFFFEFF0]  }
0x440: {  	v15 =	vld.idx.msk [tilespmem:v14+s13+$0x0], $0xffff  }
0x441: {  	v14 =	vld [tilespmem:s0+$0xFFFFF000];
	_ =	sdelay $0x4  }
0x442: {  	s31 =	simm.s32 $0x1;
	v17 =	vmul.f32 v16, v15;
	v16 =	vmul.f32 v14, v15  }
0x443: {  	s18 =	simm.s32 $0x2;
	s15 =	simm.s32 $0x4710;
	v14 =	vmov s31  }
.LBB2_22:
0x444: {  	p0 =	sne.s32 s18, $0x7F;
	[tilespmem:s0+$0xFFFFCFF0] =	vst v17;
	v17 =	vmul.f32 v17, v15;
	v15 =	vmul.f32 v16, v15  }
0x445: {  	[tilespmem:s0+$0xFFFFD000] =	vst v16  }
0x446: {  	s0 =	sadd.s32 $0x20, s0;
	[tilespmem:s15+$0xFFFFFFF0] =	vst v17  }
0x447: {  	v16 =	vld [tilespmem:s0+$0xFFFFEFF0];
	[tilespmem:s15+$0x0] =	vst v15;
	s15 =	smov.u32 s0  }
0x448: {  	v15 =	vld.idx.msk [tilespmem:v14+s13+$0x0], $0xffff  }
0x449: {  	v14 =	vld [tilespmem:s0+$0xFFFFF000];
	_ =	sdelay $0x1  }
.Ltmp16:
0x44a: {  	(pc) =	sbr.rel @p0 .LBB2_22-.Ltmp16, $3  }
0x44b: {  	_ =	sdelay $0x1  }
0x44c: {  	v17 =	vmul.f32 v16, v15;
	v16 =	vmul.f32 v14, v15  }
0x44d: {  	v14 =	vmov s18;
	s18 =	sadd.s32 $0x1, s18  }
0x44e: {  	[tilespmem:s0+$0xFFFFCFF0] =	vst v17;
	v62 =	vmul.f32 v17, v15  }
0x44f: {  	v15 =	vmul.f32 v16, v15;
	[tilespmem:s0+$0xFFFFD000] =	vst v16  }
0x450: {  	s24 =	sadd.s32 $0x20, s0;
	[tilespmem:s15+$0xFFFFFFF0] =	vst v62  }
0x451: {  	v63 =	vld [tilespmem:s24+$0xFFFFEFF0];
	[tilespmem:s15+$0x0] =	vst v15  }
0x452: {  	v14 =	vld.idx.msk [tilespmem:v14+s13+$0x0], $0xffff  }
0x453: {  	v15 =	vld [tilespmem:s24+$0xFFFFF000];
	_ =	sdelay $0x3  }
0x454: {  	v16 =	vmul.f32 v63, v14  }
0x455: {  	v15 =	vmul.f32 v15, v14  }
0x456: {  	[tilespmem:s24+$0xFFFFCFF0] =	vst v16;
	v16 =	vmul.f32 v16, v14  }
0x457: {  	v14 =	vmul.f32 v15, v14;
	[tilespmem:s24+$0xFFFFD000] =	vst v15  }
0x458: {  	s4 =	sshll.u32 s12, $0x2;
	[tilespmem:s24+$0xFFFFFFF0] =	vst v16  }
0x459: {  	s25 =	sadd.s32 s4, s7;
	[tilespmem:s24+$0x0] =	vst v14  }
0x45a: {  	[hbm4b:s25+s8] =	stream.linear.scatter [tilespmem:s26], [sflag:$0x8], $0x1000, $0x38;
	[tilespmem:$0x1EF80] =	vst v63  }
0x45b: {  	_ =	swait.ge [sflag:s30], $0x1000  }
0x45c: {  	[sflag:s30] =	ssyncset.done $0x0  }
.Ltmp17:
0x45d: {  	s31 =	sadd.s32 s5, s4;
	[sflag:s30] =	ssyncadd.s32 $0xFFFFF000;
	(pc) =	sbr.rel .LBB2_24-.Ltmp17, $4  }
0x45e: {  	[hbm4b:s31+s8] =	stream.linear.scatter [tilespmem:s17], [sflag:$0x7], $0x1000, $0x38;
	[tilespmem:$0x1EF80] =	vst v63  }
0x45f: {  	_ =	swait.ge [sflag:s1], $0x1000  }
0x460: {  	[sflag:s1] =	ssyncset.done $0x0  }
0x461: {  	[sflag:s1] =	ssyncadd.s32 $0xFFFFF000  }
.LBB2_25:
0x462: {  	[bflag:$0x0] =	sbarrier.arrive $0xFFFF  }
0x463: {  	s11 =	simm.s32 $0x0;
	s4 =	simm.s32 $0x100;
	s0 =	rddreg [dreg:$0xf]  }
0x464: {  	[tilespmem:s4], [sflag:$0x1] =	stream.linear.gather [hbm4b:s0+s11], $0x80, $0x38;
	[tilespmem:$0x1EF80] =	vst v63  }
0x465: {  	s12 =	simm.s32 $0x180;
	s9 =	rddreg [dreg:$0xa]  }
0x466: {  	[tilespmem:s12], [sflag:$0x1] =	stream.linear.gather [hbm4b:s9+s11], $0x80, $0x38;
	[tilespmem:$0x1EF80] =	vst v63  }
0x467: {  	s15 =	simm.s32 $0x200;
	s14 =	rddreg [dreg:$0x10]  }
0x468: {  	[tilespmem:s15], [sflag:$0x1] =	stream.linear.gather [hbm4b:s14+s11], $0x80, $0x38;
	[tilespmem:$0x1EF80] =	vst v63  }
0x469: {  	s19 =	simm.s32 $0x280;
	s18 =	rddreg [dreg:$0xe]  }
0x46a: {  	[tilespmem:s19], [sflag:$0x1] =	stream.linear.gather [hbm4b:s18+s11], $0x80, $0x38;
	[tilespmem:$0x1EF80] =	vst v63  }
0x46b: {  	s24 =	simm.s32 $0x300;
	s22 =	rddreg [dreg:$0x11]  }
0x46c: {  	[tilespmem:s24], [sflag:$0x1] =	stream.linear.gather [hbm4b:s22+s11], $0x80, $0x38;
	[tilespmem:$0x1EF80] =	vst v63  }
0x46d: {  	s31 =	simm.s32 $0x380;
	s25 =	rddreg [dreg:$0x12];
	s12 =	simm.s32 $0x0  }
0x46e: {  	[tilespmem:s31], [sflag:$0x1] =	stream.linear.gather [hbm4b:s25+s11], $0x80, $0x38;
	[tilespmem:$0x1EF80] =	vst v63  }
.LBB2_26:
0x46f: {  	s25 =	sand.u32 $0x1, s12  }
0x470: {  	s0 =	sadd.s32 $0x1, s25  }
0x471: {  	_ =	swait.ge [sflag:s0], $0x80  }
0x472: {  	[sflag:s0] =	ssyncset.done $0x0  }
0x473: {  	[sflag:s0] =	ssyncadd.s32 $0xFFFFFF80  }
0x474: {  	_ =	swait.ge [sflag:s0], $0x80  }
0x475: {  	[sflag:s0] =	ssyncset.done $0x0  }
0x476: {  	[sflag:s0] =	ssyncadd.s32 $0xFFFFFF80  }
0x477: {  	_ =	swait.ge [sflag:s0], $0x80  }
0x478: {  	[sflag:s0] =	ssyncset.done $0x0  }
0x479: {  	[sflag:s0] =	ssyncadd.s32 $0xFFFFFF80  }
0x47a: {  	_ =	swait.ge [sflag:s0], $0x80  }
0x47b: {  	[sflag:s0] =	ssyncset.done $0x0  }
0x47c: {  	[sflag:s0] =	ssyncadd.s32 $0xFFFFFF80  }
0x47d: {  	_ =	swait.ge [sflag:s0], $0x80  }
0x47e: {  	[sflag:s0] =	ssyncset.done $0x0  }
0x47f: {  	[sflag:s0] =	ssyncadd.s32 $0xFFFFFF80  }
0x480: {  	s4 =	smul.u32 $0xC00, s25;
	_ =	swait.ge [sflag:s0], $0x80  }
0x481: {  	[sflag:s0] =	ssyncset.done $0x0  }
0x482: {  	s15 =	sshrl.u32 s4, $0x2;
	[sflag:s0] =	ssyncadd.s32 $0xFFFFFF80  }
0x483: {  	v14 =	vld [tilespmem:s15+$0x100]  }
0x484: {  	v15 =	vld [tilespmem:s15+$0x110]  }
0x485: {  	v16 =	vld [tilespmem:s15+$0x120]  }
0x486: {  	v17 =	vld [tilespmem:s15+$0x130]  }
0x487: {  	v18 =	vld [tilespmem:s15+$0x140]  }
0x488: {  	v19 =	vld [tilespmem:s15+$0x150];
	v14 =	vadd.s32 v2, v14  }
0x489: {  	[tilespmem:s15+$0x100] =	vst v14;
	v14 =	vadd.s32 v2, v15;
	v15 =	vld [tilespmem:s15+$0x160]  }
0x48a: {  	v50 =	vld [tilespmem:s15+$0x170];
	[tilespmem:s15+$0x110] =	vst v14;
	v14 =	vadd.s32 v2, v16  }
0x48b: {  	v51 =	vld [tilespmem:s15+$0x200];
	[tilespmem:s15+$0x120] =	vst v14;
	v14 =	vadd.s32 v2, v17  }
0x48c: {  	v52 =	vld [tilespmem:s15+$0x210];
	[tilespmem:s15+$0x130] =	vst v14;
	v14 =	vadd.s32 v2, v18  }
0x48d: {  	v53 =	vld [tilespmem:s15+$0x220];
	[tilespmem:s15+$0x140] =	vst v14;
	v14 =	vadd.s32 v2, v19  }
0x48e: {  	[tilespmem:s15+$0x150] =	vst v14;
	v14 =	vadd.s32 v2, v15;
	v15 =	vld [tilespmem:s15+$0x230]  }
0x48f: {  	v54 =	vld [tilespmem:s15+$0x240];
	[tilespmem:s15+$0x160] =	vst v14;
	v14 =	vadd.s32 v2, v50  }
0x490: {  	v55 =	vld [tilespmem:s15+$0x250];
	[tilespmem:s15+$0x170] =	vst v14;
	v14 =	vadd.s32 v2, v51  }
0x491: {  	v56 =	vld [tilespmem:s15+$0x260];
	[tilespmem:s15+$0x200] =	vst v14;
	v14 =	vadd.s32 v2, v52  }
0x492: {  	v57 =	vld [tilespmem:s15+$0x270];
	[tilespmem:s15+$0x210] =	vst v14;
	v14 =	vadd.s32 v2, v53  }
0x493: {  	[tilespmem:s15+$0x220] =	vst v14;
	v14 =	vadd.s32 v2, v15;
	v15 =	vld [tilespmem:s15+$0x300]  }
0x494: {  	v58 =	vld [tilespmem:s15+$0x310];
	[tilespmem:s15+$0x230] =	vst v14;
	v14 =	vadd.s32 v2, v54  }
0x495: {  	v59 =	vld [tilespmem:s15+$0x320];
	[tilespmem:s15+$0x240] =	vst v14;
	v14 =	vadd.s32 v2, v55  }
0x496: {  	v60 =	vld [tilespmem:s15+$0x330];
	[tilespmem:s15+$0x250] =	vst v14;
	v14 =	vadd.s32 v2, v56  }
0x497: {  	v61 =	vld [tilespmem:s15+$0x340];
	[tilespmem:s15+$0x260] =	vst v14;
	v14 =	vadd.s32 v2, v57  }
0x498: {  	[tilespmem:s15+$0x270] =	vst v14;
	v14 =	vadd.s32 v2, v15;
	v15 =	vld [tilespmem:s15+$0x350]  }
0x499: {  	v62 =	vld [tilespmem:s15+$0x360];
	[tilespmem:s15+$0x300] =	vst v14;
	v14 =	vadd.s32 v2, v58  }
0x49a: {  	v63 =	vld [tilespmem:s15+$0x370];
	[tilespmem:s15+$0x310] =	vst v14;
	v14 =	vadd.s32 v2, v59  }
0x49b: {  	[tilespmem:s15+$0x320] =	vst v14;
	v14 =	vadd.s32 v2, v60  }
0x49c: {  	[tilespmem:s15+$0x330] =	vst v14;
	v14 =	vadd.s32 v2, v61  }
0x49d: {  	s24 =	smul.u32 $0xC000, s25;
	[tilespmem:s15+$0x340] =	vst v14;
	v14 =	vadd.s32 v2, v15  }
0x49e: {  	[tilespmem:s15+$0x350] =	vst v14;
	v14 =	vadd.s32 v2, v62  }
0x49f: {  	p0 =	seq.s32 s11, $0x0;
	s19 =	sadd.s32 $0x3, s25;
	s31 =	sshrl.u32 s24, $0x2;
	[tilespmem:s15+$0x360] =	vst v14;
	v14 =	vadd.s32 v2, v63  }
0x4a0: {  	s9 =	sadd.s32 $0x100, s15;
	s24 =	sor.u32 $0x700, s31;
	s7 =	sadd.s32 $0x200, s15;
	[tilespmem:s15+$0x370] =	vst v14  }
0x4a1: {  	[tilespmem:s24], [sflag:s19] =	stream.indirect.gather [hbm4b:s5+s29], $0x20, s9, s29, $0xb8;
	[tilespmem:$0x1EF80] =	vst v63  }
0x4a2: {  	s18 =	sadd.s32 $0x2700, s31;
	s0 =	sadd.s32 $0x1700, s31;
	s31 =	sxor.u32 $0x1, s25  }
0x4a3: {  	[tilespmem:s0], [sflag:s19] =	stream.indirect.gather [hbm4b:s5+s29], $0x20, s7, s29, $0xb8;
	[tilespmem:$0x1EF80] =	vst v63  }
0x4a4: {  	s14 =	sadd.s32 $0x300, s15;
	s4 =	sadd.s32 @!p0 $0x5, s31  }
0x4a5: {  	[tilespmem:s18], [sflag:s19] =	stream.indirect.gather [hbm4b:s5+s29], $0x20, s14, s29, $0xb8;
	[tilespmem:$0x1EF80] =	vst v63  }
0x4a6: {  	_ =	swait.ge @!p0 [sflag:s4], $0x1000  }
0x4a7: {  	[sflag:s4] =	ssyncset.done @!p0 $0x0  }
0x4a8: {  	[sflag:s4] =	ssyncadd.s32 @!p0 $0xFFFFF000  }
0x4a9: {  	_ =	swait.ge @!p0 [sflag:s4], $0x1000  }
0x4aa: {  	[sflag:s4] =	ssyncset.done @!p0 $0x0  }
0x4ab: {  	[sflag:s4] =	ssyncadd.s32 @!p0 $0xFFFFF000  }
0x4ac: {  	p1 =	seq.s32 @!p0 s11, $0x1830;
	_ =	swait.ge @!p0 [sflag:s4], $0x1000  }
0x4ad: {  	p1 =	por p0, !p1;
	[sflag:s4] =	ssyncset.done @!p0 $0x0  }
0x4ae: {  	[sflag:s4] =	ssyncadd.s32 @!p0 $0xFFFFF000;
	s4 =	smul.u32 @p1 $0xC00, s31;
	_ =	sdelay $0x1  }
0x4af: {  	s7 =	sadd.s32 @p1 s11, s21;
	s4 =	sshrl.u32 @p1 s4, $0x2  }
0x4b0: {  	s9 =	sadd.s32 @p1 $0x1, s31;
	s22 =	sadd.s32 @p1 $0x30, s7;
	s14 =	sadd.s32 @p1 $0x100, s4  }
0x4b1: {  	[tilespmem:s14], [sflag:s9] =	stream.linear.gather @p1 [hbm4b:s22+s8], $0x80, $0x38;
	[tilespmem:$0x1EF80] =	vst v63  }
0x4b2: {  	s14 =	sadd.s32 @p1 s11, s20  }
0x4b3: {  	s22 =	sadd.s32 @p1 $0x180, s4;
	s31 =	sadd.s32 @p1 $0x30, s14  }
0x4b4: {  	[tilespmem:s22], [sflag:s9] =	stream.linear.gather @p1 [hbm4b:s31+s8], $0x80, $0x38;
	[tilespmem:$0x1EF80] =	vst v63  }
0x4b5: {  	s22 =	sadd.s32 @p1 $0x200, s4;
	s31 =	sadd.s32 @p1 $0x40, s7  }
0x4b6: {  	[tilespmem:s22], [sflag:s9] =	stream.linear.gather @p1 [hbm4b:s31+s8], $0x80, $0x38;
	[tilespmem:$0x1EF80] =	vst v63  }
0x4b7: {  	s22 =	sadd.s32 @p1 $0x280, s4;
	s31 =	sadd.s32 @p1 $0x40, s14  }
0x4b8: {  	[tilespmem:s22], [sflag:s9] =	stream.linear.gather @p1 [hbm4b:s31+s8], $0x80, $0x38;
	[tilespmem:$0x1EF80] =	vst v63  }
0x4b9: {  	s7 =	sadd.s32 @p1 $0x50, s7;
	s22 =	sadd.s32 @p1 $0x300, s4  }
0x4ba: {  	[tilespmem:s22], [sflag:s9] =	stream.linear.gather @p1 [hbm4b:s7+s8], $0x80, $0x38;
	[tilespmem:$0x1EF80] =	vst v63  }
0x4bb: {  	s4 =	sadd.s32 @p1 $0x380, s4;
	s7 =	sadd.s32 @p1 $0x50, s14  }
0x4bc: {  	[tilespmem:s4], [sflag:s9] =	stream.linear.gather @p1 [hbm4b:s7+s8], $0x80, $0x38;
	[tilespmem:$0x1EF80] =	vst v63  }
0x4bd: {  	_ =	swait.ge [sflag:s19], $0x1000  }
0x4be: {  	[sflag:s19] =	ssyncset.done $0x0  }
0x4bf: {  	[sflag:s19] =	ssyncadd.s32 $0xFFFFF000  }
0x4c0: {  	_ =	swait.ge [sflag:s19], $0x1000  }
0x4c1: {  	[sflag:s19] =	ssyncset.done $0x0  }
0x4c2: {  	[sflag:s19] =	ssyncadd.s32 $0xFFFFF000  }
0x4c3: {  	s11 =	sadd.s32 $0x30, s11;
	_ =	swait.ge [sflag:s19], $0x1000  }
0x4c4: {  	p0 =	sne.s32 s11, $0x1860;
	[sflag:s19] =	ssyncset.done $0x0  }
0x4c5: {  	s22 =	sadd.s32 $0x180, s15;
	[sflag:s19] =	ssyncadd.s32 $0xFFFFF000;
	s19 =	sadd.s32 $0x5, s25  }
0x4c6: {  	[spmem:s2] =	stream.indirect.scatter.add.f32 [tilespmem:s24], [sflag:s19], $0x20, s22, s29, $0xb8;
	[tilespmem:$0x1EF80] =	vst v63  }
.Ltmp18:
0x4c7: {  	_ = 	snop;
	(pc) =	sbr.rel @p0 .LBB2_26-.Ltmp18, $4  }
0x4c8: {  	s25 =	sadd.s32 $0x280, s15  }
0x4c9: {  	[spmem:s2] =	stream.indirect.scatter.add.f32 [tilespmem:s0], [sflag:s19], $0x20, s25, s29, $0xb8;
	[tilespmem:$0x1EF80] =	vst v63  }
0x4ca: {  	s12 =	sadd.s32 $0x1, s12;
	s31 =	sadd.s32 $0x380, s15  }
0x4cb: {  	[spmem:s2] =	stream.indirect.scatter.add.f32 [tilespmem:s18], [sflag:s19], $0x20, s31, s29, $0xb8;
	[tilespmem:$0x1EF80] =	vst v63  }
0x4cc: {  	s0 =	simm.s32 $0x6  }
0x4cd: {  	_ =	swait.ge [sflag:s0], $0x1000  }
0x4ce: {  	[sflag:s0] =	ssyncset.done $0x0  }
0x4cf: {  	[sflag:s0] =	ssyncadd.s32 $0xFFFFF000  }
0x4d0: {  	_ =	swait.ge [sflag:s0], $0x1000  }
0x4d1: {  	[sflag:s0] =	ssyncset.done $0x0  }
0x4d2: {  	[sflag:s0] =	ssyncadd.s32 $0xFFFFF000  }
0x4d3: {  	_ =	swait.ge [sflag:s0], $0x1000  }
0x4d4: {  	[sflag:s0] =	ssyncset.done $0x0  }
0x4d5: {  	s11 =	simm.s32 $0x0;
	s25 =	rddreg [dreg:$0xc];
	[sflag:s0] =	ssyncadd.s32 $0xFFFFF000  }
0x4d6: {  	[tilespmem:s11], [sflag:$0x7] =	stream.linear.gather [hbm4b:s25+s11], $0x50, $0x38;
	[tilespmem:$0x1EF80] =	vst v63  }
0x4d7: {  	_ =	swait.ge [sflag:s1], $0x50  }
0x4d8: {  	[sflag:s1] =	ssyncset.done $0x0  }
0x4d9: {  	[sflag:s1] =	ssyncadd.s32 $0xFFFFFFB0  }
0x4da: {  	[tilespmem:$0x50] =	vst v13  }
0x4db: {  	[tilespmem:$0x60] =	vst v13  }
0x4dc: {  	s31 =	rddreg [dreg:$0xb];
	[tilespmem:$0x70] =	vst v13  }
0x4dd: {  	[tilespmem:s29], [sflag:$0x7] =	stream.linear.gather [hbm4b:s31+s11], $0x50, $0x38;
	[tilespmem:$0x1EF80] =	vst v63  }
0x4de: {  	_ =	swait.ge [sflag:s1], $0x50  }
0x4df: {  	[sflag:s1] =	ssyncset.done $0x0  }
0x4e0: {  	[sflag:s1] =	ssyncadd.s32 $0xFFFFFFB0  }
0x4e1: {  	v14 =	vld [tilespmem:$0x0]  }
0x4e2: {  	v15 =	vld [tilespmem:$0x10]  }
0x4e3: {  	v16 =	vld [tilespmem:$0x20]  }
0x4e4: {  	v17 =	vld [tilespmem:$0x30];
	[tilespmem:$0xD0] =	vst v12  }
0x4e5: {  	v18 =	vld [tilespmem:$0x40];
	[tilespmem:$0xE0] =	vst v12  }
0x4e6: {  	v19 =	vld [tilespmem:$0x50];
	[tilespmem:$0xF0] =	vst v12;
	v14 =	vadd.s32 v2, v14  }
0x4e7: {  	[tilespmem:$0x0] =	vst v14;
	v14 =	vadd.s32 v2, v15;
	v15 =	vld [tilespmem:$0x60]  }
0x4e8: {  	v63 =	vld [tilespmem:$0x70];
	[tilespmem:$0x10] =	vst v14;
	v14 =	vadd.s32 v2, v16  }
0x4e9: {  	[tilespmem:$0x20] =	vst v14;
	v14 =	vadd.s32 v2, v17  }
0x4ea: {  	[tilespmem:$0x30] =	vst v14;
	v14 =	vadd.s32 v2, v18  }
0x4eb: {  	[tilespmem:$0x40] =	vst v14;
	v14 =	vadd.s32 v2, v19  }
0x4ec: {  	[tilespmem:$0x50] =	vst v14;
	v14 =	vadd.s32 v2, v15  }
0x4ed: {  	[tilespmem:$0x60] =	vst v14;
	v14 =	vadd.s32 v2, v63  }
0x4ee: {  	[tilespmem:$0x70] =	vst v14  }
0x4ef: {  	[tilespmem:s23], [sflag:$0x7] =	stream.indirect.gather [hbm4b:s5+s29], $0x20, s11, s29, $0xb8;
	[tilespmem:$0x1EF80] =	vst v63  }
0x4f0: {  	_ =	swait.ge [sflag:s1], $0x1000  }
0x4f1: {  	[sflag:s1] =	ssyncset.done $0x0  }
0x4f2: {  	[sflag:s1] =	ssyncadd.s32 $0xFFFFF000  }
0x4f3: {  	[spmem:s2] =	stream.indirect.scatter.add.f32 [tilespmem:s23], [sflag:$0x7], $0x20, s29, s29, $0xb8;
	[tilespmem:$0x1EF80] =	vst v63  }
0x4f4: {  	_ =	swait.ge [sflag:s1], $0x1000  }
0x4f5: {  	[sflag:s1] =	ssyncset.done $0x0  }
.Ltmp19:
0x4f6: {  	[sflag:s1] =	ssyncadd.s32 $0xFFFFF000;
	(pc) =	sbr.rel .LBB2_28-.Ltmp19, $4  }
0x4f7: {  	[bflag:$0x0] =	sbarrier.arrive $0xFFFF  }
0x4f8: {  	s14 =	rddreg [dreg:$0x5]  }
0x4f9: {  	s18 =	rddreg [dreg:$0x7]  }
0x4fa: {  	s22 =	simm.s32 $0x20;
	s24 =	simm.s32 $0x40;
	s19 =	rddreg [dreg:$0xd]  }
.LBB2_32:
0x4fb: {  	s11 =	sadd.s32 $0x1, s11  }
0x4fc: {  	p0 =	sne.s32 s11, $0x19  }
.Ltmp20:
0x4fd: {  	_ = 	snop;
	(pc) =	sbr.rel @!p0 .LBB2_33-.Ltmp20, $1  }
0x4fe: {  	_ =	sdelay $0x3  }
.LBB2_28:
0x4ff: {  	s0 =	sshll.u32 s11, $0x4  }
0x500: {  	s12 =	sor.u32 s6, s0  }
0x501: {  	p0 =	sgt.u32 s12, $0x186  }
.Ltmp21:
0x502: {  	_ = 	snop;
	(pc) =	sbr.rel @p0 .LBB2_32-.Ltmp21, $1  }
0x503: {  	_ =	sdelay $0x3  }
0x504: {  	s0 =	sshll.u32 s12, $0xC  }
0x505: {  	s0 =	sand.u32 $0x3FFFF000, s0  }
0x506: {  	s4 =	sshll.u32 s12, $0x7;
	s0 =	sadd.s32 s0, s2  }
0x507: {  	[tilespmem:s23], [sflag:$0x8] =	stream.linear.gather [spmem:s0], $0x1000, $0x38;
	[tilespmem:$0x1EF80] =	vst v63  }
0x508: {  	s25 =	sadd.s32 s10, s4;
	_ =	swait.ge [sflag:s30], $0x1000  }
0x509: {  	s4 =	sshll.u32 s25, $0x2;
	[sflag:s30] =	ssyncset.done $0x0  }
0x50a: {  	s9 =	simm.s32 $0x0;
	s7 =	sadd.s32 s4, s14;
	[sflag:s30] =	ssyncadd.s32 $0xFFFFF000  }
0x50b: {  	[tilespmem:s26], [sflag:$0x8] =	stream.linear.gather [hbm4b:s7+s9], $0x1000, $0x38;
	[tilespmem:$0x1EF80] =	vst v63  }
0x50c: {  	_ =	swait.ge [sflag:s30], $0x1000  }
0x50d: {  	[sflag:s30] =	ssyncset.done $0x0  }
0x50e: {  	s4 =	sadd.s32 s4, s18;
	[sflag:s30] =	ssyncadd.s32 $0xFFFFF000  }
0x50f: {  	[tilespmem:s17], [sflag:$0x8] =	stream.linear.gather [hbm4b:s4+s9], $0x1000, $0x38;
	[tilespmem:$0x1EF80] =	vst v63  }
0x510: {  	_ =	swait.ge [sflag:s30], $0x1000  }
0x511: {  	s0 =	sshrl.u32 s25, $0x3;
	[sflag:s30] =	ssyncset.done $0x0  }
0x512: {  	s0 =	sadd.s32 s0, s3;
	[sflag:s30] =	ssyncadd.s32 $0xFFFFF000  }
0x513: {  	[tilespmem:s13], [sflag:$0x8] =	stream.linear.gather [hbm4b:s0+s9], $0x80, $0x38;
	[tilespmem:$0x1EF80] =	vst v63  }
0x514: {  	_ =	swait.ge [sflag:s30], $0x80  }
0x515: {  	[sflag:s30] =	ssyncset.done $0x0  }
0x516: {  	s15 =	simm.s32 $0x700;
	[sflag:s30] =	ssyncadd.s32 $0xFFFFFF80  }
0x517: {  	v14 =	vmov s9;
	v15 =	vld [tilespmem:s15+$0x1000]  }
0x518: {  	v16 =	vld [tilespmem:s15+$0x4000]  }
0x519: {  	v17 =	vld [tilespmem:s15+$0x3000]  }
0x51a: {  	v18 =	vld [tilespmem:s15+$0x1010]  }
0x51b: {  	v19 =	vld [tilespmem:s15+$0x4010]  }
0x51c: {  	v14 =	vld.idx.msk [tilespmem:v14+s13+$0x0], $0xffff  }
0x51d: {  	v20 =	vld [tilespmem:s15+$0x3010];
	_ =	sdelay $0x3  }
0x51e: {  	v15 =	vadd.f32 v16, v15  }
0x51f: {  	v16 =	vmul.f32 v17, v14;
	v17 =	vadd.f32 v19, v18;
	v14 =	vmul.f32 v20, v14;
	_ =	sdelay $0x1  }
0x520: {  	s31 =	simm.s32 $0x1;
	s25 =	simm.s32 $0x720;
	v16 =	vadd.f32 v16, v15;
	v17 =	vadd.f32 v14, v17  }
0x521: {  	s0 =	simm.s32 $0x2;
	v15 =	vmov s31;
	v14 =	vld [tilespmem:s25+$0x1000]  }
.LBB2_30:
0x522: {  	p0 =	sne.s32 s0, $0x7F;
	v18 =	vld [tilespmem:s25+$0x4000];
	v16 =	vmul.f32 $3.333333430e-01, v16;
	v17 =	vmul.f32 $3.333333430e-01, v17  }
0x523: {  	v19 =	vld [tilespmem:s25+$0x3000]  }
0x524: {  	v20 =	vld [tilespmem:s25+$0x1010];
	[tilespmem:s15+$0x0] =	vst v16  }
0x525: {  	v16 =	vld [tilespmem:s25+$0x4010];
	[tilespmem:s15+$0x10] =	vst v17;
	s15 =	smov.u32 s25  }
0x526: {  	v15 =	vld.idx.msk [tilespmem:v15+s13+$0x0], $0xffff  }
0x527: {  	v17 =	vld [tilespmem:s25+$0x3010];
	_ =	sdelay $0x3  }
.Ltmp22:
0x528: {  	v14 =	vadd.f32 v18, v14;
	(pc) =	sbr.rel @p0 .LBB2_30-.Ltmp22, $3  }
0x529: {  	v18 =	vmul.f32 v19, v15;
	v19 =	vadd.f32 v16, v20;
	v15 =	vmul.f32 v17, v15;
	_ =	sdelay $0x1  }
0x52a: {  	s25 =	sadd.s32 $0x20, s25;
	v16 =	vadd.f32 v18, v14;
	v17 =	vadd.f32 v15, v19  }
0x52b: {  	v15 =	vmov s0;
	s0 =	sadd.s32 $0x1, s0;
	v14 =	vld [tilespmem:s25+$0x1000]  }
0x52c: {  	v18 =	vld [tilespmem:s25+$0x4000];
	v16 =	vmul.f32 $3.333333430e-01, v16  }
0x52d: {  	v17 =	vmul.f32 $3.333333430e-01, v17;
	v19 =	vld [tilespmem:s25+$0x3000]  }
0x52e: {  	v20 =	vld [tilespmem:s25+$0x1010];
	[tilespmem:s15+$0x0] =	vst v16  }
0x52f: {  	v61 =	vld [tilespmem:s25+$0x4010];
	[tilespmem:s15+$0x10] =	vst v17  }
0x530: {  	v15 =	vld.idx.msk [tilespmem:v15+s13+$0x0], $0xffff  }
0x531: {  	v62 =	vld [tilespmem:s25+$0x3010];
	_ =	sdelay $0x3  }
0x532: {  	v14 =	vadd.f32 v18, v14;
	v63 =	vmul.f32 v19, v15  }
0x533: {  	v16 =	vadd.f32 v61, v20;
	v15 =	vmul.f32 v62, v15  }
0x534: {  	v14 =	vadd.f32 v63, v14  }
0x535: {  	v15 =	vadd.f32 v15, v16  }
0x536: {  	v14 =	vmul.f32 $3.333333430e-01, v14  }
0x537: {  	v15 =	vmul.f32 $3.333333430e-01, v15  }
0x538: {  	s0 =	sshll.u32 s12, $0xA;
	[tilespmem:s25+$0x0] =	vst v14  }
.Ltmp23:
0x539: {  	s0 =	sadd.s32 s0, s19;
	[tilespmem:s25+$0x10] =	vst v15;
	(pc) =	sbr.rel .LBB2_32-.Ltmp23, $4  }
0x53a: {  	[hbm4b:s0+s22] =	stream.strided.scatter [tilespmem:s28], [sflag:$0x7], $0x1000, s24, s22, $0x38;
	[tilespmem:$0x1EF80] =	vst v63  }
0x53b: {  	_ =	swait.ge [sflag:s1], $0x1000  }
0x53c: {  	[sflag:s1] =	ssyncset.done $0x0  }
0x53d: {  	[sflag:s1] =	ssyncadd.s32 $0xFFFFF000  }
.LBB2_34:
0x53e: {  	_ =	sfence.sel $0x180000  }
0x53f: {  	[bflag:$0x0] =	sbarrier.arrive $0xFFFF  }
0x540: {  	_ =	strace $0x90000047  }
0x541: {  	[bflag:$0x2] =	sbarrier.arrive $0xFFFF  }
0x542: {  	p0 =	sne.s32 s6, $0x0;
	s0 =	rddreg [dreg:$0x8]  }
0x543: {  	s0 =	sadd.s32 @!p0 $0x100000, s0  }
0x544: {  	[sflag:s0] =	ssyncadd.tile.s32 @!p0 $0x1;
	_ =	shalt  }
.Lfunc_end2:
_tile_overlayer_lowered:
.L_overlay_start_2:
0x545: {  	(tag) =	ssettag $0x2  }
0x546: {  	s0 =	rddreg [dreg:$0x0];
	s2 =	stileid.u32  }
0x547: {  	s1 =	rddreg [dreg:$0x1];
	p0 =	sne.s32 s2, $0x0  }
0x548: {  	s3 =	rddreg [dreg:$0x2];
	[bflag:$0x3] =	sbarrier.arrive $0xFFFF;
	s2 =	simm.s32 @!p0 $0x1C07  }
0x549: {  	[timem:s3], [sflag:s2] =	dma.local @!p0 [hbm:s0], s1  }
0x54a: {  	s0 =	simm.s32 @!p0 $0x7  }
0x54b: {  	_ =	swait.ge @!p0 [sflag:s0], s1  }
0x54c: {  	s1 =	ssub.s32 @!p0 $0x0, s1;
	[sflag:s0] =	ssyncset.done @!p0 $0x0  }
0x54d: {  	[sflag:s0] =	ssyncadd.s32 @!p0 s1  }
0x54e: {  	[bflag:$0x3] =	sbarrier.arrive $0xFFFF  }
0x54f: {  	_ =	shalt  }

</sc_bundles>
